<compile_context>
chip_gen: v7x
topology: tpu7x:2x2x1
jax: 0.10.2.dev20260603
libtpu: 0.0.44.dev20260713+nightly
codegen_flags: <defaults>
</compile_context>

<pallas_src>
import jax
import jax.numpy as jnp
from jax import lax
from jax.experimental import pallas as pl
from jax.experimental.pallas import tpu as pltpu
from jax.experimental.pallas import tpu_sc as plsc

N = 10000
NPAD = 10240
D = 128
E = 320000
NW = 32
CH = 128
NCH = 79
EP = NCH * CH



_BLK = 1024
_GRID = NPAD // _BLK


def _attn_scalars(h, a_s, a_d, oas_ref, oad_ref, oes_ref):
    s = jnp.dot(h, a_s, preferred_element_type=jnp.float32)
    d = jnp.dot(h, a_d, preferred_element_type=jnp.float32)
    oas_ref[...] = s
    oad_ref[...] = d
    al = s + d
    al = jnp.where(al >= 0.0, al, al * 0.2)
    oes_ref[...] = jnp.exp(al)


def _prep_body(x_ref, W_ref, as_ref, ad_ref, h_ref, oas_ref, oad_ref, oes_ref):
    h = jnp.dot(x_ref[...], W_ref[...], preferred_element_type=jnp.float32)
    h_ref[...] = h
    _attn_scalars(h, as_ref[...], ad_ref[...], oas_ref, oad_ref, oes_ref)


def _tc_prep(x, W, a_s, a_d):
    return pl.pallas_call(
        _prep_body,
        grid=(_GRID,),
        in_specs=[
            pl.BlockSpec((_BLK, D), lambda i: (i, 0)),
            pl.BlockSpec((D, D), lambda i: (0, 0)),
            pl.BlockSpec((D,), lambda i: (0,)),
            pl.BlockSpec((D,), lambda i: (0,)),
        ],
        out_specs=[
            pl.BlockSpec((_BLK, D), lambda i: (i, 0)),
            pl.BlockSpec((_BLK,), lambda i: (i,)),
            pl.BlockSpec((_BLK,), lambda i: (i,)),
            pl.BlockSpec((_BLK,), lambda i: (i,)),
        ],
        out_shape=[
            jax.ShapeDtypeStruct((NPAD, D), jnp.float32),
            jax.ShapeDtypeStruct((NPAD,), jnp.float32),
            jax.ShapeDtypeStruct((NPAD,), jnp.float32),
            jax.ShapeDtypeStruct((NPAD,), jnp.float32),
        ],
    )(x, W, a_s, a_d)


def _layer_out(p0, p1, h, es, d0, d1, b):
    invd = 1.0 / (d0 + d1 + es + 1e-16)
    return (p0 + p1) * invd[:, None] + h * (es * invd)[:, None] + b[None, :]


def _comb_prep_body(p0_ref, p1_ref, h_ref, es_ref, d0_ref, d1_ref, b_ref,
                    W_ref, as_ref, ad_ref, h2_ref, oas_ref, oad_ref, oes_ref):
    o = _layer_out(p0_ref[...], p1_ref[...], h_ref[...], es_ref[...],
                   d0_ref[...], d1_ref[...], b_ref[...])
    hin = jnp.where(o > 0.0, o, jnp.exp(o) - 1.0)
    h2 = jnp.dot(hin, W_ref[...], preferred_element_type=jnp.float32)
    h2_ref[...] = h2
    _attn_scalars(h2, as_ref[...], ad_ref[...], oas_ref, oad_ref, oes_ref)


def _tc_comb_prep(p0, p1, h, es, d0, d1, b, W, a_s, a_d):
    vec = pl.BlockSpec((_BLK,), lambda i: (i,))
    mat = pl.BlockSpec((_BLK, D), lambda i: (i, 0))
    return pl.pallas_call(
        _comb_prep_body,
        grid=(_GRID,),
        in_specs=[
            mat, mat, mat, vec, vec, vec,
            pl.BlockSpec((D,), lambda i: (0,)),
            pl.BlockSpec((D, D), lambda i: (0, 0)),
            pl.BlockSpec((D,), lambda i: (0,)),
            pl.BlockSpec((D,), lambda i: (0,)),
        ],
        out_specs=[mat, vec, vec, vec],
        out_shape=[
            jax.ShapeDtypeStruct((NPAD, D), jnp.float32),
            jax.ShapeDtypeStruct((NPAD,), jnp.float32),
            jax.ShapeDtypeStruct((NPAD,), jnp.float32),
            jax.ShapeDtypeStruct((NPAD,), jnp.float32),
        ],
    )(p0, p1, h, es, d0, d1, b, W, a_s, a_d)


def _final_body(p0_ref, p1_ref, h_ref, es_ref, d0_ref, d1_ref, b_ref, out_ref):
    out_ref[...] = _layer_out(p0_ref[...], p1_ref[...], h_ref[...],
                              es_ref[...], d0_ref[...], d1_ref[...], b_ref[...])


def _tc_final(p0, p1, h, es, d0, d1, b):
    vec = pl.BlockSpec((_BLK,), lambda i: (i,))
    mat = pl.BlockSpec((_BLK, D), lambda i: (i, 0))
    return pl.pallas_call(
        _final_body,
        grid=(_GRID,),
        in_specs=[mat, mat, mat, vec, vec, vec,
                  pl.BlockSpec((D,), lambda i: (0,))],
        out_specs=mat,
        out_shape=jax.ShapeDtypeStruct((NPAD, D), jnp.float32),
    )(p0, p1, h, es, d0, d1, b)



def _sc_edge_body(h, srcp, dstp, asrc, adst, zn, zr, part, dp_out,
                  dst_v, src0, src1, av0, av1, dv0, dv1, e0, e1,
                  rows0, rows1, out_sh, den_sh,
                  sem_src0, sem_src1, sem_r0, sem_r1, sem_a0, sem_a1,
                  sem_d0, sem_d1, sem_n0, sem_n1, sem_s0, sem_s1):
    c = lax.axis_index("c")
    s = lax.axis_index("s")
    wid = s * 2 + c
    src_b = (src0, src1)
    av_b = (av0, av1)
    dv_b = (dv0, dv1)
    e_b = (e0, e1)
    rows_b = (rows0, rows1)
    sem_src = (sem_src0, sem_src1)
    sem_r = (sem_r0, sem_r1)
    sem_a = (sem_a0, sem_a1)
    sem_d = (sem_d0, sem_d1)
    sem_n = (sem_n0, sem_n1)
    sem_s = (sem_s0, sem_s1)

    nsl = pl.ds(s * 640, 640)
    pltpu.sync_copy(dstp.at[wid], dst_v)
    pltpu.sync_copy(zn.at[nsl], den_sh.at[nsl])
    pltpu.sync_copy(zr.at[nsl], out_sh.at[nsl])
    plsc.subcore_barrier()

    zero16 = lax.iota(jnp.int32, 16) * 0
    iota16 = lax.iota(jnp.int32, 16)
    ebase = wid * EP

    def wait_src(p):
        pltpu.make_async_copy(srcp.at[0, 0], src_b[p], sem_src[p]).wait()

    def wait_rows(p, sem):
        pltpu.make_async_copy(h.at[pl.ds(0, CH)], rows_b[p], sem[p]).wait()

    def wait_av(p):
        pltpu.make_async_copy(asrc.at[pl.ds(0, CH)], av_b[p], sem_a[p]).wait()

    def wait_dv(p):
        pltpu.make_async_copy(adst.at[pl.ds(0, CH)], dv_b[p], sem_d[p]).wait()

    def wait_den(p):
        pltpu.make_async_copy(asrc.at[pl.ds(0, CH)], e_b[p], sem_n[p]).wait()

    pltpu.async_copy(srcp.at[wid, 0], src0, sem_src0)
    pltpu.async_copy(srcp.at[wid, 1], src1, sem_src1)
    wait_src(0)
    pltpu.async_copy(h.at[src0], rows0, sem_r0)
    pltpu.async_copy(asrc.at[src0], av0, sem_a0)
    pltpu.async_copy(adst.at[dst_v.at[0]], dv0, sem_d0)

    def step(j, p):
        q = 1 - p

        @pl.when(j >= 1)
        def _():
            wait_rows(q, sem_s)

        @pl.when(j < NCH - 1)
        def _():
            wait_src(q)
            pltpu.async_copy(h.at[src_b[q]], rows_b[q], sem_r[q])
            pltpu.async_copy(asrc.at[src_b[q]], av_b[q], sem_a[q])
            pltpu.async_copy(adst.at[dst_v.at[j + 1]], dv_b[q], sem_d[q])

        wait_rows(p, sem_r)
        wait_av(p)
        wait_dv(p)

        @pl.when(j < NCH - 2)
        def _():
            pltpu.async_copy(srcp.at[wid, j + 2], src_b[p], sem_src[p])

        @pl.when(j >= 2)
        def _():
            wait_den(p)

        for k in range(CH // 16):
            sl = pl.ds(k * 16, 16)
            a = av_b[p][sl] + dv_b[p][sl]
            a = jnp.where(a >= 0.0, a, a * 0.2)
            ids = ebase + j * CH + k * 16 + iota16
            e_b[p][sl] = jnp.where(ids < E, jnp.exp(a), 0.0)

        pltpu.async_copy(e_b[p], den_sh.at[dst_v.at[j]], sem_n[p], add=True)

        def rb(r, carry2):
            cf = plsc.load_gather(e_b[p], [zero16 + r])
            for v in range(8):
                sl = pl.ds(v * 16, 16)
                rows_b[p][r, sl] = rows_b[p][r, sl] * cf
            return carry2

        lax.fori_loop(0, CH, rb, 0, unroll=2)

        pltpu.async_copy(rows_b[p], out_sh.at[dst_v.at[j]], sem_s[p], add=True)

    def mb(j, carry):
        @pl.when(j % 2 == 0)
        def _():
            step(j, 0)

        @pl.when(j % 2 == 1)
        def _():
            step(j, 1)

        return carry

    lax.fori_loop(0, NCH, mb, 0)
    wait_rows((NCH - 1) % 2, sem_s)
    wait_den(0)
    wait_den(1)
    plsc.subcore_barrier()
    pltpu.sync_copy(out_sh.at[nsl], part.at[c, nsl])
    pltpu.sync_copy(den_sh.at[nsl], dp_out.at[c, nsl])


def _sc_edge(h, srcp, dstp, asrc, adst, zn, zr):
    mesh = plsc.VectorSubcoreMesh(core_axis_name="c", subcore_axis_name="s")
    f = pl.kernel(
        _sc_edge_body,
        out_type=[
            jax.ShapeDtypeStruct((2, NPAD, D), jnp.float32),
            jax.ShapeDtypeStruct((2, NPAD), jnp.float32),
        ],
        mesh=mesh,
        scratch_types=[
            pltpu.VMEM((NCH, CH), jnp.int32),
            pltpu.VMEM((CH,), jnp.int32),
            pltpu.VMEM((CH,), jnp.int32),
            pltpu.VMEM((CH,), jnp.float32),
            pltpu.VMEM((CH,), jnp.float32),
            pltpu.VMEM((CH,), jnp.float32),
            pltpu.VMEM((CH,), jnp.float32),
            pltpu.VMEM((CH,), jnp.float32),
            pltpu.VMEM((CH,), jnp.float32),
            pltpu.VMEM((CH, D), jnp.float32),
            pltpu.VMEM((CH, D), jnp.float32),
            pltpu.VMEM_SHARED((NPAD, D), jnp.float32),
            pltpu.VMEM_SHARED((NPAD,), jnp.float32),
            pltpu.SemaphoreType.DMA,
            pltpu.SemaphoreType.DMA,
            pltpu.SemaphoreType.DMA,
            pltpu.SemaphoreType.DMA,
            pltpu.SemaphoreType.DMA,
            pltpu.SemaphoreType.DMA,
            pltpu.SemaphoreType.DMA,
            pltpu.SemaphoreType.DMA,
            pltpu.SemaphoreType.DMA,
            pltpu.SemaphoreType.DMA,
            pltpu.SemaphoreType.DMA,
            pltpu.SemaphoreType.DMA,
        ],
        compiler_params=pltpu.CompilerParams(needs_layout_passes=False),
    )
    return f(h, srcp, dstp, asrc, adst, zn, zr)



def kernel(x, edge_index, W1, a_src1, a_dst1, b1, W2, a_src2, a_dst2, b2):
    src = edge_index[0].astype(jnp.int32)
    dst = edge_index[1].astype(jnp.int32)
    srcp = jnp.pad(src, (0, NW * EP - E)).reshape(NW, NCH, CH)
    dstp = jnp.pad(dst, (0, NW * EP - E)).reshape(NW, NCH, CH)
    xpad = jnp.pad(x, ((0, NPAD - N), (0, 0)))
    zn = jnp.zeros((NPAD,), jnp.float32)
    zr = jnp.zeros((NPAD, D), jnp.float32)

    h1, as1, ad1, es1 = _tc_prep(xpad, W1, a_src1, a_dst1)
    part1, dp1 = _sc_edge(h1, srcp, dstp, as1, ad1, zn, zr)
    h2, as2, ad2, es2 = _tc_comb_prep(part1[0], part1[1], h1, es1,
                                      dp1[0], dp1[1], b1, W2, a_src2, a_dst2)
    part2, dp2 = _sc_edge(h2, srcp, dstp, as2, ad2, zn, zr)
    out = _tc_final(part2[0], part2[1], h2, es2, dp2[0], dp2[1], b2)
    return out[:N]

# --- scband reference (transcript-rebuilt; emitter-appended) ---
"""Pipeline reference for scband-gib-gatconv-6794638262434 (READ-ONLY COPY).

The authoritative reference and input builder live on the scoring server;
editing this copy changes nothing except your own understanding.
"""

import jax, jax.numpy as jnp
import numpy as np

N_NODES = 10000
N_EDGES = 320000
D_IN = 128
D_HID = 128
D_OUT = 128


def _gat_layer(x, src, dst, W, a_src, a_dst, b, num_nodes):
    # PyG GATConv semantics (heads=1, eval mode so dropout is identity)
    h = x @ W  # [N, C]
    alpha_src = (h * a_src).sum(axis=-1)  # [N]
    alpha_dst = (h * a_dst).sum(axis=-1)  # [N]
    alpha = alpha_src[src] + alpha_dst[dst]  # [E]
    alpha = jax.nn.leaky_relu(alpha, negative_slope=0.2)
    # softmax over incoming edges of each dst node
    m = jax.ops.segment_max(alpha, dst, num_segments=num_nodes)
    e = jnp.exp(alpha - m[dst])
    denom = jax.ops.segment_sum(e, dst, num_segments=num_nodes)
    coef = e / (denom[dst] + 1e-16)
    out = jax.ops.segment_sum(h[src] * coef[:, None], dst, num_segments=num_nodes)
    return out + b


def setup_inputs(seed: int = 0):
    key = jax.random.key(seed)
    ks = jax.random.split(key, 12)
    x = jax.random.normal(ks[0], (N_NODES, D_IN), dtype=jnp.float32)
    edge_index = jax.random.randint(ks[1], (2, N_EDGES), 0, N_NODES, dtype=jnp.int32).astype(jnp.int64)
    s1 = 1.0 / np.sqrt(D_IN)
    s2 = 1.0 / np.sqrt(D_HID)
    W1 = jax.random.normal(ks[2], (D_IN, D_HID), dtype=jnp.float32) * s1
    a_src1 = jax.random.normal(ks[3], (D_HID,), dtype=jnp.float32) * 0.1
    a_dst1 = jax.random.normal(ks[4], (D_HID,), dtype=jnp.float32) * 0.1
    b1 = jnp.zeros((D_HID,), dtype=jnp.float32)
    W2 = jax.random.normal(ks[5], (D_HID, D_OUT), dtype=jnp.float32) * s2
    a_src2 = jax.random.normal(ks[6], (D_OUT,), dtype=jnp.float32) * 0.1
    a_dst2 = jax.random.normal(ks[7], (D_OUT,), dtype=jnp.float32) * 0.1
    b2 = jnp.zeros((D_OUT,), dtype=jnp.float32)
    return {'x': x, 'edge_index': edge_index, 'W1': W1, 'a_src1': a_src1, 'a_dst1': a_dst1, 'b1': b1, 'W2': W2, 'a_src2': a_src2, 'a_dst2': a_dst2, 'b2': b2}


def reference(x, edge_index, W1, a_src1, a_dst1, b1, W2, a_src2, a_dst2, b2):
    num_nodes = x.shape[0]
    # GATConv default add_self_loops=True
    loop = jnp.arange(num_nodes, dtype=edge_index.dtype)
    src = jnp.concatenate([edge_index[0], loop])
    dst = jnp.concatenate([edge_index[1], loop])
    h = _gat_layer(x, src, dst, W1, a_src1, a_dst1, b1, num_nodes)
    h = jax.nn.elu(h)
    # dropout p=0.6 with train=False -> identity (eval mode)
    out = _gat_layer(h, src, dst, W2, a_src2, a_dst2, b2, num_nodes)
    return out

if __name__ == "__main__":
    import jax
    _d = setup_inputs()
    print(jax.jit(kernel)(*tuple(_d.values())))

</pallas_src>

<mosaic_0001>
#map = affine_map<(d0, d1) -> (0, 0)>
#map1 = affine_map<(d0, d1) -> (0, 0, 0)>
#map2 = affine_map<(d0, d1) -> (0)>
module attributes {stable_mosaic.version = 14 : i64} {
  func.func @_sc_edge_body(%arg0: i32, %arg1: i32, %arg2: memref<10240x128xf32, #tpu.memory_space<hbm>>, %arg3: memref<32x79x128xi32, #tpu.memory_space<hbm>>, %arg4: memref<32x79x128xi32, #tpu.memory_space<hbm>>, %arg5: memref<10240xf32, #tpu.memory_space<hbm>>, %arg6: memref<10240xf32, #tpu.memory_space<hbm>>, %arg7: memref<10240xf32, #tpu.memory_space<hbm>>, %arg8: memref<10240x128xf32, #tpu.memory_space<hbm>>, %arg9: memref<2x10240x128xf32, #tpu.memory_space<hbm>>, %arg10: memref<2x10240xf32, #tpu.memory_space<hbm>>, %arg11: memref<79x128xi32, #tpu.memory_space<vmem>>, %arg12: memref<128xi32, #tpu.memory_space<vmem>>, %arg13: memref<128xi32, #tpu.memory_space<vmem>>, %arg14: memref<128xf32, #tpu.memory_space<vmem>>, %arg15: memref<128xf32, #tpu.memory_space<vmem>>, %arg16: memref<128xf32, #tpu.memory_space<vmem>>, %arg17: memref<128xf32, #tpu.memory_space<vmem>>, %arg18: memref<128xf32, #tpu.memory_space<vmem>>, %arg19: memref<128xf32, #tpu.memory_space<vmem>>, %arg20: memref<128x128xf32, #tpu.memory_space<vmem>>, %arg21: memref<128x128xf32, #tpu.memory_space<vmem>>, %arg22: memref<10240x128xf32, #tpu.memory_space<vmem_shared>>, %arg23: memref<10240xf32, #tpu.memory_space<vmem_shared>>, %arg24: memref<!tpu.dma_semaphore, #tpu.memory_space<semaphore_mem>>, %arg25: memref<!tpu.dma_semaphore, #tpu.memory_space<semaphore_mem>>, %arg26: memref<!tpu.dma_semaphore, #tpu.memory_space<semaphore_mem>>, %arg27: memref<!tpu.dma_semaphore, #tpu.memory_space<semaphore_mem>>, %arg28: memref<!tpu.dma_semaphore, #tpu.memory_space<semaphore_mem>>, %arg29: memref<!tpu.dma_semaphore, #tpu.memory_space<semaphore_mem>>, %arg30: memref<!tpu.dma_semaphore, #tpu.memory_space<semaphore_mem>>, %arg31: memref<!tpu.dma_semaphore, #tpu.memory_space<semaphore_mem>>, %arg32: memref<!tpu.dma_semaphore, #tpu.memory_space<semaphore_mem>>, %arg33: memref<!tpu.dma_semaphore, #tpu.memory_space<semaphore_mem>>, %arg34: memref<!tpu.dma_semaphore, #tpu.memory_space<semaphore_mem>>, %arg35: memref<!tpu.dma_semaphore, #tpu.memory_space<semaphore_mem>>) attributes {dimension_semantics = [#tpu.dimension_semantics<core_parallel>, #tpu.dimension_semantics<subcore_parallel>], iteration_bounds = array<i64: 2, 16>, scalar_prefetch = 0 : i64, scratch_operands = 25 : i64, tpu.core_type = #tpu.core_type<sc_vector_subcore>, window_params = [{transform_indices = #map}, {transform_indices = #map1}, {transform_indices = #map1}, {transform_indices = #map2}, {transform_indices = #map2}, {transform_indices = #map2}, {transform_indices = #map}, {transform_indices = #map1}, {transform_indices = #map}]} {
    %mul3A = arith.constant 2 : i32
    %mul3A_0 = arith.muli %arg1, %mul3A : i32
    %add3A = arith.addi %mul3A_0, %arg0 : i32
    %mul3A_1 = arith.constant 640 : i32
    %mul3A_2 = arith.muli %arg1, %mul3A_1 : i32
    "tpu.region"() ({
      %run_scoped3A = tpu.sem_alloc : memref<!tpu.dma_semaphore, #tpu.memory_space<semaphore_mem>>
      %dma_start3A_60 = arith.constant 0 : i32
      %dma_start3A_61 = arith.constant 0 : i32
      %dma_start3A_62 = tpu.memref_slice %arg4[%add3A, %dma_start3A_60, %dma_start3A_61] : memref<32x79x128xi32, #tpu.memory_space<hbm>> -> memref<1x79x128xi32, #tpu.memory_space<hbm>>
      %dma_start3A_63 = tpu.memref_squeeze %dma_start3A_62 : memref<1x79x128xi32, #tpu.memory_space<hbm>> -> memref<79x128xi32, #tpu.memory_space<hbm>>
      %dma_start3A_64 = arith.constant 0 : i32
      %dma_start3A_65 = arith.constant 0 : i32
      %dma_start3A_66 = tpu.memref_slice %arg4[%add3A, %dma_start3A_64, %dma_start3A_65] : memref<32x79x128xi32, #tpu.memory_space<hbm>> -> memref<1x79x128xi32, #tpu.memory_space<hbm>>
      %dma_start3A_67 = tpu.memref_squeeze %dma_start3A_66 : memref<1x79x128xi32, #tpu.memory_space<hbm>> -> memref<79x128xi32, #tpu.memory_space<hbm>>
      tpu.enqueue_dma source(%dma_start3A_67 : memref<79x128xi32, #tpu.memory_space<hbm>>) target(%arg11 : memref<79x128xi32, #tpu.memory_space<vmem>>) target_semaphore(%run_scoped3A : memref<!tpu.dma_semaphore, #tpu.memory_space<semaphore_mem>>)
      %dma_wait3A_68 = arith.constant 0 : i32
      %dma_wait3A_69 = arith.constant 0 : i32
      %dma_wait3A_70 = tpu.memref_slice %arg4[%add3A, %dma_wait3A_68, %dma_wait3A_69] : memref<32x79x128xi32, #tpu.memory_space<hbm>> -> memref<1x79x128xi32, #tpu.memory_space<hbm>>
      %dma_wait3A_71 = tpu.memref_squeeze %dma_wait3A_70 : memref<1x79x128xi32, #tpu.memory_space<hbm>> -> memref<79x128xi32, #tpu.memory_space<hbm>>
      %dma_wait3A_72 = arith.constant 0 : i32
      %dma_wait3A_73 = arith.constant 0 : i32
      %dma_wait3A_74 = tpu.memref_slice %arg4[%add3A, %dma_wait3A_72, %dma_wait3A_73] : memref<32x79x128xi32, #tpu.memory_space<hbm>> -> memref<1x79x128xi32, #tpu.memory_space<hbm>>
      %dma_wait3A_75 = tpu.memref_squeeze %dma_wait3A_74 : memref<1x79x128xi32, #tpu.memory_space<hbm>> -> memref<79x128xi32, #tpu.memory_space<hbm>>
      tpu.wait_dma2 semaphore(%run_scoped3A : memref<!tpu.dma_semaphore, #tpu.memory_space<semaphore_mem>>) src(%dma_wait3A_75 : memref<79x128xi32, #tpu.memory_space<hbm>>) dst(%arg11 : memref<79x128xi32, #tpu.memory_space<vmem>>)
      tpu.yield
    }) : () -> ()
    "tpu.region"() ({
      %run_scoped3A = tpu.sem_alloc : memref<!tpu.dma_semaphore, #tpu.memory_space<semaphore_mem>>
      %dma_start3A_60 = tpu.memref_slice %arg23[%mul3A_2] : memref<10240xf32, #tpu.memory_space<vmem_shared>> -> memref<640xf32, #tpu.memory_space<vmem_shared>>
      %dma_start3A_61 = tpu.memref_slice %arg7[%mul3A_2] : memref<10240xf32, #tpu.memory_space<hbm>> -> memref<640xf32, #tpu.memory_space<hbm>>
      tpu.enqueue_dma source(%dma_start3A_61 : memref<640xf32, #tpu.memory_space<hbm>>) target(%dma_start3A_60 : memref<640xf32, #tpu.memory_space<vmem_shared>>) target_semaphore(%run_scoped3A : memref<!tpu.dma_semaphore, #tpu.memory_space<semaphore_mem>>)
      %dma_wait3A_62 = tpu.memref_slice %arg23[%mul3A_2] : memref<10240xf32, #tpu.memory_space<vmem_shared>> -> memref<640xf32, #tpu.memory_space<vmem_shared>>
      %dma_wait3A_63 = tpu.memref_slice %arg7[%mul3A_2] : memref<10240xf32, #tpu.memory_space<hbm>> -> memref<640xf32, #tpu.memory_space<hbm>>
      tpu.wait_dma2 semaphore(%run_scoped3A : memref<!tpu.dma_semaphore, #tpu.memory_space<semaphore_mem>>) src(%dma_wait3A_63 : memref<640xf32, #tpu.memory_space<hbm>>) dst(%dma_wait3A_62 : memref<640xf32, #tpu.memory_space<vmem_shared>>)
      tpu.yield
    }) : () -> ()
    "tpu.region"() ({
      %run_scoped3A = tpu.sem_alloc : memref<!tpu.dma_semaphore, #tpu.memory_space<semaphore_mem>>
      %dma_start3A_60 = arith.constant 0 : i32
      %dma_start3A_61 = tpu.memref_slice %arg22[%mul3A_2, %dma_start3A_60] : memref<10240x128xf32, #tpu.memory_space<vmem_shared>> -> memref<640x128xf32, #tpu.memory_space<vmem_shared>>
      %dma_start3A_62 = arith.constant 0 : i32
      %dma_start3A_63 = tpu.memref_slice %arg8[%mul3A_2, %dma_start3A_62] : memref<10240x128xf32, #tpu.memory_space<hbm>> -> memref<640x128xf32, #tpu.memory_space<hbm>>
      tpu.enqueue_dma source(%dma_start3A_63 : memref<640x128xf32, #tpu.memory_space<hbm>>) target(%dma_start3A_61 : memref<640x128xf32, #tpu.memory_space<vmem_shared>>) target_semaphore(%run_scoped3A : memref<!tpu.dma_semaphore, #tpu.memory_space<semaphore_mem>>)
      %dma_wait3A_64 = arith.constant 0 : i32
      %dma_wait3A_65 = tpu.memref_slice %arg22[%mul3A_2, %dma_wait3A_64] : memref<10240x128xf32, #tpu.memory_space<vmem_shared>> -> memref<640x128xf32, #tpu.memory_space<vmem_shared>>
      %dma_wait3A_66 = arith.constant 0 : i32
      %dma_wait3A_67 = tpu.memref_slice %arg8[%mul3A_2, %dma_wait3A_66] : memref<10240x128xf32, #tpu.memory_space<hbm>> -> memref<640x128xf32, #tpu.memory_space<hbm>>
      tpu.wait_dma2 semaphore(%run_scoped3A : memref<!tpu.dma_semaphore, #tpu.memory_space<semaphore_mem>>) src(%dma_wait3A_67 : memref<640x128xf32, #tpu.memory_space<hbm>>) dst(%dma_wait3A_65 : memref<640x128xf32, #tpu.memory_space<vmem_shared>>)
      tpu.yield
    }) : () -> ()
    %barrier3A = arith.constant 0 : index
    tpu.barrier barrier_id(%barrier3A)
    %iota3A = tpu.iota {dimensions = array<i32: 0>} : vector<16xi32>
    %mul3A_3 = arith.constant 0 : i32
    %mul3A_4 = vector.broadcast %mul3A_3 : i32 to vector<16xi32>
    %mul3A_5 = arith.muli %iota3A, %mul3A_4 : vector<16xi32>
    %iota3A_6 = tpu.iota {dimensions = array<i32: 0>} : vector<16xi32>
    %mul3A_7 = arith.constant 10112 : i32
    %mul3A_8 = arith.muli %add3A, %mul3A_7 : i32
    %dma_start3A = arith.constant 0 : i32
    %dma_start3A_9 = arith.constant 0 : i32
    %dma_start3A_10 = tpu.memref_slice %arg3[%add3A, %dma_start3A, %dma_start3A_9] : memref<32x79x128xi32, #tpu.memory_space<hbm>> -> memref<1x1x128xi32, #tpu.memory_space<hbm>>
    %dma_start3A_11 = tpu.memref_squeeze %dma_start3A_10 : memref<1x1x128xi32, #tpu.memory_space<hbm>> -> memref<128xi32, #tpu.memory_space<hbm>>
    %dma_start3A_12 = arith.constant 0 : i32
    %dma_start3A_13 = tpu.memref_slice %arg3[%add3A, %dma_start3A, %dma_start3A_12] : memref<32x79x128xi32, #tpu.memory_space<hbm>> -> memref<1x1x128xi32, #tpu.memory_space<hbm>>
    %dma_start3A_14 = tpu.memref_squeeze %dma_start3A_13 : memref<1x1x128xi32, #tpu.memory_space<hbm>> -> memref<128xi32, #tpu.memory_space<hbm>>
    tpu.enqueue_dma source(%dma_start3A_14 : memref<128xi32, #tpu.memory_space<hbm>>) target(%arg12 : memref<128xi32, #tpu.memory_space<vmem>>) target_semaphore(%arg24 : memref<!tpu.dma_semaphore, #tpu.memory_space<semaphore_mem>>)
    %dma_start3A_15 = arith.constant 1 : i32
    %dma_start3A_16 = arith.constant 0 : i32
    %dma_start3A_17 = tpu.memref_slice %arg3[%add3A, %dma_start3A_15, %dma_start3A_16] : memref<32x79x128xi32, #tpu.memory_space<hbm>> -> memref<1x1x128xi32, #tpu.memory_space<hbm>>
    %dma_start3A_18 = tpu.memref_squeeze %dma_start3A_17 : memref<1x1x128xi32, #tpu.memory_space<hbm>> -> memref<128xi32, #tpu.memory_space<hbm>>
    %dma_start3A_19 = arith.constant 0 : i32
    %dma_start3A_20 = tpu.memref_slice %arg3[%add3A, %dma_start3A_15, %dma_start3A_19] : memref<32x79x128xi32, #tpu.memory_space<hbm>> -> memref<1x1x128xi32, #tpu.memory_space<hbm>>
    %dma_start3A_21 = tpu.memref_squeeze %dma_start3A_20 : memref<1x1x128xi32, #tpu.memory_space<hbm>> -> memref<128xi32, #tpu.memory_space<hbm>>
    tpu.enqueue_dma source(%dma_start3A_21 : memref<128xi32, #tpu.memory_space<hbm>>) target(%arg13 : memref<128xi32, #tpu.memory_space<vmem>>) target_semaphore(%arg25 : memref<!tpu.dma_semaphore, #tpu.memory_space<semaphore_mem>>)
    %dma_wait3A = arith.constant 0 : i32
    %dma_wait3A_22 = arith.constant 0 : i32
    %dma_wait3A_23 = arith.constant 0 : i32
    %dma_wait3A_24 = tpu.memref_slice %arg3[%dma_wait3A, %dma_wait3A_22, %dma_wait3A_23] : memref<32x79x128xi32, #tpu.memory_space<hbm>> -> memref<1x1x128xi32, #tpu.memory_space<hbm>>
    %dma_wait3A_25 = tpu.memref_squeeze %dma_wait3A_24 : memref<1x1x128xi32, #tpu.memory_space<hbm>> -> memref<128xi32, #tpu.memory_space<hbm>>
    %dma_wait3A_26 = arith.constant 0 : i32
    %dma_wait3A_27 = tpu.memref_slice %arg3[%dma_wait3A, %dma_wait3A_22, %dma_wait3A_26] : memref<32x79x128xi32, #tpu.memory_space<hbm>> -> memref<1x1x128xi32, #tpu.memory_space<hbm>>
    %dma_wait3A_28 = tpu.memref_squeeze %dma_wait3A_27 : memref<1x1x128xi32, #tpu.memory_space<hbm>> -> memref<128xi32, #tpu.memory_space<hbm>>
    tpu.wait_dma2 semaphore(%arg24 : memref<!tpu.dma_semaphore, #tpu.memory_space<semaphore_mem>>) src(%dma_wait3A_28 : memref<128xi32, #tpu.memory_space<hbm>>) dst(%arg12 : memref<128xi32, #tpu.memory_space<vmem>>)
    %dma_start3A_29 = arith.constant 0 : i32
    %dma_start3A_30 = arith.constant 0 : i32
    %dma_start3A_31 = tpu.memref_slice %arg2[%dma_start3A_29, %dma_start3A_30] : memref<10240x128xf32, #tpu.memory_space<hbm>> -> memref<10240x128xf32, #tpu.memory_space<hbm>>
    tpu.enqueue_indirect_dma source(%dma_start3A_31 : memref<10240x128xf32, #tpu.memory_space<hbm>>) target(%arg20 : memref<128x128xf32, #tpu.memory_space<vmem>>) offsets(%arg12 : memref<128xi32, #tpu.memory_space<vmem>>) semaphore(%arg26 : memref<!tpu.dma_semaphore, #tpu.memory_space<semaphore_mem>>)
    %dma_start3A_32 = arith.constant 0 : i32
    %dma_start3A_33 = tpu.memref_slice %arg5[%dma_start3A_32] : memref<10240xf32, #tpu.memory_space<hbm>> -> memref<10240xf32, #tpu.memory_space<hbm>>
    tpu.enqueue_indirect_dma source(%dma_start3A_33 : memref<10240xf32, #tpu.memory_space<hbm>>) target(%arg14 : memref<128xf32, #tpu.memory_space<vmem>>) offsets(%arg12 : memref<128xi32, #tpu.memory_space<vmem>>) semaphore(%arg28 : memref<!tpu.dma_semaphore, #tpu.memory_space<semaphore_mem>>)
    %dma_start3A_34 = arith.constant 0 : i32
    %dma_start3A_35 = arith.constant 0 : i32
    %dma_start3A_36 = tpu.memref_slice %arg11[%dma_start3A_34, %dma_start3A_35] : memref<79x128xi32, #tpu.memory_space<vmem>> -> memref<1x128xi32, #tpu.memory_space<vmem>>
    %dma_start3A_37 = tpu.memref_squeeze %dma_start3A_36 : memref<1x128xi32, #tpu.memory_space<vmem>> -> memref<128xi32, #tpu.memory_space<vmem>>
    %dma_start3A_38 = arith.constant 0 : i32
    %dma_start3A_39 = tpu.memref_slice %arg6[%dma_start3A_38] : memref<10240xf32, #tpu.memory_space<hbm>> -> memref<10240xf32, #tpu.memory_space<hbm>>
    tpu.enqueue_indirect_dma source(%dma_start3A_39 : memref<10240xf32, #tpu.memory_space<hbm>>) target(%arg16 : memref<128xf32, #tpu.memory_space<vmem>>) offsets(%dma_start3A_37 : memref<128xi32, #tpu.memory_space<vmem>>) semaphore(%arg30 : memref<!tpu.dma_semaphore, #tpu.memory_space<semaphore_mem>>)
    %scan3A = arith.constant 0 : i32
    %scan3A_40 = arith.constant 0 : i32
    %scan3A_41 = arith.constant 79 : i32
    %scan3A_42 = arith.addi %scan3A_40, %scan3A_41 : i32
    %scan3A_43 = arith.constant 1 : i32
    scf.for %scan3A_60 = %scan3A_40 to %scan3A_42 step %scan3A_43  : i32 {
      %jit3A = arith.constant 2 : i32
      %eq3A = arith.constant 0 : i32
      %eq3A_61 = arith.cmpi eq, %jit3A, %eq3A : i32
      %jit3A_62 = arith.constant 1 : i32
      %select_n3A = arith.select %eq3A_61, %jit3A_62, %jit3A : i32
      %rem3A = arith.remsi %scan3A_60, %select_n3A : i32
      %ne3A = arith.constant 0 : i32
      %ne3A_63 = arith.cmpi ne, %rem3A, %ne3A : i32
      %lt3A = arith.constant 0 : i32
      %lt3A_64 = arith.cmpi slt, %rem3A, %lt3A : i32
      %lt3A_65 = arith.constant 0 : i32
      %lt3A_66 = arith.cmpi slt, %select_n3A, %lt3A_65 : i32
      %ne3A_67 = arith.xori %lt3A_64, %lt3A_66 : i1
      %and3A = arith.andi %ne3A_67, %ne3A_63 : i1
      %add3A_68 = arith.addi %rem3A, %select_n3A : i32
      %select_n3A_69 = arith.select %and3A, %add3A_68, %rem3A : i32
      %eq3A_70 = arith.constant 0 : i32
      %eq3A_71 = arith.cmpi eq, %select_n3A_69, %eq3A_70 : i32
      %convert_element_type3A = arith.extui %eq3A_71 : i1 to i32
      %cond3A = arith.constant 0 : i32
      %cond3A_72 = arith.cmpi ne, %convert_element_type3A, %cond3A : i32
      scf.if %cond3A_72 {
        %ge3A = arith.constant 1 : i32
        %ge3A_94 = arith.cmpi sge, %scan3A_60, %ge3A : i32
        %convert_element_type3A_95 = arith.extui %ge3A_94 : i1 to i32
        %cond3A_96 = arith.constant 0 : i32
        %cond3A_97 = arith.cmpi ne, %convert_element_type3A_95, %cond3A_96 : i32
        scf.if %cond3A_97 {
          %dma_wait3A_364 = arith.constant 0 : i32
          %dma_wait3A_365 = arith.constant 0 : i32
          %dma_wait3A_366 = tpu.memref_slice %arg2[%dma_wait3A_364, %dma_wait3A_365] : memref<10240x128xf32, #tpu.memory_space<hbm>> -> memref<128x128xf32, #tpu.memory_space<hbm>>
          %dma_wait3A_367 = arith.constant 0 : i32
          %dma_wait3A_368 = arith.constant 0 : i32
          %dma_wait3A_369 = tpu.memref_slice %arg2[%dma_wait3A_367, %dma_wait3A_368] : memref<10240x128xf32, #tpu.memory_space<hbm>> -> memref<128x128xf32, #tpu.memory_space<hbm>>
          tpu.wait_dma2 semaphore(%arg35 : memref<!tpu.dma_semaphore, #tpu.memory_space<semaphore_mem>>) src(%dma_wait3A_369 : memref<128x128xf32, #tpu.memory_space<hbm>>) dst(%arg21 : memref<128x128xf32, #tpu.memory_space<vmem>>)
        } else {
        }
        %lt3A_98 = arith.constant 78 : i32
        %lt3A_99 = arith.cmpi slt, %scan3A_60, %lt3A_98 : i32
        %convert_element_type3A_100 = arith.extui %lt3A_99 : i1 to i32
        %cond3A_101 = arith.constant 0 : i32
        %cond3A_102 = arith.cmpi ne, %convert_element_type3A_100, %cond3A_101 : i32
        scf.if %cond3A_102 {
          %dma_wait3A_364 = arith.constant 0 : i32
          %dma_wait3A_365 = arith.constant 0 : i32
          %dma_wait3A_366 = arith.constant 0 : i32
          %dma_wait3A_367 = tpu.memref_slice %arg3[%dma_wait3A_364, %dma_wait3A_365, %dma_wait3A_366] : memref<32x79x128xi32, #tpu.memory_space<hbm>> -> memref<1x1x128xi32, #tpu.memory_space<hbm>>
          %dma_wait3A_368 = tpu.memref_squeeze %dma_wait3A_367 : memref<1x1x128xi32, #tpu.memory_space<hbm>> -> memref<128xi32, #tpu.memory_space<hbm>>
          %dma_wait3A_369 = arith.constant 0 : i32
          %dma_wait3A_370 = tpu.memref_slice %arg3[%dma_wait3A_364, %dma_wait3A_365, %dma_wait3A_369] : memref<32x79x128xi32, #tpu.memory_space<hbm>> -> memref<1x1x128xi32, #tpu.memory_space<hbm>>
          %dma_wait3A_371 = tpu.memref_squeeze %dma_wait3A_370 : memref<1x1x128xi32, #tpu.memory_space<hbm>> -> memref<128xi32, #tpu.memory_space<hbm>>
          tpu.wait_dma2 semaphore(%arg25 : memref<!tpu.dma_semaphore, #tpu.memory_space<semaphore_mem>>) src(%dma_wait3A_371 : memref<128xi32, #tpu.memory_space<hbm>>) dst(%arg13 : memref<128xi32, #tpu.memory_space<vmem>>)
          %dma_start3A_372 = arith.constant 0 : i32
          %dma_start3A_373 = arith.constant 0 : i32
          %dma_start3A_374 = tpu.memref_slice %arg2[%dma_start3A_372, %dma_start3A_373] : memref<10240x128xf32, #tpu.memory_space<hbm>> -> memref<10240x128xf32, #tpu.memory_space<hbm>>
          tpu.enqueue_indirect_dma source(%dma_start3A_374 : memref<10240x128xf32, #tpu.memory_space<hbm>>) target(%arg21 : memref<128x128xf32, #tpu.memory_space<vmem>>) offsets(%arg13 : memref<128xi32, #tpu.memory_space<vmem>>) semaphore(%arg27 : memref<!tpu.dma_semaphore, #tpu.memory_space<semaphore_mem>>)
          %dma_start3A_375 = arith.constant 0 : i32
          %dma_start3A_376 = tpu.memref_slice %arg5[%dma_start3A_375] : memref<10240xf32, #tpu.memory_space<hbm>> -> memref<10240xf32, #tpu.memory_space<hbm>>
          tpu.enqueue_indirect_dma source(%dma_start3A_376 : memref<10240xf32, #tpu.memory_space<hbm>>) target(%arg15 : memref<128xf32, #tpu.memory_space<vmem>>) offsets(%arg13 : memref<128xi32, #tpu.memory_space<vmem>>) semaphore(%arg29 : memref<!tpu.dma_semaphore, #tpu.memory_space<semaphore_mem>>)
          %add3A_377 = arith.constant 1 : i32
          %add3A_378 = arith.addi %scan3A_60, %add3A_377 : i32
          %dma_start3A_379 = arith.constant 0 : i32
          %dma_start3A_380 = tpu.memref_slice %arg11[%add3A_378, %dma_start3A_379] : memref<79x128xi32, #tpu.memory_space<vmem>> -> memref<1x128xi32, #tpu.memory_space<vmem>>
          %dma_start3A_381 = tpu.memref_squeeze %dma_start3A_380 : memref<1x128xi32, #tpu.memory_space<vmem>> -> memref<128xi32, #tpu.memory_space<vmem>>
          %dma_start3A_382 = arith.constant 0 : i32
          %dma_start3A_383 = tpu.memref_slice %arg6[%dma_start3A_382] : memref<10240xf32, #tpu.memory_space<hbm>> -> memref<10240xf32, #tpu.memory_space<hbm>>
          tpu.enqueue_indirect_dma source(%dma_start3A_383 : memref<10240xf32, #tpu.memory_space<hbm>>) target(%arg17 : memref<128xf32, #tpu.memory_space<vmem>>) offsets(%dma_start3A_381 : memref<128xi32, #tpu.memory_space<vmem>>) semaphore(%arg31 : memref<!tpu.dma_semaphore, #tpu.memory_space<semaphore_mem>>)
        } else {
        }
        %dma_wait3A_103 = arith.constant 0 : i32
        %dma_wait3A_104 = arith.constant 0 : i32
        %dma_wait3A_105 = tpu.memref_slice %arg2[%dma_wait3A_103, %dma_wait3A_104] : memref<10240x128xf32, #tpu.memory_space<hbm>> -> memref<128x128xf32, #tpu.memory_space<hbm>>
        %dma_wait3A_106 = arith.constant 0 : i32
        %dma_wait3A_107 = arith.constant 0 : i32
        %dma_wait3A_108 = tpu.memref_slice %arg2[%dma_wait3A_106, %dma_wait3A_107] : memref<10240x128xf32, #tpu.memory_space<hbm>> -> memref<128x128xf32, #tpu.memory_space<hbm>>
        tpu.wait_dma2 semaphore(%arg26 : memref<!tpu.dma_semaphore, #tpu.memory_space<semaphore_mem>>) src(%dma_wait3A_108 : memref<128x128xf32, #tpu.memory_space<hbm>>) dst(%arg20 : memref<128x128xf32, #tpu.memory_space<vmem>>)
        %dma_wait3A_109 = arith.constant 0 : i32
        %dma_wait3A_110 = tpu.memref_slice %arg5[%dma_wait3A_109] : memref<10240xf32, #tpu.memory_space<hbm>> -> memref<128xf32, #tpu.memory_space<hbm>>
        %dma_wait3A_111 = arith.constant 0 : i32
        %dma_wait3A_112 = tpu.memref_slice %arg5[%dma_wait3A_111] : memref<10240xf32, #tpu.memory_space<hbm>> -> memref<128xf32, #tpu.memory_space<hbm>>
        tpu.wait_dma2 semaphore(%arg28 : memref<!tpu.dma_semaphore, #tpu.memory_space<semaphore_mem>>) src(%dma_wait3A_112 : memref<128xf32, #tpu.memory_space<hbm>>) dst(%arg14 : memref<128xf32, #tpu.memory_space<vmem>>)
        %dma_wait3A_113 = arith.constant 0 : i32
        %dma_wait3A_114 = tpu.memref_slice %arg6[%dma_wait3A_113] : memref<10240xf32, #tpu.memory_space<hbm>> -> memref<128xf32, #tpu.memory_space<hbm>>
        %dma_wait3A_115 = arith.constant 0 : i32
        %dma_wait3A_116 = tpu.memref_slice %arg6[%dma_wait3A_115] : memref<10240xf32, #tpu.memory_space<hbm>> -> memref<128xf32, #tpu.memory_space<hbm>>
        tpu.wait_dma2 semaphore(%arg30 : memref<!tpu.dma_semaphore, #tpu.memory_space<semaphore_mem>>) src(%dma_wait3A_116 : memref<128xf32, #tpu.memory_space<hbm>>) dst(%arg16 : memref<128xf32, #tpu.memory_space<vmem>>)
        %lt3A_117 = arith.constant 77 : i32
        %lt3A_118 = arith.cmpi slt, %scan3A_60, %lt3A_117 : i32
        %convert_element_type3A_119 = arith.extui %lt3A_118 : i1 to i32
        %cond3A_120 = arith.constant 0 : i32
        %cond3A_121 = arith.cmpi ne, %convert_element_type3A_119, %cond3A_120 : i32
        scf.if %cond3A_121 {
          %add3A_364 = arith.constant 2 : i32
          %add3A_365 = arith.addi %scan3A_60, %add3A_364 : i32
          %dma_start3A_366 = arith.constant 0 : i32
          %dma_start3A_367 = tpu.memref_slice %arg3[%add3A, %add3A_365, %dma_start3A_366] : memref<32x79x128xi32, #tpu.memory_space<hbm>> -> memref<1x1x128xi32, #tpu.memory_space<hbm>>
          %dma_start3A_368 = tpu.memref_squeeze %dma_start3A_367 : memref<1x1x128xi32, #tpu.memory_space<hbm>> -> memref<128xi32, #tpu.memory_space<hbm>>
          %dma_start3A_369 = arith.constant 0 : i32
          %dma_start3A_370 = tpu.memref_slice %arg3[%add3A, %add3A_365, %dma_start3A_369] : memref<32x79x128xi32, #tpu.memory_space<hbm>> -> memref<1x1x128xi32, #tpu.memory_space<hbm>>
          %dma_start3A_371 = tpu.memref_squeeze %dma_start3A_370 : memref<1x1x128xi32, #tpu.memory_space<hbm>> -> memref<128xi32, #tpu.memory_space<hbm>>
          tpu.enqueue_dma source(%dma_start3A_371 : memref<128xi32, #tpu.memory_space<hbm>>) target(%arg12 : memref<128xi32, #tpu.memory_space<vmem>>) target_semaphore(%arg24 : memref<!tpu.dma_semaphore, #tpu.memory_space<semaphore_mem>>)
        } else {
        }
        %ge3A_122 = arith.constant 2 : i32
        %ge3A_123 = arith.cmpi sge, %scan3A_60, %ge3A_122 : i32
        %convert_element_type3A_124 = arith.extui %ge3A_123 : i1 to i32
        %cond3A_125 = arith.constant 0 : i32
        %cond3A_126 = arith.cmpi ne, %convert_element_type3A_124, %cond3A_125 : i32
        scf.if %cond3A_126 {
          %dma_wait3A_364 = arith.constant 0 : i32
          %dma_wait3A_365 = tpu.memref_slice %arg5[%dma_wait3A_364] : memref<10240xf32, #tpu.memory_space<hbm>> -> memref<128xf32, #tpu.memory_space<hbm>>
          %dma_wait3A_366 = arith.constant 0 : i32
          %dma_wait3A_367 = tpu.memref_slice %arg5[%dma_wait3A_366] : memref<10240xf32, #tpu.memory_space<hbm>> -> memref<128xf32, #tpu.memory_space<hbm>>
          tpu.wait_dma2 semaphore(%arg32 : memref<!tpu.dma_semaphore, #tpu.memory_space<semaphore_mem>>) src(%dma_wait3A_367 : memref<128xf32, #tpu.memory_space<hbm>>) dst(%arg18 : memref<128xf32, #tpu.memory_space<vmem>>)
        } else {
        }
        %get3A = arith.constant 0 : index
        %get3A_127 = tpu.vector_load %arg14[%get3A] {strides = array<i32>} : memref<128xf32, #tpu.memory_space<vmem>>, vector<16xf32>,
        %get3A_128 = arith.constant 0 : index
        %get3A_129 = tpu.vector_load %arg16[%get3A_128] {strides = array<i32>} : memref<128xf32, #tpu.memory_space<vmem>>, vector<16xf32>,
        %add3A_130 = arith.addf %get3A_127, %get3A_129 : vector<16xf32>
        %ge3A_131 = arith.constant 0.000000e+00 : f32
        %ge3A_132 = vector.broadcast %ge3A_131 : f32 to vector<16xf32>
        %ge3A_133 = arith.cmpf oge, %add3A_130, %ge3A_132 : vector<16xf32>
        %mul3A_134 = arith.constant 2.000000e-01 : f32
        %mul3A_135 = vector.broadcast %mul3A_134 : f32 to vector<16xf32>
        %mul3A_136 = arith.mulf %add3A_130, %mul3A_135 : vector<16xf32>
        %select_n3A_137 = arith.select %ge3A_133, %add3A_130, %mul3A_136 : vector<16xi1>, vector<16xf32>
        %mul3A_138 = arith.constant 128 : i32
        %mul3A_139 = arith.muli %scan3A_60, %mul3A_138 : i32
        %add3A_140 = arith.addi %mul3A_8, %mul3A_139 : i32
        %add3A_141 = arith.constant 0 : i32
        %add3A_142 = arith.addi %add3A_140, %add3A_141 : i32
        %add3A_143 = vector.broadcast %add3A_142 : i32 to vector<16xi32>
        %add3A_144 = arith.addi %add3A_143, %iota3A_6 : vector<16xi32>
        %lt3A_145 = arith.constant 320000 : i32
        %lt3A_146 = vector.broadcast %lt3A_145 : i32 to vector<16xi32>
        %lt3A_147 = arith.cmpi slt, %add3A_144, %lt3A_146 : vector<16xi32>
        %exp3A = math.exp %select_n3A_137 : vector<16xf32>
        %jit3A_148 = arith.constant 0.000000e+00 : f32
        %broadcast_in_dim3A = vector.broadcast %jit3A_148 : f32 to vector<16xf32>
        %select_n3A_149 = arith.select %lt3A_147, %exp3A, %broadcast_in_dim3A : vector<16xi1>, vector<16xf32>
        %swap3A = arith.constant 0 : index
        %swap3A_150 = tpu.vector_load %arg18[%swap3A] {strides = array<i32>} : memref<128xf32, #tpu.memory_space<vmem>>, vector<16xf32>,
        tpu.vector_store %arg18[%swap3A], %select_n3A_149 {strides = array<i32>} : memref<128xf32, #tpu.memory_space<vmem>>, vector<16xf32>,
        %get3A_151 = arith.constant 16 : index
        %get3A_152 = tpu.vector_load %arg14[%get3A_151] {strides = array<i32>} : memref<128xf32, #tpu.memory_space<vmem>>, vector<16xf32>,
        %get3A_153 = arith.constant 16 : index
        %get3A_154 = tpu.vector_load %arg16[%get3A_153] {strides = array<i32>} : memref<128xf32, #tpu.memory_space<vmem>>, vector<16xf32>,
        %add3A_155 = arith.addf %get3A_152, %get3A_154 : vector<16xf32>
        %ge3A_156 = arith.constant 0.000000e+00 : f32
        %ge3A_157 = vector.broadcast %ge3A_156 : f32 to vector<16xf32>
        %ge3A_158 = arith.cmpf oge, %add3A_155, %ge3A_157 : vector<16xf32>
        %mul3A_159 = arith.constant 2.000000e-01 : f32
        %mul3A_160 = vector.broadcast %mul3A_159 : f32 to vector<16xf32>
        %mul3A_161 = arith.mulf %add3A_155, %mul3A_160 : vector<16xf32>
        %select_n3A_162 = arith.select %ge3A_158, %add3A_155, %mul3A_161 : vector<16xi1>, vector<16xf32>
        %mul3A_163 = arith.constant 128 : i32
        %mul3A_164 = arith.muli %scan3A_60, %mul3A_163 : i32
        %add3A_165 = arith.addi %mul3A_8, %mul3A_164 : i32
        %add3A_166 = arith.constant 16 : i32
        %add3A_167 = arith.addi %add3A_165, %add3A_166 : i32
        %add3A_168 = vector.broadcast %add3A_167 : i32 to vector<16xi32>
        %add3A_169 = arith.addi %add3A_168, %iota3A_6 : vector<16xi32>
        %lt3A_170 = arith.constant 320000 : i32
        %lt3A_171 = vector.broadcast %lt3A_170 : i32 to vector<16xi32>
        %lt3A_172 = arith.cmpi slt, %add3A_169, %lt3A_171 : vector<16xi32>
        %exp3A_173 = math.exp %select_n3A_162 : vector<16xf32>
        %jit3A_174 = arith.constant 0.000000e+00 : f32
        %broadcast_in_dim3A_175 = vector.broadcast %jit3A_174 : f32 to vector<16xf32>
        %select_n3A_176 = arith.select %lt3A_172, %exp3A_173, %broadcast_in_dim3A_175 : vector<16xi1>, vector<16xf32>
        %swap3A_177 = arith.constant 16 : index
        %swap3A_178 = tpu.vector_load %arg18[%swap3A_177] {strides = array<i32>} : memref<128xf32, #tpu.memory_space<vmem>>, vector<16xf32>,
        tpu.vector_store %arg18[%swap3A_177], %select_n3A_176 {strides = array<i32>} : memref<128xf32, #tpu.memory_space<vmem>>, vector<16xf32>,
        %get3A_179 = arith.constant 32 : index
        %get3A_180 = tpu.vector_load %arg14[%get3A_179] {strides = array<i32>} : memref<128xf32, #tpu.memory_space<vmem>>, vector<16xf32>,
        %get3A_181 = arith.constant 32 : index
        %get3A_182 = tpu.vector_load %arg16[%get3A_181] {strides = array<i32>} : memref<128xf32, #tpu.memory_space<vmem>>, vector<16xf32>,
        %add3A_183 = arith.addf %get3A_180, %get3A_182 : vector<16xf32>
        %ge3A_184 = arith.constant 0.000000e+00 : f32
        %ge3A_185 = vector.broadcast %ge3A_184 : f32 to vector<16xf32>
        %ge3A_186 = arith.cmpf oge, %add3A_183, %ge3A_185 : vector<16xf32>
        %mul3A_187 = arith.constant 2.000000e-01 : f32
        %mul3A_188 = vector.broadcast %mul3A_187 : f32 to vector<16xf32>
        %mul3A_189 = arith.mulf %add3A_183, %mul3A_188 : vector<16xf32>
        %select_n3A_190 = arith.select %ge3A_186, %add3A_183, %mul3A_189 : vector<16xi1>, vector<16xf32>
        %mul3A_191 = arith.constant 128 : i32
        %mul3A_192 = arith.muli %scan3A_60, %mul3A_191 : i32
        %add3A_193 = arith.addi %mul3A_8, %mul3A_192 : i32
        %add3A_194 = arith.constant 32 : i32
        %add3A_195 = arith.addi %add3A_193, %add3A_194 : i32
        %add3A_196 = vector.broadcast %add3A_195 : i32 to vector<16xi32>
        %add3A_197 = arith.addi %add3A_196, %iota3A_6 : vector<16xi32>
        %lt3A_198 = arith.constant 320000 : i32
        %lt3A_199 = vector.broadcast %lt3A_198 : i32 to vector<16xi32>
        %lt3A_200 = arith.cmpi slt, %add3A_197, %lt3A_199 : vector<16xi32>
        %exp3A_201 = math.exp %select_n3A_190 : vector<16xf32>
        %jit3A_202 = arith.constant 0.000000e+00 : f32
        %broadcast_in_dim3A_203 = vector.broadcast %jit3A_202 : f32 to vector<16xf32>
        %select_n3A_204 = arith.select %lt3A_200, %exp3A_201, %broadcast_in_dim3A_203 : vector<16xi1>, vector<16xf32>
        %swap3A_205 = arith.constant 32 : index
        %swap3A_206 = tpu.vector_load %arg18[%swap3A_205] {strides = array<i32>} : memref<128xf32, #tpu.memory_space<vmem>>, vector<16xf32>,
        tpu.vector_store %arg18[%swap3A_205], %select_n3A_204 {strides = array<i32>} : memref<128xf32, #tpu.memory_space<vmem>>, vector<16xf32>,
        %get3A_207 = arith.constant 48 : index
        %get3A_208 = tpu.vector_load %arg14[%get3A_207] {strides = array<i32>} : memref<128xf32, #tpu.memory_space<vmem>>, vector<16xf32>,
        %get3A_209 = arith.constant 48 : index
        %get3A_210 = tpu.vector_load %arg16[%get3A_209] {strides = array<i32>} : memref<128xf32, #tpu.memory_space<vmem>>, vector<16xf32>,
        %add3A_211 = arith.addf %get3A_208, %get3A_210 : vector<16xf32>
        %ge3A_212 = arith.constant 0.000000e+00 : f32
        %ge3A_213 = vector.broadcast %ge3A_212 : f32 to vector<16xf32>
        %ge3A_214 = arith.cmpf oge, %add3A_211, %ge3A_213 : vector<16xf32>
        %mul3A_215 = arith.constant 2.000000e-01 : f32
        %mul3A_216 = vector.broadcast %mul3A_215 : f32 to vector<16xf32>
        %mul3A_217 = arith.mulf %add3A_211, %mul3A_216 : vector<16xf32>
        %select_n3A_218 = arith.select %ge3A_214, %add3A_211, %mul3A_217 : vector<16xi1>, vector<16xf32>
        %mul3A_219 = arith.constant 128 : i32
        %mul3A_220 = arith.muli %scan3A_60, %mul3A_219 : i32
        %add3A_221 = arith.addi %mul3A_8, %mul3A_220 : i32
        %add3A_222 = arith.constant 48 : i32
        %add3A_223 = arith.addi %add3A_221, %add3A_222 : i32
        %add3A_224 = vector.broadcast %add3A_223 : i32 to vector<16xi32>
        %add3A_225 = arith.addi %add3A_224, %iota3A_6 : vector<16xi32>
        %lt3A_226 = arith.constant 320000 : i32
        %lt3A_227 = vector.broadcast %lt3A_226 : i32 to vector<16xi32>
        %lt3A_228 = arith.cmpi slt, %add3A_225, %lt3A_227 : vector<16xi32>
        %exp3A_229 = math.exp %select_n3A_218 : vector<16xf32>
        %jit3A_230 = arith.constant 0.000000e+00 : f32
        %broadcast_in_dim3A_231 = vector.broadcast %jit3A_230 : f32 to vector<16xf32>
        %select_n3A_232 = arith.select %lt3A_228, %exp3A_229, %broadcast_in_dim3A_231 : vector<16xi1>, vector<16xf32>
        %swap3A_233 = arith.constant 48 : index
        %swap3A_234 = tpu.vector_load %arg18[%swap3A_233] {strides = array<i32>} : memref<128xf32, #tpu.memory_space<vmem>>, vector<16xf32>,
        tpu.vector_store %arg18[%swap3A_233], %select_n3A_232 {strides = array<i32>} : memref<128xf32, #tpu.memory_space<vmem>>, vector<16xf32>,
        %get3A_235 = arith.constant 64 : index
        %get3A_236 = tpu.vector_load %arg14[%get3A_235] {strides = array<i32>} : memref<128xf32, #tpu.memory_space<vmem>>, vector<16xf32>,
        %get3A_237 = arith.constant 64 : index
        %get3A_238 = tpu.vector_load %arg16[%get3A_237] {strides = array<i32>} : memref<128xf32, #tpu.memory_space<vmem>>, vector<16xf32>,
        %add3A_239 = arith.addf %get3A_236, %get3A_238 : vector<16xf32>
        %ge3A_240 = arith.constant 0.000000e+00 : f32
        %ge3A_241 = vector.broadcast %ge3A_240 : f32 to vector<16xf32>
        %ge3A_242 = arith.cmpf oge, %add3A_239, %ge3A_241 : vector<16xf32>
        %mul3A_243 = arith.constant 2.000000e-01 : f32
        %mul3A_244 = vector.broadcast %mul3A_243 : f32 to vector<16xf32>
        %mul3A_245 = arith.mulf %add3A_239, %mul3A_244 : vector<16xf32>
        %select_n3A_246 = arith.select %ge3A_242, %add3A_239, %mul3A_245 : vector<16xi1>, vector<16xf32>
        %mul3A_247 = arith.constant 128 : i32
        %mul3A_248 = arith.muli %scan3A_60, %mul3A_247 : i32
        %add3A_249 = arith.addi %mul3A_8, %mul3A_248 : i32
        %add3A_250 = arith.constant 64 : i32
        %add3A_251 = arith.addi %add3A_249, %add3A_250 : i32
        %add3A_252 = vector.broadcast %add3A_251 : i32 to vector<16xi32>
        %add3A_253 = arith.addi %add3A_252, %iota3A_6 : vector<16xi32>
        %lt3A_254 = arith.constant 320000 : i32
        %lt3A_255 = vector.broadcast %lt3A_254 : i32 to vector<16xi32>
        %lt3A_256 = arith.cmpi slt, %add3A_253, %lt3A_255 : vector<16xi32>
        %exp3A_257 = math.exp %select_n3A_246 : vector<16xf32>
        %jit3A_258 = arith.constant 0.000000e+00 : f32
        %broadcast_in_dim3A_259 = vector.broadcast %jit3A_258 : f32 to vector<16xf32>
        %select_n3A_260 = arith.select %lt3A_256, %exp3A_257, %broadcast_in_dim3A_259 : vector<16xi1>, vector<16xf32>
        %swap3A_261 = arith.constant 64 : index
        %swap3A_262 = tpu.vector_load %arg18[%swap3A_261] {strides = array<i32>} : memref<128xf32, #tpu.memory_space<vmem>>, vector<16xf32>,
        tpu.vector_store %arg18[%swap3A_261], %select_n3A_260 {strides = array<i32>} : memref<128xf32, #tpu.memory_space<vmem>>, vector<16xf32>,
        %get3A_263 = arith.constant 80 : index
        %get3A_264 = tpu.vector_load %arg14[%get3A_263] {strides = array<i32>} : memref<128xf32, #tpu.memory_space<vmem>>, vector<16xf32>,
        %get3A_265 = arith.constant 80 : index
        %get3A_266 = tpu.vector_load %arg16[%get3A_265] {strides = array<i32>} : memref<128xf32, #tpu.memory_space<vmem>>, vector<16xf32>,
        %add3A_267 = arith.addf %get3A_264, %get3A_266 : vector<16xf32>
        %ge3A_268 = arith.constant 0.000000e+00 : f32
        %ge3A_269 = vector.broadcast %ge3A_268 : f32 to vector<16xf32>
        %ge3A_270 = arith.cmpf oge, %add3A_267, %ge3A_269 : vector<16xf32>
        %mul3A_271 = arith.constant 2.000000e-01 : f32
        %mul3A_272 = vector.broadcast %mul3A_271 : f32 to vector<16xf32>
        %mul3A_273 = arith.mulf %add3A_267, %mul3A_272 : vector<16xf32>
        %select_n3A_274 = arith.select %ge3A_270, %add3A_267, %mul3A_273 : vector<16xi1>, vector<16xf32>
        %mul3A_275 = arith.constant 128 : i32
        %mul3A_276 = arith.muli %scan3A_60, %mul3A_275 : i32
        %add3A_277 = arith.addi %mul3A_8, %mul3A_276 : i32
        %add3A_278 = arith.constant 80 : i32
        %add3A_279 = arith.addi %add3A_277, %add3A_278 : i32
        %add3A_280 = vector.broadcast %add3A_279 : i32 to vector<16xi32>
        %add3A_281 = arith.addi %add3A_280, %iota3A_6 : vector<16xi32>
        %lt3A_282 = arith.constant 320000 : i32
        %lt3A_283 = vector.broadcast %lt3A_282 : i32 to vector<16xi32>
        %lt3A_284 = arith.cmpi slt, %add3A_281, %lt3A_283 : vector<16xi32>
        %exp3A_285 = math.exp %select_n3A_274 : vector<16xf32>
        %jit3A_286 = arith.constant 0.000000e+00 : f32
        %broadcast_in_dim3A_287 = vector.broadcast %jit3A_286 : f32 to vector<16xf32>
        %select_n3A_288 = arith.select %lt3A_284, %exp3A_285, %broadcast_in_dim3A_287 : vector<16xi1>, vector<16xf32>
        %swap3A_289 = arith.constant 80 : index
        %swap3A_290 = tpu.vector_load %arg18[%swap3A_289] {strides = array<i32>} : memref<128xf32, #tpu.memory_space<vmem>>, vector<16xf32>,
        tpu.vector_store %arg18[%swap3A_289], %select_n3A_288 {strides = array<i32>} : memref<128xf32, #tpu.memory_space<vmem>>, vector<16xf32>,
        %get3A_291 = arith.constant 96 : index
        %get3A_292 = tpu.vector_load %arg14[%get3A_291] {strides = array<i32>} : memref<128xf32, #tpu.memory_space<vmem>>, vector<16xf32>,
        %get3A_293 = arith.constant 96 : index
        %get3A_294 = tpu.vector_load %arg16[%get3A_293] {strides = array<i32>} : memref<128xf32, #tpu.memory_space<vmem>>, vector<16xf32>,
        %add3A_295 = arith.addf %get3A_292, %get3A_294 : vector<16xf32>
        %ge3A_296 = arith.constant 0.000000e+00 : f32
        %ge3A_297 = vector.broadcast %ge3A_296 : f32 to vector<16xf32>
        %ge3A_298 = arith.cmpf oge, %add3A_295, %ge3A_297 : vector<16xf32>
        %mul3A_299 = arith.constant 2.000000e-01 : f32
        %mul3A_300 = vector.broadcast %mul3A_299 : f32 to vector<16xf32>
        %mul3A_301 = arith.mulf %add3A_295, %mul3A_300 : vector<16xf32>
        %select_n3A_302 = arith.select %ge3A_298, %add3A_295, %mul3A_301 : vector<16xi1>, vector<16xf32>
        %mul3A_303 = arith.constant 128 : i32
        %mul3A_304 = arith.muli %scan3A_60, %mul3A_303 : i32
        %add3A_305 = arith.addi %mul3A_8, %mul3A_304 : i32
        %add3A_306 = arith.constant 96 : i32
        %add3A_307 = arith.addi %add3A_305, %add3A_306 : i32
        %add3A_308 = vector.broadcast %add3A_307 : i32 to vector<16xi32>
        %add3A_309 = arith.addi %add3A_308, %iota3A_6 : vector<16xi32>
        %lt3A_310 = arith.constant 320000 : i32
        %lt3A_311 = vector.broadcast %lt3A_310 : i32 to vector<16xi32>
        %lt3A_312 = arith.cmpi slt, %add3A_309, %lt3A_311 : vector<16xi32>
        %exp3A_313 = math.exp %select_n3A_302 : vector<16xf32>
        %jit3A_314 = arith.constant 0.000000e+00 : f32
        %broadcast_in_dim3A_315 = vector.broadcast %jit3A_314 : f32 to vector<16xf32>
        %select_n3A_316 = arith.select %lt3A_312, %exp3A_313, %broadcast_in_dim3A_315 : vector<16xi1>, vector<16xf32>
        %swap3A_317 = arith.constant 96 : index
        %swap3A_318 = tpu.vector_load %arg18[%swap3A_317] {strides = array<i32>} : memref<128xf32, #tpu.memory_space<vmem>>, vector<16xf32>,
        tpu.vector_store %arg18[%swap3A_317], %select_n3A_316 {strides = array<i32>} : memref<128xf32, #tpu.memory_space<vmem>>, vector<16xf32>,
        %get3A_319 = arith.constant 112 : index
        %get3A_320 = tpu.vector_load %arg14[%get3A_319] {strides = array<i32>} : memref<128xf32, #tpu.memory_space<vmem>>, vector<16xf32>,
        %get3A_321 = arith.constant 112 : index
        %get3A_322 = tpu.vector_load %arg16[%get3A_321] {strides = array<i32>} : memref<128xf32, #tpu.memory_space<vmem>>, vector<16xf32>,
        %add3A_323 = arith.addf %get3A_320, %get3A_322 : vector<16xf32>
        %ge3A_324 = arith.constant 0.000000e+00 : f32
        %ge3A_325 = vector.broadcast %ge3A_324 : f32 to vector<16xf32>
        %ge3A_326 = arith.cmpf oge, %add3A_323, %ge3A_325 : vector<16xf32>
        %mul3A_327 = arith.constant 2.000000e-01 : f32
        %mul3A_328 = vector.broadcast %mul3A_327 : f32 to vector<16xf32>
        %mul3A_329 = arith.mulf %add3A_323, %mul3A_328 : vector<16xf32>
        %select_n3A_330 = arith.select %ge3A_326, %add3A_323, %mul3A_329 : vector<16xi1>, vector<16xf32>
        %mul3A_331 = arith.constant 128 : i32
        %mul3A_332 = arith.muli %scan3A_60, %mul3A_331 : i32
        %add3A_333 = arith.addi %mul3A_8, %mul3A_332 : i32
        %add3A_334 = arith.constant 112 : i32
        %add3A_335 = arith.addi %add3A_333, %add3A_334 : i32
        %add3A_336 = vector.broadcast %add3A_335 : i32 to vector<16xi32>
        %add3A_337 = arith.addi %add3A_336, %iota3A_6 : vector<16xi32>
        %lt3A_338 = arith.constant 320000 : i32
        %lt3A_339 = vector.broadcast %lt3A_338 : i32 to vector<16xi32>
        %lt3A_340 = arith.cmpi slt, %add3A_337, %lt3A_339 : vector<16xi32>
        %exp3A_341 = math.exp %select_n3A_330 : vector<16xf32>
        %jit3A_342 = arith.constant 0.000000e+00 : f32
        %broadcast_in_dim3A_343 = vector.broadcast %jit3A_342 : f32 to vector<16xf32>
        %select_n3A_344 = arith.select %lt3A_340, %exp3A_341, %broadcast_in_dim3A_343 : vector<16xi1>, vector<16xf32>
        %swap3A_345 = arith.constant 112 : index
        %swap3A_346 = tpu.vector_load %arg18[%swap3A_345] {strides = array<i32>} : memref<128xf32, #tpu.memory_space<vmem>>, vector<16xf32>,
        tpu.vector_store %arg18[%swap3A_345], %select_n3A_344 {strides = array<i32>} : memref<128xf32, #tpu.memory_space<vmem>>, vector<16xf32>,
        %dma_start3A_347 = arith.constant 0 : i32
        %dma_start3A_348 = tpu.memref_slice %arg11[%scan3A_60, %dma_start3A_347] : memref<79x128xi32, #tpu.memory_space<vmem>> -> memref<1x128xi32, #tpu.memory_space<vmem>>
        %dma_start3A_349 = tpu.memref_squeeze %dma_start3A_348 : memref<1x128xi32, #tpu.memory_space<vmem>> -> memref<128xi32, #tpu.memory_space<vmem>>
        %dma_start3A_350 = arith.constant 0 : i32
        %dma_start3A_351 = tpu.memref_slice %arg23[%dma_start3A_350] : memref<10240xf32, #tpu.memory_space<vmem_shared>> -> memref<10240xf32, #tpu.memory_space<vmem_shared>>
        tpu.enqueue_indirect_dma source(%arg18 : memref<128xf32, #tpu.memory_space<vmem>>) target(%dma_start3A_351 : memref<10240xf32, #tpu.memory_space<vmem_shared>>) offsets(%dma_start3A_349 : memref<128xi32, #tpu.memory_space<vmem>>) semaphore(%arg32 : memref<!tpu.dma_semaphore, #tpu.memory_space<semaphore_mem>>) {add = true}
        %scan3A_352 = arith.constant 0 : i32
        %scan3A_353 = arith.constant 0 : i32
        %scan3A_354 = arith.constant 128 : i32
        %scan3A_355 = arith.addi %scan3A_353, %scan3A_354 : i32
        %scan3A_356 = arith.constant 2 : i32
        scf.for %scan3A_364 = %scan3A_353 to %scan3A_355 step %scan3A_356  : i32 {
          %add3A_365 = vector.broadcast %scan3A_364 : i32 to vector<16xi32>
          %add3A_366 = arith.addi %mul3A_5, %add3A_365 : vector<16xi32>
          %gather3A = tpu.vector_load_idx %arg18[%add3A_366] : memref<128xf32, #tpu.memory_space<vmem>>[vector<16xi32>], vector<16xf32>,
          %get3A_367 = arith.index_cast %scan3A_364 : i32 to index
          %get3A_368 = arith.constant 0 : index
          %get3A_369 = tpu.vector_load %arg20[%get3A_367, %get3A_368] {strides = array<i32>} : memref<128x128xf32, #tpu.memory_space<vmem>>, vector<16xf32>,
          %mul3A_370 = arith.mulf %get3A_369, %gather3A : vector<16xf32>
          %swap3A_371 = arith.index_cast %scan3A_364 : i32 to index
          %swap3A_372 = arith.constant 0 : index
          %swap3A_373 = tpu.vector_load %arg20[%swap3A_371, %swap3A_372] {strides = array<i32>} : memref<128x128xf32, #tpu.memory_space<vmem>>, vector<16xf32>,
          tpu.vector_store %arg20[%swap3A_371, %swap3A_372], %mul3A_370 {strides = array<i32>} : memref<128x128xf32, #tpu.memory_space<vmem>>, vector<16xf32>,
          %get3A_374 = arith.index_cast %scan3A_364 : i32 to index
          %get3A_375 = arith.constant 16 : index
          %get3A_376 = tpu.vector_load %arg20[%get3A_374, %get3A_375] {strides = array<i32>} : memref<128x128xf32, #tpu.memory_space<vmem>>, vector<16xf32>,
          %mul3A_377 = arith.mulf %get3A_376, %gather3A : vector<16xf32>
          %swap3A_378 = arith.index_cast %scan3A_364 : i32 to index
          %swap3A_379 = arith.constant 16 : index
          %swap3A_380 = tpu.vector_load %arg20[%swap3A_378, %swap3A_379] {strides = array<i32>} : memref<128x128xf32, #tpu.memory_space<vmem>>, vector<16xf32>,
          tpu.vector_store %arg20[%swap3A_378, %swap3A_379], %mul3A_377 {strides = array<i32>} : memref<128x128xf32, #tpu.memory_space<vmem>>, vector<16xf32>,
          %get3A_381 = arith.index_cast %scan3A_364 : i32 to index
          %get3A_382 = arith.constant 32 : index
          %get3A_383 = tpu.vector_load %arg20[%get3A_381, %get3A_382] {strides = array<i32>} : memref<128x128xf32, #tpu.memory_space<vmem>>, vector<16xf32>,
          %mul3A_384 = arith.mulf %get3A_383, %gather3A : vector<16xf32>
          %swap3A_385 = arith.index_cast %scan3A_364 : i32 to index
          %swap3A_386 = arith.constant 32 : index
          %swap3A_387 = tpu.vector_load %arg20[%swap3A_385, %swap3A_386] {strides = array<i32>} : memref<128x128xf32, #tpu.memory_space<vmem>>, vector<16xf32>,
          tpu.vector_store %arg20[%swap3A_385, %swap3A_386], %mul3A_384 {strides = array<i32>} : memref<128x128xf32, #tpu.memory_space<vmem>>, vector<16xf32>,
          %get3A_388 = arith.index_cast %scan3A_364 : i32 to index
          %get3A_389 = arith.constant 48 : index
          %get3A_390 = tpu.vector_load %arg20[%get3A_388, %get3A_389] {strides = array<i32>} : memref<128x128xf32, #tpu.memory_space<vmem>>, vector<16xf32>,
          %mul3A_391 = arith.mulf %get3A_390, %gather3A : vector<16xf32>
          %swap3A_392 = arith.index_cast %scan3A_364 : i32 to index
          %swap3A_393 = arith.constant 48 : index
          %swap3A_394 = tpu.vector_load %arg20[%swap3A_392, %swap3A_393] {strides = array<i32>} : memref<128x128xf32, #tpu.memory_space<vmem>>, vector<16xf32>,
          tpu.vector_store %arg20[%swap3A_392, %swap3A_393], %mul3A_391 {strides = array<i32>} : memref<128x128xf32, #tpu.memory_space<vmem>>, vector<16xf32>,
          %get3A_395 = arith.index_cast %scan3A_364 : i32 to index
          %get3A_396 = arith.constant 64 : index
          %get3A_397 = tpu.vector_load %arg20[%get3A_395, %get3A_396] {strides = array<i32>} : memref<128x128xf32, #tpu.memory_space<vmem>>, vector<16xf32>,
          %mul3A_398 = arith.mulf %get3A_397, %gather3A : vector<16xf32>
          %swap3A_399 = arith.index_cast %scan3A_364 : i32 to index
          %swap3A_400 = arith.constant 64 : index
          %swap3A_401 = tpu.vector_load %arg20[%swap3A_399, %swap3A_400] {strides = array<i32>} : memref<128x128xf32, #tpu.memory_space<vmem>>, vector<16xf32>,
          tpu.vector_store %arg20[%swap3A_399, %swap3A_400], %mul3A_398 {strides = array<i32>} : memref<128x128xf32, #tpu.memory_space<vmem>>, vector<16xf32>,
          %get3A_402 = arith.index_cast %scan3A_364 : i32 to index
          %get3A_403 = arith.constant 80 : index
          %get3A_404 = tpu.vector_load %arg20[%get3A_402, %get3A_403] {strides = array<i32>} : memref<128x128xf32, #tpu.memory_space<vmem>>, vector<16xf32>,
          %mul3A_405 = arith.mulf %get3A_404, %gather3A : vector<16xf32>
          %swap3A_406 = arith.index_cast %scan3A_364 : i32 to index
          %swap3A_407 = arith.constant 80 : index
          %swap3A_408 = tpu.vector_load %arg20[%swap3A_406, %swap3A_407] {strides = array<i32>} : memref<128x128xf32, #tpu.memory_space<vmem>>, vector<16xf32>,
          tpu.vector_store %arg20[%swap3A_406, %swap3A_407], %mul3A_405 {strides = array<i32>} : memref<128x128xf32, #tpu.memory_space<vmem>>, vector<16xf32>,
          %get3A_409 = arith.index_cast %scan3A_364 : i32 to index
          %get3A_410 = arith.constant 96 : index
          %get3A_411 = tpu.vector_load %arg20[%get3A_409, %get3A_410] {strides = array<i32>} : memref<128x128xf32, #tpu.memory_space<vmem>>, vector<16xf32>,
          %mul3A_412 = arith.mulf %get3A_411, %gather3A : vector<16xf32>
          %swap3A_413 = arith.index_cast %scan3A_364 : i32 to index
          %swap3A_414 = arith.constant 96 : index
          %swap3A_415 = tpu.vector_load %arg20[%swap3A_413, %swap3A_414] {strides = array<i32>} : memref<128x128xf32, #tpu.memory_space<vmem>>, vector<16xf32>,
          tpu.vector_store %arg20[%swap3A_413, %swap3A_414], %mul3A_412 {strides = array<i32>} : memref<128x128xf32, #tpu.memory_space<vmem>>, vector<16xf32>,
          %get3A_416 = arith.index_cast %scan3A_364 : i32 to index
          %get3A_417 = arith.constant 112 : index
          %get3A_418 = tpu.vector_load %arg20[%get3A_416, %get3A_417] {strides = array<i32>} : memref<128x128xf32, #tpu.memory_space<vmem>>, vector<16xf32>,
          %mul3A_419 = arith.mulf %get3A_418, %gather3A : vector<16xf32>
          %swap3A_420 = arith.index_cast %scan3A_364 : i32 to index
          %swap3A_421 = arith.constant 112 : index
          %swap3A_422 = tpu.vector_load %arg20[%swap3A_420, %swap3A_421] {strides = array<i32>} : memref<128x128xf32, #tpu.memory_space<vmem>>, vector<16xf32>,
          tpu.vector_store %arg20[%swap3A_420, %swap3A_421], %mul3A_419 {strides = array<i32>} : memref<128x128xf32, #tpu.memory_space<vmem>>, vector<16xf32>,
          %scan3A_423 = arith.constant 1 : i32
          %scan3A_424 = arith.addi %scan3A_364, %scan3A_423 : i32
          %add3A_425 = vector.broadcast %scan3A_424 : i32 to vector<16xi32>
          %add3A_426 = arith.addi %mul3A_5, %add3A_425 : vector<16xi32>
          %gather3A_427 = tpu.vector_load_idx %arg18[%add3A_426] : memref<128xf32, #tpu.memory_space<vmem>>[vector<16xi32>], vector<16xf32>,
          %get3A_428 = arith.index_cast %scan3A_424 : i32 to index
          %get3A_429 = arith.constant 0 : index
          %get3A_430 = tpu.vector_load %arg20[%get3A_428, %get3A_429] {strides = array<i32>} : memref<128x128xf32, #tpu.memory_space<vmem>>, vector<16xf32>,
          %mul3A_431 = arith.mulf %get3A_430, %gather3A_427 : vector<16xf32>
          %swap3A_432 = arith.index_cast %scan3A_424 : i32 to index
          %swap3A_433 = arith.constant 0 : index
          %swap3A_434 = tpu.vector_load %arg20[%swap3A_432, %swap3A_433] {strides = array<i32>} : memref<128x128xf32, #tpu.memory_space<vmem>>, vector<16xf32>,
          tpu.vector_store %arg20[%swap3A_432, %swap3A_433], %mul3A_431 {strides = array<i32>} : memref<128x128xf32, #tpu.memory_space<vmem>>, vector<16xf32>,
          %get3A_435 = arith.index_cast %scan3A_424 : i32 to index
          %get3A_436 = arith.constant 16 : index
          %get3A_437 = tpu.vector_load %arg20[%get3A_435, %get3A_436] {strides = array<i32>} : memref<128x128xf32, #tpu.memory_space<vmem>>, vector<16xf32>,
          %mul3A_438 = arith.mulf %get3A_437, %gather3A_427 : vector<16xf32>
          %swap3A_439 = arith.index_cast %scan3A_424 : i32 to index
          %swap3A_440 = arith.constant 16 : index
          %swap3A_441 = tpu.vector_load %arg20[%swap3A_439, %swap3A_440] {strides = array<i32>} : memref<128x128xf32, #tpu.memory_space<vmem>>, vector<16xf32>,
          tpu.vector_store %arg20[%swap3A_439, %swap3A_440], %mul3A_438 {strides = array<i32>} : memref<128x128xf32, #tpu.memory_space<vmem>>, vector<16xf32>,
          %get3A_442 = arith.index_cast %scan3A_424 : i32 to index
          %get3A_443 = arith.constant 32 : index
          %get3A_444 = tpu.vector_load %arg20[%get3A_442, %get3A_443] {strides = array<i32>} : memref<128x128xf32, #tpu.memory_space<vmem>>, vector<16xf32>,
          %mul3A_445 = arith.mulf %get3A_444, %gather3A_427 : vector<16xf32>
          %swap3A_446 = arith.index_cast %scan3A_424 : i32 to index
          %swap3A_447 = arith.constant 32 : index
          %swap3A_448 = tpu.vector_load %arg20[%swap3A_446, %swap3A_447] {strides = array<i32>} : memref<128x128xf32, #tpu.memory_space<vmem>>, vector<16xf32>,
          tpu.vector_store %arg20[%swap3A_446, %swap3A_447], %mul3A_445 {strides = array<i32>} : memref<128x128xf32, #tpu.memory_space<vmem>>, vector<16xf32>,
          %get3A_449 = arith.index_cast %scan3A_424 : i32 to index
          %get3A_450 = arith.constant 48 : index
          %get3A_451 = tpu.vector_load %arg20[%get3A_449, %get3A_450] {strides = array<i32>} : memref<128x128xf32, #tpu.memory_space<vmem>>, vector<16xf32>,
          %mul3A_452 = arith.mulf %get3A_451, %gather3A_427 : vector<16xf32>
          %swap3A_453 = arith.index_cast %scan3A_424 : i32 to index
          %swap3A_454 = arith.constant 48 : index
          %swap3A_455 = tpu.vector_load %arg20[%swap3A_453, %swap3A_454] {strides = array<i32>} : memref<128x128xf32, #tpu.memory_space<vmem>>, vector<16xf32>,
          tpu.vector_store %arg20[%swap3A_453, %swap3A_454], %mul3A_452 {strides = array<i32>} : memref<128x128xf32, #tpu.memory_space<vmem>>, vector<16xf32>,
          %get3A_456 = arith.index_cast %scan3A_424 : i32 to index
          %get3A_457 = arith.constant 64 : index
          %get3A_458 = tpu.vector_load %arg20[%get3A_456, %get3A_457] {strides = array<i32>} : memref<128x128xf32, #tpu.memory_space<vmem>>, vector<16xf32>,
          %mul3A_459 = arith.mulf %get3A_458, %gather3A_427 : vector<16xf32>
          %swap3A_460 = arith.index_cast %scan3A_424 : i32 to index
          %swap3A_461 = arith.constant 64 : index
          %swap3A_462 = tpu.vector_load %arg20[%swap3A_460, %swap3A_461] {strides = array<i32>} : memref<128x128xf32, #tpu.memory_space<vmem>>, vector<16xf32>,
          tpu.vector_store %arg20[%swap3A_460, %swap3A_461], %mul3A_459 {strides = array<i32>} : memref<128x128xf32, #tpu.memory_space<vmem>>, vector<16xf32>,
          %get3A_463 = arith.index_cast %scan3A_424 : i32 to index
          %get3A_464 = arith.constant 80 : index
          %get3A_465 = tpu.vector_load %arg20[%get3A_463, %get3A_464] {strides = array<i32>} : memref<128x128xf32, #tpu.memory_space<vmem>>, vector<16xf32>,
          %mul3A_466 = arith.mulf %get3A_465, %gather3A_427 : vector<16xf32>
          %swap3A_467 = arith.index_cast %scan3A_424 : i32 to index
          %swap3A_468 = arith.constant 80 : index
          %swap3A_469 = tpu.vector_load %arg20[%swap3A_467, %swap3A_468] {strides = array<i32>} : memref<128x128xf32, #tpu.memory_space<vmem>>, vector<16xf32>,
          tpu.vector_store %arg20[%swap3A_467, %swap3A_468], %mul3A_466 {strides = array<i32>} : memref<128x128xf32, #tpu.memory_space<vmem>>, vector<16xf32>,
          %get3A_470 = arith.index_cast %scan3A_424 : i32 to index
          %get3A_471 = arith.constant 96 : index
          %get3A_472 = tpu.vector_load %arg20[%get3A_470, %get3A_471] {strides = array<i32>} : memref<128x128xf32, #tpu.memory_space<vmem>>, vector<16xf32>,
          %mul3A_473 = arith.mulf %get3A_472, %gather3A_427 : vector<16xf32>
          %swap3A_474 = arith.index_cast %scan3A_424 : i32 to index
          %swap3A_475 = arith.constant 96 : index
          %swap3A_476 = tpu.vector_load %arg20[%swap3A_474, %swap3A_475] {strides = array<i32>} : memref<128x128xf32, #tpu.memory_space<vmem>>, vector<16xf32>,
          tpu.vector_store %arg20[%swap3A_474, %swap3A_475], %mul3A_473 {strides = array<i32>} : memref<128x128xf32, #tpu.memory_space<vmem>>, vector<16xf32>,
          %get3A_477 = arith.index_cast %scan3A_424 : i32 to index
          %get3A_478 = arith.constant 112 : index
          %get3A_479 = tpu.vector_load %arg20[%get3A_477, %get3A_478] {strides = array<i32>} : memref<128x128xf32, #tpu.memory_space<vmem>>, vector<16xf32>,
          %mul3A_480 = arith.mulf %get3A_479, %gather3A_427 : vector<16xf32>
          %swap3A_481 = arith.index_cast %scan3A_424 : i32 to index
          %swap3A_482 = arith.constant 112 : index
          %swap3A_483 = tpu.vector_load %arg20[%swap3A_481, %swap3A_482] {strides = array<i32>} : memref<128x128xf32, #tpu.memory_space<vmem>>, vector<16xf32>,
          tpu.vector_store %arg20[%swap3A_481, %swap3A_482], %mul3A_480 {strides = array<i32>} : memref<128x128xf32, #tpu.memory_space<vmem>>, vector<16xf32>,
        }
        %scan3A_357 = arith.constant 128 : i32
        %dma_start3A_358 = arith.constant 0 : i32
        %dma_start3A_359 = tpu.memref_slice %arg11[%scan3A_60, %dma_start3A_358] : memref<79x128xi32, #tpu.memory_space<vmem>> -> memref<1x128xi32, #tpu.memory_space<vmem>>
        %dma_start3A_360 = tpu.memref_squeeze %dma_start3A_359 : memref<1x128xi32, #tpu.memory_space<vmem>> -> memref<128xi32, #tpu.memory_space<vmem>>
        %dma_start3A_361 = arith.constant 0 : i32
        %dma_start3A_362 = arith.constant 0 : i32
        %dma_start3A_363 = tpu.memref_slice %arg22[%dma_start3A_361, %dma_start3A_362] : memref<10240x128xf32, #tpu.memory_space<vmem_shared>> -> memref<10240x128xf32, #tpu.memory_space<vmem_shared>>
        tpu.enqueue_indirect_dma source(%arg20 : memref<128x128xf32, #tpu.memory_space<vmem>>) target(%dma_start3A_363 : memref<10240x128xf32, #tpu.memory_space<vmem_shared>>) offsets(%dma_start3A_360 : memref<128xi32, #tpu.memory_space<vmem>>) semaphore(%arg34 : memref<!tpu.dma_semaphore, #tpu.memory_space<semaphore_mem>>) {add = true}
      } else {
      }
      %jit3A_73 = arith.constant 2 : i32
      %eq3A_74 = arith.constant 0 : i32
      %eq3A_75 = arith.cmpi eq, %jit3A_73, %eq3A_74 : i32
      %jit3A_76 = arith.constant 1 : i32
      %select_n3A_77 = arith.select %eq3A_75, %jit3A_76, %jit3A_73 : i32
      %rem3A_78 = arith.remsi %scan3A_60, %select_n3A_77 : i32
      %ne3A_79 = arith.constant 0 : i32
      %ne3A_80 = arith.cmpi ne, %rem3A_78, %ne3A_79 : i32
      %lt3A_81 = arith.constant 0 : i32
      %lt3A_82 = arith.cmpi slt, %rem3A_78, %lt3A_81 : i32
      %lt3A_83 = arith.constant 0 : i32
      %lt3A_84 = arith.cmpi slt, %select_n3A_77, %lt3A_83 : i32
      %ne3A_85 = arith.xori %lt3A_82, %lt3A_84 : i1
      %and3A_86 = arith.andi %ne3A_85, %ne3A_80 : i1
      %add3A_87 = arith.addi %rem3A_78, %select_n3A_77 : i32
      %select_n3A_88 = arith.select %and3A_86, %add3A_87, %rem3A_78 : i32
      %eq3A_89 = arith.constant 1 : i32
      %eq3A_90 = arith.cmpi eq, %select_n3A_88, %eq3A_89 : i32
      %convert_element_type3A_91 = arith.extui %eq3A_90 : i1 to i32
      %cond3A_92 = arith.constant 0 : i32
      %cond3A_93 = arith.cmpi ne, %convert_element_type3A_91, %cond3A_92 : i32
      scf.if %cond3A_93 {
        %ge3A = arith.constant 1 : i32
        %ge3A_94 = arith.cmpi sge, %scan3A_60, %ge3A : i32
        %convert_element_type3A_95 = arith.extui %ge3A_94 : i1 to i32
        %cond3A_96 = arith.constant 0 : i32
        %cond3A_97 = arith.cmpi ne, %convert_element_type3A_95, %cond3A_96 : i32
        scf.if %cond3A_97 {
          %dma_wait3A_364 = arith.constant 0 : i32
          %dma_wait3A_365 = arith.constant 0 : i32
          %dma_wait3A_366 = tpu.memref_slice %arg2[%dma_wait3A_364, %dma_wait3A_365] : memref<10240x128xf32, #tpu.memory_space<hbm>> -> memref<128x128xf32, #tpu.memory_space<hbm>>
          %dma_wait3A_367 = arith.constant 0 : i32
          %dma_wait3A_368 = arith.constant 0 : i32
          %dma_wait3A_369 = tpu.memref_slice %arg2[%dma_wait3A_367, %dma_wait3A_368] : memref<10240x128xf32, #tpu.memory_space<hbm>> -> memref<128x128xf32, #tpu.memory_space<hbm>>
          tpu.wait_dma2 semaphore(%arg34 : memref<!tpu.dma_semaphore, #tpu.memory_space<semaphore_mem>>) src(%dma_wait3A_369 : memref<128x128xf32, #tpu.memory_space<hbm>>) dst(%arg20 : memref<128x128xf32, #tpu.memory_space<vmem>>)
        } else {
        }
        %lt3A_98 = arith.constant 78 : i32
        %lt3A_99 = arith.cmpi slt, %scan3A_60, %lt3A_98 : i32
        %convert_element_type3A_100 = arith.extui %lt3A_99 : i1 to i32
        %cond3A_101 = arith.constant 0 : i32
        %cond3A_102 = arith.cmpi ne, %convert_element_type3A_100, %cond3A_101 : i32
        scf.if %cond3A_102 {
          %dma_wait3A_364 = arith.constant 0 : i32
          %dma_wait3A_365 = arith.constant 0 : i32
          %dma_wait3A_366 = arith.constant 0 : i32
          %dma_wait3A_367 = tpu.memref_slice %arg3[%dma_wait3A_364, %dma_wait3A_365, %dma_wait3A_366] : memref<32x79x128xi32, #tpu.memory_space<hbm>> -> memref<1x1x128xi32, #tpu.memory_space<hbm>>
          %dma_wait3A_368 = tpu.memref_squeeze %dma_wait3A_367 : memref<1x1x128xi32, #tpu.memory_space<hbm>> -> memref<128xi32, #tpu.memory_space<hbm>>
          %dma_wait3A_369 = arith.constant 0 : i32
          %dma_wait3A_370 = tpu.memref_slice %arg3[%dma_wait3A_364, %dma_wait3A_365, %dma_wait3A_369] : memref<32x79x128xi32, #tpu.memory_space<hbm>> -> memref<1x1x128xi32, #tpu.memory_space<hbm>>
          %dma_wait3A_371 = tpu.memref_squeeze %dma_wait3A_370 : memref<1x1x128xi32, #tpu.memory_space<hbm>> -> memref<128xi32, #tpu.memory_space<hbm>>
          tpu.wait_dma2 semaphore(%arg24 : memref<!tpu.dma_semaphore, #tpu.memory_space<semaphore_mem>>) src(%dma_wait3A_371 : memref<128xi32, #tpu.memory_space<hbm>>) dst(%arg12 : memref<128xi32, #tpu.memory_space<vmem>>)
          %dma_start3A_372 = arith.constant 0 : i32
          %dma_start3A_373 = arith.constant 0 : i32
          %dma_start3A_374 = tpu.memref_slice %arg2[%dma_start3A_372, %dma_start3A_373] : memref<10240x128xf32, #tpu.memory_space<hbm>> -> memref<10240x128xf32, #tpu.memory_space<hbm>>
          tpu.enqueue_indirect_dma source(%dma_start3A_374 : memref<10240x128xf32, #tpu.memory_space<hbm>>) target(%arg20 : memref<128x128xf32, #tpu.memory_space<vmem>>) offsets(%arg12 : memref<128xi32, #tpu.memory_space<vmem>>) semaphore(%arg26 : memref<!tpu.dma_semaphore, #tpu.memory_space<semaphore_mem>>)
          %dma_start3A_375 = arith.constant 0 : i32
          %dma_start3A_376 = tpu.memref_slice %arg5[%dma_start3A_375] : memref<10240xf32, #tpu.memory_space<hbm>> -> memref<10240xf32, #tpu.memory_space<hbm>>
          tpu.enqueue_indirect_dma source(%dma_start3A_376 : memref<10240xf32, #tpu.memory_space<hbm>>) target(%arg14 : memref<128xf32, #tpu.memory_space<vmem>>) offsets(%arg12 : memref<128xi32, #tpu.memory_space<vmem>>) semaphore(%arg28 : memref<!tpu.dma_semaphore, #tpu.memory_space<semaphore_mem>>)
          %add3A_377 = arith.constant 1 : i32
          %add3A_378 = arith.addi %scan3A_60, %add3A_377 : i32
          %dma_start3A_379 = arith.constant 0 : i32
          %dma_start3A_380 = tpu.memref_slice %arg11[%add3A_378, %dma_start3A_379] : memref<79x128xi32, #tpu.memory_space<vmem>> -> memref<1x128xi32, #tpu.memory_space<vmem>>
          %dma_start3A_381 = tpu.memref_squeeze %dma_start3A_380 : memref<1x128xi32, #tpu.memory_space<vmem>> -> memref<128xi32, #tpu.memory_space<vmem>>
          %dma_start3A_382 = arith.constant 0 : i32
          %dma_start3A_383 = tpu.memref_slice %arg6[%dma_start3A_382] : memref<10240xf32, #tpu.memory_space<hbm>> -> memref<10240xf32, #tpu.memory_space<hbm>>
          tpu.enqueue_indirect_dma source(%dma_start3A_383 : memref<10240xf32, #tpu.memory_space<hbm>>) target(%arg16 : memref<128xf32, #tpu.memory_space<vmem>>) offsets(%dma_start3A_381 : memref<128xi32, #tpu.memory_space<vmem>>) semaphore(%arg30 : memref<!tpu.dma_semaphore, #tpu.memory_space<semaphore_mem>>)
        } else {
        }
        %dma_wait3A_103 = arith.constant 0 : i32
        %dma_wait3A_104 = arith.constant 0 : i32
        %dma_wait3A_105 = tpu.memref_slice %arg2[%dma_wait3A_103, %dma_wait3A_104] : memref<10240x128xf32, #tpu.memory_space<hbm>> -> memref<128x128xf32, #tpu.memory_space<hbm>>
        %dma_wait3A_106 = arith.constant 0 : i32
        %dma_wait3A_107 = arith.constant 0 : i32
        %dma_wait3A_108 = tpu.memref_slice %arg2[%dma_wait3A_106, %dma_wait3A_107] : memref<10240x128xf32, #tpu.memory_space<hbm>> -> memref<128x128xf32, #tpu.memory_space<hbm>>
        tpu.wait_dma2 semaphore(%arg27 : memref<!tpu.dma_semaphore, #tpu.memory_space<semaphore_mem>>) src(%dma_wait3A_108 : memref<128x128xf32, #tpu.memory_space<hbm>>) dst(%arg21 : memref<128x128xf32, #tpu.memory_space<vmem>>)
        %dma_wait3A_109 = arith.constant 0 : i32
        %dma_wait3A_110 = tpu.memref_slice %arg5[%dma_wait3A_109] : memref<10240xf32, #tpu.memory_space<hbm>> -> memref<128xf32, #tpu.memory_space<hbm>>
        %dma_wait3A_111 = arith.constant 0 : i32
        %dma_wait3A_112 = tpu.memref_slice %arg5[%dma_wait3A_111] : memref<10240xf32, #tpu.memory_space<hbm>> -> memref<128xf32, #tpu.memory_space<hbm>>
        tpu.wait_dma2 semaphore(%arg29 : memref<!tpu.dma_semaphore, #tpu.memory_space<semaphore_mem>>) src(%dma_wait3A_112 : memref<128xf32, #tpu.memory_space<hbm>>) dst(%arg15 : memref<128xf32, #tpu.memory_space<vmem>>)
        %dma_wait3A_113 = arith.constant 0 : i32
        %dma_wait3A_114 = tpu.memref_slice %arg6[%dma_wait3A_113] : memref<10240xf32, #tpu.memory_space<hbm>> -> memref<128xf32, #tpu.memory_space<hbm>>
        %dma_wait3A_115 = arith.constant 0 : i32
        %dma_wait3A_116 = tpu.memref_slice %arg6[%dma_wait3A_115] : memref<10240xf32, #tpu.memory_space<hbm>> -> memref<128xf32, #tpu.memory_space<hbm>>
        tpu.wait_dma2 semaphore(%arg31 : memref<!tpu.dma_semaphore, #tpu.memory_space<semaphore_mem>>) src(%dma_wait3A_116 : memref<128xf32, #tpu.memory_space<hbm>>) dst(%arg17 : memref<128xf32, #tpu.memory_space<vmem>>)
        %lt3A_117 = arith.constant 77 : i32
        %lt3A_118 = arith.cmpi slt, %scan3A_60, %lt3A_117 : i32
        %convert_element_type3A_119 = arith.extui %lt3A_118 : i1 to i32
        %cond3A_120 = arith.constant 0 : i32
        %cond3A_121 = arith.cmpi ne, %convert_element_type3A_119, %cond3A_120 : i32
        scf.if %cond3A_121 {
          %add3A_364 = arith.constant 2 : i32
          %add3A_365 = arith.addi %scan3A_60, %add3A_364 : i32
          %dma_start3A_366 = arith.constant 0 : i32
          %dma_start3A_367 = tpu.memref_slice %arg3[%add3A, %add3A_365, %dma_start3A_366] : memref<32x79x128xi32, #tpu.memory_space<hbm>> -> memref<1x1x128xi32, #tpu.memory_space<hbm>>
          %dma_start3A_368 = tpu.memref_squeeze %dma_start3A_367 : memref<1x1x128xi32, #tpu.memory_space<hbm>> -> memref<128xi32, #tpu.memory_space<hbm>>
          %dma_start3A_369 = arith.constant 0 : i32
          %dma_start3A_370 = tpu.memref_slice %arg3[%add3A, %add3A_365, %dma_start3A_369] : memref<32x79x128xi32, #tpu.memory_space<hbm>> -> memref<1x1x128xi32, #tpu.memory_space<hbm>>
          %dma_start3A_371 = tpu.memref_squeeze %dma_start3A_370 : memref<1x1x128xi32, #tpu.memory_space<hbm>> -> memref<128xi32, #tpu.memory_space<hbm>>
          tpu.enqueue_dma source(%dma_start3A_371 : memref<128xi32, #tpu.memory_space<hbm>>) target(%arg13 : memref<128xi32, #tpu.memory_space<vmem>>) target_semaphore(%arg25 : memref<!tpu.dma_semaphore, #tpu.memory_space<semaphore_mem>>)
        } else {
        }
        %ge3A_122 = arith.constant 2 : i32
        %ge3A_123 = arith.cmpi sge, %scan3A_60, %ge3A_122 : i32
        %convert_element_type3A_124 = arith.extui %ge3A_123 : i1 to i32
        %cond3A_125 = arith.constant 0 : i32
        %cond3A_126 = arith.cmpi ne, %convert_element_type3A_124, %cond3A_125 : i32
        scf.if %cond3A_126 {
          %dma_wait3A_364 = arith.constant 0 : i32
          %dma_wait3A_365 = tpu.memref_slice %arg5[%dma_wait3A_364] : memref<10240xf32, #tpu.memory_space<hbm>> -> memref<128xf32, #tpu.memory_space<hbm>>
          %dma_wait3A_366 = arith.constant 0 : i32
          %dma_wait3A_367 = tpu.memref_slice %arg5[%dma_wait3A_366] : memref<10240xf32, #tpu.memory_space<hbm>> -> memref<128xf32, #tpu.memory_space<hbm>>
          tpu.wait_dma2 semaphore(%arg33 : memref<!tpu.dma_semaphore, #tpu.memory_space<semaphore_mem>>) src(%dma_wait3A_367 : memref<128xf32, #tpu.memory_space<hbm>>) dst(%arg19 : memref<128xf32, #tpu.memory_space<vmem>>)
        } else {
        }
        %get3A = arith.constant 0 : index
        %get3A_127 = tpu.vector_load %arg15[%get3A] {strides = array<i32>} : memref<128xf32, #tpu.memory_space<vmem>>, vector<16xf32>,
        %get3A_128 = arith.constant 0 : index
        %get3A_129 = tpu.vector_load %arg17[%get3A_128] {strides = array<i32>} : memref<128xf32, #tpu.memory_space<vmem>>, vector<16xf32>,
        %add3A_130 = arith.addf %get3A_127, %get3A_129 : vector<16xf32>
        %ge3A_131 = arith.constant 0.000000e+00 : f32
        %ge3A_132 = vector.broadcast %ge3A_131 : f32 to vector<16xf32>
        %ge3A_133 = arith.cmpf oge, %add3A_130, %ge3A_132 : vector<16xf32>
        %mul3A_134 = arith.constant 2.000000e-01 : f32
        %mul3A_135 = vector.broadcast %mul3A_134 : f32 to vector<16xf32>
        %mul3A_136 = arith.mulf %add3A_130, %mul3A_135 : vector<16xf32>
        %select_n3A_137 = arith.select %ge3A_133, %add3A_130, %mul3A_136 : vector<16xi1>, vector<16xf32>
        %mul3A_138 = arith.constant 128 : i32
        %mul3A_139 = arith.muli %scan3A_60, %mul3A_138 : i32
        %add3A_140 = arith.addi %mul3A_8, %mul3A_139 : i32
        %add3A_141 = arith.constant 0 : i32
        %add3A_142 = arith.addi %add3A_140, %add3A_141 : i32
        %add3A_143 = vector.broadcast %add3A_142 : i32 to vector<16xi32>
        %add3A_144 = arith.addi %add3A_143, %iota3A_6 : vector<16xi32>
        %lt3A_145 = arith.constant 320000 : i32
        %lt3A_146 = vector.broadcast %lt3A_145 : i32 to vector<16xi32>
        %lt3A_147 = arith.cmpi slt, %add3A_144, %lt3A_146 : vector<16xi32>
        %exp3A = math.exp %select_n3A_137 : vector<16xf32>
        %jit3A_148 = arith.constant 0.000000e+00 : f32
        %broadcast_in_dim3A = vector.broadcast %jit3A_148 : f32 to vector<16xf32>
        %select_n3A_149 = arith.select %lt3A_147, %exp3A, %broadcast_in_dim3A : vector<16xi1>, vector<16xf32>
        %swap3A = arith.constant 0 : index
        %swap3A_150 = tpu.vector_load %arg19[%swap3A] {strides = array<i32>} : memref<128xf32, #tpu.memory_space<vmem>>, vector<16xf32>,
        tpu.vector_store %arg19[%swap3A], %select_n3A_149 {strides = array<i32>} : memref<128xf32, #tpu.memory_space<vmem>>, vector<16xf32>,
        %get3A_151 = arith.constant 16 : index
        %get3A_152 = tpu.vector_load %arg15[%get3A_151] {strides = array<i32>} : memref<128xf32, #tpu.memory_space<vmem>>, vector<16xf32>,
        %get3A_153 = arith.constant 16 : index
        %get3A_154 = tpu.vector_load %arg17[%get3A_153] {strides = array<i32>} : memref<128xf32, #tpu.memory_space<vmem>>, vector<16xf32>,
        %add3A_155 = arith.addf %get3A_152, %get3A_154 : vector<16xf32>
        %ge3A_156 = arith.constant 0.000000e+00 : f32
        %ge3A_157 = vector.broadcast %ge3A_156 : f32 to vector<16xf32>
        %ge3A_158 = arith.cmpf oge, %add3A_155, %ge3A_157 : vector<16xf32>
        %mul3A_159 = arith.constant 2.000000e-01 : f32
        %mul3A_160 = vector.broadcast %mul3A_159 : f32 to vector<16xf32>
        %mul3A_161 = arith.mulf %add3A_155, %mul3A_160 : vector<16xf32>
        %select_n3A_162 = arith.select %ge3A_158, %add3A_155, %mul3A_161 : vector<16xi1>, vector<16xf32>
        %mul3A_163 = arith.constant 128 : i32
        %mul3A_164 = arith.muli %scan3A_60, %mul3A_163 : i32
        %add3A_165 = arith.addi %mul3A_8, %mul3A_164 : i32
        %add3A_166 = arith.constant 16 : i32
        %add3A_167 = arith.addi %add3A_165, %add3A_166 : i32
        %add3A_168 = vector.broadcast %add3A_167 : i32 to vector<16xi32>
        %add3A_169 = arith.addi %add3A_168, %iota3A_6 : vector<16xi32>
        %lt3A_170 = arith.constant 320000 : i32
        %lt3A_171 = vector.broadcast %lt3A_170 : i32 to vector<16xi32>
        %lt3A_172 = arith.cmpi slt, %add3A_169, %lt3A_171 : vector<16xi32>
        %exp3A_173 = math.exp %select_n3A_162 : vector<16xf32>
        %jit3A_174 = arith.constant 0.000000e+00 : f32
        %broadcast_in_dim3A_175 = vector.broadcast %jit3A_174 : f32 to vector<16xf32>
        %select_n3A_176 = arith.select %lt3A_172, %exp3A_173, %broadcast_in_dim3A_175 : vector<16xi1>, vector<16xf32>
        %swap3A_177 = arith.constant 16 : index
        %swap3A_178 = tpu.vector_load %arg19[%swap3A_177] {strides = array<i32>} : memref<128xf32, #tpu.memory_space<vmem>>, vector<16xf32>,
        tpu.vector_store %arg19[%swap3A_177], %select_n3A_176 {strides = array<i32>} : memref<128xf32, #tpu.memory_space<vmem>>, vector<16xf32>,
        %get3A_179 = arith.constant 32 : index
        %get3A_180 = tpu.vector_load %arg15[%get3A_179] {strides = array<i32>} : memref<128xf32, #tpu.memory_space<vmem>>, vector<16xf32>,
        %get3A_181 = arith.constant 32 : index
        %get3A_182 = tpu.vector_load %arg17[%get3A_181] {strides = array<i32>} : memref<128xf32, #tpu.memory_space<vmem>>, vector<16xf32>,
        %add3A_183 = arith.addf %get3A_180, %get3A_182 : vector<16xf32>
        %ge3A_184 = arith.constant 0.000000e+00 : f32
        %ge3A_185 = vector.broadcast %ge3A_184 : f32 to vector<16xf32>
        %ge3A_186 = arith.cmpf oge, %add3A_183, %ge3A_185 : vector<16xf32>
        %mul3A_187 = arith.constant 2.000000e-01 : f32
        %mul3A_188 = vector.broadcast %mul3A_187 : f32 to vector<16xf32>
        %mul3A_189 = arith.mulf %add3A_183, %mul3A_188 : vector<16xf32>
        %select_n3A_190 = arith.select %ge3A_186, %add3A_183, %mul3A_189 : vector<16xi1>, vector<16xf32>
        %mul3A_191 = arith.constant 128 : i32
        %mul3A_192 = arith.muli %scan3A_60, %mul3A_191 : i32
        %add3A_193 = arith.addi %mul3A_8, %mul3A_192 : i32
        %add3A_194 = arith.constant 32 : i32
        %add3A_195 = arith.addi %add3A_193, %add3A_194 : i32
        %add3A_196 = vector.broadcast %add3A_195 : i32 to vector<16xi32>
        %add3A_197 = arith.addi %add3A_196, %iota3A_6 : vector<16xi32>
        %lt3A_198 = arith.constant 320000 : i32
        %lt3A_199 = vector.broadcast %lt3A_198 : i32 to vector<16xi32>
        %lt3A_200 = arith.cmpi slt, %add3A_197, %lt3A_199 : vector<16xi32>
        %exp3A_201 = math.exp %select_n3A_190 : vector<16xf32>
        %jit3A_202 = arith.constant 0.000000e+00 : f32
        %broadcast_in_dim3A_203 = vector.broadcast %jit3A_202 : f32 to vector<16xf32>
        %select_n3A_204 = arith.select %lt3A_200, %exp3A_201, %broadcast_in_dim3A_203 : vector<16xi1>, vector<16xf32>
        %swap3A_205 = arith.constant 32 : index
        %swap3A_206 = tpu.vector_load %arg19[%swap3A_205] {strides = array<i32>} : memref<128xf32, #tpu.memory_space<vmem>>, vector<16xf32>,
        tpu.vector_store %arg19[%swap3A_205], %select_n3A_204 {strides = array<i32>} : memref<128xf32, #tpu.memory_space<vmem>>, vector<16xf32>,
        %get3A_207 = arith.constant 48 : index
        %get3A_208 = tpu.vector_load %arg15[%get3A_207] {strides = array<i32>} : memref<128xf32, #tpu.memory_space<vmem>>, vector<16xf32>,
        %get3A_209 = arith.constant 48 : index
        %get3A_210 = tpu.vector_load %arg17[%get3A_209] {strides = array<i32>} : memref<128xf32, #tpu.memory_space<vmem>>, vector<16xf32>,
        %add3A_211 = arith.addf %get3A_208, %get3A_210 : vector<16xf32>
        %ge3A_212 = arith.constant 0.000000e+00 : f32
        %ge3A_213 = vector.broadcast %ge3A_212 : f32 to vector<16xf32>
        %ge3A_214 = arith.cmpf oge, %add3A_211, %ge3A_213 : vector<16xf32>
        %mul3A_215 = arith.constant 2.000000e-01 : f32
        %mul3A_216 = vector.broadcast %mul3A_215 : f32 to vector<16xf32>
        %mul3A_217 = arith.mulf %add3A_211, %mul3A_216 : vector<16xf32>
        %select_n3A_218 = arith.select %ge3A_214, %add3A_211, %mul3A_217 : vector<16xi1>, vector<16xf32>
        %mul3A_219 = arith.constant 128 : i32
        %mul3A_220 = arith.muli %scan3A_60, %mul3A_219 : i32
        %add3A_221 = arith.addi %mul3A_8, %mul3A_220 : i32
        %add3A_222 = arith.constant 48 : i32
        %add3A_223 = arith.addi %add3A_221, %add3A_222 : i32
        %add3A_224 = vector.broadcast %add3A_223 : i32 to vector<16xi32>
        %add3A_225 = arith.addi %add3A_224, %iota3A_6 : vector<16xi32>
        %lt3A_226 = arith.constant 320000 : i32
        %lt3A_227 = vector.broadcast %lt3A_226 : i32 to vector<16xi32>
        %lt3A_228 = arith.cmpi slt, %add3A_225, %lt3A_227 : vector<16xi32>
        %exp3A_229 = math.exp %select_n3A_218 : vector<16xf32>
        %jit3A_230 = arith.constant 0.000000e+00 : f32
        %broadcast_in_dim3A_231 = vector.broadcast %jit3A_230 : f32 to vector<16xf32>
        %select_n3A_232 = arith.select %lt3A_228, %exp3A_229, %broadcast_in_dim3A_231 : vector<16xi1>, vector<16xf32>
        %swap3A_233 = arith.constant 48 : index
        %swap3A_234 = tpu.vector_load %arg19[%swap3A_233] {strides = array<i32>} : memref<128xf32, #tpu.memory_space<vmem>>, vector<16xf32>,
        tpu.vector_store %arg19[%swap3A_233], %select_n3A_232 {strides = array<i32>} : memref<128xf32, #tpu.memory_space<vmem>>, vector<16xf32>,
        %get3A_235 = arith.constant 64 : index
        %get3A_236 = tpu.vector_load %arg15[%get3A_235] {strides = array<i32>} : memref<128xf32, #tpu.memory_space<vmem>>, vector<16xf32>,
        %get3A_237 = arith.constant 64 : index
        %get3A_238 = tpu.vector_load %arg17[%get3A_237] {strides = array<i32>} : memref<128xf32, #tpu.memory_space<vmem>>, vector<16xf32>,
        %add3A_239 = arith.addf %get3A_236, %get3A_238 : vector<16xf32>
        %ge3A_240 = arith.constant 0.000000e+00 : f32
        %ge3A_241 = vector.broadcast %ge3A_240 : f32 to vector<16xf32>
        %ge3A_242 = arith.cmpf oge, %add3A_239, %ge3A_241 : vector<16xf32>
        %mul3A_243 = arith.constant 2.000000e-01 : f32
        %mul3A_244 = vector.broadcast %mul3A_243 : f32 to vector<16xf32>
        %mul3A_245 = arith.mulf %add3A_239, %mul3A_244 : vector<16xf32>
        %select_n3A_246 = arith.select %ge3A_242, %add3A_239, %mul3A_245 : vector<16xi1>, vector<16xf32>
        %mul3A_247 = arith.constant 128 : i32
        %mul3A_248 = arith.muli %scan3A_60, %mul3A_247 : i32
        %add3A_249 = arith.addi %mul3A_8, %mul3A_248 : i32
        %add3A_250 = arith.constant 64 : i32
        %add3A_251 = arith.addi %add3A_249, %add3A_250 : i32
        %add3A_252 = vector.broadcast %add3A_251 : i32 to vector<16xi32>
        %add3A_253 = arith.addi %add3A_252, %iota3A_6 : vector<16xi32>
        %lt3A_254 = arith.constant 320000 : i32
        %lt3A_255 = vector.broadcast %lt3A_254 : i32 to vector<16xi32>
        %lt3A_256 = arith.cmpi slt, %add3A_253, %lt3A_255 : vector<16xi32>
        %exp3A_257 = math.exp %select_n3A_246 : vector<16xf32>
        %jit3A_258 = arith.constant 0.000000e+00 : f32
        %broadcast_in_dim3A_259 = vector.broadcast %jit3A_258 : f32 to vector<16xf32>
        %select_n3A_260 = arith.select %lt3A_256, %exp3A_257, %broadcast_in_dim3A_259 : vector<16xi1>, vector<16xf32>
        %swap3A_261 = arith.constant 64 : index
        %swap3A_262 = tpu.vector_load %arg19[%swap3A_261] {strides = array<i32>} : memref<128xf32, #tpu.memory_space<vmem>>, vector<16xf32>,
        tpu.vector_store %arg19[%swap3A_261], %select_n3A_260 {strides = array<i32>} : memref<128xf32, #tpu.memory_space<vmem>>, vector<16xf32>,
        %get3A_263 = arith.constant 80 : index
        %get3A_264 = tpu.vector_load %arg15[%get3A_263] {strides = array<i32>} : memref<128xf32, #tpu.memory_space<vmem>>, vector<16xf32>,
        %get3A_265 = arith.constant 80 : index
        %get3A_266 = tpu.vector_load %arg17[%get3A_265] {strides = array<i32>} : memref<128xf32, #tpu.memory_space<vmem>>, vector<16xf32>,
        %add3A_267 = arith.addf %get3A_264, %get3A_266 : vector<16xf32>
        %ge3A_268 = arith.constant 0.000000e+00 : f32
        %ge3A_269 = vector.broadcast %ge3A_268 : f32 to vector<16xf32>
        %ge3A_270 = arith.cmpf oge, %add3A_267, %ge3A_269 : vector<16xf32>
        %mul3A_271 = arith.constant 2.000000e-01 : f32
        %mul3A_272 = vector.broadcast %mul3A_271 : f32 to vector<16xf32>
        %mul3A_273 = arith.mulf %add3A_267, %mul3A_272 : vector<16xf32>
        %select_n3A_274 = arith.select %ge3A_270, %add3A_267, %mul3A_273 : vector<16xi1>, vector<16xf32>
        %mul3A_275 = arith.constant 128 : i32
        %mul3A_276 = arith.muli %scan3A_60, %mul3A_275 : i32
        %add3A_277 = arith.addi %mul3A_8, %mul3A_276 : i32
        %add3A_278 = arith.constant 80 : i32
        %add3A_279 = arith.addi %add3A_277, %add3A_278 : i32
        %add3A_280 = vector.broadcast %add3A_279 : i32 to vector<16xi32>
        %add3A_281 = arith.addi %add3A_280, %iota3A_6 : vector<16xi32>
        %lt3A_282 = arith.constant 320000 : i32
        %lt3A_283 = vector.broadcast %lt3A_282 : i32 to vector<16xi32>
        %lt3A_284 = arith.cmpi slt, %add3A_281, %lt3A_283 : vector<16xi32>
        %exp3A_285 = math.exp %select_n3A_274 : vector<16xf32>
        %jit3A_286 = arith.constant 0.000000e+00 : f32
        %broadcast_in_dim3A_287 = vector.broadcast %jit3A_286 : f32 to vector<16xf32>
        %select_n3A_288 = arith.select %lt3A_284, %exp3A_285, %broadcast_in_dim3A_287 : vector<16xi1>, vector<16xf32>
        %swap3A_289 = arith.constant 80 : index
        %swap3A_290 = tpu.vector_load %arg19[%swap3A_289] {strides = array<i32>} : memref<128xf32, #tpu.memory_space<vmem>>, vector<16xf32>,
        tpu.vector_store %arg19[%swap3A_289], %select_n3A_288 {strides = array<i32>} : memref<128xf32, #tpu.memory_space<vmem>>, vector<16xf32>,
        %get3A_291 = arith.constant 96 : index
        %get3A_292 = tpu.vector_load %arg15[%get3A_291] {strides = array<i32>} : memref<128xf32, #tpu.memory_space<vmem>>, vector<16xf32>,
        %get3A_293 = arith.constant 96 : index
        %get3A_294 = tpu.vector_load %arg17[%get3A_293] {strides = array<i32>} : memref<128xf32, #tpu.memory_space<vmem>>, vector<16xf32>,
        %add3A_295 = arith.addf %get3A_292, %get3A_294 : vector<16xf32>
        %ge3A_296 = arith.constant 0.000000e+00 : f32
        %ge3A_297 = vector.broadcast %ge3A_296 : f32 to vector<16xf32>
        %ge3A_298 = arith.cmpf oge, %add3A_295, %ge3A_297 : vector<16xf32>
        %mul3A_299 = arith.constant 2.000000e-01 : f32
        %mul3A_300 = vector.broadcast %mul3A_299 : f32 to vector<16xf32>
        %mul3A_301 = arith.mulf %add3A_295, %mul3A_300 : vector<16xf32>
        %select_n3A_302 = arith.select %ge3A_298, %add3A_295, %mul3A_301 : vector<16xi1>, vector<16xf32>
        %mul3A_303 = arith.constant 128 : i32
        %mul3A_304 = arith.muli %scan3A_60, %mul3A_303 : i32
        %add3A_305 = arith.addi %mul3A_8, %mul3A_304 : i32
        %add3A_306 = arith.constant 96 : i32
        %add3A_307 = arith.addi %add3A_305, %add3A_306 : i32
        %add3A_308 = vector.broadcast %add3A_307 : i32 to vector<16xi32>
        %add3A_309 = arith.addi %add3A_308, %iota3A_6 : vector<16xi32>
        %lt3A_310 = arith.constant 320000 : i32
        %lt3A_311 = vector.broadcast %lt3A_310 : i32 to vector<16xi32>
        %lt3A_312 = arith.cmpi slt, %add3A_309, %lt3A_311 : vector<16xi32>
        %exp3A_313 = math.exp %select_n3A_302 : vector<16xf32>
        %jit3A_314 = arith.constant 0.000000e+00 : f32
        %broadcast_in_dim3A_315 = vector.broadcast %jit3A_314 : f32 to vector<16xf32>
        %select_n3A_316 = arith.select %lt3A_312, %exp3A_313, %broadcast_in_dim3A_315 : vector<16xi1>, vector<16xf32>
        %swap3A_317 = arith.constant 96 : index
        %swap3A_318 = tpu.vector_load %arg19[%swap3A_317] {strides = array<i32>} : memref<128xf32, #tpu.memory_space<vmem>>, vector<16xf32>,
        tpu.vector_store %arg19[%swap3A_317], %select_n3A_316 {strides = array<i32>} : memref<128xf32, #tpu.memory_space<vmem>>, vector<16xf32>,
        %get3A_319 = arith.constant 112 : index
        %get3A_320 = tpu.vector_load %arg15[%get3A_319] {strides = array<i32>} : memref<128xf32, #tpu.memory_space<vmem>>, vector<16xf32>,
        %get3A_321 = arith.constant 112 : index
        %get3A_322 = tpu.vector_load %arg17[%get3A_321] {strides = array<i32>} : memref<128xf32, #tpu.memory_space<vmem>>, vector<16xf32>,
        %add3A_323 = arith.addf %get3A_320, %get3A_322 : vector<16xf32>
        %ge3A_324 = arith.constant 0.000000e+00 : f32
        %ge3A_325 = vector.broadcast %ge3A_324 : f32 to vector<16xf32>
        %ge3A_326 = arith.cmpf oge, %add3A_323, %ge3A_325 : vector<16xf32>
        %mul3A_327 = arith.constant 2.000000e-01 : f32
        %mul3A_328 = vector.broadcast %mul3A_327 : f32 to vector<16xf32>
        %mul3A_329 = arith.mulf %add3A_323, %mul3A_328 : vector<16xf32>
        %select_n3A_330 = arith.select %ge3A_326, %add3A_323, %mul3A_329 : vector<16xi1>, vector<16xf32>
        %mul3A_331 = arith.constant 128 : i32
        %mul3A_332 = arith.muli %scan3A_60, %mul3A_331 : i32
        %add3A_333 = arith.addi %mul3A_8, %mul3A_332 : i32
        %add3A_334 = arith.constant 112 : i32
        %add3A_335 = arith.addi %add3A_333, %add3A_334 : i32
        %add3A_336 = vector.broadcast %add3A_335 : i32 to vector<16xi32>
        %add3A_337 = arith.addi %add3A_336, %iota3A_6 : vector<16xi32>
        %lt3A_338 = arith.constant 320000 : i32
        %lt3A_339 = vector.broadcast %lt3A_338 : i32 to vector<16xi32>
        %lt3A_340 = arith.cmpi slt, %add3A_337, %lt3A_339 : vector<16xi32>
        %exp3A_341 = math.exp %select_n3A_330 : vector<16xf32>
        %jit3A_342 = arith.constant 0.000000e+00 : f32
        %broadcast_in_dim3A_343 = vector.broadcast %jit3A_342 : f32 to vector<16xf32>
        %select_n3A_344 = arith.select %lt3A_340, %exp3A_341, %broadcast_in_dim3A_343 : vector<16xi1>, vector<16xf32>
        %swap3A_345 = arith.constant 112 : index
        %swap3A_346 = tpu.vector_load %arg19[%swap3A_345] {strides = array<i32>} : memref<128xf32, #tpu.memory_space<vmem>>, vector<16xf32>,
        tpu.vector_store %arg19[%swap3A_345], %select_n3A_344 {strides = array<i32>} : memref<128xf32, #tpu.memory_space<vmem>>, vector<16xf32>,
        %dma_start3A_347 = arith.constant 0 : i32
        %dma_start3A_348 = tpu.memref_slice %arg11[%scan3A_60, %dma_start3A_347] : memref<79x128xi32, #tpu.memory_space<vmem>> -> memref<1x128xi32, #tpu.memory_space<vmem>>
        %dma_start3A_349 = tpu.memref_squeeze %dma_start3A_348 : memref<1x128xi32, #tpu.memory_space<vmem>> -> memref<128xi32, #tpu.memory_space<vmem>>
        %dma_start3A_350 = arith.constant 0 : i32
        %dma_start3A_351 = tpu.memref_slice %arg23[%dma_start3A_350] : memref<10240xf32, #tpu.memory_space<vmem_shared>> -> memref<10240xf32, #tpu.memory_space<vmem_shared>>
        tpu.enqueue_indirect_dma source(%arg19 : memref<128xf32, #tpu.memory_space<vmem>>) target(%dma_start3A_351 : memref<10240xf32, #tpu.memory_space<vmem_shared>>) offsets(%dma_start3A_349 : memref<128xi32, #tpu.memory_space<vmem>>) semaphore(%arg33 : memref<!tpu.dma_semaphore, #tpu.memory_space<semaphore_mem>>) {add = true}
        %scan3A_352 = arith.constant 0 : i32
        %scan3A_353 = arith.constant 0 : i32
        %scan3A_354 = arith.constant 128 : i32
        %scan3A_355 = arith.addi %scan3A_353, %scan3A_354 : i32
        %scan3A_356 = arith.constant 2 : i32
        scf.for %scan3A_364 = %scan3A_353 to %scan3A_355 step %scan3A_356  : i32 {
          %add3A_365 = vector.broadcast %scan3A_364 : i32 to vector<16xi32>
          %add3A_366 = arith.addi %mul3A_5, %add3A_365 : vector<16xi32>
          %gather3A = tpu.vector_load_idx %arg19[%add3A_366] : memref<128xf32, #tpu.memory_space<vmem>>[vector<16xi32>], vector<16xf32>,
          %get3A_367 = arith.index_cast %scan3A_364 : i32 to index
          %get3A_368 = arith.constant 0 : index
          %get3A_369 = tpu.vector_load %arg21[%get3A_367, %get3A_368] {strides = array<i32>} : memref<128x128xf32, #tpu.memory_space<vmem>>, vector<16xf32>,
          %mul3A_370 = arith.mulf %get3A_369, %gather3A : vector<16xf32>
          %swap3A_371 = arith.index_cast %scan3A_364 : i32 to index
          %swap3A_372 = arith.constant 0 : index
          %swap3A_373 = tpu.vector_load %arg21[%swap3A_371, %swap3A_372] {strides = array<i32>} : memref<128x128xf32, #tpu.memory_space<vmem>>, vector<16xf32>,
          tpu.vector_store %arg21[%swap3A_371, %swap3A_372], %mul3A_370 {strides = array<i32>} : memref<128x128xf32, #tpu.memory_space<vmem>>, vector<16xf32>,
          %get3A_374 = arith.index_cast %scan3A_364 : i32 to index
          %get3A_375 = arith.constant 16 : index
          %get3A_376 = tpu.vector_load %arg21[%get3A_374, %get3A_375] {strides = array<i32>} : memref<128x128xf32, #tpu.memory_space<vmem>>, vector<16xf32>,
          %mul3A_377 = arith.mulf %get3A_376, %gather3A : vector<16xf32>
          %swap3A_378 = arith.index_cast %scan3A_364 : i32 to index
          %swap3A_379 = arith.constant 16 : index
          %swap3A_380 = tpu.vector_load %arg21[%swap3A_378, %swap3A_379] {strides = array<i32>} : memref<128x128xf32, #tpu.memory_space<vmem>>, vector<16xf32>,
          tpu.vector_store %arg21[%swap3A_378, %swap3A_379], %mul3A_377 {strides = array<i32>} : memref<128x128xf32, #tpu.memory_space<vmem>>, vector<16xf32>,
          %get3A_381 = arith.index_cast %scan3A_364 : i32 to index
          %get3A_382 = arith.constant 32 : index
          %get3A_383 = tpu.vector_load %arg21[%get3A_381, %get3A_382] {strides = array<i32>} : memref<128x128xf32, #tpu.memory_space<vmem>>, vector<16xf32>,
          %mul3A_384 = arith.mulf %get3A_383, %gather3A : vector<16xf32>
          %swap3A_385 = arith.index_cast %scan3A_364 : i32 to index
          %swap3A_386 = arith.constant 32 : index
          %swap3A_387 = tpu.vector_load %arg21[%swap3A_385, %swap3A_386] {strides = array<i32>} : memref<128x128xf32, #tpu.memory_space<vmem>>, vector<16xf32>,
          tpu.vector_store %arg21[%swap3A_385, %swap3A_386], %mul3A_384 {strides = array<i32>} : memref<128x128xf32, #tpu.memory_space<vmem>>, vector<16xf32>,
          %get3A_388 = arith.index_cast %scan3A_364 : i32 to index
          %get3A_389 = arith.constant 48 : index
          %get3A_390 = tpu.vector_load %arg21[%get3A_388, %get3A_389] {strides = array<i32>} : memref<128x128xf32, #tpu.memory_space<vmem>>, vector<16xf32>,
          %mul3A_391 = arith.mulf %get3A_390, %gather3A : vector<16xf32>
          %swap3A_392 = arith.index_cast %scan3A_364 : i32 to index
          %swap3A_393 = arith.constant 48 : index
          %swap3A_394 = tpu.vector_load %arg21[%swap3A_392, %swap3A_393] {strides = array<i32>} : memref<128x128xf32, #tpu.memory_space<vmem>>, vector<16xf32>,
          tpu.vector_store %arg21[%swap3A_392, %swap3A_393], %mul3A_391 {strides = array<i32>} : memref<128x128xf32, #tpu.memory_space<vmem>>, vector<16xf32>,
          %get3A_395 = arith.index_cast %scan3A_364 : i32 to index
          %get3A_396 = arith.constant 64 : index
          %get3A_397 = tpu.vector_load %arg21[%get3A_395, %get3A_396] {strides = array<i32>} : memref<128x128xf32, #tpu.memory_space<vmem>>, vector<16xf32>,
          %mul3A_398 = arith.mulf %get3A_397, %gather3A : vector<16xf32>
          %swap3A_399 = arith.index_cast %scan3A_364 : i32 to index
          %swap3A_400 = arith.constant 64 : index
          %swap3A_401 = tpu.vector_load %arg21[%swap3A_399, %swap3A_400] {strides = array<i32>} : memref<128x128xf32, #tpu.memory_space<vmem>>, vector<16xf32>,
          tpu.vector_store %arg21[%swap3A_399, %swap3A_400], %mul3A_398 {strides = array<i32>} : memref<128x128xf32, #tpu.memory_space<vmem>>, vector<16xf32>,
          %get3A_402 = arith.index_cast %scan3A_364 : i32 to index
          %get3A_403 = arith.constant 80 : index
          %get3A_404 = tpu.vector_load %arg21[%get3A_402, %get3A_403] {strides = array<i32>} : memref<128x128xf32, #tpu.memory_space<vmem>>, vector<16xf32>,
          %mul3A_405 = arith.mulf %get3A_404, %gather3A : vector<16xf32>
          %swap3A_406 = arith.index_cast %scan3A_364 : i32 to index
          %swap3A_407 = arith.constant 80 : index
          %swap3A_408 = tpu.vector_load %arg21[%swap3A_406, %swap3A_407] {strides = array<i32>} : memref<128x128xf32, #tpu.memory_space<vmem>>, vector<16xf32>,
          tpu.vector_store %arg21[%swap3A_406, %swap3A_407], %mul3A_405 {strides = array<i32>} : memref<128x128xf32, #tpu.memory_space<vmem>>, vector<16xf32>,
          %get3A_409 = arith.index_cast %scan3A_364 : i32 to index
          %get3A_410 = arith.constant 96 : index
          %get3A_411 = tpu.vector_load %arg21[%get3A_409, %get3A_410] {strides = array<i32>} : memref<128x128xf32, #tpu.memory_space<vmem>>, vector<16xf32>,
          %mul3A_412 = arith.mulf %get3A_411, %gather3A : vector<16xf32>
          %swap3A_413 = arith.index_cast %scan3A_364 : i32 to index
          %swap3A_414 = arith.constant 96 : index
          %swap3A_415 = tpu.vector_load %arg21[%swap3A_413, %swap3A_414] {strides = array<i32>} : memref<128x128xf32, #tpu.memory_space<vmem>>, vector<16xf32>,
          tpu.vector_store %arg21[%swap3A_413, %swap3A_414], %mul3A_412 {strides = array<i32>} : memref<128x128xf32, #tpu.memory_space<vmem>>, vector<16xf32>,
          %get3A_416 = arith.index_cast %scan3A_364 : i32 to index
          %get3A_417 = arith.constant 112 : index
          %get3A_418 = tpu.vector_load %arg21[%get3A_416, %get3A_417] {strides = array<i32>} : memref<128x128xf32, #tpu.memory_space<vmem>>, vector<16xf32>,
          %mul3A_419 = arith.mulf %get3A_418, %gather3A : vector<16xf32>
          %swap3A_420 = arith.index_cast %scan3A_364 : i32 to index
          %swap3A_421 = arith.constant 112 : index
          %swap3A_422 = tpu.vector_load %arg21[%swap3A_420, %swap3A_421] {strides = array<i32>} : memref<128x128xf32, #tpu.memory_space<vmem>>, vector<16xf32>,
          tpu.vector_store %arg21[%swap3A_420, %swap3A_421], %mul3A_419 {strides = array<i32>} : memref<128x128xf32, #tpu.memory_space<vmem>>, vector<16xf32>,
          %scan3A_423 = arith.constant 1 : i32
          %scan3A_424 = arith.addi %scan3A_364, %scan3A_423 : i32
          %add3A_425 = vector.broadcast %scan3A_424 : i32 to vector<16xi32>
          %add3A_426 = arith.addi %mul3A_5, %add3A_425 : vector<16xi32>
          %gather3A_427 = tpu.vector_load_idx %arg19[%add3A_426] : memref<128xf32, #tpu.memory_space<vmem>>[vector<16xi32>], vector<16xf32>,
          %get3A_428 = arith.index_cast %scan3A_424 : i32 to index
          %get3A_429 = arith.constant 0 : index
          %get3A_430 = tpu.vector_load %arg21[%get3A_428, %get3A_429] {strides = array<i32>} : memref<128x128xf32, #tpu.memory_space<vmem>>, vector<16xf32>,
          %mul3A_431 = arith.mulf %get3A_430, %gather3A_427 : vector<16xf32>
          %swap3A_432 = arith.index_cast %scan3A_424 : i32 to index
          %swap3A_433 = arith.constant 0 : index
          %swap3A_434 = tpu.vector_load %arg21[%swap3A_432, %swap3A_433] {strides = array<i32>} : memref<128x128xf32, #tpu.memory_space<vmem>>, vector<16xf32>,
          tpu.vector_store %arg21[%swap3A_432, %swap3A_433], %mul3A_431 {strides = array<i32>} : memref<128x128xf32, #tpu.memory_space<vmem>>, vector<16xf32>,
          %get3A_435 = arith.index_cast %scan3A_424 : i32 to index
          %get3A_436 = arith.constant 16 : index
          %get3A_437 = tpu.vector_load %arg21[%get3A_435, %get3A_436] {strides = array<i32>} : memref<128x128xf32, #tpu.memory_space<vmem>>, vector<16xf32>,
          %mul3A_438 = arith.mulf %get3A_437, %gather3A_427 : vector<16xf32>
          %swap3A_439 = arith.index_cast %scan3A_424 : i32 to index
          %swap3A_440 = arith.constant 16 : index
          %swap3A_441 = tpu.vector_load %arg21[%swap3A_439, %swap3A_440] {strides = array<i32>} : memref<128x128xf32, #tpu.memory_space<vmem>>, vector<16xf32>,
          tpu.vector_store %arg21[%swap3A_439, %swap3A_440], %mul3A_438 {strides = array<i32>} : memref<128x128xf32, #tpu.memory_space<vmem>>, vector<16xf32>,
          %get3A_442 = arith.index_cast %scan3A_424 : i32 to index
          %get3A_443 = arith.constant 32 : index
          %get3A_444 = tpu.vector_load %arg21[%get3A_442, %get3A_443] {strides = array<i32>} : memref<128x128xf32, #tpu.memory_space<vmem>>, vector<16xf32>,
          %mul3A_445 = arith.mulf %get3A_444, %gather3A_427 : vector<16xf32>
          %swap3A_446 = arith.index_cast %scan3A_424 : i32 to index
          %swap3A_447 = arith.constant 32 : index
          %swap3A_448 = tpu.vector_load %arg21[%swap3A_446, %swap3A_447] {strides = array<i32>} : memref<128x128xf32, #tpu.memory_space<vmem>>, vector<16xf32>,
          tpu.vector_store %arg21[%swap3A_446, %swap3A_447], %mul3A_445 {strides = array<i32>} : memref<128x128xf32, #tpu.memory_space<vmem>>, vector<16xf32>,
          %get3A_449 = arith.index_cast %scan3A_424 : i32 to index
          %get3A_450 = arith.constant 48 : index
          %get3A_451 = tpu.vector_load %arg21[%get3A_449, %get3A_450] {strides = array<i32>} : memref<128x128xf32, #tpu.memory_space<vmem>>, vector<16xf32>,
          %mul3A_452 = arith.mulf %get3A_451, %gather3A_427 : vector<16xf32>
          %swap3A_453 = arith.index_cast %scan3A_424 : i32 to index
          %swap3A_454 = arith.constant 48 : index
          %swap3A_455 = tpu.vector_load %arg21[%swap3A_453, %swap3A_454] {strides = array<i32>} : memref<128x128xf32, #tpu.memory_space<vmem>>, vector<16xf32>,
          tpu.vector_store %arg21[%swap3A_453, %swap3A_454], %mul3A_452 {strides = array<i32>} : memref<128x128xf32, #tpu.memory_space<vmem>>, vector<16xf32>,
          %get3A_456 = arith.index_cast %scan3A_424 : i32 to index
          %get3A_457 = arith.constant 64 : index
          %get3A_458 = tpu.vector_load %arg21[%get3A_456, %get3A_457] {strides = array<i32>} : memref<128x128xf32, #tpu.memory_space<vmem>>, vector<16xf32>,
          %mul3A_459 = arith.mulf %get3A_458, %gather3A_427 : vector<16xf32>
          %swap3A_460 = arith.index_cast %scan3A_424 : i32 to index
          %swap3A_461 = arith.constant 64 : index
          %swap3A_462 = tpu.vector_load %arg21[%swap3A_460, %swap3A_461] {strides = array<i32>} : memref<128x128xf32, #tpu.memory_space<vmem>>, vector<16xf32>,
          tpu.vector_store %arg21[%swap3A_460, %swap3A_461], %mul3A_459 {strides = array<i32>} : memref<128x128xf32, #tpu.memory_space<vmem>>, vector<16xf32>,
          %get3A_463 = arith.index_cast %scan3A_424 : i32 to index
          %get3A_464 = arith.constant 80 : index
          %get3A_465 = tpu.vector_load %arg21[%get3A_463, %get3A_464] {strides = array<i32>} : memref<128x128xf32, #tpu.memory_space<vmem>>, vector<16xf32>,
          %mul3A_466 = arith.mulf %get3A_465, %gather3A_427 : vector<16xf32>
          %swap3A_467 = arith.index_cast %scan3A_424 : i32 to index
          %swap3A_468 = arith.constant 80 : index
          %swap3A_469 = tpu.vector_load %arg21[%swap3A_467, %swap3A_468] {strides = array<i32>} : memref<128x128xf32, #tpu.memory_space<vmem>>, vector<16xf32>,
          tpu.vector_store %arg21[%swap3A_467, %swap3A_468], %mul3A_466 {strides = array<i32>} : memref<128x128xf32, #tpu.memory_space<vmem>>, vector<16xf32>,
          %get3A_470 = arith.index_cast %scan3A_424 : i32 to index
          %get3A_471 = arith.constant 96 : index
          %get3A_472 = tpu.vector_load %arg21[%get3A_470, %get3A_471] {strides = array<i32>} : memref<128x128xf32, #tpu.memory_space<vmem>>, vector<16xf32>,
          %mul3A_473 = arith.mulf %get3A_472, %gather3A_427 : vector<16xf32>
          %swap3A_474 = arith.index_cast %scan3A_424 : i32 to index
          %swap3A_475 = arith.constant 96 : index
          %swap3A_476 = tpu.vector_load %arg21[%swap3A_474, %swap3A_475] {strides = array<i32>} : memref<128x128xf32, #tpu.memory_space<vmem>>, vector<16xf32>,
          tpu.vector_store %arg21[%swap3A_474, %swap3A_475], %mul3A_473 {strides = array<i32>} : memref<128x128xf32, #tpu.memory_space<vmem>>, vector<16xf32>,
          %get3A_477 = arith.index_cast %scan3A_424 : i32 to index
          %get3A_478 = arith.constant 112 : index
          %get3A_479 = tpu.vector_load %arg21[%get3A_477, %get3A_478] {strides = array<i32>} : memref<128x128xf32, #tpu.memory_space<vmem>>, vector<16xf32>,
          %mul3A_480 = arith.mulf %get3A_479, %gather3A_427 : vector<16xf32>
          %swap3A_481 = arith.index_cast %scan3A_424 : i32 to index
          %swap3A_482 = arith.constant 112 : index
          %swap3A_483 = tpu.vector_load %arg21[%swap3A_481, %swap3A_482] {strides = array<i32>} : memref<128x128xf32, #tpu.memory_space<vmem>>, vector<16xf32>,
          tpu.vector_store %arg21[%swap3A_481, %swap3A_482], %mul3A_480 {strides = array<i32>} : memref<128x128xf32, #tpu.memory_space<vmem>>, vector<16xf32>,
        }
        %scan3A_357 = arith.constant 128 : i32
        %dma_start3A_358 = arith.constant 0 : i32
        %dma_start3A_359 = tpu.memref_slice %arg11[%scan3A_60, %dma_start3A_358] : memref<79x128xi32, #tpu.memory_space<vmem>> -> memref<1x128xi32, #tpu.memory_space<vmem>>
        %dma_start3A_360 = tpu.memref_squeeze %dma_start3A_359 : memref<1x128xi32, #tpu.memory_space<vmem>> -> memref<128xi32, #tpu.memory_space<vmem>>
        %dma_start3A_361 = arith.constant 0 : i32
        %dma_start3A_362 = arith.constant 0 : i32
        %dma_start3A_363 = tpu.memref_slice %arg22[%dma_start3A_361, %dma_start3A_362] : memref<10240x128xf32, #tpu.memory_space<vmem_shared>> -> memref<10240x128xf32, #tpu.memory_space<vmem_shared>>
        tpu.enqueue_indirect_dma source(%arg21 : memref<128x128xf32, #tpu.memory_space<vmem>>) target(%dma_start3A_363 : memref<10240x128xf32, #tpu.memory_space<vmem_shared>>) offsets(%dma_start3A_360 : memref<128xi32, #tpu.memory_space<vmem>>) semaphore(%arg35 : memref<!tpu.dma_semaphore, #tpu.memory_space<semaphore_mem>>) {add = true}
      } else {
      }
    }
    %scan3A_44 = arith.constant 79 : i32
    %dma_wait3A_45 = arith.constant 0 : i32
    %dma_wait3A_46 = arith.constant 0 : i32
    %dma_wait3A_47 = tpu.memref_slice %arg2[%dma_wait3A_45, %dma_wait3A_46] : memref<10240x128xf32, #tpu.memory_space<hbm>> -> memref<128x128xf32, #tpu.memory_space<hbm>>
    %dma_wait3A_48 = arith.constant 0 : i32
    %dma_wait3A_49 = arith.constant 0 : i32
    %dma_wait3A_50 = tpu.memref_slice %arg2[%dma_wait3A_48, %dma_wait3A_49] : memref<10240x128xf32, #tpu.memory_space<hbm>> -> memref<128x128xf32, #tpu.memory_space<hbm>>
    tpu.wait_dma2 semaphore(%arg34 : memref<!tpu.dma_semaphore, #tpu.memory_space<semaphore_mem>>) src(%dma_wait3A_50 : memref<128x128xf32, #tpu.memory_space<hbm>>) dst(%arg20 : memref<128x128xf32, #tpu.memory_space<vmem>>)
    %dma_wait3A_51 = arith.constant 0 : i32
    %dma_wait3A_52 = tpu.memref_slice %arg5[%dma_wait3A_51] : memref<10240xf32, #tpu.memory_space<hbm>> -> memref<128xf32, #tpu.memory_space<hbm>>
    %dma_wait3A_53 = arith.constant 0 : i32
    %dma_wait3A_54 = tpu.memref_slice %arg5[%dma_wait3A_53] : memref<10240xf32, #tpu.memory_space<hbm>> -> memref<128xf32, #tpu.memory_space<hbm>>
    tpu.wait_dma2 semaphore(%arg32 : memref<!tpu.dma_semaphore, #tpu.memory_space<semaphore_mem>>) src(%dma_wait3A_54 : memref<128xf32, #tpu.memory_space<hbm>>) dst(%arg18 : memref<128xf32, #tpu.memory_space<vmem>>)
    %dma_wait3A_55 = arith.constant 0 : i32
    %dma_wait3A_56 = tpu.memref_slice %arg5[%dma_wait3A_55] : memref<10240xf32, #tpu.memory_space<hbm>> -> memref<128xf32, #tpu.memory_space<hbm>>
    %dma_wait3A_57 = arith.constant 0 : i32
    %dma_wait3A_58 = tpu.memref_slice %arg5[%dma_wait3A_57] : memref<10240xf32, #tpu.memory_space<hbm>> -> memref<128xf32, #tpu.memory_space<hbm>>
    tpu.wait_dma2 semaphore(%arg33 : memref<!tpu.dma_semaphore, #tpu.memory_space<semaphore_mem>>) src(%dma_wait3A_58 : memref<128xf32, #tpu.memory_space<hbm>>) dst(%arg19 : memref<128xf32, #tpu.memory_space<vmem>>)
    %barrier3A_59 = arith.constant 0 : index
    tpu.barrier barrier_id(%barrier3A_59)
    "tpu.region"() ({
      %run_scoped3A = tpu.sem_alloc : memref<!tpu.dma_semaphore, #tpu.memory_space<semaphore_mem>>
      %dma_start3A_60 = arith.constant 0 : i32
      %dma_start3A_61 = tpu.memref_slice %arg9[%arg0, %mul3A_2, %dma_start3A_60] : memref<2x10240x128xf32, #tpu.memory_space<hbm>> -> memref<1x640x128xf32, #tpu.memory_space<hbm>>
      %dma_start3A_62 = tpu.memref_squeeze %dma_start3A_61 : memref<1x640x128xf32, #tpu.memory_space<hbm>> -> memref<640x128xf32, #tpu.memory_space<hbm>>
      %dma_start3A_63 = arith.constant 0 : i32
      %dma_start3A_64 = tpu.memref_slice %arg22[%mul3A_2, %dma_start3A_63] : memref<10240x128xf32, #tpu.memory_space<vmem_shared>> -> memref<640x128xf32, #tpu.memory_space<vmem_shared>>
      tpu.enqueue_dma source(%dma_start3A_64 : memref<640x128xf32, #tpu.memory_space<vmem_shared>>) target(%dma_start3A_62 : memref<640x128xf32, #tpu.memory_space<hbm>>) target_semaphore(%run_scoped3A : memref<!tpu.dma_semaphore, #tpu.memory_space<semaphore_mem>>)
      %dma_wait3A_65 = arith.constant 0 : i32
      %dma_wait3A_66 = tpu.memref_slice %arg9[%arg0, %mul3A_2, %dma_wait3A_65] : memref<2x10240x128xf32, #tpu.memory_space<hbm>> -> memref<1x640x128xf32, #tpu.memory_space<hbm>>
      %dma_wait3A_67 = tpu.memref_squeeze %dma_wait3A_66 : memref<1x640x128xf32, #tpu.memory_space<hbm>> -> memref<640x128xf32, #tpu.memory_space<hbm>>
      %dma_wait3A_68 = arith.constant 0 : i32
      %dma_wait3A_69 = tpu.memref_slice %arg22[%mul3A_2, %dma_wait3A_68] : memref<10240x128xf32, #tpu.memory_space<vmem_shared>> -> memref<640x128xf32, #tpu.memory_space<vmem_shared>>
      tpu.wait_dma2 semaphore(%run_scoped3A : memref<!tpu.dma_semaphore, #tpu.memory_space<semaphore_mem>>) src(%dma_wait3A_69 : memref<640x128xf32, #tpu.memory_space<vmem_shared>>) dst(%dma_wait3A_67 : memref<640x128xf32, #tpu.memory_space<hbm>>)
      tpu.yield
    }) : () -> ()
    "tpu.region"() ({
      %run_scoped3A = tpu.sem_alloc : memref<!tpu.dma_semaphore, #tpu.memory_space<semaphore_mem>>
      %dma_start3A_60 = tpu.memref_slice %arg10[%arg0, %mul3A_2] : memref<2x10240xf32, #tpu.memory_space<hbm>> -> memref<1x640xf32, #tpu.memory_space<hbm>>
      %dma_start3A_61 = tpu.memref_squeeze %dma_start3A_60 : memref<1x640xf32, #tpu.memory_space<hbm>> -> memref<640xf32, #tpu.memory_space<hbm>>
      %dma_start3A_62 = tpu.memref_slice %arg23[%mul3A_2] : memref<10240xf32, #tpu.memory_space<vmem_shared>> -> memref<640xf32, #tpu.memory_space<vmem_shared>>
      tpu.enqueue_dma source(%dma_start3A_62 : memref<640xf32, #tpu.memory_space<vmem_shared>>) target(%dma_start3A_61 : memref<640xf32, #tpu.memory_space<hbm>>) target_semaphore(%run_scoped3A : memref<!tpu.dma_semaphore, #tpu.memory_space<semaphore_mem>>)
      %dma_wait3A_63 = tpu.memref_slice %arg10[%arg0, %mul3A_2] : memref<2x10240xf32, #tpu.memory_space<hbm>> -> memref<1x640xf32, #tpu.memory_space<hbm>>
      %dma_wait3A_64 = tpu.memref_squeeze %dma_wait3A_63 : memref<1x640xf32, #tpu.memory_space<hbm>> -> memref<640xf32, #tpu.memory_space<hbm>>
      %dma_wait3A_65 = tpu.memref_slice %arg23[%mul3A_2] : memref<10240xf32, #tpu.memory_space<vmem_shared>> -> memref<640xf32, #tpu.memory_space<vmem_shared>>
      tpu.wait_dma2 semaphore(%run_scoped3A : memref<!tpu.dma_semaphore, #tpu.memory_space<semaphore_mem>>) src(%dma_wait3A_65 : memref<640xf32, #tpu.memory_space<vmem_shared>>) dst(%dma_wait3A_64 : memref<640xf32, #tpu.memory_space<hbm>>)
      tpu.yield
    }) : () -> ()
    return
  }
}

#map = affine_map<(d0, d1) -> (0, 0)>
#map1 = affine_map<(d0, d1) -> (0, 0, 0)>
#map2 = affine_map<(d0, d1) -> (0)>
module attributes {stable_mosaic.version = 14 : i64} {
  func.func @_sc_edge_body(%arg0: i32, %arg1: i32, %arg2: memref<10240x128xf32, #tpu.memory_space<hbm>>, %arg3: memref<32x79x128xi32, #tpu.memory_space<hbm>>, %arg4: memref<32x79x128xi32, #tpu.memory_space<hbm>>, %arg5: memref<10240xf32, #tpu.memory_space<hbm>>, %arg6: memref<10240xf32, #tpu.memory_space<hbm>>, %arg7: memref<10240xf32, #tpu.memory_space<hbm>>, %arg8: memref<10240x128xf32, #tpu.memory_space<hbm>>, %arg9: memref<2x10240x128xf32, #tpu.memory_space<hbm>>, %arg10: memref<2x10240xf32, #tpu.memory_space<hbm>>, %arg11: memref<79x128xi32, #tpu.memory_space<vmem>>, %arg12: memref<128xi32, #tpu.memory_space<vmem>>, %arg13: memref<128xi32, #tpu.memory_space<vmem>>, %arg14: memref<128xf32, #tpu.memory_space<vmem>>, %arg15: memref<128xf32, #tpu.memory_space<vmem>>, %arg16: memref<128xf32, #tpu.memory_space<vmem>>, %arg17: memref<128xf32, #tpu.memory_space<vmem>>, %arg18: memref<128xf32, #tpu.memory_space<vmem>>, %arg19: memref<128xf32, #tpu.memory_space<vmem>>, %arg20: memref<128x128xf32, #tpu.memory_space<vmem>>, %arg21: memref<128x128xf32, #tpu.memory_space<vmem>>, %arg22: memref<10240x128xf32, #tpu.memory_space<vmem_shared>>, %arg23: memref<10240xf32, #tpu.memory_space<vmem_shared>>, %arg24: memref<!tpu.dma_semaphore, #tpu.memory_space<semaphore_mem>>, %arg25: memref<!tpu.dma_semaphore, #tpu.memory_space<semaphore_mem>>, %arg26: memref<!tpu.dma_semaphore, #tpu.memory_space<semaphore_mem>>, %arg27: memref<!tpu.dma_semaphore, #tpu.memory_space<semaphore_mem>>, %arg28: memref<!tpu.dma_semaphore, #tpu.memory_space<semaphore_mem>>, %arg29: memref<!tpu.dma_semaphore, #tpu.memory_space<semaphore_mem>>, %arg30: memref<!tpu.dma_semaphore, #tpu.memory_space<semaphore_mem>>, %arg31: memref<!tpu.dma_semaphore, #tpu.memory_space<semaphore_mem>>, %arg32: memref<!tpu.dma_semaphore, #tpu.memory_space<semaphore_mem>>, %arg33: memref<!tpu.dma_semaphore, #tpu.memory_space<semaphore_mem>>, %arg34: memref<!tpu.dma_semaphore, #tpu.memory_space<semaphore_mem>>, %arg35: memref<!tpu.dma_semaphore, #tpu.memory_space<semaphore_mem>>) attributes {dimension_semantics = [#tpu.dimension_semantics<core_parallel>, #tpu.dimension_semantics<subcore_parallel>], iteration_bounds = array<i64: 2, 16>, scalar_prefetch = 0 : i64, scratch_operands = 25 : i64, tpu.core_type = #tpu.core_type<sc_vector_subcore>, window_params = [{transform_indices = #map}, {transform_indices = #map1}, {transform_indices = #map1}, {transform_indices = #map2}, {transform_indices = #map2}, {transform_indices = #map2}, {transform_indices = #map}, {transform_indices = #map1}, {transform_indices = #map}]} {
    %mul3A = arith.constant 2 : i32
    %mul3A_0 = arith.muli %arg1, %mul3A : i32
    %add3A = arith.addi %mul3A_0, %arg0 : i32
    %mul3A_1 = arith.constant 640 : i32
    %mul3A_2 = arith.muli %arg1, %mul3A_1 : i32
    "tpu.region"() ({
      %run_scoped3A = tpu.sem_alloc : memref<!tpu.dma_semaphore, #tpu.memory_space<semaphore_mem>>
      %dma_start3A_60 = arith.constant 0 : i32
      %dma_start3A_61 = arith.constant 0 : i32
      %dma_start3A_62 = tpu.memref_slice %arg4[%add3A, %dma_start3A_60, %dma_start3A_61] : memref<32x79x128xi32, #tpu.memory_space<hbm>> -> memref<1x79x128xi32, #tpu.memory_space<hbm>>
      %dma_start3A_63 = tpu.memref_squeeze %dma_start3A_62 : memref<1x79x128xi32, #tpu.memory_space<hbm>> -> memref<79x128xi32, #tpu.memory_space<hbm>>
      %dma_start3A_64 = arith.constant 0 : i32
      %dma_start3A_65 = arith.constant 0 : i32
      %dma_start3A_66 = tpu.memref_slice %arg4[%add3A, %dma_start3A_64, %dma_start3A_65] : memref<32x79x128xi32, #tpu.memory_space<hbm>> -> memref<1x79x128xi32, #tpu.memory_space<hbm>>
      %dma_start3A_67 = tpu.memref_squeeze %dma_start3A_66 : memref<1x79x128xi32, #tpu.memory_space<hbm>> -> memref<79x128xi32, #tpu.memory_space<hbm>>
      tpu.enqueue_dma source(%dma_start3A_67 : memref<79x128xi32, #tpu.memory_space<hbm>>) target(%arg11 : memref<79x128xi32, #tpu.memory_space<vmem>>) target_semaphore(%run_scoped3A : memref<!tpu.dma_semaphore, #tpu.memory_space<semaphore_mem>>)
      %dma_wait3A_68 = arith.constant 0 : i32
      %dma_wait3A_69 = arith.constant 0 : i32
      %dma_wait3A_70 = tpu.memref_slice %arg4[%add3A, %dma_wait3A_68, %dma_wait3A_69] : memref<32x79x128xi32, #tpu.memory_space<hbm>> -> memref<1x79x128xi32, #tpu.memory_space<hbm>>
      %dma_wait3A_71 = tpu.memref_squeeze %dma_wait3A_70 : memref<1x79x128xi32, #tpu.memory_space<hbm>> -> memref<79x128xi32, #tpu.memory_space<hbm>>
      %dma_wait3A_72 = arith.constant 0 : i32
      %dma_wait3A_73 = arith.constant 0 : i32
      %dma_wait3A_74 = tpu.memref_slice %arg4[%add3A, %dma_wait3A_72, %dma_wait3A_73] : memref<32x79x128xi32, #tpu.memory_space<hbm>> -> memref<1x79x128xi32, #tpu.memory_space<hbm>>
      %dma_wait3A_75 = tpu.memref_squeeze %dma_wait3A_74 : memref<1x79x128xi32, #tpu.memory_space<hbm>> -> memref<79x128xi32, #tpu.memory_space<hbm>>
      tpu.wait_dma2 semaphore(%run_scoped3A : memref<!tpu.dma_semaphore, #tpu.memory_space<semaphore_mem>>) src(%dma_wait3A_75 : memref<79x128xi32, #tpu.memory_space<hbm>>) dst(%arg11 : memref<79x128xi32, #tpu.memory_space<vmem>>)
      tpu.yield
    }) : () -> ()
    "tpu.region"() ({
      %run_scoped3A = tpu.sem_alloc : memref<!tpu.dma_semaphore, #tpu.memory_space<semaphore_mem>>
      %dma_start3A_60 = tpu.memref_slice %arg23[%mul3A_2] : memref<10240xf32, #tpu.memory_space<vmem_shared>> -> memref<640xf32, #tpu.memory_space<vmem_shared>>
      %dma_start3A_61 = tpu.memref_slice %arg7[%mul3A_2] : memref<10240xf32, #tpu.memory_space<hbm>> -> memref<640xf32, #tpu.memory_space<hbm>>
      tpu.enqueue_dma source(%dma_start3A_61 : memref<640xf32, #tpu.memory_space<hbm>>) target(%dma_start3A_60 : memref<640xf32, #tpu.memory_space<vmem_shared>>) target_semaphore(%run_scoped3A : memref<!tpu.dma_semaphore, #tpu.memory_space<semaphore_mem>>)
      %dma_wait3A_62 = tpu.memref_slice %arg23[%mul3A_2] : memref<10240xf32, #tpu.memory_space<vmem_shared>> -> memref<640xf32, #tpu.memory_space<vmem_shared>>
      %dma_wait3A_63 = tpu.memref_slice %arg7[%mul3A_2] : memref<10240xf32, #tpu.memory_space<hbm>> -> memref<640xf32, #tpu.memory_space<hbm>>
      tpu.wait_dma2 semaphore(%run_scoped3A : memref<!tpu.dma_semaphore, #tpu.memory_space<semaphore_mem>>) src(%dma_wait3A_63 : memref<640xf32, #tpu.memory_space<hbm>>) dst(%dma_wait3A_62 : memref<640xf32, #tpu.memory_space<vmem_shared>>)
      tpu.yield
    }) : () -> ()
    "tpu.region"() ({
      %run_scoped3A = tpu.sem_alloc : memref<!tpu.dma_semaphore, #tpu.memory_space<semaphore_mem>>
      %dma_start3A_60 = arith.constant 0 : i32
      %dma_start3A_61 = tpu.memref_slice %arg22[%mul3A_2, %dma_start3A_60] : memref<10240x128xf32, #tpu.memory_space<vmem_shared>> -> memref<640x128xf32, #tpu.memory_space<vmem_shared>>
      %dma_start3A_62 = arith.constant 0 : i32
      %dma_start3A_63 = tpu.memref_slice %arg8[%mul3A_2, %dma_start3A_62] : memref<10240x128xf32, #tpu.memory_space<hbm>> -> memref<640x128xf32, #tpu.memory_space<hbm>>
      tpu.enqueue_dma source(%dma_start3A_63 : memref<640x128xf32, #tpu.memory_space<hbm>>) target(%dma_start3A_61 : memref<640x128xf32, #tpu.memory_space<vmem_shared>>) target_semaphore(%run_scoped3A : memref<!tpu.dma_semaphore, #tpu.memory_space<semaphore_mem>>)
      %dma_wait3A_64 = arith.constant 0 : i32
      %dma_wait3A_65 = tpu.memref_slice %arg22[%mul3A_2, %dma_wait3A_64] : memref<10240x128xf32, #tpu.memory_space<vmem_shared>> -> memref<640x128xf32, #tpu.memory_space<vmem_shared>>
      %dma_wait3A_66 = arith.constant 0 : i32
      %dma_wait3A_67 = tpu.memref_slice %arg8[%mul3A_2, %dma_wait3A_66] : memref<10240x128xf32, #tpu.memory_space<hbm>> -> memref<640x128xf32, #tpu.memory_space<hbm>>
      tpu.wait_dma2 semaphore(%run_scoped3A : memref<!tpu.dma_semaphore, #tpu.memory_space<semaphore_mem>>) src(%dma_wait3A_67 : memref<640x128xf32, #tpu.memory_space<hbm>>) dst(%dma_wait3A_65 : memref<640x128xf32, #tpu.memory_space<vmem_shared>>)
      tpu.yield
    }) : () -> ()
    %barrier3A = arith.constant 0 : index
    tpu.barrier barrier_id(%barrier3A)
    %iota3A = tpu.iota {dimensions = array<i32: 0>} : vector<16xi32>
    %mul3A_3 = arith.constant 0 : i32
    %mul3A_4 = vector.broadcast %mul3A_3 : i32 to vector<16xi32>
    %mul3A_5 = arith.muli %iota3A, %mul3A_4 : vector<16xi32>
    %iota3A_6 = tpu.iota {dimensions = array<i32: 0>} : vector<16xi32>
    %mul3A_7 = arith.constant 10112 : i32
    %mul3A_8 = arith.muli %add3A, %mul3A_7 : i32
    %dma_start3A = arith.constant 0 : i32
    %dma_start3A_9 = arith.constant 0 : i32
    %dma_start3A_10 = tpu.memref_slice %arg3[%add3A, %dma_start3A, %dma_start3A_9] : memref<32x79x128xi32, #tpu.memory_space<hbm>> -> memref<1x1x128xi32, #tpu.memory_space<hbm>>
    %dma_start3A_11 = tpu.memref_squeeze %dma_start3A_10 : memref<1x1x128xi32, #tpu.memory_space<hbm>> -> memref<128xi32, #tpu.memory_space<hbm>>
    %dma_start3A_12 = arith.constant 0 : i32
    %dma_start3A_13 = tpu.memref_slice %arg3[%add3A, %dma_start3A, %dma_start3A_12] : memref<32x79x128xi32, #tpu.memory_space<hbm>> -> memref<1x1x128xi32, #tpu.memory_space<hbm>>
    %dma_start3A_14 = tpu.memref_squeeze %dma_start3A_13 : memref<1x1x128xi32, #tpu.memory_space<hbm>> -> memref<128xi32, #tpu.memory_space<hbm>>
    tpu.enqueue_dma source(%dma_start3A_14 : memref<128xi32, #tpu.memory_space<hbm>>) target(%arg12 : memref<128xi32, #tpu.memory_space<vmem>>) target_semaphore(%arg24 : memref<!tpu.dma_semaphore, #tpu.memory_space<semaphore_mem>>)
    %dma_start3A_15 = arith.constant 1 : i32
    %dma_start3A_16 = arith.constant 0 : i32
    %dma_start3A_17 = tpu.memref_slice %arg3[%add3A, %dma_start3A_15, %dma_start3A_16] : memref<32x79x128xi32, #tpu.memory_space<hbm>> -> memref<1x1x128xi32, #tpu.memory_space<hbm>>
    %dma_start3A_18 = tpu.memref_squeeze %dma_start3A_17 : memref<1x1x128xi32, #tpu.memory_space<hbm>> -> memref<128xi32, #tpu.memory_space<hbm>>
    %dma_start3A_19 = arith.constant 0 : i32
    %dma_start3A_20 = tpu.memref_slice %arg3[%add3A, %dma_start3A_15, %dma_start3A_19] : memref<32x79x128xi32, #tpu.memory_space<hbm>> -> memref<1x1x128xi32, #tpu.memory_space<hbm>>
    %dma_start3A_21 = tpu.memref_squeeze %dma_start3A_20 : memref<1x1x128xi32, #tpu.memory_space<hbm>> -> memref<128xi32, #tpu.memory_space<hbm>>
    tpu.enqueue_dma source(%dma_start3A_21 : memref<128xi32, #tpu.memory_space<hbm>>) target(%arg13 : memref<128xi32, #tpu.memory_space<vmem>>) target_semaphore(%arg25 : memref<!tpu.dma_semaphore, #tpu.memory_space<semaphore_mem>>)
    %dma_wait3A = arith.constant 0 : i32
    %dma_wait3A_22 = arith.constant 0 : i32
    %dma_wait3A_23 = arith.constant 0 : i32
    %dma_wait3A_24 = tpu.memref_slice %arg3[%dma_wait3A, %dma_wait3A_22, %dma_wait3A_23] : memref<32x79x128xi32, #tpu.memory_space<hbm>> -> memref<1x1x128xi32, #tpu.memory_space<hbm>>
    %dma_wait3A_25 = tpu.memref_squeeze %dma_wait3A_24 : memref<1x1x128xi32, #tpu.memory_space<hbm>> -> memref<128xi32, #tpu.memory_space<hbm>>
    %dma_wait3A_26 = arith.constant 0 : i32
    %dma_wait3A_27 = tpu.memref_slice %arg3[%dma_wait3A, %dma_wait3A_22, %dma_wait3A_26] : memref<32x79x128xi32, #tpu.memory_space<hbm>> -> memref<1x1x128xi32, #tpu.memory_space<hbm>>
    %dma_wait3A_28 = tpu.memref_squeeze %dma_wait3A_27 : memref<1x1x128xi32, #tpu.memory_space<hbm>> -> memref<128xi32, #tpu.memory_space<hbm>>
    tpu.wait_dma2 semaphore(%arg24 : memref<!tpu.dma_semaphore, #tpu.memory_space<semaphore_mem>>) src(%dma_wait3A_28 : memref<128xi32, #tpu.memory_space<hbm>>) dst(%arg12 : memref<128xi32, #tpu.memory_space<vmem>>)
    %dma_start3A_29 = arith.constant 0 : i32
    %dma_start3A_30 = arith.constant 0 : i32
    %dma_start3A_31 = tpu.memref_slice %arg2[%dma_start3A_29, %dma_start3A_30] : memref<10240x128xf32, #tpu.memory_space<hbm>> -> memref<10240x128xf32, #tpu.memory_space<hbm>>
    tpu.enqueue_indirect_dma source(%dma_start3A_31 : memref<10240x128xf32, #tpu.memory_space<hbm>>) target(%arg20 : memref<128x128xf32, #tpu.memory_space<vmem>>) offsets(%arg12 : memref<128xi32, #tpu.memory_space<vmem>>) semaphore(%arg26 : memref<!tpu.dma_semaphore, #tpu.memory_space<semaphore_mem>>)
    %dma_start3A_32 = arith.constant 0 : i32
    %dma_start3A_33 = tpu.memref_slice %arg5[%dma_start3A_32] : memref<10240xf32, #tpu.memory_space<hbm>> -> memref<10240xf32, #tpu.memory_space<hbm>>
    tpu.enqueue_indirect_dma source(%dma_start3A_33 : memref<10240xf32, #tpu.memory_space<hbm>>) target(%arg14 : memref<128xf32, #tpu.memory_space<vmem>>) offsets(%arg12 : memref<128xi32, #tpu.memory_space<vmem>>) semaphore(%arg28 : memref<!tpu.dma_semaphore, #tpu.memory_space<semaphore_mem>>)
    %dma_start3A_34 = arith.constant 0 : i32
    %dma_start3A_35 = arith.constant 0 : i32
    %dma_start3A_36 = tpu.memref_slice %arg11[%dma_start3A_34, %dma_start3A_35] : memref<79x128xi32, #tpu.memory_space<vmem>> -> memref<1x128xi32, #tpu.memory_space<vmem>>
    %dma_start3A_37 = tpu.memref_squeeze %dma_start3A_36 : memref<1x128xi32, #tpu.memory_space<vmem>> -> memref<128xi32, #tpu.memory_space<vmem>>
    %dma_start3A_38 = arith.constant 0 : i32
    %dma_start3A_39 = tpu.memref_slice %arg6[%dma_start3A_38] : memref<10240xf32, #tpu.memory_space<hbm>> -> memref<10240xf32, #tpu.memory_space<hbm>>
    tpu.enqueue_indirect_dma source(%dma_start3A_39 : memref<10240xf32, #tpu.memory_space<hbm>>) target(%arg16 : memref<128xf32, #tpu.memory_space<vmem>>) offsets(%dma_start3A_37 : memref<128xi32, #tpu.memory_space<vmem>>) semaphore(%arg30 : memref<!tpu.dma_semaphore, #tpu.memory_space<semaphore_mem>>)
    %scan3A = arith.constant 0 : i32
    %scan3A_40 = arith.constant 0 : i32
    %scan3A_41 = arith.constant 79 : i32
    %scan3A_42 = arith.addi %scan3A_40, %scan3A_41 : i32
    %scan3A_43 = arith.constant 1 : i32
    scf.for %scan3A_60 = %scan3A_40 to %scan3A_42 step %scan3A_43  : i32 {
      %jit3A = arith.constant 2 : i32
      %eq3A = arith.constant 0 : i32
      %eq3A_61 = arith.cmpi eq, %jit3A, %eq3A : i32
      %jit3A_62 = arith.constant 1 : i32
      %select_n3A = arith.select %eq3A_61, %jit3A_62, %jit3A : i32
      %rem3A = arith.remsi %scan3A_60, %select_n3A : i32
      %ne3A = arith.constant 0 : i32
      %ne3A_63 = arith.cmpi ne, %rem3A, %ne3A : i32
      %lt3A = arith.constant 0 : i32
      %lt3A_64 = arith.cmpi slt, %rem3A, %lt3A : i32
      %lt3A_65 = arith.constant 0 : i32
      %lt3A_66 = arith.cmpi slt, %select_n3A, %lt3A_65 : i32
      %ne3A_67 = arith.xori %lt3A_64, %lt3A_66 : i1
      %and3A = arith.andi %ne3A_67, %ne3A_63 : i1
      %add3A_68 = arith.addi %rem3A, %select_n3A : i32
      %select_n3A_69 = arith.select %and3A, %add3A_68, %rem3A : i32
      %eq3A_70 = arith.constant 0 : i32
      %eq3A_71 = arith.cmpi eq, %select_n3A_69, %eq3A_70 : i32
      %convert_element_type3A = arith.extui %eq3A_71 : i1 to i32
      %cond3A = arith.constant 0 : i32
      %cond3A_72 = arith.cmpi ne, %convert_element_type3A, %cond3A : i32
      scf.if %cond3A_72 {
        %ge3A = arith.constant 1 : i32
        %ge3A_94 = arith.cmpi sge, %scan3A_60, %ge3A : i32
        %convert_element_type3A_95 = arith.extui %ge3A_94 : i1 to i32
        %cond3A_96 = arith.constant 0 : i32
        %cond3A_97 = arith.cmpi ne, %convert_element_type3A_95, %cond3A_96 : i32
        scf.if %cond3A_97 {
          %dma_wait3A_364 = arith.constant 0 : i32
          %dma_wait3A_365 = arith.constant 0 : i32
          %dma_wait3A_366 = tpu.memref_slice %arg2[%dma_wait3A_364, %dma_wait3A_365] : memref<10240x128xf32, #tpu.memory_space<hbm>> -> memref<128x128xf32, #tpu.memory_space<hbm>>
          %dma_wait3A_367 = arith.constant 0 : i32
          %dma_wait3A_368 = arith.constant 0 : i32
          %dma_wait3A_369 = tpu.memref_slice %arg2[%dma_wait3A_367, %dma_wait3A_368] : memref<10240x128xf32, #tpu.memory_space<hbm>> -> memref<128x128xf32, #tpu.memory_space<hbm>>
          tpu.wait_dma2 semaphore(%arg35 : memref<!tpu.dma_semaphore, #tpu.memory_space<semaphore_mem>>) src(%dma_wait3A_369 : memref<128x128xf32, #tpu.memory_space<hbm>>) dst(%arg21 : memref<128x128xf32, #tpu.memory_space<vmem>>)
        } else {
        }
        %lt3A_98 = arith.constant 78 : i32
        %lt3A_99 = arith.cmpi slt, %scan3A_60, %lt3A_98 : i32
        %convert_element_type3A_100 = arith.extui %lt3A_99 : i1 to i32
        %cond3A_101 = arith.constant 0 : i32
        %cond3A_102 = arith.cmpi ne, %convert_element_type3A_100, %cond3A_101 : i32
        scf.if %cond3A_102 {
          %dma_wait3A_364 = arith.constant 0 : i32
          %dma_wait3A_365 = arith.constant 0 : i32
          %dma_wait3A_366 = arith.constant 0 : i32
          %dma_wait3A_367 = tpu.memref_slice %arg3[%dma_wait3A_364, %dma_wait3A_365, %dma_wait3A_366] : memref<32x79x128xi32, #tpu.memory_space<hbm>> -> memref<1x1x128xi32, #tpu.memory_space<hbm>>
          %dma_wait3A_368 = tpu.memref_squeeze %dma_wait3A_367 : memref<1x1x128xi32, #tpu.memory_space<hbm>> -> memref<128xi32, #tpu.memory_space<hbm>>
          %dma_wait3A_369 = arith.constant 0 : i32
          %dma_wait3A_370 = tpu.memref_slice %arg3[%dma_wait3A_364, %dma_wait3A_365, %dma_wait3A_369] : memref<32x79x128xi32, #tpu.memory_space<hbm>> -> memref<1x1x128xi32, #tpu.memory_space<hbm>>
          %dma_wait3A_371 = tpu.memref_squeeze %dma_wait3A_370 : memref<1x1x128xi32, #tpu.memory_space<hbm>> -> memref<128xi32, #tpu.memory_space<hbm>>
          tpu.wait_dma2 semaphore(%arg25 : memref<!tpu.dma_semaphore, #tpu.memory_space<semaphore_mem>>) src(%dma_wait3A_371 : memref<128xi32, #tpu.memory_space<hbm>>) dst(%arg13 : memref<128xi32, #tpu.memory_space<vmem>>)
          %dma_start3A_372 = arith.constant 0 : i32
          %dma_start3A_373 = arith.constant 0 : i32
          %dma_start3A_374 = tpu.memref_slice %arg2[%dma_start3A_372, %dma_start3A_373] : memref<10240x128xf32, #tpu.memory_space<hbm>> -> memref<10240x128xf32, #tpu.memory_space<hbm>>
          tpu.enqueue_indirect_dma source(%dma_start3A_374 : memref<10240x128xf32, #tpu.memory_space<hbm>>) target(%arg21 : memref<128x128xf32, #tpu.memory_space<vmem>>) offsets(%arg13 : memref<128xi32, #tpu.memory_space<vmem>>) semaphore(%arg27 : memref<!tpu.dma_semaphore, #tpu.memory_space<semaphore_mem>>)
          %dma_start3A_375 = arith.constant 0 : i32
          %dma_start3A_376 = tpu.memref_slice %arg5[%dma_start3A_375] : memref<10240xf32, #tpu.memory_space<hbm>> -> memref<10240xf32, #tpu.memory_space<hbm>>
          tpu.enqueue_indirect_dma source(%dma_start3A_376 : memref<10240xf32, #tpu.memory_space<hbm>>) target(%arg15 : memref<128xf32, #tpu.memory_space<vmem>>) offsets(%arg13 : memref<128xi32, #tpu.memory_space<vmem>>) semaphore(%arg29 : memref<!tpu.dma_semaphore, #tpu.memory_space<semaphore_mem>>)
          %add3A_377 = arith.constant 1 : i32
          %add3A_378 = arith.addi %scan3A_60, %add3A_377 : i32
          %dma_start3A_379 = arith.constant 0 : i32
          %dma_start3A_380 = tpu.memref_slice %arg11[%add3A_378, %dma_start3A_379] : memref<79x128xi32, #tpu.memory_space<vmem>> -> memref<1x128xi32, #tpu.memory_space<vmem>>
          %dma_start3A_381 = tpu.memref_squeeze %dma_start3A_380 : memref<1x128xi32, #tpu.memory_space<vmem>> -> memref<128xi32, #tpu.memory_space<vmem>>
          %dma_start3A_382 = arith.constant 0 : i32
          %dma_start3A_383 = tpu.memref_slice %arg6[%dma_start3A_382] : memref<10240xf32, #tpu.memory_space<hbm>> -> memref<10240xf32, #tpu.memory_space<hbm>>
          tpu.enqueue_indirect_dma source(%dma_start3A_383 : memref<10240xf32, #tpu.memory_space<hbm>>) target(%arg17 : memref<128xf32, #tpu.memory_space<vmem>>) offsets(%dma_start3A_381 : memref<128xi32, #tpu.memory_space<vmem>>) semaphore(%arg31 : memref<!tpu.dma_semaphore, #tpu.memory_space<semaphore_mem>>)
        } else {
        }
        %dma_wait3A_103 = arith.constant 0 : i32
        %dma_wait3A_104 = arith.constant 0 : i32
        %dma_wait3A_105 = tpu.memref_slice %arg2[%dma_wait3A_103, %dma_wait3A_104] : memref<10240x128xf32, #tpu.memory_space<hbm>> -> memref<128x128xf32, #tpu.memory_space<hbm>>
        %dma_wait3A_106 = arith.constant 0 : i32
        %dma_wait3A_107 = arith.constant 0 : i32
        %dma_wait3A_108 = tpu.memref_slice %arg2[%dma_wait3A_106, %dma_wait3A_107] : memref<10240x128xf32, #tpu.memory_space<hbm>> -> memref<128x128xf32, #tpu.memory_space<hbm>>
        tpu.wait_dma2 semaphore(%arg26 : memref<!tpu.dma_semaphore, #tpu.memory_space<semaphore_mem>>) src(%dma_wait3A_108 : memref<128x128xf32, #tpu.memory_space<hbm>>) dst(%arg20 : memref<128x128xf32, #tpu.memory_space<vmem>>)
        %dma_wait3A_109 = arith.constant 0 : i32
        %dma_wait3A_110 = tpu.memref_slice %arg5[%dma_wait3A_109] : memref<10240xf32, #tpu.memory_space<hbm>> -> memref<128xf32, #tpu.memory_space<hbm>>
        %dma_wait3A_111 = arith.constant 0 : i32
        %dma_wait3A_112 = tpu.memref_slice %arg5[%dma_wait3A_111] : memref<10240xf32, #tpu.memory_space<hbm>> -> memref<128xf32, #tpu.memory_space<hbm>>
        tpu.wait_dma2 semaphore(%arg28 : memref<!tpu.dma_semaphore, #tpu.memory_space<semaphore_mem>>) src(%dma_wait3A_112 : memref<128xf32, #tpu.memory_space<hbm>>) dst(%arg14 : memref<128xf32, #tpu.memory_space<vmem>>)
        %dma_wait3A_113 = arith.constant 0 : i32
        %dma_wait3A_114 = tpu.memref_slice %arg6[%dma_wait3A_113] : memref<10240xf32, #tpu.memory_space<hbm>> -> memref<128xf32, #tpu.memory_space<hbm>>
        %dma_wait3A_115 = arith.constant 0 : i32
        %dma_wait3A_116 = tpu.memref_slice %arg6[%dma_wait3A_115] : memref<10240xf32, #tpu.memory_space<hbm>> -> memref<128xf32, #tpu.memory_space<hbm>>
        tpu.wait_dma2 semaphore(%arg30 : memref<!tpu.dma_semaphore, #tpu.memory_space<semaphore_mem>>) src(%dma_wait3A_116 : memref<128xf32, #tpu.memory_space<hbm>>) dst(%arg16 : memref<128xf32, #tpu.memory_space<vmem>>)
        %lt3A_117 = arith.constant 77 : i32
        %lt3A_118 = arith.cmpi slt, %scan3A_60, %lt3A_117 : i32
        %convert_element_type3A_119 = arith.extui %lt3A_118 : i1 to i32
        %cond3A_120 = arith.constant 0 : i32
        %cond3A_121 = arith.cmpi ne, %convert_element_type3A_119, %cond3A_120 : i32
        scf.if %cond3A_121 {
          %add3A_364 = arith.constant 2 : i32
          %add3A_365 = arith.addi %scan3A_60, %add3A_364 : i32
          %dma_start3A_366 = arith.constant 0 : i32
          %dma_start3A_367 = tpu.memref_slice %arg3[%add3A, %add3A_365, %dma_start3A_366] : memref<32x79x128xi32, #tpu.memory_space<hbm>> -> memref<1x1x128xi32, #tpu.memory_space<hbm>>
          %dma_start3A_368 = tpu.memref_squeeze %dma_start3A_367 : memref<1x1x128xi32, #tpu.memory_space<hbm>> -> memref<128xi32, #tpu.memory_space<hbm>>
          %dma_start3A_369 = arith.constant 0 : i32
          %dma_start3A_370 = tpu.memref_slice %arg3[%add3A, %add3A_365, %dma_start3A_369] : memref<32x79x128xi32, #tpu.memory_space<hbm>> -> memref<1x1x128xi32, #tpu.memory_space<hbm>>
          %dma_start3A_371 = tpu.memref_squeeze %dma_start3A_370 : memref<1x1x128xi32, #tpu.memory_space<hbm>> -> memref<128xi32, #tpu.memory_space<hbm>>
          tpu.enqueue_dma source(%dma_start3A_371 : memref<128xi32, #tpu.memory_space<hbm>>) target(%arg12 : memref<128xi32, #tpu.memory_space<vmem>>) target_semaphore(%arg24 : memref<!tpu.dma_semaphore, #tpu.memory_space<semaphore_mem>>)
        } else {
        }
        %ge3A_122 = arith.constant 2 : i32
        %ge3A_123 = arith.cmpi sge, %scan3A_60, %ge3A_122 : i32
        %convert_element_type3A_124 = arith.extui %ge3A_123 : i1 to i32
        %cond3A_125 = arith.constant 0 : i32
        %cond3A_126 = arith.cmpi ne, %convert_element_type3A_124, %cond3A_125 : i32
        scf.if %cond3A_126 {
          %dma_wait3A_364 = arith.constant 0 : i32
          %dma_wait3A_365 = tpu.memref_slice %arg5[%dma_wait3A_364] : memref<10240xf32, #tpu.memory_space<hbm>> -> memref<128xf32, #tpu.memory_space<hbm>>
          %dma_wait3A_366 = arith.constant 0 : i32
          %dma_wait3A_367 = tpu.memref_slice %arg5[%dma_wait3A_366] : memref<10240xf32, #tpu.memory_space<hbm>> -> memref<128xf32, #tpu.memory_space<hbm>>
          tpu.wait_dma2 semaphore(%arg32 : memref<!tpu.dma_semaphore, #tpu.memory_space<semaphore_mem>>) src(%dma_wait3A_367 : memref<128xf32, #tpu.memory_space<hbm>>) dst(%arg18 : memref<128xf32, #tpu.memory_space<vmem>>)
        } else {
        }
        %get3A = arith.constant 0 : index
        %get3A_127 = tpu.vector_load %arg14[%get3A] {strides = array<i32>} : memref<128xf32, #tpu.memory_space<vmem>>, vector<16xf32>,
        %get3A_128 = arith.constant 0 : index
        %get3A_129 = tpu.vector_load %arg16[%get3A_128] {strides = array<i32>} : memref<128xf32, #tpu.memory_space<vmem>>, vector<16xf32>,
        %add3A_130 = arith.addf %get3A_127, %get3A_129 : vector<16xf32>
        %ge3A_131 = arith.constant 0.000000e+00 : f32
        %ge3A_132 = vector.broadcast %ge3A_131 : f32 to vector<16xf32>
        %ge3A_133 = arith.cmpf oge, %add3A_130, %ge3A_132 : vector<16xf32>
        %mul3A_134 = arith.constant 2.000000e-01 : f32
        %mul3A_135 = vector.broadcast %mul3A_134 : f32 to vector<16xf32>
        %mul3A_136 = arith.mulf %add3A_130, %mul3A_135 : vector<16xf32>
        %select_n3A_137 = arith.select %ge3A_133, %add3A_130, %mul3A_136 : vector<16xi1>, vector<16xf32>
        %mul3A_138 = arith.constant 128 : i32
        %mul3A_139 = arith.muli %scan3A_60, %mul3A_138 : i32
        %add3A_140 = arith.addi %mul3A_8, %mul3A_139 : i32
        %add3A_141 = arith.constant 0 : i32
        %add3A_142 = arith.addi %add3A_140, %add3A_141 : i32
        %add3A_143 = vector.broadcast %add3A_142 : i32 to vector<16xi32>
        %add3A_144 = arith.addi %add3A_143, %iota3A_6 : vector<16xi32>
        %lt3A_145 = arith.constant 320000 : i32
        %lt3A_146 = vector.broadcast %lt3A_145 : i32 to vector<16xi32>
        %lt3A_147 = arith.cmpi slt, %add3A_144, %lt3A_146 : vector<16xi32>
        %exp3A = math.exp %select_n3A_137 : vector<16xf32>
        %jit3A_148 = arith.constant 0.000000e+00 : f32
        %broadcast_in_dim3A = vector.broadcast %jit3A_148 : f32 to vector<16xf32>
        %select_n3A_149 = arith.select %lt3A_147, %exp3A, %broadcast_in_dim3A : vector<16xi1>, vector<16xf32>
        %swap3A = arith.constant 0 : index
        %swap3A_150 = tpu.vector_load %arg18[%swap3A] {strides = array<i32>} : memref<128xf32, #tpu.memory_space<vmem>>, vector<16xf32>,
        tpu.vector_store %arg18[%swap3A], %select_n3A_149 {strides = array<i32>} : memref<128xf32, #tpu.memory_space<vmem>>, vector<16xf32>,
        %get3A_151 = arith.constant 16 : index
        %get3A_152 = tpu.vector_load %arg14[%get3A_151] {strides = array<i32>} : memref<128xf32, #tpu.memory_space<vmem>>, vector<16xf32>,
        %get3A_153 = arith.constant 16 : index
        %get3A_154 = tpu.vector_load %arg16[%get3A_153] {strides = array<i32>} : memref<128xf32, #tpu.memory_space<vmem>>, vector<16xf32>,
        %add3A_155 = arith.addf %get3A_152, %get3A_154 : vector<16xf32>
        %ge3A_156 = arith.constant 0.000000e+00 : f32
        %ge3A_157 = vector.broadcast %ge3A_156 : f32 to vector<16xf32>
        %ge3A_158 = arith.cmpf oge, %add3A_155, %ge3A_157 : vector<16xf32>
        %mul3A_159 = arith.constant 2.000000e-01 : f32
        %mul3A_160 = vector.broadcast %mul3A_159 : f32 to vector<16xf32>
        %mul3A_161 = arith.mulf %add3A_155, %mul3A_160 : vector<16xf32>
        %select_n3A_162 = arith.select %ge3A_158, %add3A_155, %mul3A_161 : vector<16xi1>, vector<16xf32>
        %mul3A_163 = arith.constant 128 : i32
        %mul3A_164 = arith.muli %scan3A_60, %mul3A_163 : i32
        %add3A_165 = arith.addi %mul3A_8, %mul3A_164 : i32
        %add3A_166 = arith.constant 16 : i32
        %add3A_167 = arith.addi %add3A_165, %add3A_166 : i32
        %add3A_168 = vector.broadcast %add3A_167 : i32 to vector<16xi32>
        %add3A_169 = arith.addi %add3A_168, %iota3A_6 : vector<16xi32>
        %lt3A_170 = arith.constant 320000 : i32
        %lt3A_171 = vector.broadcast %lt3A_170 : i32 to vector<16xi32>
        %lt3A_172 = arith.cmpi slt, %add3A_169, %lt3A_171 : vector<16xi32>
        %exp3A_173 = math.exp %select_n3A_162 : vector<16xf32>
        %jit3A_174 = arith.constant 0.000000e+00 : f32
        %broadcast_in_dim3A_175 = vector.broadcast %jit3A_174 : f32 to vector<16xf32>
        %select_n3A_176 = arith.select %lt3A_172, %exp3A_173, %broadcast_in_dim3A_175 : vector<16xi1>, vector<16xf32>
        %swap3A_177 = arith.constant 16 : index
        %swap3A_178 = tpu.vector_load %arg18[%swap3A_177] {strides = array<i32>} : memref<128xf32, #tpu.memory_space<vmem>>, vector<16xf32>,
        tpu.vector_store %arg18[%swap3A_177], %select_n3A_176 {strides = array<i32>} : memref<128xf32, #tpu.memory_space<vmem>>, vector<16xf32>,
        %get3A_179 = arith.constant 32 : index
        %get3A_180 = tpu.vector_load %arg14[%get3A_179] {strides = array<i32>} : memref<128xf32, #tpu.memory_space<vmem>>, vector<16xf32>,
        %get3A_181 = arith.constant 32 : index
        %get3A_182 = tpu.vector_load %arg16[%get3A_181] {strides = array<i32>} : memref<128xf32, #tpu.memory_space<vmem>>, vector<16xf32>,
        %add3A_183 = arith.addf %get3A_180, %get3A_182 : vector<16xf32>
        %ge3A_184 = arith.constant 0.000000e+00 : f32
        %ge3A_185 = vector.broadcast %ge3A_184 : f32 to vector<16xf32>
        %ge3A_186 = arith.cmpf oge, %add3A_183, %ge3A_185 : vector<16xf32>
        %mul3A_187 = arith.constant 2.000000e-01 : f32
        %mul3A_188 = vector.broadcast %mul3A_187 : f32 to vector<16xf32>
        %mul3A_189 = arith.mulf %add3A_183, %mul3A_188 : vector<16xf32>
        %select_n3A_190 = arith.select %ge3A_186, %add3A_183, %mul3A_189 : vector<16xi1>, vector<16xf32>
        %mul3A_191 = arith.constant 128 : i32
        %mul3A_192 = arith.muli %scan3A_60, %mul3A_191 : i32
        %add3A_193 = arith.addi %mul3A_8, %mul3A_192 : i32
        %add3A_194 = arith.constant 32 : i32
        %add3A_195 = arith.addi %add3A_193, %add3A_194 : i32
        %add3A_196 = vector.broadcast %add3A_195 : i32 to vector<16xi32>
        %add3A_197 = arith.addi %add3A_196, %iota3A_6 : vector<16xi32>
        %lt3A_198 = arith.constant 320000 : i32
        %lt3A_199 = vector.broadcast %lt3A_198 : i32 to vector<16xi32>
        %lt3A_200 = arith.cmpi slt, %add3A_197, %lt3A_199 : vector<16xi32>
        %exp3A_201 = math.exp %select_n3A_190 : vector<16xf32>
        %jit3A_202 = arith.constant 0.000000e+00 : f32
        %broadcast_in_dim3A_203 = vector.broadcast %jit3A_202 : f32 to vector<16xf32>
        %select_n3A_204 = arith.select %lt3A_200, %exp3A_201, %broadcast_in_dim3A_203 : vector<16xi1>, vector<16xf32>
        %swap3A_205 = arith.constant 32 : index
        %swap3A_206 = tpu.vector_load %arg18[%swap3A_205] {strides = array<i32>} : memref<128xf32, #tpu.memory_space<vmem>>, vector<16xf32>,
        tpu.vector_store %arg18[%swap3A_205], %select_n3A_204 {strides = array<i32>} : memref<128xf32, #tpu.memory_space<vmem>>, vector<16xf32>,
        %get3A_207 = arith.constant 48 : index
        %get3A_208 = tpu.vector_load %arg14[%get3A_207] {strides = array<i32>} : memref<128xf32, #tpu.memory_space<vmem>>, vector<16xf32>,
        %get3A_209 = arith.constant 48 : index
        %get3A_210 = tpu.vector_load %arg16[%get3A_209] {strides = array<i32>} : memref<128xf32, #tpu.memory_space<vmem>>, vector<16xf32>,
        %add3A_211 = arith.addf %get3A_208, %get3A_210 : vector<16xf32>
        %ge3A_212 = arith.constant 0.000000e+00 : f32
        %ge3A_213 = vector.broadcast %ge3A_212 : f32 to vector<16xf32>
        %ge3A_214 = arith.cmpf oge, %add3A_211, %ge3A_213 : vector<16xf32>
        %mul3A_215 = arith.constant 2.000000e-01 : f32
        %mul3A_216 = vector.broadcast %mul3A_215 : f32 to vector<16xf32>
        %mul3A_217 = arith.mulf %add3A_211, %mul3A_216 : vector<16xf32>
        %select_n3A_218 = arith.select %ge3A_214, %add3A_211, %mul3A_217 : vector<16xi1>, vector<16xf32>
        %mul3A_219 = arith.constant 128 : i32
        %mul3A_220 = arith.muli %scan3A_60, %mul3A_219 : i32
        %add3A_221 = arith.addi %mul3A_8, %mul3A_220 : i32
        %add3A_222 = arith.constant 48 : i32
        %add3A_223 = arith.addi %add3A_221, %add3A_222 : i32
        %add3A_224 = vector.broadcast %add3A_223 : i32 to vector<16xi32>
        %add3A_225 = arith.addi %add3A_224, %iota3A_6 : vector<16xi32>
        %lt3A_226 = arith.constant 320000 : i32
        %lt3A_227 = vector.broadcast %lt3A_226 : i32 to vector<16xi32>
        %lt3A_228 = arith.cmpi slt, %add3A_225, %lt3A_227 : vector<16xi32>
        %exp3A_229 = math.exp %select_n3A_218 : vector<16xf32>
        %jit3A_230 = arith.constant 0.000000e+00 : f32
        %broadcast_in_dim3A_231 = vector.broadcast %jit3A_230 : f32 to vector<16xf32>
        %select_n3A_232 = arith.select %lt3A_228, %exp3A_229, %broadcast_in_dim3A_231 : vector<16xi1>, vector<16xf32>
        %swap3A_233 = arith.constant 48 : index
        %swap3A_234 = tpu.vector_load %arg18[%swap3A_233] {strides = array<i32>} : memref<128xf32, #tpu.memory_space<vmem>>, vector<16xf32>,
        tpu.vector_store %arg18[%swap3A_233], %select_n3A_232 {strides = array<i32>} : memref<128xf32, #tpu.memory_space<vmem>>, vector<16xf32>,
        %get3A_235 = arith.constant 64 : index
        %get3A_236 = tpu.vector_load %arg14[%get3A_235] {strides = array<i32>} : memref<128xf32, #tpu.memory_space<vmem>>, vector<16xf32>,
        %get3A_237 = arith.constant 64 : index
        %get3A_238 = tpu.vector_load %arg16[%get3A_237] {strides = array<i32>} : memref<128xf32, #tpu.memory_space<vmem>>, vector<16xf32>,
        %add3A_239 = arith.addf %get3A_236, %get3A_238 : vector<16xf32>
        %ge3A_240 = arith.constant 0.000000e+00 : f32
        %ge3A_241 = vector.broadcast %ge3A_240 : f32 to vector<16xf32>
        %ge3A_242 = arith.cmpf oge, %add3A_239, %ge3A_241 : vector<16xf32>
        %mul3A_243 = arith.constant 2.000000e-01 : f32
        %mul3A_244 = vector.broadcast %mul3A_243 : f32 to vector<16xf32>
        %mul3A_245 = arith.mulf %add3A_239, %mul3A_244 : vector<16xf32>
        %select_n3A_246 = arith.select %ge3A_242, %add3A_239, %mul3A_245 : vector<16xi1>, vector<16xf32>
        %mul3A_247 = arith.constant 128 : i32
        %mul3A_248 = arith.muli %scan3A_60, %mul3A_247 : i32
        %add3A_249 = arith.addi %mul3A_8, %mul3A_248 : i32
        %add3A_250 = arith.constant 64 : i32
        %add3A_251 = arith.addi %add3A_249, %add3A_250 : i32
        %add3A_252 = vector.broadcast %add3A_251 : i32 to vector<16xi32>
        %add3A_253 = arith.addi %add3A_252, %iota3A_6 : vector<16xi32>
        %lt3A_254 = arith.constant 320000 : i32
        %lt3A_255 = vector.broadcast %lt3A_254 : i32 to vector<16xi32>
        %lt3A_256 = arith.cmpi slt, %add3A_253, %lt3A_255 : vector<16xi32>
        %exp3A_257 = math.exp %select_n3A_246 : vector<16xf32>
        %jit3A_258 = arith.constant 0.000000e+00 : f32
        %broadcast_in_dim3A_259 = vector.broadcast %jit3A_258 : f32 to vector<16xf32>
        %select_n3A_260 = arith.select %lt3A_256, %exp3A_257, %broadcast_in_dim3A_259 : vector<16xi1>, vector<16xf32>
        %swap3A_261 = arith.constant 64 : index
        %swap3A_262 = tpu.vector_load %arg18[%swap3A_261] {strides = array<i32>} : memref<128xf32, #tpu.memory_space<vmem>>, vector<16xf32>,
        tpu.vector_store %arg18[%swap3A_261], %select_n3A_260 {strides = array<i32>} : memref<128xf32, #tpu.memory_space<vmem>>, vector<16xf32>,
        %get3A_263 = arith.constant 80 : index
        %get3A_264 = tpu.vector_load %arg14[%get3A_263] {strides = array<i32>} : memref<128xf32, #tpu.memory_space<vmem>>, vector<16xf32>,
        %get3A_265 = arith.constant 80 : index
        %get3A_266 = tpu.vector_load %arg16[%get3A_265] {strides = array<i32>} : memref<128xf32, #tpu.memory_space<vmem>>, vector<16xf32>,
        %add3A_267 = arith.addf %get3A_264, %get3A_266 : vector<16xf32>
        %ge3A_268 = arith.constant 0.000000e+00 : f32
        %ge3A_269 = vector.broadcast %ge3A_268 : f32 to vector<16xf32>
        %ge3A_270 = arith.cmpf oge, %add3A_267, %ge3A_269 : vector<16xf32>
        %mul3A_271 = arith.constant 2.000000e-01 : f32
        %mul3A_272 = vector.broadcast %mul3A_271 : f32 to vector<16xf32>
        %mul3A_273 = arith.mulf %add3A_267, %mul3A_272 : vector<16xf32>
        %select_n3A_274 = arith.select %ge3A_270, %add3A_267, %mul3A_273 : vector<16xi1>, vector<16xf32>
        %mul3A_275 = arith.constant 128 : i32
        %mul3A_276 = arith.muli %scan3A_60, %mul3A_275 : i32
        %add3A_277 = arith.addi %mul3A_8, %mul3A_276 : i32
        %add3A_278 = arith.constant 80 : i32
        %add3A_279 = arith.addi %add3A_277, %add3A_278 : i32
        %add3A_280 = vector.broadcast %add3A_279 : i32 to vector<16xi32>
        %add3A_281 = arith.addi %add3A_280, %iota3A_6 : vector<16xi32>
        %lt3A_282 = arith.constant 320000 : i32
        %lt3A_283 = vector.broadcast %lt3A_282 : i32 to vector<16xi32>
        %lt3A_284 = arith.cmpi slt, %add3A_281, %lt3A_283 : vector<16xi32>
        %exp3A_285 = math.exp %select_n3A_274 : vector<16xf32>
        %jit3A_286 = arith.constant 0.000000e+00 : f32
        %broadcast_in_dim3A_287 = vector.broadcast %jit3A_286 : f32 to vector<16xf32>
        %select_n3A_288 = arith.select %lt3A_284, %exp3A_285, %broadcast_in_dim3A_287 : vector<16xi1>, vector<16xf32>
        %swap3A_289 = arith.constant 80 : index
        %swap3A_290 = tpu.vector_load %arg18[%swap3A_289] {strides = array<i32>} : memref<128xf32, #tpu.memory_space<vmem>>, vector<16xf32>,
        tpu.vector_store %arg18[%swap3A_289], %select_n3A_288 {strides = array<i32>} : memref<128xf32, #tpu.memory_space<vmem>>, vector<16xf32>,
        %get3A_291 = arith.constant 96 : index
        %get3A_292 = tpu.vector_load %arg14[%get3A_291] {strides = array<i32>} : memref<128xf32, #tpu.memory_space<vmem>>, vector<16xf32>,
        %get3A_293 = arith.constant 96 : index
        %get3A_294 = tpu.vector_load %arg16[%get3A_293] {strides = array<i32>} : memref<128xf32, #tpu.memory_space<vmem>>, vector<16xf32>,
        %add3A_295 = arith.addf %get3A_292, %get3A_294 : vector<16xf32>
        %ge3A_296 = arith.constant 0.000000e+00 : f32
        %ge3A_297 = vector.broadcast %ge3A_296 : f32 to vector<16xf32>
        %ge3A_298 = arith.cmpf oge, %add3A_295, %ge3A_297 : vector<16xf32>
        %mul3A_299 = arith.constant 2.000000e-01 : f32
        %mul3A_300 = vector.broadcast %mul3A_299 : f32 to vector<16xf32>
        %mul3A_301 = arith.mulf %add3A_295, %mul3A_300 : vector<16xf32>
        %select_n3A_302 = arith.select %ge3A_298, %add3A_295, %mul3A_301 : vector<16xi1>, vector<16xf32>
        %mul3A_303 = arith.constant 128 : i32
        %mul3A_304 = arith.muli %scan3A_60, %mul3A_303 : i32
        %add3A_305 = arith.addi %mul3A_8, %mul3A_304 : i32
        %add3A_306 = arith.constant 96 : i32
        %add3A_307 = arith.addi %add3A_305, %add3A_306 : i32
        %add3A_308 = vector.broadcast %add3A_307 : i32 to vector<16xi32>
        %add3A_309 = arith.addi %add3A_308, %iota3A_6 : vector<16xi32>
        %lt3A_310 = arith.constant 320000 : i32
        %lt3A_311 = vector.broadcast %lt3A_310 : i32 to vector<16xi32>
        %lt3A_312 = arith.cmpi slt, %add3A_309, %lt3A_311 : vector<16xi32>
        %exp3A_313 = math.exp %select_n3A_302 : vector<16xf32>
        %jit3A_314 = arith.constant 0.000000e+00 : f32
        %broadcast_in_dim3A_315 = vector.broadcast %jit3A_314 : f32 to vector<16xf32>
        %select_n3A_316 = arith.select %lt3A_312, %exp3A_313, %broadcast_in_dim3A_315 : vector<16xi1>, vector<16xf32>
        %swap3A_317 = arith.constant 96 : index
        %swap3A_318 = tpu.vector_load %arg18[%swap3A_317] {strides = array<i32>} : memref<128xf32, #tpu.memory_space<vmem>>, vector<16xf32>,
        tpu.vector_store %arg18[%swap3A_317], %select_n3A_316 {strides = array<i32>} : memref<128xf32, #tpu.memory_space<vmem>>, vector<16xf32>,
        %get3A_319 = arith.constant 112 : index
        %get3A_320 = tpu.vector_load %arg14[%get3A_319] {strides = array<i32>} : memref<128xf32, #tpu.memory_space<vmem>>, vector<16xf32>,
        %get3A_321 = arith.constant 112 : index
        %get3A_322 = tpu.vector_load %arg16[%get3A_321] {strides = array<i32>} : memref<128xf32, #tpu.memory_space<vmem>>, vector<16xf32>,
        %add3A_323 = arith.addf %get3A_320, %get3A_322 : vector<16xf32>
        %ge3A_324 = arith.constant 0.000000e+00 : f32
        %ge3A_325 = vector.broadcast %ge3A_324 : f32 to vector<16xf32>
        %ge3A_326 = arith.cmpf oge, %add3A_323, %ge3A_325 : vector<16xf32>
        %mul3A_327 = arith.constant 2.000000e-01 : f32
        %mul3A_328 = vector.broadcast %mul3A_327 : f32 to vector<16xf32>
        %mul3A_329 = arith.mulf %add3A_323, %mul3A_328 : vector<16xf32>
        %select_n3A_330 = arith.select %ge3A_326, %add3A_323, %mul3A_329 : vector<16xi1>, vector<16xf32>
        %mul3A_331 = arith.constant 128 : i32
        %mul3A_332 = arith.muli %scan3A_60, %mul3A_331 : i32
        %add3A_333 = arith.addi %mul3A_8, %mul3A_332 : i32
        %add3A_334 = arith.constant 112 : i32
        %add3A_335 = arith.addi %add3A_333, %add3A_334 : i32
        %add3A_336 = vector.broadcast %add3A_335 : i32 to vector<16xi32>
        %add3A_337 = arith.addi %add3A_336, %iota3A_6 : vector<16xi32>
        %lt3A_338 = arith.constant 320000 : i32
        %lt3A_339 = vector.broadcast %lt3A_338 : i32 to vector<16xi32>
        %lt3A_340 = arith.cmpi slt, %add3A_337, %lt3A_339 : vector<16xi32>
        %exp3A_341 = math.exp %select_n3A_330 : vector<16xf32>
        %jit3A_342 = arith.constant 0.000000e+00 : f32
        %broadcast_in_dim3A_343 = vector.broadcast %jit3A_342 : f32 to vector<16xf32>
        %select_n3A_344 = arith.select %lt3A_340, %exp3A_341, %broadcast_in_dim3A_343 : vector<16xi1>, vector<16xf32>
        %swap3A_345 = arith.constant 112 : index
        %swap3A_346 = tpu.vector_load %arg18[%swap3A_345] {strides = array<i32>} : memref<128xf32, #tpu.memory_space<vmem>>, vector<16xf32>,
        tpu.vector_store %arg18[%swap3A_345], %select_n3A_344 {strides = array<i32>} : memref<128xf32, #tpu.memory_space<vmem>>, vector<16xf32>,
        %dma_start3A_347 = arith.constant 0 : i32
        %dma_start3A_348 = tpu.memref_slice %arg11[%scan3A_60, %dma_start3A_347] : memref<79x128xi32, #tpu.memory_space<vmem>> -> memref<1x128xi32, #tpu.memory_space<vmem>>
        %dma_start3A_349 = tpu.memref_squeeze %dma_start3A_348 : memref<1x128xi32, #tpu.memory_space<vmem>> -> memref<128xi32, #tpu.memory_space<vmem>>
        %dma_start3A_350 = arith.constant 0 : i32
        %dma_start3A_351 = tpu.memref_slice %arg23[%dma_start3A_350] : memref<10240xf32, #tpu.memory_space<vmem_shared>> -> memref<10240xf32, #tpu.memory_space<vmem_shared>>
        tpu.enqueue_indirect_dma source(%arg18 : memref<128xf32, #tpu.memory_space<vmem>>) target(%dma_start3A_351 : memref<10240xf32, #tpu.memory_space<vmem_shared>>) offsets(%dma_start3A_349 : memref<128xi32, #tpu.memory_space<vmem>>) semaphore(%arg32 : memref<!tpu.dma_semaphore, #tpu.memory_space<semaphore_mem>>) {add = true}
        %scan3A_352 = arith.constant 0 : i32
        %scan3A_353 = arith.constant 0 : i32
        %scan3A_354 = arith.constant 128 : i32
        %scan3A_355 = arith.addi %scan3A_353, %scan3A_354 : i32
        %scan3A_356 = arith.constant 2 : i32
        scf.for %scan3A_364 = %scan3A_353 to %scan3A_355 step %scan3A_356  : i32 {
          %add3A_365 = vector.broadcast %scan3A_364 : i32 to vector<16xi32>
          %add3A_366 = arith.addi %mul3A_5, %add3A_365 : vector<16xi32>
          %gather3A = tpu.vector_load_idx %arg18[%add3A_366] : memref<128xf32, #tpu.memory_space<vmem>>[vector<16xi32>], vector<16xf32>,
          %get3A_367 = arith.index_cast %scan3A_364 : i32 to index
          %get3A_368 = arith.constant 0 : index
          %get3A_369 = tpu.vector_load %arg20[%get3A_367, %get3A_368] {strides = array<i32>} : memref<128x128xf32, #tpu.memory_space<vmem>>, vector<16xf32>,
          %mul3A_370 = arith.mulf %get3A_369, %gather3A : vector<16xf32>
          %swap3A_371 = arith.index_cast %scan3A_364 : i32 to index
          %swap3A_372 = arith.constant 0 : index
          %swap3A_373 = tpu.vector_load %arg20[%swap3A_371, %swap3A_372] {strides = array<i32>} : memref<128x128xf32, #tpu.memory_space<vmem>>, vector<16xf32>,
          tpu.vector_store %arg20[%swap3A_371, %swap3A_372], %mul3A_370 {strides = array<i32>} : memref<128x128xf32, #tpu.memory_space<vmem>>, vector<16xf32>,
          %get3A_374 = arith.index_cast %scan3A_364 : i32 to index
          %get3A_375 = arith.constant 16 : index
          %get3A_376 = tpu.vector_load %arg20[%get3A_374, %get3A_375] {strides = array<i32>} : memref<128x128xf32, #tpu.memory_space<vmem>>, vector<16xf32>,
          %mul3A_377 = arith.mulf %get3A_376, %gather3A : vector<16xf32>
          %swap3A_378 = arith.index_cast %scan3A_364 : i32 to index
          %swap3A_379 = arith.constant 16 : index
          %swap3A_380 = tpu.vector_load %arg20[%swap3A_378, %swap3A_379] {strides = array<i32>} : memref<128x128xf32, #tpu.memory_space<vmem>>, vector<16xf32>,
          tpu.vector_store %arg20[%swap3A_378, %swap3A_379], %mul3A_377 {strides = array<i32>} : memref<128x128xf32, #tpu.memory_space<vmem>>, vector<16xf32>,
          %get3A_381 = arith.index_cast %scan3A_364 : i32 to index
          %get3A_382 = arith.constant 32 : index
          %get3A_383 = tpu.vector_load %arg20[%get3A_381, %get3A_382] {strides = array<i32>} : memref<128x128xf32, #tpu.memory_space<vmem>>, vector<16xf32>,
          %mul3A_384 = arith.mulf %get3A_383, %gather3A : vector<16xf32>
          %swap3A_385 = arith.index_cast %scan3A_364 : i32 to index
          %swap3A_386 = arith.constant 32 : index
          %swap3A_387 = tpu.vector_load %arg20[%swap3A_385, %swap3A_386] {strides = array<i32>} : memref<128x128xf32, #tpu.memory_space<vmem>>, vector<16xf32>,
          tpu.vector_store %arg20[%swap3A_385, %swap3A_386], %mul3A_384 {strides = array<i32>} : memref<128x128xf32, #tpu.memory_space<vmem>>, vector<16xf32>,
          %get3A_388 = arith.index_cast %scan3A_364 : i32 to index
          %get3A_389 = arith.constant 48 : index
          %get3A_390 = tpu.vector_load %arg20[%get3A_388, %get3A_389] {strides = array<i32>} : memref<128x128xf32, #tpu.memory_space<vmem>>, vector<16xf32>,
          %mul3A_391 = arith.mulf %get3A_390, %gather3A : vector<16xf32>
          %swap3A_392 = arith.index_cast %scan3A_364 : i32 to index
          %swap3A_393 = arith.constant 48 : index
          %swap3A_394 = tpu.vector_load %arg20[%swap3A_392, %swap3A_393] {strides = array<i32>} : memref<128x128xf32, #tpu.memory_space<vmem>>, vector<16xf32>,
          tpu.vector_store %arg20[%swap3A_392, %swap3A_393], %mul3A_391 {strides = array<i32>} : memref<128x128xf32, #tpu.memory_space<vmem>>, vector<16xf32>,
          %get3A_395 = arith.index_cast %scan3A_364 : i32 to index
          %get3A_396 = arith.constant 64 : index
          %get3A_397 = tpu.vector_load %arg20[%get3A_395, %get3A_396] {strides = array<i32>} : memref<128x128xf32, #tpu.memory_space<vmem>>, vector<16xf32>,
          %mul3A_398 = arith.mulf %get3A_397, %gather3A : vector<16xf32>
          %swap3A_399 = arith.index_cast %scan3A_364 : i32 to index
          %swap3A_400 = arith.constant 64 : index
          %swap3A_401 = tpu.vector_load %arg20[%swap3A_399, %swap3A_400] {strides = array<i32>} : memref<128x128xf32, #tpu.memory_space<vmem>>, vector<16xf32>,
          tpu.vector_store %arg20[%swap3A_399, %swap3A_400], %mul3A_398 {strides = array<i32>} : memref<128x128xf32, #tpu.memory_space<vmem>>, vector<16xf32>,
          %get3A_402 = arith.index_cast %scan3A_364 : i32 to index
          %get3A_403 = arith.constant 80 : index
          %get3A_404 = tpu.vector_load %arg20[%get3A_402, %get3A_403] {strides = array<i32>} : memref<128x128xf32, #tpu.memory_space<vmem>>, vector<16xf32>,
          %mul3A_405 = arith.mulf %get3A_404, %gather3A : vector<16xf32>
          %swap3A_406 = arith.index_cast %scan3A_364 : i32 to index
          %swap3A_407 = arith.constant 80 : index
          %swap3A_408 = tpu.vector_load %arg20[%swap3A_406, %swap3A_407] {strides = array<i32>} : memref<128x128xf32, #tpu.memory_space<vmem>>, vector<16xf32>,
          tpu.vector_store %arg20[%swap3A_406, %swap3A_407], %mul3A_405 {strides = array<i32>} : memref<128x128xf32, #tpu.memory_space<vmem>>, vector<16xf32>,
          %get3A_409 = arith.index_cast %scan3A_364 : i32 to index
          %get3A_410 = arith.constant 96 : index
          %get3A_411 = tpu.vector_load %arg20[%get3A_409, %get3A_410] {strides = array<i32>} : memref<128x128xf32, #tpu.memory_space<vmem>>, vector<16xf32>,
          %mul3A_412 = arith.mulf %get3A_411, %gather3A : vector<16xf32>
          %swap3A_413 = arith.index_cast %scan3A_364 : i32 to index
          %swap3A_414 = arith.constant 96 : index
          %swap3A_415 = tpu.vector_load %arg20[%swap3A_413, %swap3A_414] {strides = array<i32>} : memref<128x128xf32, #tpu.memory_space<vmem>>, vector<16xf32>,
          tpu.vector_store %arg20[%swap3A_413, %swap3A_414], %mul3A_412 {strides = array<i32>} : memref<128x128xf32, #tpu.memory_space<vmem>>, vector<16xf32>,
          %get3A_416 = arith.index_cast %scan3A_364 : i32 to index
          %get3A_417 = arith.constant 112 : index
          %get3A_418 = tpu.vector_load %arg20[%get3A_416, %get3A_417] {strides = array<i32>} : memref<128x128xf32, #tpu.memory_space<vmem>>, vector<16xf32>,
          %mul3A_419 = arith.mulf %get3A_418, %gather3A : vector<16xf32>
          %swap3A_420 = arith.index_cast %scan3A_364 : i32 to index
          %swap3A_421 = arith.constant 112 : index
          %swap3A_422 = tpu.vector_load %arg20[%swap3A_420, %swap3A_421] {strides = array<i32>} : memref<128x128xf32, #tpu.memory_space<vmem>>, vector<16xf32>,
          tpu.vector_store %arg20[%swap3A_420, %swap3A_421], %mul3A_419 {strides = array<i32>} : memref<128x128xf32, #tpu.memory_space<vmem>>, vector<16xf32>,
          %scan3A_423 = arith.constant 1 : i32
          %scan3A_424 = arith.addi %scan3A_364, %scan3A_423 : i32
          %add3A_425 = vector.broadcast %scan3A_424 : i32 to vector<16xi32>
          %add3A_426 = arith.addi %mul3A_5, %add3A_425 : vector<16xi32>
          %gather3A_427 = tpu.vector_load_idx %arg18[%add3A_426] : memref<128xf32, #tpu.memory_space<vmem>>[vector<16xi32>], vector<16xf32>,
          %get3A_428 = arith.index_cast %scan3A_424 : i32 to index
          %get3A_429 = arith.constant 0 : index
          %get3A_430 = tpu.vector_load %arg20[%get3A_428, %get3A_429] {strides = array<i32>} : memref<128x128xf32, #tpu.memory_space<vmem>>, vector<16xf32>,
          %mul3A_431 = arith.mulf %get3A_430, %gather3A_427 : vector<16xf32>
          %swap3A_432 = arith.index_cast %scan3A_424 : i32 to index
          %swap3A_433 = arith.constant 0 : index
          %swap3A_434 = tpu.vector_load %arg20[%swap3A_432, %swap3A_433] {strides = array<i32>} : memref<128x128xf32, #tpu.memory_space<vmem>>, vector<16xf32>,
          tpu.vector_store %arg20[%swap3A_432, %swap3A_433], %mul3A_431 {strides = array<i32>} : memref<128x128xf32, #tpu.memory_space<vmem>>, vector<16xf32>,
          %get3A_435 = arith.index_cast %scan3A_424 : i32 to index
          %get3A_436 = arith.constant 16 : index
          %get3A_437 = tpu.vector_load %arg20[%get3A_435, %get3A_436] {strides = array<i32>} : memref<128x128xf32, #tpu.memory_space<vmem>>, vector<16xf32>,
          %mul3A_438 = arith.mulf %get3A_437, %gather3A_427 : vector<16xf32>
          %swap3A_439 = arith.index_cast %scan3A_424 : i32 to index
          %swap3A_440 = arith.constant 16 : index
          %swap3A_441 = tpu.vector_load %arg20[%swap3A_439, %swap3A_440] {strides = array<i32>} : memref<128x128xf32, #tpu.memory_space<vmem>>, vector<16xf32>,
          tpu.vector_store %arg20[%swap3A_439, %swap3A_440], %mul3A_438 {strides = array<i32>} : memref<128x128xf32, #tpu.memory_space<vmem>>, vector<16xf32>,
          %get3A_442 = arith.index_cast %scan3A_424 : i32 to index
          %get3A_443 = arith.constant 32 : index
          %get3A_444 = tpu.vector_load %arg20[%get3A_442, %get3A_443] {strides = array<i32>} : memref<128x128xf32, #tpu.memory_space<vmem>>, vector<16xf32>,
          %mul3A_445 = arith.mulf %get3A_444, %gather3A_427 : vector<16xf32>
          %swap3A_446 = arith.index_cast %scan3A_424 : i32 to index
          %swap3A_447 = arith.constant 32 : index
          %swap3A_448 = tpu.vector_load %arg20[%swap3A_446, %swap3A_447] {strides = array<i32>} : memref<128x128xf32, #tpu.memory_space<vmem>>, vector<16xf32>,
          tpu.vector_store %arg20[%swap3A_446, %swap3A_447], %mul3A_445 {strides = array<i32>} : memref<128x128xf32, #tpu.memory_space<vmem>>, vector<16xf32>,
          %get3A_449 = arith.index_cast %scan3A_424 : i32 to index
          %get3A_450 = arith.constant 48 : index
          %get3A_451 = tpu.vector_load %arg20[%get3A_449, %get3A_450] {strides = array<i32>} : memref<128x128xf32, #tpu.memory_space<vmem>>, vector<16xf32>,
          %mul3A_452 = arith.mulf %get3A_451, %gather3A_427 : vector<16xf32>
          %swap3A_453 = arith.index_cast %scan3A_424 : i32 to index
          %swap3A_454 = arith.constant 48 : index
          %swap3A_455 = tpu.vector_load %arg20[%swap3A_453, %swap3A_454] {strides = array<i32>} : memref<128x128xf32, #tpu.memory_space<vmem>>, vector<16xf32>,
          tpu.vector_store %arg20[%swap3A_453, %swap3A_454], %mul3A_452 {strides = array<i32>} : memref<128x128xf32, #tpu.memory_space<vmem>>, vector<16xf32>,
          %get3A_456 = arith.index_cast %scan3A_424 : i32 to index
          %get3A_457 = arith.constant 64 : index
          %get3A_458 = tpu.vector_load %arg20[%get3A_456, %get3A_457] {strides = array<i32>} : memref<128x128xf32, #tpu.memory_space<vmem>>, vector<16xf32>,
          %mul3A_459 = arith.mulf %get3A_458, %gather3A_427 : vector<16xf32>
          %swap3A_460 = arith.index_cast %scan3A_424 : i32 to index
          %swap3A_461 = arith.constant 64 : index
          %swap3A_462 = tpu.vector_load %arg20[%swap3A_460, %swap3A_461] {strides = array<i32>} : memref<128x128xf32, #tpu.memory_space<vmem>>, vector<16xf32>,
          tpu.vector_store %arg20[%swap3A_460, %swap3A_461], %mul3A_459 {strides = array<i32>} : memref<128x128xf32, #tpu.memory_space<vmem>>, vector<16xf32>,
          %get3A_463 = arith.index_cast %scan3A_424 : i32 to index
          %get3A_464 = arith.constant 80 : index
          %get3A_465 = tpu.vector_load %arg20[%get3A_463, %get3A_464] {strides = array<i32>} : memref<128x128xf32, #tpu.memory_space<vmem>>, vector<16xf32>,
          %mul3A_466 = arith.mulf %get3A_465, %gather3A_427 : vector<16xf32>
          %swap3A_467 = arith.index_cast %scan3A_424 : i32 to index
          %swap3A_468 = arith.constant 80 : index
          %swap3A_469 = tpu.vector_load %arg20[%swap3A_467, %swap3A_468] {strides = array<i32>} : memref<128x128xf32, #tpu.memory_space<vmem>>, vector<16xf32>,
          tpu.vector_store %arg20[%swap3A_467, %swap3A_468], %mul3A_466 {strides = array<i32>} : memref<128x128xf32, #tpu.memory_space<vmem>>, vector<16xf32>,
          %get3A_470 = arith.index_cast %scan3A_424 : i32 to index
          %get3A_471 = arith.constant 96 : index
          %get3A_472 = tpu.vector_load %arg20[%get3A_470, %get3A_471] {strides = array<i32>} : memref<128x128xf32, #tpu.memory_space<vmem>>, vector<16xf32>,
          %mul3A_473 = arith.mulf %get3A_472, %gather3A_427 : vector<16xf32>
          %swap3A_474 = arith.index_cast %scan3A_424 : i32 to index
          %swap3A_475 = arith.constant 96 : index
          %swap3A_476 = tpu.vector_load %arg20[%swap3A_474, %swap3A_475] {strides = array<i32>} : memref<128x128xf32, #tpu.memory_space<vmem>>, vector<16xf32>,
          tpu.vector_store %arg20[%swap3A_474, %swap3A_475], %mul3A_473 {strides = array<i32>} : memref<128x128xf32, #tpu.memory_space<vmem>>, vector<16xf32>,
          %get3A_477 = arith.index_cast %scan3A_424 : i32 to index
          %get3A_478 = arith.constant 112 : index
          %get3A_479 = tpu.vector_load %arg20[%get3A_477, %get3A_478] {strides = array<i32>} : memref<128x128xf32, #tpu.memory_space<vmem>>, vector<16xf32>,
          %mul3A_480 = arith.mulf %get3A_479, %gather3A_427 : vector<16xf32>
          %swap3A_481 = arith.index_cast %scan3A_424 : i32 to index
          %swap3A_482 = arith.constant 112 : index
          %swap3A_483 = tpu.vector_load %arg20[%swap3A_481, %swap3A_482] {strides = array<i32>} : memref<128x128xf32, #tpu.memory_space<vmem>>, vector<16xf32>,
          tpu.vector_store %arg20[%swap3A_481, %swap3A_482], %mul3A_480 {strides = array<i32>} : memref<128x128xf32, #tpu.memory_space<vmem>>, vector<16xf32>,
        }
        %scan3A_357 = arith.constant 128 : i32
        %dma_start3A_358 = arith.constant 0 : i32
        %dma_start3A_359 = tpu.memref_slice %arg11[%scan3A_60, %dma_start3A_358] : memref<79x128xi32, #tpu.memory_space<vmem>> -> memref<1x128xi32, #tpu.memory_space<vmem>>
        %dma_start3A_360 = tpu.memref_squeeze %dma_start3A_359 : memref<1x128xi32, #tpu.memory_space<vmem>> -> memref<128xi32, #tpu.memory_space<vmem>>
        %dma_start3A_361 = arith.constant 0 : i32
        %dma_start3A_362 = arith.constant 0 : i32
        %dma_start3A_363 = tpu.memref_slice %arg22[%dma_start3A_361, %dma_start3A_362] : memref<10240x128xf32, #tpu.memory_space<vmem_shared>> -> memref<10240x128xf32, #tpu.memory_space<vmem_shared>>
        tpu.enqueue_indirect_dma source(%arg20 : memref<128x128xf32, #tpu.memory_space<vmem>>) target(%dma_start3A_363 : memref<10240x128xf32, #tpu.memory_space<vmem_shared>>) offsets(%dma_start3A_360 : memref<128xi32, #tpu.memory_space<vmem>>) semaphore(%arg34 : memref<!tpu.dma_semaphore, #tpu.memory_space<semaphore_mem>>) {add = true}
      } else {
      }
      %jit3A_73 = arith.constant 2 : i32
      %eq3A_74 = arith.constant 0 : i32
      %eq3A_75 = arith.cmpi eq, %jit3A_73, %eq3A_74 : i32
      %jit3A_76 = arith.constant 1 : i32
      %select_n3A_77 = arith.select %eq3A_75, %jit3A_76, %jit3A_73 : i32
      %rem3A_78 = arith.remsi %scan3A_60, %select_n3A_77 : i32
      %ne3A_79 = arith.constant 0 : i32
      %ne3A_80 = arith.cmpi ne, %rem3A_78, %ne3A_79 : i32
      %lt3A_81 = arith.constant 0 : i32
      %lt3A_82 = arith.cmpi slt, %rem3A_78, %lt3A_81 : i32
      %lt3A_83 = arith.constant 0 : i32
      %lt3A_84 = arith.cmpi slt, %select_n3A_77, %lt3A_83 : i32
      %ne3A_85 = arith.xori %lt3A_82, %lt3A_84 : i1
      %and3A_86 = arith.andi %ne3A_85, %ne3A_80 : i1
      %add3A_87 = arith.addi %rem3A_78, %select_n3A_77 : i32
      %select_n3A_88 = arith.select %and3A_86, %add3A_87, %rem3A_78 : i32
      %eq3A_89 = arith.constant 1 : i32
      %eq3A_90 = arith.cmpi eq, %select_n3A_88, %eq3A_89 : i32
      %convert_element_type3A_91 = arith.extui %eq3A_90 : i1 to i32
      %cond3A_92 = arith.constant 0 : i32
      %cond3A_93 = arith.cmpi ne, %convert_element_type3A_91, %cond3A_92 : i32
      scf.if %cond3A_93 {
        %ge3A = arith.constant 1 : i32
        %ge3A_94 = arith.cmpi sge, %scan3A_60, %ge3A : i32
        %convert_element_type3A_95 = arith.extui %ge3A_94 : i1 to i32
        %cond3A_96 = arith.constant 0 : i32
        %cond3A_97 = arith.cmpi ne, %convert_element_type3A_95, %cond3A_96 : i32
        scf.if %cond3A_97 {
          %dma_wait3A_364 = arith.constant 0 : i32
          %dma_wait3A_365 = arith.constant 0 : i32
          %dma_wait3A_366 = tpu.memref_slice %arg2[%dma_wait3A_364, %dma_wait3A_365] : memref<10240x128xf32, #tpu.memory_space<hbm>> -> memref<128x128xf32, #tpu.memory_space<hbm>>
          %dma_wait3A_367 = arith.constant 0 : i32
          %dma_wait3A_368 = arith.constant 0 : i32
          %dma_wait3A_369 = tpu.memref_slice %arg2[%dma_wait3A_367, %dma_wait3A_368] : memref<10240x128xf32, #tpu.memory_space<hbm>> -> memref<128x128xf32, #tpu.memory_space<hbm>>
          tpu.wait_dma2 semaphore(%arg34 : memref<!tpu.dma_semaphore, #tpu.memory_space<semaphore_mem>>) src(%dma_wait3A_369 : memref<128x128xf32, #tpu.memory_space<hbm>>) dst(%arg20 : memref<128x128xf32, #tpu.memory_space<vmem>>)
        } else {
        }
        %lt3A_98 = arith.constant 78 : i32
        %lt3A_99 = arith.cmpi slt, %scan3A_60, %lt3A_98 : i32
        %convert_element_type3A_100 = arith.extui %lt3A_99 : i1 to i32
        %cond3A_101 = arith.constant 0 : i32
        %cond3A_102 = arith.cmpi ne, %convert_element_type3A_100, %cond3A_101 : i32
        scf.if %cond3A_102 {
          %dma_wait3A_364 = arith.constant 0 : i32
          %dma_wait3A_365 = arith.constant 0 : i32
          %dma_wait3A_366 = arith.constant 0 : i32
          %dma_wait3A_367 = tpu.memref_slice %arg3[%dma_wait3A_364, %dma_wait3A_365, %dma_wait3A_366] : memref<32x79x128xi32, #tpu.memory_space<hbm>> -> memref<1x1x128xi32, #tpu.memory_space<hbm>>
          %dma_wait3A_368 = tpu.memref_squeeze %dma_wait3A_367 : memref<1x1x128xi32, #tpu.memory_space<hbm>> -> memref<128xi32, #tpu.memory_space<hbm>>
          %dma_wait3A_369 = arith.constant 0 : i32
          %dma_wait3A_370 = tpu.memref_slice %arg3[%dma_wait3A_364, %dma_wait3A_365, %dma_wait3A_369] : memref<32x79x128xi32, #tpu.memory_space<hbm>> -> memref<1x1x128xi32, #tpu.memory_space<hbm>>
          %dma_wait3A_371 = tpu.memref_squeeze %dma_wait3A_370 : memref<1x1x128xi32, #tpu.memory_space<hbm>> -> memref<128xi32, #tpu.memory_space<hbm>>
          tpu.wait_dma2 semaphore(%arg24 : memref<!tpu.dma_semaphore, #tpu.memory_space<semaphore_mem>>) src(%dma_wait3A_371 : memref<128xi32, #tpu.memory_space<hbm>>) dst(%arg12 : memref<128xi32, #tpu.memory_space<vmem>>)
          %dma_start3A_372 = arith.constant 0 : i32
          %dma_start3A_373 = arith.constant 0 : i32
          %dma_start3A_374 = tpu.memref_slice %arg2[%dma_start3A_372, %dma_start3A_373] : memref<10240x128xf32, #tpu.memory_space<hbm>> -> memref<10240x128xf32, #tpu.memory_space<hbm>>
          tpu.enqueue_indirect_dma source(%dma_start3A_374 : memref<10240x128xf32, #tpu.memory_space<hbm>>) target(%arg20 : memref<128x128xf32, #tpu.memory_space<vmem>>) offsets(%arg12 : memref<128xi32, #tpu.memory_space<vmem>>) semaphore(%arg26 : memref<!tpu.dma_semaphore, #tpu.memory_space<semaphore_mem>>)
          %dma_start3A_375 = arith.constant 0 : i32
          %dma_start3A_376 = tpu.memref_slice %arg5[%dma_start3A_375] : memref<10240xf32, #tpu.memory_space<hbm>> -> memref<10240xf32, #tpu.memory_space<hbm>>
          tpu.enqueue_indirect_dma source(%dma_start3A_376 : memref<10240xf32, #tpu.memory_space<hbm>>) target(%arg14 : memref<128xf32, #tpu.memory_space<vmem>>) offsets(%arg12 : memref<128xi32, #tpu.memory_space<vmem>>) semaphore(%arg28 : memref<!tpu.dma_semaphore, #tpu.memory_space<semaphore_mem>>)
          %add3A_377 = arith.constant 1 : i32
          %add3A_378 = arith.addi %scan3A_60, %add3A_377 : i32
          %dma_start3A_379 = arith.constant 0 : i32
          %dma_start3A_380 = tpu.memref_slice %arg11[%add3A_378, %dma_start3A_379] : memref<79x128xi32, #tpu.memory_space<vmem>> -> memref<1x128xi32, #tpu.memory_space<vmem>>
          %dma_start3A_381 = tpu.memref_squeeze %dma_start3A_380 : memref<1x128xi32, #tpu.memory_space<vmem>> -> memref<128xi32, #tpu.memory_space<vmem>>
          %dma_start3A_382 = arith.constant 0 : i32
          %dma_start3A_383 = tpu.memref_slice %arg6[%dma_start3A_382] : memref<10240xf32, #tpu.memory_space<hbm>> -> memref<10240xf32, #tpu.memory_space<hbm>>
          tpu.enqueue_indirect_dma source(%dma_start3A_383 : memref<10240xf32, #tpu.memory_space<hbm>>) target(%arg16 : memref<128xf32, #tpu.memory_space<vmem>>) offsets(%dma_start3A_381 : memref<128xi32, #tpu.memory_space<vmem>>) semaphore(%arg30 : memref<!tpu.dma_semaphore, #tpu.memory_space<semaphore_mem>>)
        } else {
        }
        %dma_wait3A_103 = arith.constant 0 : i32
        %dma_wait3A_104 = arith.constant 0 : i32
        %dma_wait3A_105 = tpu.memref_slice %arg2[%dma_wait3A_103, %dma_wait3A_104] : memref<10240x128xf32, #tpu.memory_space<hbm>> -> memref<128x128xf32, #tpu.memory_space<hbm>>
        %dma_wait3A_106 = arith.constant 0 : i32
        %dma_wait3A_107 = arith.constant 0 : i32
        %dma_wait3A_108 = tpu.memref_slice %arg2[%dma_wait3A_106, %dma_wait3A_107] : memref<10240x128xf32, #tpu.memory_space<hbm>> -> memref<128x128xf32, #tpu.memory_space<hbm>>
        tpu.wait_dma2 semaphore(%arg27 : memref<!tpu.dma_semaphore, #tpu.memory_space<semaphore_mem>>) src(%dma_wait3A_108 : memref<128x128xf32, #tpu.memory_space<hbm>>) dst(%arg21 : memref<128x128xf32, #tpu.memory_space<vmem>>)
        %dma_wait3A_109 = arith.constant 0 : i32
        %dma_wait3A_110 = tpu.memref_slice %arg5[%dma_wait3A_109] : memref<10240xf32, #tpu.memory_space<hbm>> -> memref<128xf32, #tpu.memory_space<hbm>>
        %dma_wait3A_111 = arith.constant 0 : i32
        %dma_wait3A_112 = tpu.memref_slice %arg5[%dma_wait3A_111] : memref<10240xf32, #tpu.memory_space<hbm>> -> memref<128xf32, #tpu.memory_space<hbm>>
        tpu.wait_dma2 semaphore(%arg29 : memref<!tpu.dma_semaphore, #tpu.memory_space<semaphore_mem>>) src(%dma_wait3A_112 : memref<128xf32, #tpu.memory_space<hbm>>) dst(%arg15 : memref<128xf32, #tpu.memory_space<vmem>>)
        %dma_wait3A_113 = arith.constant 0 : i32
        %dma_wait3A_114 = tpu.memref_slice %arg6[%dma_wait3A_113] : memref<10240xf32, #tpu.memory_space<hbm>> -> memref<128xf32, #tpu.memory_space<hbm>>
        %dma_wait3A_115 = arith.constant 0 : i32
        %dma_wait3A_116 = tpu.memref_slice %arg6[%dma_wait3A_115] : memref<10240xf32, #tpu.memory_space<hbm>> -> memref<128xf32, #tpu.memory_space<hbm>>
        tpu.wait_dma2 semaphore(%arg31 : memref<!tpu.dma_semaphore, #tpu.memory_space<semaphore_mem>>) src(%dma_wait3A_116 : memref<128xf32, #tpu.memory_space<hbm>>) dst(%arg17 : memref<128xf32, #tpu.memory_space<vmem>>)
        %lt3A_117 = arith.constant 77 : i32
        %lt3A_118 = arith.cmpi slt, %scan3A_60, %lt3A_117 : i32
        %convert_element_type3A_119 = arith.extui %lt3A_118 : i1 to i32
        %cond3A_120 = arith.constant 0 : i32
        %cond3A_121 = arith.cmpi ne, %convert_element_type3A_119, %cond3A_120 : i32
        scf.if %cond3A_121 {
          %add3A_364 = arith.constant 2 : i32
          %add3A_365 = arith.addi %scan3A_60, %add3A_364 : i32
          %dma_start3A_366 = arith.constant 0 : i32
          %dma_start3A_367 = tpu.memref_slice %arg3[%add3A, %add3A_365, %dma_start3A_366] : memref<32x79x128xi32, #tpu.memory_space<hbm>> -> memref<1x1x128xi32, #tpu.memory_space<hbm>>
          %dma_start3A_368 = tpu.memref_squeeze %dma_start3A_367 : memref<1x1x128xi32, #tpu.memory_space<hbm>> -> memref<128xi32, #tpu.memory_space<hbm>>
          %dma_start3A_369 = arith.constant 0 : i32
          %dma_start3A_370 = tpu.memref_slice %arg3[%add3A, %add3A_365, %dma_start3A_369] : memref<32x79x128xi32, #tpu.memory_space<hbm>> -> memref<1x1x128xi32, #tpu.memory_space<hbm>>
          %dma_start3A_371 = tpu.memref_squeeze %dma_start3A_370 : memref<1x1x128xi32, #tpu.memory_space<hbm>> -> memref<128xi32, #tpu.memory_space<hbm>>
          tpu.enqueue_dma source(%dma_start3A_371 : memref<128xi32, #tpu.memory_space<hbm>>) target(%arg13 : memref<128xi32, #tpu.memory_space<vmem>>) target_semaphore(%arg25 : memref<!tpu.dma_semaphore, #tpu.memory_space<semaphore_mem>>)
        } else {
        }
        %ge3A_122 = arith.constant 2 : i32
        %ge3A_123 = arith.cmpi sge, %scan3A_60, %ge3A_122 : i32
        %convert_element_type3A_124 = arith.extui %ge3A_123 : i1 to i32
        %cond3A_125 = arith.constant 0 : i32
        %cond3A_126 = arith.cmpi ne, %convert_element_type3A_124, %cond3A_125 : i32
        scf.if %cond3A_126 {
          %dma_wait3A_364 = arith.constant 0 : i32
          %dma_wait3A_365 = tpu.memref_slice %arg5[%dma_wait3A_364] : memref<10240xf32, #tpu.memory_space<hbm>> -> memref<128xf32, #tpu.memory_space<hbm>>
          %dma_wait3A_366 = arith.constant 0 : i32
          %dma_wait3A_367 = tpu.memref_slice %arg5[%dma_wait3A_366] : memref<10240xf32, #tpu.memory_space<hbm>> -> memref<128xf32, #tpu.memory_space<hbm>>
          tpu.wait_dma2 semaphore(%arg33 : memref<!tpu.dma_semaphore, #tpu.memory_space<semaphore_mem>>) src(%dma_wait3A_367 : memref<128xf32, #tpu.memory_space<hbm>>) dst(%arg19 : memref<128xf32, #tpu.memory_space<vmem>>)
        } else {
        }
        %get3A = arith.constant 0 : index
        %get3A_127 = tpu.vector_load %arg15[%get3A] {strides = array<i32>} : memref<128xf32, #tpu.memory_space<vmem>>, vector<16xf32>,
        %get3A_128 = arith.constant 0 : index
        %get3A_129 = tpu.vector_load %arg17[%get3A_128] {strides = array<i32>} : memref<128xf32, #tpu.memory_space<vmem>>, vector<16xf32>,
        %add3A_130 = arith.addf %get3A_127, %get3A_129 : vector<16xf32>
        %ge3A_131 = arith.constant 0.000000e+00 : f32
        %ge3A_132 = vector.broadcast %ge3A_131 : f32 to vector<16xf32>
        %ge3A_133 = arith.cmpf oge, %add3A_130, %ge3A_132 : vector<16xf32>
        %mul3A_134 = arith.constant 2.000000e-01 : f32
        %mul3A_135 = vector.broadcast %mul3A_134 : f32 to vector<16xf32>
        %mul3A_136 = arith.mulf %add3A_130, %mul3A_135 : vector<16xf32>
        %select_n3A_137 = arith.select %ge3A_133, %add3A_130, %mul3A_136 : vector<16xi1>, vector<16xf32>
        %mul3A_138 = arith.constant 128 : i32
        %mul3A_139 = arith.muli %scan3A_60, %mul3A_138 : i32
        %add3A_140 = arith.addi %mul3A_8, %mul3A_139 : i32
        %add3A_141 = arith.constant 0 : i32
        %add3A_142 = arith.addi %add3A_140, %add3A_141 : i32
        %add3A_143 = vector.broadcast %add3A_142 : i32 to vector<16xi32>
        %add3A_144 = arith.addi %add3A_143, %iota3A_6 : vector<16xi32>
        %lt3A_145 = arith.constant 320000 : i32
        %lt3A_146 = vector.broadcast %lt3A_145 : i32 to vector<16xi32>
        %lt3A_147 = arith.cmpi slt, %add3A_144, %lt3A_146 : vector<16xi32>
        %exp3A = math.exp %select_n3A_137 : vector<16xf32>
        %jit3A_148 = arith.constant 0.000000e+00 : f32
        %broadcast_in_dim3A = vector.broadcast %jit3A_148 : f32 to vector<16xf32>
        %select_n3A_149 = arith.select %lt3A_147, %exp3A, %broadcast_in_dim3A : vector<16xi1>, vector<16xf32>
        %swap3A = arith.constant 0 : index
        %swap3A_150 = tpu.vector_load %arg19[%swap3A] {strides = array<i32>} : memref<128xf32, #tpu.memory_space<vmem>>, vector<16xf32>,
        tpu.vector_store %arg19[%swap3A], %select_n3A_149 {strides = array<i32>} : memref<128xf32, #tpu.memory_space<vmem>>, vector<16xf32>,
        %get3A_151 = arith.constant 16 : index
        %get3A_152 = tpu.vector_load %arg15[%get3A_151] {strides = array<i32>} : memref<128xf32, #tpu.memory_space<vmem>>, vector<16xf32>,
        %get3A_153 = arith.constant 16 : index
        %get3A_154 = tpu.vector_load %arg17[%get3A_153] {strides = array<i32>} : memref<128xf32, #tpu.memory_space<vmem>>, vector<16xf32>,
        %add3A_155 = arith.addf %get3A_152, %get3A_154 : vector<16xf32>
        %ge3A_156 = arith.constant 0.000000e+00 : f32
        %ge3A_157 = vector.broadcast %ge3A_156 : f32 to vector<16xf32>
        %ge3A_158 = arith.cmpf oge, %add3A_155, %ge3A_157 : vector<16xf32>
        %mul3A_159 = arith.constant 2.000000e-01 : f32
        %mul3A_160 = vector.broadcast %mul3A_159 : f32 to vector<16xf32>
        %mul3A_161 = arith.mulf %add3A_155, %mul3A_160 : vector<16xf32>
        %select_n3A_162 = arith.select %ge3A_158, %add3A_155, %mul3A_161 : vector<16xi1>, vector<16xf32>
        %mul3A_163 = arith.constant 128 : i32
        %mul3A_164 = arith.muli %scan3A_60, %mul3A_163 : i32
        %add3A_165 = arith.addi %mul3A_8, %mul3A_164 : i32
        %add3A_166 = arith.constant 16 : i32
        %add3A_167 = arith.addi %add3A_165, %add3A_166 : i32
        %add3A_168 = vector.broadcast %add3A_167 : i32 to vector<16xi32>
        %add3A_169 = arith.addi %add3A_168, %iota3A_6 : vector<16xi32>
        %lt3A_170 = arith.constant 320000 : i32
        %lt3A_171 = vector.broadcast %lt3A_170 : i32 to vector<16xi32>
        %lt3A_172 = arith.cmpi slt, %add3A_169, %lt3A_171 : vector<16xi32>
        %exp3A_173 = math.exp %select_n3A_162 : vector<16xf32>
        %jit3A_174 = arith.constant 0.000000e+00 : f32
        %broadcast_in_dim3A_175 = vector.broadcast %jit3A_174 : f32 to vector<16xf32>
        %select_n3A_176 = arith.select %lt3A_172, %exp3A_173, %broadcast_in_dim3A_175 : vector<16xi1>, vector<16xf32>
        %swap3A_177 = arith.constant 16 : index
        %swap3A_178 = tpu.vector_load %arg19[%swap3A_177] {strides = array<i32>} : memref<128xf32, #tpu.memory_space<vmem>>, vector<16xf32>,
        tpu.vector_store %arg19[%swap3A_177], %select_n3A_176 {strides = array<i32>} : memref<128xf32, #tpu.memory_space<vmem>>, vector<16xf32>,
        %get3A_179 = arith.constant 32 : index
        %get3A_180 = tpu.vector_load %arg15[%get3A_179] {strides = array<i32>} : memref<128xf32, #tpu.memory_space<vmem>>, vector<16xf32>,
        %get3A_181 = arith.constant 32 : index
        %get3A_182 = tpu.vector_load %arg17[%get3A_181] {strides = array<i32>} : memref<128xf32, #tpu.memory_space<vmem>>, vector<16xf32>,
        %add3A_183 = arith.addf %get3A_180, %get3A_182 : vector<16xf32>
        %ge3A_184 = arith.constant 0.000000e+00 : f32
        %ge3A_185 = vector.broadcast %ge3A_184 : f32 to vector<16xf32>
        %ge3A_186 = arith.cmpf oge, %add3A_183, %ge3A_185 : vector<16xf32>
        %mul3A_187 = arith.constant 2.000000e-01 : f32
        %mul3A_188 = vector.broadcast %mul3A_187 : f32 to vector<16xf32>
        %mul3A_189 = arith.mulf %add3A_183, %mul3A_188 : vector<16xf32>
        %select_n3A_190 = arith.select %ge3A_186, %add3A_183, %mul3A_189 : vector<16xi1>, vector<16xf32>
        %mul3A_191 = arith.constant 128 : i32
        %mul3A_192 = arith.muli %scan3A_60, %mul3A_191 : i32
        %add3A_193 = arith.addi %mul3A_8, %mul3A_192 : i32
        %add3A_194 = arith.constant 32 : i32
        %add3A_195 = arith.addi %add3A_193, %add3A_194 : i32
        %add3A_196 = vector.broadcast %add3A_195 : i32 to vector<16xi32>
        %add3A_197 = arith.addi %add3A_196, %iota3A_6 : vector<16xi32>
        %lt3A_198 = arith.constant 320000 : i32
        %lt3A_199 = vector.broadcast %lt3A_198 : i32 to vector<16xi32>
        %lt3A_200 = arith.cmpi slt, %add3A_197, %lt3A_199 : vector<16xi32>
        %exp3A_201 = math.exp %select_n3A_190 : vector<16xf32>
        %jit3A_202 = arith.constant 0.000000e+00 : f32
        %broadcast_in_dim3A_203 = vector.broadcast %jit3A_202 : f32 to vector<16xf32>
        %select_n3A_204 = arith.select %lt3A_200, %exp3A_201, %broadcast_in_dim3A_203 : vector<16xi1>, vector<16xf32>
        %swap3A_205 = arith.constant 32 : index
        %swap3A_206 = tpu.vector_load %arg19[%swap3A_205] {strides = array<i32>} : memref<128xf32, #tpu.memory_space<vmem>>, vector<16xf32>,
        tpu.vector_store %arg19[%swap3A_205], %select_n3A_204 {strides = array<i32>} : memref<128xf32, #tpu.memory_space<vmem>>, vector<16xf32>,
        %get3A_207 = arith.constant 48 : index
        %get3A_208 = tpu.vector_load %arg15[%get3A_207] {strides = array<i32>} : memref<128xf32, #tpu.memory_space<vmem>>, vector<16xf32>,
        %get3A_209 = arith.constant 48 : index
        %get3A_210 = tpu.vector_load %arg17[%get3A_209] {strides = array<i32>} : memref<128xf32, #tpu.memory_space<vmem>>, vector<16xf32>,
        %add3A_211 = arith.addf %get3A_208, %get3A_210 : vector<16xf32>
        %ge3A_212 = arith.constant 0.000000e+00 : f32
        %ge3A_213 = vector.broadcast %ge3A_212 : f32 to vector<16xf32>
        %ge3A_214 = arith.cmpf oge, %add3A_211, %ge3A_213 : vector<16xf32>
        %mul3A_215 = arith.constant 2.000000e-01 : f32
        %mul3A_216 = vector.broadcast %mul3A_215 : f32 to vector<16xf32>
        %mul3A_217 = arith.mulf %add3A_211, %mul3A_216 : vector<16xf32>
        %select_n3A_218 = arith.select %ge3A_214, %add3A_211, %mul3A_217 : vector<16xi1>, vector<16xf32>
        %mul3A_219 = arith.constant 128 : i32
        %mul3A_220 = arith.muli %scan3A_60, %mul3A_219 : i32
        %add3A_221 = arith.addi %mul3A_8, %mul3A_220 : i32
        %add3A_222 = arith.constant 48 : i32
        %add3A_223 = arith.addi %add3A_221, %add3A_222 : i32
        %add3A_224 = vector.broadcast %add3A_223 : i32 to vector<16xi32>
        %add3A_225 = arith.addi %add3A_224, %iota3A_6 : vector<16xi32>
        %lt3A_226 = arith.constant 320000 : i32
        %lt3A_227 = vector.broadcast %lt3A_226 : i32 to vector<16xi32>
        %lt3A_228 = arith.cmpi slt, %add3A_225, %lt3A_227 : vector<16xi32>
        %exp3A_229 = math.exp %select_n3A_218 : vector<16xf32>
        %jit3A_230 = arith.constant 0.000000e+00 : f32
        %broadcast_in_dim3A_231 = vector.broadcast %jit3A_230 : f32 to vector<16xf32>
        %select_n3A_232 = arith.select %lt3A_228, %exp3A_229, %broadcast_in_dim3A_231 : vector<16xi1>, vector<16xf32>
        %swap3A_233 = arith.constant 48 : index
        %swap3A_234 = tpu.vector_load %arg19[%swap3A_233] {strides = array<i32>} : memref<128xf32, #tpu.memory_space<vmem>>, vector<16xf32>,
        tpu.vector_store %arg19[%swap3A_233], %select_n3A_232 {strides = array<i32>} : memref<128xf32, #tpu.memory_space<vmem>>, vector<16xf32>,
        %get3A_235 = arith.constant 64 : index
        %get3A_236 = tpu.vector_load %arg15[%get3A_235] {strides = array<i32>} : memref<128xf32, #tpu.memory_space<vmem>>, vector<16xf32>,
        %get3A_237 = arith.constant 64 : index
        %get3A_238 = tpu.vector_load %arg17[%get3A_237] {strides = array<i32>} : memref<128xf32, #tpu.memory_space<vmem>>, vector<16xf32>,
        %add3A_239 = arith.addf %get3A_236, %get3A_238 : vector<16xf32>
        %ge3A_240 = arith.constant 0.000000e+00 : f32
        %ge3A_241 = vector.broadcast %ge3A_240 : f32 to vector<16xf32>
        %ge3A_242 = arith.cmpf oge, %add3A_239, %ge3A_241 : vector<16xf32>
        %mul3A_243 = arith.constant 2.000000e-01 : f32
        %mul3A_244 = vector.broadcast %mul3A_243 : f32 to vector<16xf32>
        %mul3A_245 = arith.mulf %add3A_239, %mul3A_244 : vector<16xf32>
        %select_n3A_246 = arith.select %ge3A_242, %add3A_239, %mul3A_245 : vector<16xi1>, vector<16xf32>
        %mul3A_247 = arith.constant 128 : i32
        %mul3A_248 = arith.muli %scan3A_60, %mul3A_247 : i32
        %add3A_249 = arith.addi %mul3A_8, %mul3A_248 : i32
        %add3A_250 = arith.constant 64 : i32
        %add3A_251 = arith.addi %add3A_249, %add3A_250 : i32
        %add3A_252 = vector.broadcast %add3A_251 : i32 to vector<16xi32>
        %add3A_253 = arith.addi %add3A_252, %iota3A_6 : vector<16xi32>
        %lt3A_254 = arith.constant 320000 : i32
        %lt3A_255 = vector.broadcast %lt3A_254 : i32 to vector<16xi32>
        %lt3A_256 = arith.cmpi slt, %add3A_253, %lt3A_255 : vector<16xi32>
        %exp3A_257 = math.exp %select_n3A_246 : vector<16xf32>
        %jit3A_258 = arith.constant 0.000000e+00 : f32
        %broadcast_in_dim3A_259 = vector.broadcast %jit3A_258 : f32 to vector<16xf32>
        %select_n3A_260 = arith.select %lt3A_256, %exp3A_257, %broadcast_in_dim3A_259 : vector<16xi1>, vector<16xf32>
        %swap3A_261 = arith.constant 64 : index
        %swap3A_262 = tpu.vector_load %arg19[%swap3A_261] {strides = array<i32>} : memref<128xf32, #tpu.memory_space<vmem>>, vector<16xf32>,
        tpu.vector_store %arg19[%swap3A_261], %select_n3A_260 {strides = array<i32>} : memref<128xf32, #tpu.memory_space<vmem>>, vector<16xf32>,
        %get3A_263 = arith.constant 80 : index
        %get3A_264 = tpu.vector_load %arg15[%get3A_263] {strides = array<i32>} : memref<128xf32, #tpu.memory_space<vmem>>, vector<16xf32>,
        %get3A_265 = arith.constant 80 : index
        %get3A_266 = tpu.vector_load %arg17[%get3A_265] {strides = array<i32>} : memref<128xf32, #tpu.memory_space<vmem>>, vector<16xf32>,
        %add3A_267 = arith.addf %get3A_264, %get3A_266 : vector<16xf32>
        %ge3A_268 = arith.constant 0.000000e+00 : f32
        %ge3A_269 = vector.broadcast %ge3A_268 : f32 to vector<16xf32>
        %ge3A_270 = arith.cmpf oge, %add3A_267, %ge3A_269 : vector<16xf32>
        %mul3A_271 = arith.constant 2.000000e-01 : f32
        %mul3A_272 = vector.broadcast %mul3A_271 : f32 to vector<16xf32>
        %mul3A_273 = arith.mulf %add3A_267, %mul3A_272 : vector<16xf32>
        %select_n3A_274 = arith.select %ge3A_270, %add3A_267, %mul3A_273 : vector<16xi1>, vector<16xf32>
        %mul3A_275 = arith.constant 128 : i32
        %mul3A_276 = arith.muli %scan3A_60, %mul3A_275 : i32
        %add3A_277 = arith.addi %mul3A_8, %mul3A_276 : i32
        %add3A_278 = arith.constant 80 : i32
        %add3A_279 = arith.addi %add3A_277, %add3A_278 : i32
        %add3A_280 = vector.broadcast %add3A_279 : i32 to vector<16xi32>
        %add3A_281 = arith.addi %add3A_280, %iota3A_6 : vector<16xi32>
        %lt3A_282 = arith.constant 320000 : i32
        %lt3A_283 = vector.broadcast %lt3A_282 : i32 to vector<16xi32>
        %lt3A_284 = arith.cmpi slt, %add3A_281, %lt3A_283 : vector<16xi32>
        %exp3A_285 = math.exp %select_n3A_274 : vector<16xf32>
        %jit3A_286 = arith.constant 0.000000e+00 : f32
        %broadcast_in_dim3A_287 = vector.broadcast %jit3A_286 : f32 to vector<16xf32>
        %select_n3A_288 = arith.select %lt3A_284, %exp3A_285, %broadcast_in_dim3A_287 : vector<16xi1>, vector<16xf32>
        %swap3A_289 = arith.constant 80 : index
        %swap3A_290 = tpu.vector_load %arg19[%swap3A_289] {strides = array<i32>} : memref<128xf32, #tpu.memory_space<vmem>>, vector<16xf32>,
        tpu.vector_store %arg19[%swap3A_289], %select_n3A_288 {strides = array<i32>} : memref<128xf32, #tpu.memory_space<vmem>>, vector<16xf32>,
        %get3A_291 = arith.constant 96 : index
        %get3A_292 = tpu.vector_load %arg15[%get3A_291] {strides = array<i32>} : memref<128xf32, #tpu.memory_space<vmem>>, vector<16xf32>,
        %get3A_293 = arith.constant 96 : index
        %get3A_294 = tpu.vector_load %arg17[%get3A_293] {strides = array<i32>} : memref<128xf32, #tpu.memory_space<vmem>>, vector<16xf32>,
        %add3A_295 = arith.addf %get3A_292, %get3A_294 : vector<16xf32>
        %ge3A_296 = arith.constant 0.000000e+00 : f32
        %ge3A_297 = vector.broadcast %ge3A_296 : f32 to vector<16xf32>
        %ge3A_298 = arith.cmpf oge, %add3A_295, %ge3A_297 : vector<16xf32>
        %mul3A_299 = arith.constant 2.000000e-01 : f32
        %mul3A_300 = vector.broadcast %mul3A_299 : f32 to vector<16xf32>
        %mul3A_301 = arith.mulf %add3A_295, %mul3A_300 : vector<16xf32>
        %select_n3A_302 = arith.select %ge3A_298, %add3A_295, %mul3A_301 : vector<16xi1>, vector<16xf32>
        %mul3A_303 = arith.constant 128 : i32
        %mul3A_304 = arith.muli %scan3A_60, %mul3A_303 : i32
        %add3A_305 = arith.addi %mul3A_8, %mul3A_304 : i32
        %add3A_306 = arith.constant 96 : i32
        %add3A_307 = arith.addi %add3A_305, %add3A_306 : i32
        %add3A_308 = vector.broadcast %add3A_307 : i32 to vector<16xi32>
        %add3A_309 = arith.addi %add3A_308, %iota3A_6 : vector<16xi32>
        %lt3A_310 = arith.constant 320000 : i32
        %lt3A_311 = vector.broadcast %lt3A_310 : i32 to vector<16xi32>
        %lt3A_312 = arith.cmpi slt, %add3A_309, %lt3A_311 : vector<16xi32>
        %exp3A_313 = math.exp %select_n3A_302 : vector<16xf32>
        %jit3A_314 = arith.constant 0.000000e+00 : f32
        %broadcast_in_dim3A_315 = vector.broadcast %jit3A_314 : f32 to vector<16xf32>
        %select_n3A_316 = arith.select %lt3A_312, %exp3A_313, %broadcast_in_dim3A_315 : vector<16xi1>, vector<16xf32>
        %swap3A_317 = arith.constant 96 : index
        %swap3A_318 = tpu.vector_load %arg19[%swap3A_317] {strides = array<i32>} : memref<128xf32, #tpu.memory_space<vmem>>, vector<16xf32>,
        tpu.vector_store %arg19[%swap3A_317], %select_n3A_316 {strides = array<i32>} : memref<128xf32, #tpu.memory_space<vmem>>, vector<16xf32>,
        %get3A_319 = arith.constant 112 : index
        %get3A_320 = tpu.vector_load %arg15[%get3A_319] {strides = array<i32>} : memref<128xf32, #tpu.memory_space<vmem>>, vector<16xf32>,
        %get3A_321 = arith.constant 112 : index
        %get3A_322 = tpu.vector_load %arg17[%get3A_321] {strides = array<i32>} : memref<128xf32, #tpu.memory_space<vmem>>, vector<16xf32>,
        %add3A_323 = arith.addf %get3A_320, %get3A_322 : vector<16xf32>
        %ge3A_324 = arith.constant 0.000000e+00 : f32
        %ge3A_325 = vector.broadcast %ge3A_324 : f32 to vector<16xf32>
        %ge3A_326 = arith.cmpf oge, %add3A_323, %ge3A_325 : vector<16xf32>
        %mul3A_327 = arith.constant 2.000000e-01 : f32
        %mul3A_328 = vector.broadcast %mul3A_327 : f32 to vector<16xf32>
        %mul3A_329 = arith.mulf %add3A_323, %mul3A_328 : vector<16xf32>
        %select_n3A_330 = arith.select %ge3A_326, %add3A_323, %mul3A_329 : vector<16xi1>, vector<16xf32>
        %mul3A_331 = arith.constant 128 : i32
        %mul3A_332 = arith.muli %scan3A_60, %mul3A_331 : i32
        %add3A_333 = arith.addi %mul3A_8, %mul3A_332 : i32
        %add3A_334 = arith.constant 112 : i32
        %add3A_335 = arith.addi %add3A_333, %add3A_334 : i32
        %add3A_336 = vector.broadcast %add3A_335 : i32 to vector<16xi32>
        %add3A_337 = arith.addi %add3A_336, %iota3A_6 : vector<16xi32>
        %lt3A_338 = arith.constant 320000 : i32
        %lt3A_339 = vector.broadcast %lt3A_338 : i32 to vector<16xi32>
        %lt3A_340 = arith.cmpi slt, %add3A_337, %lt3A_339 : vector<16xi32>
        %exp3A_341 = math.exp %select_n3A_330 : vector<16xf32>
        %jit3A_342 = arith.constant 0.000000e+00 : f32
        %broadcast_in_dim3A_343 = vector.broadcast %jit3A_342 : f32 to vector<16xf32>
        %select_n3A_344 = arith.select %lt3A_340, %exp3A_341, %broadcast_in_dim3A_343 : vector<16xi1>, vector<16xf32>
        %swap3A_345 = arith.constant 112 : index
        %swap3A_346 = tpu.vector_load %arg19[%swap3A_345] {strides = array<i32>} : memref<128xf32, #tpu.memory_space<vmem>>, vector<16xf32>,
        tpu.vector_store %arg19[%swap3A_345], %select_n3A_344 {strides = array<i32>} : memref<128xf32, #tpu.memory_space<vmem>>, vector<16xf32>,
        %dma_start3A_347 = arith.constant 0 : i32
        %dma_start3A_348 = tpu.memref_slice %arg11[%scan3A_60, %dma_start3A_347] : memref<79x128xi32, #tpu.memory_space<vmem>> -> memref<1x128xi32, #tpu.memory_space<vmem>>
        %dma_start3A_349 = tpu.memref_squeeze %dma_start3A_348 : memref<1x128xi32, #tpu.memory_space<vmem>> -> memref<128xi32, #tpu.memory_space<vmem>>
        %dma_start3A_350 = arith.constant 0 : i32
        %dma_start3A_351 = tpu.memref_slice %arg23[%dma_start3A_350] : memref<10240xf32, #tpu.memory_space<vmem_shared>> -> memref<10240xf32, #tpu.memory_space<vmem_shared>>
        tpu.enqueue_indirect_dma source(%arg19 : memref<128xf32, #tpu.memory_space<vmem>>) target(%dma_start3A_351 : memref<10240xf32, #tpu.memory_space<vmem_shared>>) offsets(%dma_start3A_349 : memref<128xi32, #tpu.memory_space<vmem>>) semaphore(%arg33 : memref<!tpu.dma_semaphore, #tpu.memory_space<semaphore_mem>>) {add = true}
        %scan3A_352 = arith.constant 0 : i32
        %scan3A_353 = arith.constant 0 : i32
        %scan3A_354 = arith.constant 128 : i32
        %scan3A_355 = arith.addi %scan3A_353, %scan3A_354 : i32
        %scan3A_356 = arith.constant 2 : i32
        scf.for %scan3A_364 = %scan3A_353 to %scan3A_355 step %scan3A_356  : i32 {
          %add3A_365 = vector.broadcast %scan3A_364 : i32 to vector<16xi32>
          %add3A_366 = arith.addi %mul3A_5, %add3A_365 : vector<16xi32>
          %gather3A = tpu.vector_load_idx %arg19[%add3A_366] : memref<128xf32, #tpu.memory_space<vmem>>[vector<16xi32>], vector<16xf32>,
          %get3A_367 = arith.index_cast %scan3A_364 : i32 to index
          %get3A_368 = arith.constant 0 : index
          %get3A_369 = tpu.vector_load %arg21[%get3A_367, %get3A_368] {strides = array<i32>} : memref<128x128xf32, #tpu.memory_space<vmem>>, vector<16xf32>,
          %mul3A_370 = arith.mulf %get3A_369, %gather3A : vector<16xf32>
          %swap3A_371 = arith.index_cast %scan3A_364 : i32 to index
          %swap3A_372 = arith.constant 0 : index
          %swap3A_373 = tpu.vector_load %arg21[%swap3A_371, %swap3A_372] {strides = array<i32>} : memref<128x128xf32, #tpu.memory_space<vmem>>, vector<16xf32>,
          tpu.vector_store %arg21[%swap3A_371, %swap3A_372], %mul3A_370 {strides = array<i32>} : memref<128x128xf32, #tpu.memory_space<vmem>>, vector<16xf32>,
          %get3A_374 = arith.index_cast %scan3A_364 : i32 to index
          %get3A_375 = arith.constant 16 : index
          %get3A_376 = tpu.vector_load %arg21[%get3A_374, %get3A_375] {strides = array<i32>} : memref<128x128xf32, #tpu.memory_space<vmem>>, vector<16xf32>,
          %mul3A_377 = arith.mulf %get3A_376, %gather3A : vector<16xf32>
          %swap3A_378 = arith.index_cast %scan3A_364 : i32 to index
          %swap3A_379 = arith.constant 16 : index
          %swap3A_380 = tpu.vector_load %arg21[%swap3A_378, %swap3A_379] {strides = array<i32>} : memref<128x128xf32, #tpu.memory_space<vmem>>, vector<16xf32>,
          tpu.vector_store %arg21[%swap3A_378, %swap3A_379], %mul3A_377 {strides = array<i32>} : memref<128x128xf32, #tpu.memory_space<vmem>>, vector<16xf32>,
          %get3A_381 = arith.index_cast %scan3A_364 : i32 to index
          %get3A_382 = arith.constant 32 : index
          %get3A_383 = tpu.vector_load %arg21[%get3A_381, %get3A_382] {strides = array<i32>} : memref<128x128xf32, #tpu.memory_space<vmem>>, vector<16xf32>,
          %mul3A_384 = arith.mulf %get3A_383, %gather3A : vector<16xf32>
          %swap3A_385 = arith.index_cast %scan3A_364 : i32 to index
          %swap3A_386 = arith.constant 32 : index
          %swap3A_387 = tpu.vector_load %arg21[%swap3A_385, %swap3A_386] {strides = array<i32>} : memref<128x128xf32, #tpu.memory_space<vmem>>, vector<16xf32>,
          tpu.vector_store %arg21[%swap3A_385, %swap3A_386], %mul3A_384 {strides = array<i32>} : memref<128x128xf32, #tpu.memory_space<vmem>>, vector<16xf32>,
          %get3A_388 = arith.index_cast %scan3A_364 : i32 to index
          %get3A_389 = arith.constant 48 : index
          %get3A_390 = tpu.vector_load %arg21[%get3A_388, %get3A_389] {strides = array<i32>} : memref<128x128xf32, #tpu.memory_space<vmem>>, vector<16xf32>,
          %mul3A_391 = arith.mulf %get3A_390, %gather3A : vector<16xf32>
          %swap3A_392 = arith.index_cast %scan3A_364 : i32 to index
          %swap3A_393 = arith.constant 48 : index
          %swap3A_394 = tpu.vector_load %arg21[%swap3A_392, %swap3A_393] {strides = array<i32>} : memref<128x128xf32, #tpu.memory_space<vmem>>, vector<16xf32>,
          tpu.vector_store %arg21[%swap3A_392, %swap3A_393], %mul3A_391 {strides = array<i32>} : memref<128x128xf32, #tpu.memory_space<vmem>>, vector<16xf32>,
          %get3A_395 = arith.index_cast %scan3A_364 : i32 to index
          %get3A_396 = arith.constant 64 : index
          %get3A_397 = tpu.vector_load %arg21[%get3A_395, %get3A_396] {strides = array<i32>} : memref<128x128xf32, #tpu.memory_space<vmem>>, vector<16xf32>,
          %mul3A_398 = arith.mulf %get3A_397, %gather3A : vector<16xf32>
          %swap3A_399 = arith.index_cast %scan3A_364 : i32 to index
          %swap3A_400 = arith.constant 64 : index
          %swap3A_401 = tpu.vector_load %arg21[%swap3A_399, %swap3A_400] {strides = array<i32>} : memref<128x128xf32, #tpu.memory_space<vmem>>, vector<16xf32>,
          tpu.vector_store %arg21[%swap3A_399, %swap3A_400], %mul3A_398 {strides = array<i32>} : memref<128x128xf32, #tpu.memory_space<vmem>>, vector<16xf32>,
          %get3A_402 = arith.index_cast %scan3A_364 : i32 to index
          %get3A_403 = arith.constant 80 : index
          %get3A_404 = tpu.vector_load %arg21[%get3A_402, %get3A_403] {strides = array<i32>} : memref<128x128xf32, #tpu.memory_space<vmem>>, vector<16xf32>,
          %mul3A_405 = arith.mulf %get3A_404, %gather3A : vector<16xf32>
          %swap3A_406 = arith.index_cast %scan3A_364 : i32 to index
          %swap3A_407 = arith.constant 80 : index
          %swap3A_408 = tpu.vector_load %arg21[%swap3A_406, %swap3A_407] {strides = array<i32>} : memref<128x128xf32, #tpu.memory_space<vmem>>, vector<16xf32>,
          tpu.vector_store %arg21[%swap3A_406, %swap3A_407], %mul3A_405 {strides = array<i32>} : memref<128x128xf32, #tpu.memory_space<vmem>>, vector<16xf32>,
          %get3A_409 = arith.index_cast %scan3A_364 : i32 to index
          %get3A_410 = arith.constant 96 : index
          %get3A_411 = tpu.vector_load %arg21[%get3A_409, %get3A_410] {strides = array<i32>} : memref<128x128xf32, #tpu.memory_space<vmem>>, vector<16xf32>,
          %mul3A_412 = arith.mulf %get3A_411, %gather3A : vector<16xf32>
          %swap3A_413 = arith.index_cast %scan3A_364 : i32 to index
          %swap3A_414 = arith.constant 96 : index
          %swap3A_415 = tpu.vector_load %arg21[%swap3A_413, %swap3A_414] {strides = array<i32>} : memref<128x128xf32, #tpu.memory_space<vmem>>, vector<16xf32>,
          tpu.vector_store %arg21[%swap3A_413, %swap3A_414], %mul3A_412 {strides = array<i32>} : memref<128x128xf32, #tpu.memory_space<vmem>>, vector<16xf32>,
          %get3A_416 = arith.index_cast %scan3A_364 : i32 to index
          %get3A_417 = arith.constant 112 : index
          %get3A_418 = tpu.vector_load %arg21[%get3A_416, %get3A_417] {strides = array<i32>} : memref<128x128xf32, #tpu.memory_space<vmem>>, vector<16xf32>,
          %mul3A_419 = arith.mulf %get3A_418, %gather3A : vector<16xf32>
          %swap3A_420 = arith.index_cast %scan3A_364 : i32 to index
          %swap3A_421 = arith.constant 112 : index
          %swap3A_422 = tpu.vector_load %arg21[%swap3A_420, %swap3A_421] {strides = array<i32>} : memref<128x128xf32, #tpu.memory_space<vmem>>, vector<16xf32>,
          tpu.vector_store %arg21[%swap3A_420, %swap3A_421], %mul3A_419 {strides = array<i32>} : memref<128x128xf32, #tpu.memory_space<vmem>>, vector<16xf32>,
          %scan3A_423 = arith.constant 1 : i32
          %scan3A_424 = arith.addi %scan3A_364, %scan3A_423 : i32
          %add3A_425 = vector.broadcast %scan3A_424 : i32 to vector<16xi32>
          %add3A_426 = arith.addi %mul3A_5, %add3A_425 : vector<16xi32>
          %gather3A_427 = tpu.vector_load_idx %arg19[%add3A_426] : memref<128xf32, #tpu.memory_space<vmem>>[vector<16xi32>], vector<16xf32>,
          %get3A_428 = arith.index_cast %scan3A_424 : i32 to index
          %get3A_429 = arith.constant 0 : index
          %get3A_430 = tpu.vector_load %arg21[%get3A_428, %get3A_429] {strides = array<i32>} : memref<128x128xf32, #tpu.memory_space<vmem>>, vector<16xf32>,
          %mul3A_431 = arith.mulf %get3A_430, %gather3A_427 : vector<16xf32>
          %swap3A_432 = arith.index_cast %scan3A_424 : i32 to index
          %swap3A_433 = arith.constant 0 : index
          %swap3A_434 = tpu.vector_load %arg21[%swap3A_432, %swap3A_433] {strides = array<i32>} : memref<128x128xf32, #tpu.memory_space<vmem>>, vector<16xf32>,
          tpu.vector_store %arg21[%swap3A_432, %swap3A_433], %mul3A_431 {strides = array<i32>} : memref<128x128xf32, #tpu.memory_space<vmem>>, vector<16xf32>,
          %get3A_435 = arith.index_cast %scan3A_424 : i32 to index
          %get3A_436 = arith.constant 16 : index
          %get3A_437 = tpu.vector_load %arg21[%get3A_435, %get3A_436] {strides = array<i32>} : memref<128x128xf32, #tpu.memory_space<vmem>>, vector<16xf32>,
          %mul3A_438 = arith.mulf %get3A_437, %gather3A_427 : vector<16xf32>
          %swap3A_439 = arith.index_cast %scan3A_424 : i32 to index
          %swap3A_440 = arith.constant 16 : index
          %swap3A_441 = tpu.vector_load %arg21[%swap3A_439, %swap3A_440] {strides = array<i32>} : memref<128x128xf32, #tpu.memory_space<vmem>>, vector<16xf32>,
          tpu.vector_store %arg21[%swap3A_439, %swap3A_440], %mul3A_438 {strides = array<i32>} : memref<128x128xf32, #tpu.memory_space<vmem>>, vector<16xf32>,
          %get3A_442 = arith.index_cast %scan3A_424 : i32 to index
          %get3A_443 = arith.constant 32 : index
          %get3A_444 = tpu.vector_load %arg21[%get3A_442, %get3A_443] {strides = array<i32>} : memref<128x128xf32, #tpu.memory_space<vmem>>, vector<16xf32>,
          %mul3A_445 = arith.mulf %get3A_444, %gather3A_427 : vector<16xf32>
          %swap3A_446 = arith.index_cast %scan3A_424 : i32 to index
          %swap3A_447 = arith.constant 32 : index
          %swap3A_448 = tpu.vector_load %arg21[%swap3A_446, %swap3A_447] {strides = array<i32>} : memref<128x128xf32, #tpu.memory_space<vmem>>, vector<16xf32>,
          tpu.vector_store %arg21[%swap3A_446, %swap3A_447], %mul3A_445 {strides = array<i32>} : memref<128x128xf32, #tpu.memory_space<vmem>>, vector<16xf32>,
          %get3A_449 = arith.index_cast %scan3A_424 : i32 to index
          %get3A_450 = arith.constant 48 : index
          %get3A_451 = tpu.vector_load %arg21[%get3A_449, %get3A_450] {strides = array<i32>} : memref<128x128xf32, #tpu.memory_space<vmem>>, vector<16xf32>,
          %mul3A_452 = arith.mulf %get3A_451, %gather3A_427 : vector<16xf32>
          %swap3A_453 = arith.index_cast %scan3A_424 : i32 to index
          %swap3A_454 = arith.constant 48 : index
          %swap3A_455 = tpu.vector_load %arg21[%swap3A_453, %swap3A_454] {strides = array<i32>} : memref<128x128xf32, #tpu.memory_space<vmem>>, vector<16xf32>,
          tpu.vector_store %arg21[%swap3A_453, %swap3A_454], %mul3A_452 {strides = array<i32>} : memref<128x128xf32, #tpu.memory_space<vmem>>, vector<16xf32>,
          %get3A_456 = arith.index_cast %scan3A_424 : i32 to index
          %get3A_457 = arith.constant 64 : index
          %get3A_458 = tpu.vector_load %arg21[%get3A_456, %get3A_457] {strides = array<i32>} : memref<128x128xf32, #tpu.memory_space<vmem>>, vector<16xf32>,
          %mul3A_459 = arith.mulf %get3A_458, %gather3A_427 : vector<16xf32>
          %swap3A_460 = arith.index_cast %scan3A_424 : i32 to index
          %swap3A_461 = arith.constant 64 : index
          %swap3A_462 = tpu.vector_load %arg21[%swap3A_460, %swap3A_461] {strides = array<i32>} : memref<128x128xf32, #tpu.memory_space<vmem>>, vector<16xf32>,
          tpu.vector_store %arg21[%swap3A_460, %swap3A_461], %mul3A_459 {strides = array<i32>} : memref<128x128xf32, #tpu.memory_space<vmem>>, vector<16xf32>,
          %get3A_463 = arith.index_cast %scan3A_424 : i32 to index
          %get3A_464 = arith.constant 80 : index
          %get3A_465 = tpu.vector_load %arg21[%get3A_463, %get3A_464] {strides = array<i32>} : memref<128x128xf32, #tpu.memory_space<vmem>>, vector<16xf32>,
          %mul3A_466 = arith.mulf %get3A_465, %gather3A_427 : vector<16xf32>
          %swap3A_467 = arith.index_cast %scan3A_424 : i32 to index
          %swap3A_468 = arith.constant 80 : index
          %swap3A_469 = tpu.vector_load %arg21[%swap3A_467, %swap3A_468] {strides = array<i32>} : memref<128x128xf32, #tpu.memory_space<vmem>>, vector<16xf32>,
          tpu.vector_store %arg21[%swap3A_467, %swap3A_468], %mul3A_466 {strides = array<i32>} : memref<128x128xf32, #tpu.memory_space<vmem>>, vector<16xf32>,
          %get3A_470 = arith.index_cast %scan3A_424 : i32 to index
          %get3A_471 = arith.constant 96 : index
          %get3A_472 = tpu.vector_load %arg21[%get3A_470, %get3A_471] {strides = array<i32>} : memref<128x128xf32, #tpu.memory_space<vmem>>, vector<16xf32>,
          %mul3A_473 = arith.mulf %get3A_472, %gather3A_427 : vector<16xf32>
          %swap3A_474 = arith.index_cast %scan3A_424 : i32 to index
          %swap3A_475 = arith.constant 96 : index
          %swap3A_476 = tpu.vector_load %arg21[%swap3A_474, %swap3A_475] {strides = array<i32>} : memref<128x128xf32, #tpu.memory_space<vmem>>, vector<16xf32>,
          tpu.vector_store %arg21[%swap3A_474, %swap3A_475], %mul3A_473 {strides = array<i32>} : memref<128x128xf32, #tpu.memory_space<vmem>>, vector<16xf32>,
          %get3A_477 = arith.index_cast %scan3A_424 : i32 to index
          %get3A_478 = arith.constant 112 : index
          %get3A_479 = tpu.vector_load %arg21[%get3A_477, %get3A_478] {strides = array<i32>} : memref<128x128xf32, #tpu.memory_space<vmem>>, vector<16xf32>,
          %mul3A_480 = arith.mulf %get3A_479, %gather3A_427 : vector<16xf32>
          %swap3A_481 = arith.index_cast %scan3A_424 : i32 to index
          %swap3A_482 = arith.constant 112 : index
          %swap3A_483 = tpu.vector_load %arg21[%swap3A_481, %swap3A_482] {strides = array<i32>} : memref<128x128xf32, #tpu.memory_space<vmem>>, vector<16xf32>,
          tpu.vector_store %arg21[%swap3A_481, %swap3A_482], %mul3A_480 {strides = array<i32>} : memref<128x128xf32, #tpu.memory_space<vmem>>, vector<16xf32>,
        }
        %scan3A_357 = arith.constant 128 : i32
        %dma_start3A_358 = arith.constant 0 : i32
        %dma_start3A_359 = tpu.memref_slice %arg11[%scan3A_60, %dma_start3A_358] : memref<79x128xi32, #tpu.memory_space<vmem>> -> memref<1x128xi32, #tpu.memory_space<vmem>>
        %dma_start3A_360 = tpu.memref_squeeze %dma_start3A_359 : memref<1x128xi32, #tpu.memory_space<vmem>> -> memref<128xi32, #tpu.memory_space<vmem>>
        %dma_start3A_361 = arith.constant 0 : i32
        %dma_start3A_362 = arith.constant 0 : i32
        %dma_start3A_363 = tpu.memref_slice %arg22[%dma_start3A_361, %dma_start3A_362] : memref<10240x128xf32, #tpu.memory_space<vmem_shared>> -> memref<10240x128xf32, #tpu.memory_space<vmem_shared>>
        tpu.enqueue_indirect_dma source(%arg21 : memref<128x128xf32, #tpu.memory_space<vmem>>) target(%dma_start3A_363 : memref<10240x128xf32, #tpu.memory_space<vmem_shared>>) offsets(%dma_start3A_360 : memref<128xi32, #tpu.memory_space<vmem>>) semaphore(%arg35 : memref<!tpu.dma_semaphore, #tpu.memory_space<semaphore_mem>>) {add = true}
      } else {
      }
    }
    %scan3A_44 = arith.constant 79 : i32
    %dma_wait3A_45 = arith.constant 0 : i32
    %dma_wait3A_46 = arith.constant 0 : i32
    %dma_wait3A_47 = tpu.memref_slice %arg2[%dma_wait3A_45, %dma_wait3A_46] : memref<10240x128xf32, #tpu.memory_space<hbm>> -> memref<128x128xf32, #tpu.memory_space<hbm>>
    %dma_wait3A_48 = arith.constant 0 : i32
    %dma_wait3A_49 = arith.constant 0 : i32
    %dma_wait3A_50 = tpu.memref_slice %arg2[%dma_wait3A_48, %dma_wait3A_49] : memref<10240x128xf32, #tpu.memory_space<hbm>> -> memref<128x128xf32, #tpu.memory_space<hbm>>
    tpu.wait_dma2 semaphore(%arg34 : memref<!tpu.dma_semaphore, #tpu.memory_space<semaphore_mem>>) src(%dma_wait3A_50 : memref<128x128xf32, #tpu.memory_space<hbm>>) dst(%arg20 : memref<128x128xf32, #tpu.memory_space<vmem>>)
    %dma_wait3A_51 = arith.constant 0 : i32
    %dma_wait3A_52 = tpu.memref_slice %arg5[%dma_wait3A_51] : memref<10240xf32, #tpu.memory_space<hbm>> -> memref<128xf32, #tpu.memory_space<hbm>>
    %dma_wait3A_53 = arith.constant 0 : i32
    %dma_wait3A_54 = tpu.memref_slice %arg5[%dma_wait3A_53] : memref<10240xf32, #tpu.memory_space<hbm>> -> memref<128xf32, #tpu.memory_space<hbm>>
    tpu.wait_dma2 semaphore(%arg32 : memref<!tpu.dma_semaphore, #tpu.memory_space<semaphore_mem>>) src(%dma_wait3A_54 : memref<128xf32, #tpu.memory_space<hbm>>) dst(%arg18 : memref<128xf32, #tpu.memory_space<vmem>>)
    %dma_wait3A_55 = arith.constant 0 : i32
    %dma_wait3A_56 = tpu.memref_slice %arg5[%dma_wait3A_55] : memref<10240xf32, #tpu.memory_space<hbm>> -> memref<128xf32, #tpu.memory_space<hbm>>
    %dma_wait3A_57 = arith.constant 0 : i32
    %dma_wait3A_58 = tpu.memref_slice %arg5[%dma_wait3A_57] : memref<10240xf32, #tpu.memory_space<hbm>> -> memref<128xf32, #tpu.memory_space<hbm>>
    tpu.wait_dma2 semaphore(%arg33 : memref<!tpu.dma_semaphore, #tpu.memory_space<semaphore_mem>>) src(%dma_wait3A_58 : memref<128xf32, #tpu.memory_space<hbm>>) dst(%arg19 : memref<128xf32, #tpu.memory_space<vmem>>)
    %barrier3A_59 = arith.constant 0 : index
    tpu.barrier barrier_id(%barrier3A_59)
    "tpu.region"() ({
      %run_scoped3A = tpu.sem_alloc : memref<!tpu.dma_semaphore, #tpu.memory_space<semaphore_mem>>
      %dma_start3A_60 = arith.constant 0 : i32
      %dma_start3A_61 = tpu.memref_slice %arg9[%arg0, %mul3A_2, %dma_start3A_60] : memref<2x10240x128xf32, #tpu.memory_space<hbm>> -> memref<1x640x128xf32, #tpu.memory_space<hbm>>
      %dma_start3A_62 = tpu.memref_squeeze %dma_start3A_61 : memref<1x640x128xf32, #tpu.memory_space<hbm>> -> memref<640x128xf32, #tpu.memory_space<hbm>>
      %dma_start3A_63 = arith.constant 0 : i32
      %dma_start3A_64 = tpu.memref_slice %arg22[%mul3A_2, %dma_start3A_63] : memref<10240x128xf32, #tpu.memory_space<vmem_shared>> -> memref<640x128xf32, #tpu.memory_space<vmem_shared>>
      tpu.enqueue_dma source(%dma_start3A_64 : memref<640x128xf32, #tpu.memory_space<vmem_shared>>) target(%dma_start3A_62 : memref<640x128xf32, #tpu.memory_space<hbm>>) target_semaphore(%run_scoped3A : memref<!tpu.dma_semaphore, #tpu.memory_space<semaphore_mem>>)
      %dma_wait3A_65 = arith.constant 0 : i32
      %dma_wait3A_66 = tpu.memref_slice %arg9[%arg0, %mul3A_2, %dma_wait3A_65] : memref<2x10240x128xf32, #tpu.memory_space<hbm>> -> memref<1x640x128xf32, #tpu.memory_space<hbm>>
      %dma_wait3A_67 = tpu.memref_squeeze %dma_wait3A_66 : memref<1x640x128xf32, #tpu.memory_space<hbm>> -> memref<640x128xf32, #tpu.memory_space<hbm>>
      %dma_wait3A_68 = arith.constant 0 : i32
      %dma_wait3A_69 = tpu.memref_slice %arg22[%mul3A_2, %dma_wait3A_68] : memref<10240x128xf32, #tpu.memory_space<vmem_shared>> -> memref<640x128xf32, #tpu.memory_space<vmem_shared>>
      tpu.wait_dma2 semaphore(%run_scoped3A : memref<!tpu.dma_semaphore, #tpu.memory_space<semaphore_mem>>) src(%dma_wait3A_69 : memref<640x128xf32, #tpu.memory_space<vmem_shared>>) dst(%dma_wait3A_67 : memref<640x128xf32, #tpu.memory_space<hbm>>)
      tpu.yield
    }) : () -> ()
    "tpu.region"() ({
      %run_scoped3A = tpu.sem_alloc : memref<!tpu.dma_semaphore, #tpu.memory_space<semaphore_mem>>
      %dma_start3A_60 = tpu.memref_slice %arg10[%arg0, %mul3A_2] : memref<2x10240xf32, #tpu.memory_space<hbm>> -> memref<1x640xf32, #tpu.memory_space<hbm>>
      %dma_start3A_61 = tpu.memref_squeeze %dma_start3A_60 : memref<1x640xf32, #tpu.memory_space<hbm>> -> memref<640xf32, #tpu.memory_space<hbm>>
      %dma_start3A_62 = tpu.memref_slice %arg23[%mul3A_2] : memref<10240xf32, #tpu.memory_space<vmem_shared>> -> memref<640xf32, #tpu.memory_space<vmem_shared>>
      tpu.enqueue_dma source(%dma_start3A_62 : memref<640xf32, #tpu.memory_space<vmem_shared>>) target(%dma_start3A_61 : memref<640xf32, #tpu.memory_space<hbm>>) target_semaphore(%run_scoped3A : memref<!tpu.dma_semaphore, #tpu.memory_space<semaphore_mem>>)
      %dma_wait3A_63 = tpu.memref_slice %arg10[%arg0, %mul3A_2] : memref<2x10240xf32, #tpu.memory_space<hbm>> -> memref<1x640xf32, #tpu.memory_space<hbm>>
      %dma_wait3A_64 = tpu.memref_squeeze %dma_wait3A_63 : memref<1x640xf32, #tpu.memory_space<hbm>> -> memref<640xf32, #tpu.memory_space<hbm>>
      %dma_wait3A_65 = tpu.memref_slice %arg23[%mul3A_2] : memref<10240xf32, #tpu.memory_space<vmem_shared>> -> memref<640xf32, #tpu.memory_space<vmem_shared>>
      tpu.wait_dma2 semaphore(%run_scoped3A : memref<!tpu.dma_semaphore, #tpu.memory_space<semaphore_mem>>) src(%dma_wait3A_65 : memref<640xf32, #tpu.memory_space<vmem_shared>>) dst(%dma_wait3A_64 : memref<640xf32, #tpu.memory_space<hbm>>)
      tpu.yield
    }) : () -> ()
    return
  }
}

module attributes {stable_mosaic.version = 14 : i64} {
  func.func @_prep_body(%arg0: i32, %arg1: memref<1024x128xf32, #tpu.memory_space<vmem>>, %arg2: memref<128x128xf32, #tpu.memory_space<vmem>>, %arg3: memref<128xf32, #tpu.memory_space<vmem>>, %arg4: memref<128xf32, #tpu.memory_space<vmem>>, %arg5: memref<1024x128xf32, #tpu.memory_space<vmem>>, %arg6: memref<1024xf32, #tpu.memory_space<vmem>>, %arg7: memref<1024xf32, #tpu.memory_space<vmem>>, %arg8: memref<1024xf32, #tpu.memory_space<vmem>>) attributes {dimension_semantics = [#tpu.dimension_semantics<arbitrary>], iteration_bounds = array<i64: 10>, scalar_prefetch = 0 : i64, scratch_operands = 0 : i64, tpu.core_type = #tpu.core_type<tc>, window_params = [{transform_indices = @transform_0, window_bounds = array<i64: 1024, 128>}, {pipeline_mode = #tpu.pipeline_mode<synchronous>, transform_indices = @transform_1, window_bounds = array<i64: 128, 128>}, {pipeline_mode = #tpu.pipeline_mode<synchronous>, transform_indices = @transform_2, window_bounds = array<i64: 128>}, {pipeline_mode = #tpu.pipeline_mode<synchronous>, transform_indices = @transform_3, window_bounds = array<i64: 128>}, {transform_indices = @transform_4, window_bounds = array<i64: 1024, 128>}, {transform_indices = @transform_5, window_bounds = array<i64: 1024>}, {transform_indices = @transform_6, window_bounds = array<i64: 1024>}, {transform_indices = @transform_7, window_bounds = array<i64: 1024>}]} {
    %get3A = arith.constant 0 : index
    %get3A_0 = arith.constant 0 : index
    %get3A_1 = vector.load %arg1[%get3A, %get3A_0] : memref<1024x128xf32, #tpu.memory_space<vmem>>, vector<1024x128xf32>
    %get3A_2 = arith.constant 0 : index
    %get3A_3 = arith.constant 0 : index
    %get3A_4 = vector.load %arg2[%get3A_2, %get3A_3] : memref<128x128xf32, #tpu.memory_space<vmem>>, vector<128x128xf32>
    %dot_general3A = arith.constant dense<0.000000e+00> : vector<1024x128xf32>
    %dot_general3A_5 = tpu.matmul %get3A_1, %get3A_4, %dot_general3A {dimension_numbers = #tpu.dot_dimension_numbers<[1], [0], [0], [1], [0, 0, 1, 1], [], []>, transpose_lhs_hint = false} : vector<1024x128xf32>, vector<128x128xf32>, vector<1024x128xf32> -> vector<1024x128xf32>
    %swap3A = arith.constant 0 : index
    %swap3A_6 = arith.constant 0 : index
    %swap3A_7 = vector.load %arg5[%swap3A, %swap3A_6] : memref<1024x128xf32, #tpu.memory_space<vmem>>, vector<1024x128xf32>
    tpu.vector_store %arg5[%swap3A, %swap3A_6], %dot_general3A_5 {strides = array<i32>} : memref<1024x128xf32, #tpu.memory_space<vmem>>, vector<1024x128xf32>,
    %get3A_8 = arith.constant 0 : index
    %get3A_9 = vector.load %arg3[%get3A_8] : memref<128xf32, #tpu.memory_space<vmem>>, vector<128xf32>
    %get3A_10 = arith.constant 0 : index
    %get3A_11 = vector.load %arg4[%get3A_10] : memref<128xf32, #tpu.memory_space<vmem>>, vector<128xf32>
    %dot_general3A_12 = arith.constant dense<0.000000e+00> : vector<1024xf32>
    %dot_general3A_13 = tpu.matmul %dot_general3A_5, %get3A_9, %dot_general3A_12 {dimension_numbers = #tpu.dot_dimension_numbers<[1], [0], [0], [], [0, 0], [], []>, transpose_lhs_hint = false} : vector<1024x128xf32>, vector<128xf32>, vector<1024xf32> -> vector<1024xf32>
    %dot_general3A_14 = arith.constant dense<0.000000e+00> : vector<1024xf32>
    %dot_general3A_15 = tpu.matmul %dot_general3A_5, %get3A_11, %dot_general3A_14 {dimension_numbers = #tpu.dot_dimension_numbers<[1], [0], [0], [], [0, 0], [], []>, transpose_lhs_hint = false} : vector<1024x128xf32>, vector<128xf32>, vector<1024xf32> -> vector<1024xf32>
    %swap3A_16 = arith.constant 0 : index
    %swap3A_17 = vector.load %arg6[%swap3A_16] : memref<1024xf32, #tpu.memory_space<vmem>>, vector<1024xf32>
    tpu.vector_store %arg6[%swap3A_16], %dot_general3A_13 {strides = array<i32>} : memref<1024xf32, #tpu.memory_space<vmem>>, vector<1024xf32>,
    %swap3A_18 = arith.constant 0 : index
    %swap3A_19 = vector.load %arg7[%swap3A_18] : memref<1024xf32, #tpu.memory_space<vmem>>, vector<1024xf32>
    tpu.vector_store %arg7[%swap3A_18], %dot_general3A_15 {strides = array<i32>} : memref<1024xf32, #tpu.memory_space<vmem>>, vector<1024xf32>,
    %add3A = arith.addf %dot_general3A_13, %dot_general3A_15 : vector<1024xf32>
    %ge3A = arith.constant 0.000000e+00 : f32
    %ge3A_20 = vector.broadcast %ge3A : f32 to vector<1024xf32>
    %ge3A_21 = arith.cmpf oge, %add3A, %ge3A_20 : vector<1024xf32>
    %mul3A = arith.constant 2.000000e-01 : f32
    %mul3A_22 = vector.broadcast %mul3A : f32 to vector<1024xf32>
    %mul3A_23 = arith.mulf %add3A, %mul3A_22 : vector<1024xf32>
    %select_n3A = arith.select %ge3A_21, %add3A, %mul3A_23 : vector<1024xi1>, vector<1024xf32>
    %exp3A = math.exp %select_n3A : vector<1024xf32>
    %swap3A_24 = arith.constant 0 : index
    %swap3A_25 = vector.load %arg8[%swap3A_24] : memref<1024xf32, #tpu.memory_space<vmem>>, vector<1024xf32>
    tpu.vector_store %arg8[%swap3A_24], %exp3A {strides = array<i32>} : memref<1024xf32, #tpu.memory_space<vmem>>, vector<1024xf32>,
    return
  }
  func.func @transform_0(%arg0: i32) -> (i32, i32) {
    %c0_i32 = arith.constant 0 : i32
    %c0_i32_0 = arith.constant 0 : i32
    return %arg0, %c0_i32 : i32, i32
  }
  func.func @transform_1(%arg0: i32) -> (i32, i32) {
    %c0_i32 = arith.constant 0 : i32
    %c0_i32_0 = arith.constant 0 : i32
    %c0_i32_1 = arith.constant 0 : i32
    return %c0_i32, %c0_i32_0 : i32, i32
  }
  func.func @transform_2(%arg0: i32) -> i32 {
    %c0_i32 = arith.constant 0 : i32
    %c0_i32_0 = arith.constant 0 : i32
    return %c0_i32 : i32
  }
  func.func @transform_3(%arg0: i32) -> i32 {
    %c0_i32 = arith.constant 0 : i32
    %c0_i32_0 = arith.constant 0 : i32
    return %c0_i32 : i32
  }
  func.func @transform_4(%arg0: i32) -> (i32, i32) {
    %c0_i32 = arith.constant 0 : i32
    %c0_i32_0 = arith.constant 0 : i32
    return %arg0, %c0_i32 : i32, i32
  }
  func.func @transform_5(%arg0: i32) -> i32 {
    %c0_i32 = arith.constant 0 : i32
    return %arg0 : i32
  }
  func.func @transform_6(%arg0: i32) -> i32 {
    %c0_i32 = arith.constant 0 : i32
    return %arg0 : i32
  }
  func.func @transform_7(%arg0: i32) -> i32 {
    %c0_i32 = arith.constant 0 : i32
    return %arg0 : i32
  }
}

module attributes {stable_mosaic.version = 14 : i64} {
  func.func @_comb_prep_body(%arg0: i32, %arg1: memref<1024x128xf32, #tpu.memory_space<vmem>>, %arg2: memref<1024x128xf32, #tpu.memory_space<vmem>>, %arg3: memref<1024x128xf32, #tpu.memory_space<vmem>>, %arg4: memref<1024xf32, #tpu.memory_space<vmem>>, %arg5: memref<1024xf32, #tpu.memory_space<vmem>>, %arg6: memref<1024xf32, #tpu.memory_space<vmem>>, %arg7: memref<128xf32, #tpu.memory_space<vmem>>, %arg8: memref<128x128xf32, #tpu.memory_space<vmem>>, %arg9: memref<128xf32, #tpu.memory_space<vmem>>, %arg10: memref<128xf32, #tpu.memory_space<vmem>>, %arg11: memref<1024x128xf32, #tpu.memory_space<vmem>>, %arg12: memref<1024xf32, #tpu.memory_space<vmem>>, %arg13: memref<1024xf32, #tpu.memory_space<vmem>>, %arg14: memref<1024xf32, #tpu.memory_space<vmem>>) attributes {dimension_semantics = [#tpu.dimension_semantics<arbitrary>], iteration_bounds = array<i64: 10>, scalar_prefetch = 0 : i64, scratch_operands = 0 : i64, tpu.core_type = #tpu.core_type<tc>, window_params = [{transform_indices = @transform_0, window_bounds = array<i64: 1024, 128>}, {transform_indices = @transform_1, window_bounds = array<i64: 1024, 128>}, {transform_indices = @transform_2, window_bounds = array<i64: 1024, 128>}, {transform_indices = @transform_3, window_bounds = array<i64: 1024>}, {transform_indices = @transform_4, window_bounds = array<i64: 1024>}, {transform_indices = @transform_5, window_bounds = array<i64: 1024>}, {pipeline_mode = #tpu.pipeline_mode<synchronous>, transform_indices = @transform_6, window_bounds = array<i64: 128>}, {pipeline_mode = #tpu.pipeline_mode<synchronous>, transform_indices = @transform_7, window_bounds = array<i64: 128, 128>}, {pipeline_mode = #tpu.pipeline_mode<synchronous>, transform_indices = @transform_8, window_bounds = array<i64: 128>}, {pipeline_mode = #tpu.pipeline_mode<synchronous>, transform_indices = @transform_9, window_bounds = array<i64: 128>}, {transform_indices = @transform_10, window_bounds = array<i64: 1024, 128>}, {transform_indices = @transform_11, window_bounds = array<i64: 1024>}, {transform_indices = @transform_12, window_bounds = array<i64: 1024>}, {transform_indices = @transform_13, window_bounds = array<i64: 1024>}]} {
    %get3A = arith.constant 0 : index
    %get3A_0 = arith.constant 0 : index
    %get3A_1 = vector.load %arg1[%get3A, %get3A_0] : memref<1024x128xf32, #tpu.memory_space<vmem>>, vector<1024x128xf32>
    %get3A_2 = arith.constant 0 : index
    %get3A_3 = arith.constant 0 : index
    %get3A_4 = vector.load %arg2[%get3A_2, %get3A_3] : memref<1024x128xf32, #tpu.memory_space<vmem>>, vector<1024x128xf32>
    %get3A_5 = arith.constant 0 : index
    %get3A_6 = arith.constant 0 : index
    %get3A_7 = vector.load %arg3[%get3A_5, %get3A_6] : memref<1024x128xf32, #tpu.memory_space<vmem>>, vector<1024x128xf32>
    %get3A_8 = arith.constant 0 : index
    %get3A_9 = vector.load %arg4[%get3A_8] : memref<1024xf32, #tpu.memory_space<vmem>>, vector<1024xf32>
    %get3A_10 = arith.constant 0 : index
    %get3A_11 = vector.load %arg5[%get3A_10] : memref<1024xf32, #tpu.memory_space<vmem>>, vector<1024xf32>
    %get3A_12 = arith.constant 0 : index
    %get3A_13 = vector.load %arg6[%get3A_12] : memref<1024xf32, #tpu.memory_space<vmem>>, vector<1024xf32>
    %get3A_14 = arith.constant 0 : index
    %get3A_15 = vector.load %arg7[%get3A_14] : memref<128xf32, #tpu.memory_space<vmem>>, vector<128xf32>
    %add3A = arith.addf %get3A_11, %get3A_13 : vector<1024xf32>
    %add3A_16 = arith.addf %add3A, %get3A_9 : vector<1024xf32>
    %add3A_17 = arith.constant 1.000000e-16 : f32
    %add3A_18 = vector.broadcast %add3A_17 : f32 to vector<1024xf32>
    %add3A_19 = arith.addf %add3A_16, %add3A_18 : vector<1024xf32>
    %div3A = arith.constant 1.000000e+00 : f32
    %div3A_20 = vector.broadcast %div3A : f32 to vector<1024xf32>
    %div3A_21 = arith.divf %div3A_20, %add3A_19 : vector<1024xf32>
    %add3A_22 = arith.addf %get3A_1, %get3A_4 : vector<1024x128xf32>
    %broadcast_in_dim3A = vector.shape_cast %div3A_21 : vector<1024xf32> to vector<1024x1xf32>
    %mul3A = vector.broadcast %broadcast_in_dim3A : vector<1024x1xf32> to vector<1024x128xf32>
    %mul3A_23 = arith.mulf %add3A_22, %mul3A : vector<1024x128xf32>
    %mul3A_24 = arith.mulf %get3A_9, %div3A_21 : vector<1024xf32>
    %broadcast_in_dim3A_25 = vector.shape_cast %mul3A_24 : vector<1024xf32> to vector<1024x1xf32>
    %mul3A_26 = vector.broadcast %broadcast_in_dim3A_25 : vector<1024x1xf32> to vector<1024x128xf32>
    %mul3A_27 = arith.mulf %get3A_7, %mul3A_26 : vector<1024x128xf32>
    %add3A_28 = arith.addf %mul3A_23, %mul3A_27 : vector<1024x128xf32>
    %broadcast_in_dim3A_29 = vector.shape_cast %get3A_15 : vector<128xf32> to vector<1x128xf32>
    %add3A_30 = vector.broadcast %broadcast_in_dim3A_29 : vector<1x128xf32> to vector<1024x128xf32>
    %add3A_31 = arith.addf %add3A_28, %add3A_30 : vector<1024x128xf32>
    %gt3A = arith.constant 0.000000e+00 : f32
    %gt3A_32 = vector.broadcast %gt3A : f32 to vector<1024x128xf32>
    %gt3A_33 = arith.cmpf ogt, %add3A_31, %gt3A_32 : vector<1024x128xf32>
    %exp3A = math.exp %add3A_31 : vector<1024x128xf32>
    %sub3A = arith.constant 1.000000e+00 : f32
    %sub3A_34 = vector.broadcast %sub3A : f32 to vector<1024x128xf32>
    %sub3A_35 = arith.subf %exp3A, %sub3A_34 : vector<1024x128xf32>
    %select_n3A = arith.select %gt3A_33, %add3A_31, %sub3A_35 : vector<1024x128xi1>, vector<1024x128xf32>
    %get3A_36 = arith.constant 0 : index
    %get3A_37 = arith.constant 0 : index
    %get3A_38 = vector.load %arg8[%get3A_36, %get3A_37] : memref<128x128xf32, #tpu.memory_space<vmem>>, vector<128x128xf32>
    %dot_general3A = arith.constant dense<0.000000e+00> : vector<1024x128xf32>
    %dot_general3A_39 = tpu.matmul %select_n3A, %get3A_38, %dot_general3A {dimension_numbers = #tpu.dot_dimension_numbers<[1], [0], [0], [1], [0, 0, 1, 1], [], []>, transpose_lhs_hint = false} : vector<1024x128xf32>, vector<128x128xf32>, vector<1024x128xf32> -> vector<1024x128xf32>
    %swap3A = arith.constant 0 : index
    %swap3A_40 = arith.constant 0 : index
    %swap3A_41 = vector.load %arg11[%swap3A, %swap3A_40] : memref<1024x128xf32, #tpu.memory_space<vmem>>, vector<1024x128xf32>
    tpu.vector_store %arg11[%swap3A, %swap3A_40], %dot_general3A_39 {strides = array<i32>} : memref<1024x128xf32, #tpu.memory_space<vmem>>, vector<1024x128xf32>,
    %get3A_42 = arith.constant 0 : index
    %get3A_43 = vector.load %arg9[%get3A_42] : memref<128xf32, #tpu.memory_space<vmem>>, vector<128xf32>
    %get3A_44 = arith.constant 0 : index
    %get3A_45 = vector.load %arg10[%get3A_44] : memref<128xf32, #tpu.memory_space<vmem>>, vector<128xf32>
    %dot_general3A_46 = arith.constant dense<0.000000e+00> : vector<1024xf32>
    %dot_general3A_47 = tpu.matmul %dot_general3A_39, %get3A_43, %dot_general3A_46 {dimension_numbers = #tpu.dot_dimension_numbers<[1], [0], [0], [], [0, 0], [], []>, transpose_lhs_hint = false} : vector<1024x128xf32>, vector<128xf32>, vector<1024xf32> -> vector<1024xf32>
    %dot_general3A_48 = arith.constant dense<0.000000e+00> : vector<1024xf32>
    %dot_general3A_49 = tpu.matmul %dot_general3A_39, %get3A_45, %dot_general3A_48 {dimension_numbers = #tpu.dot_dimension_numbers<[1], [0], [0], [], [0, 0], [], []>, transpose_lhs_hint = false} : vector<1024x128xf32>, vector<128xf32>, vector<1024xf32> -> vector<1024xf32>
    %swap3A_50 = arith.constant 0 : index
    %swap3A_51 = vector.load %arg12[%swap3A_50] : memref<1024xf32, #tpu.memory_space<vmem>>, vector<1024xf32>
    tpu.vector_store %arg12[%swap3A_50], %dot_general3A_47 {strides = array<i32>} : memref<1024xf32, #tpu.memory_space<vmem>>, vector<1024xf32>,
    %swap3A_52 = arith.constant 0 : index
    %swap3A_53 = vector.load %arg13[%swap3A_52] : memref<1024xf32, #tpu.memory_space<vmem>>, vector<1024xf32>
    tpu.vector_store %arg13[%swap3A_52], %dot_general3A_49 {strides = array<i32>} : memref<1024xf32, #tpu.memory_space<vmem>>, vector<1024xf32>,
    %add3A_54 = arith.addf %dot_general3A_47, %dot_general3A_49 : vector<1024xf32>
    %ge3A = arith.constant 0.000000e+00 : f32
    %ge3A_55 = vector.broadcast %ge3A : f32 to vector<1024xf32>
    %ge3A_56 = arith.cmpf oge, %add3A_54, %ge3A_55 : vector<1024xf32>
    %mul3A_57 = arith.constant 2.000000e-01 : f32
    %mul3A_58 = vector.broadcast %mul3A_57 : f32 to vector<1024xf32>
    %mul3A_59 = arith.mulf %add3A_54, %mul3A_58 : vector<1024xf32>
    %select_n3A_60 = arith.select %ge3A_56, %add3A_54, %mul3A_59 : vector<1024xi1>, vector<1024xf32>
    %exp3A_61 = math.exp %select_n3A_60 : vector<1024xf32>
    %swap3A_62 = arith.constant 0 : index
    %swap3A_63 = vector.load %arg14[%swap3A_62] : memref<1024xf32, #tpu.memory_space<vmem>>, vector<1024xf32>
    tpu.vector_store %arg14[%swap3A_62], %exp3A_61 {strides = array<i32>} : memref<1024xf32, #tpu.memory_space<vmem>>, vector<1024xf32>,
    return
  }
  func.func @transform_0(%arg0: i32) -> (i32, i32) {
    %c0_i32 = arith.constant 0 : i32
    %c0_i32_0 = arith.constant 0 : i32
    return %arg0, %c0_i32 : i32, i32
  }
  func.func @transform_1(%arg0: i32) -> (i32, i32) {
    %c0_i32 = arith.constant 0 : i32
    %c0_i32_0 = arith.constant 0 : i32
    return %arg0, %c0_i32 : i32, i32
  }
  func.func @transform_2(%arg0: i32) -> (i32, i32) {
    %c0_i32 = arith.constant 0 : i32
    %c0_i32_0 = arith.constant 0 : i32
    return %arg0, %c0_i32 : i32, i32
  }
  func.func @transform_3(%arg0: i32) -> i32 {
    %c0_i32 = arith.constant 0 : i32
    return %arg0 : i32
  }
  func.func @transform_4(%arg0: i32) -> i32 {
    %c0_i32 = arith.constant 0 : i32
    return %arg0 : i32
  }
  func.func @transform_5(%arg0: i32) -> i32 {
    %c0_i32 = arith.constant 0 : i32
    return %arg0 : i32
  }
  func.func @transform_6(%arg0: i32) -> i32 {
    %c0_i32 = arith.constant 0 : i32
    %c0_i32_0 = arith.constant 0 : i32
    return %c0_i32 : i32
  }
  func.func @transform_7(%arg0: i32) -> (i32, i32) {
    %c0_i32 = arith.constant 0 : i32
    %c0_i32_0 = arith.constant 0 : i32
    %c0_i32_1 = arith.constant 0 : i32
    return %c0_i32, %c0_i32_0 : i32, i32
  }
  func.func @transform_8(%arg0: i32) -> i32 {
    %c0_i32 = arith.constant 0 : i32
    %c0_i32_0 = arith.constant 0 : i32
    return %c0_i32 : i32
  }
  func.func @transform_9(%arg0: i32) -> i32 {
    %c0_i32 = arith.constant 0 : i32
    %c0_i32_0 = arith.constant 0 : i32
    return %c0_i32 : i32
  }
  func.func @transform_10(%arg0: i32) -> (i32, i32) {
    %c0_i32 = arith.constant 0 : i32
    %c0_i32_0 = arith.constant 0 : i32
    return %arg0, %c0_i32 : i32, i32
  }
  func.func @transform_11(%arg0: i32) -> i32 {
    %c0_i32 = arith.constant 0 : i32
    return %arg0 : i32
  }
  func.func @transform_12(%arg0: i32) -> i32 {
    %c0_i32 = arith.constant 0 : i32
    return %arg0 : i32
  }
  func.func @transform_13(%arg0: i32) -> i32 {
    %c0_i32 = arith.constant 0 : i32
    return %arg0 : i32
  }
}

module attributes {stable_mosaic.version = 14 : i64} {
  func.func @_final_body(%arg0: i32, %arg1: memref<1024x128xf32, #tpu.memory_space<vmem>>, %arg2: memref<1024x128xf32, #tpu.memory_space<vmem>>, %arg3: memref<1024x128xf32, #tpu.memory_space<vmem>>, %arg4: memref<1024xf32, #tpu.memory_space<vmem>>, %arg5: memref<1024xf32, #tpu.memory_space<vmem>>, %arg6: memref<1024xf32, #tpu.memory_space<vmem>>, %arg7: memref<128xf32, #tpu.memory_space<vmem>>, %arg8: memref<1024x128xf32, #tpu.memory_space<vmem>>) attributes {dimension_semantics = [#tpu.dimension_semantics<arbitrary>], iteration_bounds = array<i64: 10>, scalar_prefetch = 0 : i64, scratch_operands = 0 : i64, tpu.core_type = #tpu.core_type<tc>, window_params = [{transform_indices = @transform_0, window_bounds = array<i64: 1024, 128>}, {transform_indices = @transform_1, window_bounds = array<i64: 1024, 128>}, {transform_indices = @transform_2, window_bounds = array<i64: 1024, 128>}, {transform_indices = @transform_3, window_bounds = array<i64: 1024>}, {transform_indices = @transform_4, window_bounds = array<i64: 1024>}, {transform_indices = @transform_5, window_bounds = array<i64: 1024>}, {pipeline_mode = #tpu.pipeline_mode<synchronous>, transform_indices = @transform_6, window_bounds = array<i64: 128>}, {transform_indices = @transform_7, window_bounds = array<i64: 1024, 128>}]} {
    %get3A = arith.constant 0 : index
    %get3A_0 = arith.constant 0 : index
    %get3A_1 = vector.load %arg1[%get3A, %get3A_0] : memref<1024x128xf32, #tpu.memory_space<vmem>>, vector<1024x128xf32>
    %get3A_2 = arith.constant 0 : index
    %get3A_3 = arith.constant 0 : index
    %get3A_4 = vector.load %arg2[%get3A_2, %get3A_3] : memref<1024x128xf32, #tpu.memory_space<vmem>>, vector<1024x128xf32>
    %get3A_5 = arith.constant 0 : index
    %get3A_6 = arith.constant 0 : index
    %get3A_7 = vector.load %arg3[%get3A_5, %get3A_6] : memref<1024x128xf32, #tpu.memory_space<vmem>>, vector<1024x128xf32>
    %get3A_8 = arith.constant 0 : index
    %get3A_9 = vector.load %arg4[%get3A_8] : memref<1024xf32, #tpu.memory_space<vmem>>, vector<1024xf32>
    %get3A_10 = arith.constant 0 : index
    %get3A_11 = vector.load %arg5[%get3A_10] : memref<1024xf32, #tpu.memory_space<vmem>>, vector<1024xf32>
    %get3A_12 = arith.constant 0 : index
    %get3A_13 = vector.load %arg6[%get3A_12] : memref<1024xf32, #tpu.memory_space<vmem>>, vector<1024xf32>
    %get3A_14 = arith.constant 0 : index
    %get3A_15 = vector.load %arg7[%get3A_14] : memref<128xf32, #tpu.memory_space<vmem>>, vector<128xf32>
    %add3A = arith.addf %get3A_11, %get3A_13 : vector<1024xf32>
    %add3A_16 = arith.addf %add3A, %get3A_9 : vector<1024xf32>
    %add3A_17 = arith.constant 1.000000e-16 : f32
    %add3A_18 = vector.broadcast %add3A_17 : f32 to vector<1024xf32>
    %add3A_19 = arith.addf %add3A_16, %add3A_18 : vector<1024xf32>
    %div3A = arith.constant 1.000000e+00 : f32
    %div3A_20 = vector.broadcast %div3A : f32 to vector<1024xf32>
    %div3A_21 = arith.divf %div3A_20, %add3A_19 : vector<1024xf32>
    %add3A_22 = arith.addf %get3A_1, %get3A_4 : vector<1024x128xf32>
    %broadcast_in_dim3A = vector.shape_cast %div3A_21 : vector<1024xf32> to vector<1024x1xf32>
    %mul3A = vector.broadcast %broadcast_in_dim3A : vector<1024x1xf32> to vector<1024x128xf32>
    %mul3A_23 = arith.mulf %add3A_22, %mul3A : vector<1024x128xf32>
    %mul3A_24 = arith.mulf %get3A_9, %div3A_21 : vector<1024xf32>
    %broadcast_in_dim3A_25 = vector.shape_cast %mul3A_24 : vector<1024xf32> to vector<1024x1xf32>
    %mul3A_26 = vector.broadcast %broadcast_in_dim3A_25 : vector<1024x1xf32> to vector<1024x128xf32>
    %mul3A_27 = arith.mulf %get3A_7, %mul3A_26 : vector<1024x128xf32>
    %add3A_28 = arith.addf %mul3A_23, %mul3A_27 : vector<1024x128xf32>
    %broadcast_in_dim3A_29 = vector.shape_cast %get3A_15 : vector<128xf32> to vector<1x128xf32>
    %add3A_30 = vector.broadcast %broadcast_in_dim3A_29 : vector<1x128xf32> to vector<1024x128xf32>
    %add3A_31 = arith.addf %add3A_28, %add3A_30 : vector<1024x128xf32>
    %swap3A = arith.constant 0 : index
    %swap3A_32 = arith.constant 0 : index
    %swap3A_33 = vector.load %arg8[%swap3A, %swap3A_32] : memref<1024x128xf32, #tpu.memory_space<vmem>>, vector<1024x128xf32>
    tpu.vector_store %arg8[%swap3A, %swap3A_32], %add3A_31 {strides = array<i32>} : memref<1024x128xf32, #tpu.memory_space<vmem>>, vector<1024x128xf32>,
    return
  }
  func.func @transform_0(%arg0: i32) -> (i32, i32) {
    %c0_i32 = arith.constant 0 : i32
    %c0_i32_0 = arith.constant 0 : i32
    return %arg0, %c0_i32 : i32, i32
  }
  func.func @transform_1(%arg0: i32) -> (i32, i32) {
    %c0_i32 = arith.constant 0 : i32
    %c0_i32_0 = arith.constant 0 : i32
    return %arg0, %c0_i32 : i32, i32
  }
  func.func @transform_2(%arg0: i32) -> (i32, i32) {
    %c0_i32 = arith.constant 0 : i32
    %c0_i32_0 = arith.constant 0 : i32
    return %arg0, %c0_i32 : i32, i32
  }
  func.func @transform_3(%arg0: i32) -> i32 {
    %c0_i32 = arith.constant 0 : i32
    return %arg0 : i32
  }
  func.func @transform_4(%arg0: i32) -> i32 {
    %c0_i32 = arith.constant 0 : i32
    return %arg0 : i32
  }
  func.func @transform_5(%arg0: i32) -> i32 {
    %c0_i32 = arith.constant 0 : i32
    return %arg0 : i32
  }
  func.func @transform_6(%arg0: i32) -> i32 {
    %c0_i32 = arith.constant 0 : i32
    %c0_i32_0 = arith.constant 0 : i32
    return %c0_i32 : i32
  }
  func.func @transform_7(%arg0: i32) -> (i32, i32) {
    %c0_i32 = arith.constant 0 : i32
    %c0_i32_0 = arith.constant 0 : i32
    return %arg0, %c0_i32 : i32, i32
  }
}

</mosaic_0001>

<sc_bundles>
// kernel: kernel.10.cloned.1.call-start
scs
__scs_entry_jumppad:
0x0: {  	(pc) =	sbr.rel $0x88, $3  }
0x1: {  	(tag) =	ssettag $0x0;
	lr =	simm.s32 $0x1  }
0x2: {  	[smem:$0x3F97] =	sst lr;
	_ =	strace $0xD0000000  }
0x3: {  	_ = 	snop  }
0x4: {  	_ = 	snop  }
0x5: {  	_ = 	snop  }
0x6: {  	_ = 	snop  }
0x7: {  	_ = 	snop  }
__scs_overlays_trampoline_lowered:
0x8: {  	[smem:$0x3FA6] =	sst s0  }
0x9: {  	[smem:$0x3FA7] =	sst s1  }
0xa: {  	[smem:$0x3FA8] =	sst s2  }
0xb: {  	[smem:$0x3FA9] =	sst s3  }
0xc: {  	[smem:$0x3FAA] =	sst s4  }
0xd: {  	[smem:$0x3FAB] =	sst s5  }
0xe: {  	[smem:$0x3FAC] =	sst s6  }
0xf: {  	[smem:$0x3FAD] =	sst s7  }
0x10: {  	[smem:$0x3FAE] =	sst s8  }
0x11: {  	[smem:$0x3FAF] =	sst s9;
	s0 =	simm.s32 @!p0 $0x0  }
0x12: {  	s1 =	sld [smem:$0x3F95];
	s0 =	simm.s32 @p0 $0x1  }
0x13: {  	[smem:$0x3FB0] =	sst s0;
	s0 =	simm.s32 @!p1 $0x0  }
0x14: {  	s2 =	sld [smem:$0x3F94];
	s0 =	simm.s32 @p1 $0x1  }
0x15: {  	[smem:$0x3FB1] =	sst s0;
	s0 =	simm.s32 @!p2 $0x0  }
0x16: {  	s3 =	sld [smem:$0x3FDB];
	s0 =	simm.s32 @p2 $0x1  }
0x17: {  	s4 =	simm.s32 $0x1BF5;
	[smem:$0x3FB3] =	sst s0  }
0x18: {  	s0 =	sld [smem:$0x3F96];
	_ =	swait.ge [sflag:s4], $0x0  }
0x19: {  	s7 =	sld [smem:$0x3F97]  }
0x1a: {  	s8 =	sadd.s32 $0xFFFFE003, lr  }
0x1b: {  	s9 =	sadd.s32 $0xFFFFFEF7, lr;
	s5 =	simm.s32 $0xFFFFFFFF;
	p2 =	slt.u32 s8, $0xFFFFF086  }
0x1c: {  	p1 =	slt.u32 s9, $0xF7A;
	s5 =	simm.s32 @!p2 $0x0  }
0x1d: {  	s5 =	simm.s32 @p1 $0x1;
	p0 =	seq.s32 s7, s2  }
0x1e: {  	s7 =	smul.u32 @!p0 $0xF7A, s2;
	p2 =	seq.s32 @!p0 s5, $0x0  }
0x1f: {  	s9 =	smul.u32 $0xF7A, s1;
	s8 =	simm.s32 @!p0 $0x1BF5;
	p2 =	por !p2, p0  }
0x20: {  	[sflag:s8] =	ssyncset.s32 @!p0 $0xFFFFF086;
	s6 =	sadd.s32 @!p0 s3, s7;
	s7 =	simm.s32 @!p0 $0x108  }
0x21: {  	s3 =	sadd.s32 s3, s9;
	s6 =	sadd.s32 @!p0 $0x88, s6;
	s7 =	simm.s32 @p2 $0x1082  }
0x22: {  	[simem:s7], [sflag:s8] =	dma.local @!p0 [hbm:s6], $0xF7A  }
0x23: {  	s9 =	sor.u32 $0xD0000000, s2;
	s6 =	simm.s32 $0x108;
	_ =	swait.ge @!p0 [sflag:s8], $0x0  }
0x24: {  	s3 =	sadd.s32 $0x88, s3;
	s6 =	simm.s32 @!p1 $0x1082;
	[sflag:s4] =	ssyncset.s32 $0xFFFFF086  }
0x25: {  	[simem:s6], [sflag:s4] =	dma.local [hbm:s3], $0xF7A  }
0x26: {  	[smem:$0x3F97] =	sst s1;
	(tag) =	ssettag s2;
	_ =	strace s9  }
0x27: {  	s1 =	sld [smem:$0x3FA7]  }
0x28: {  	s2 =	sld [smem:$0x3FA8]  }
0x29: {  	s4 =	sld [smem:$0x3FAA]  }
0x2a: {  	p0 =	seq.s32 s5, $0x0;
	s5 =	sld [smem:$0x3FAB]  }
0x2b: {  	s6 =	sld [smem:$0x3FAC]  }
0x2c: {  	s7 =	sld [smem:$0x3FAD]  }
0x2d: {  	s3 =	simm.s32 $0x108;
	s8 =	sld [smem:$0x3FAE]  }
0x2e: {  	s3 =	simm.s32 @!p0 $0x1082;
	s9 =	sld [smem:$0x3FAF]  }
0x2f: {  	lr =	sadd.s32 s0, s3;
	s0 =	sld [smem:$0x3FA6]  }
0x30: {  	s3 =	sld [smem:$0x3FA9]  }
0x31: {  	[smem:$0x3FB2] =	sst s10  }
0x32: {  	s10 =	sld [smem:$0x3FB0];
	_ =	sdelay $0x3  }
0x33: {  	p0 =	seq.s32 s10, $0x1;
	s10 =	sld [smem:$0x3FB2];
	_ =	sdelay $0x3  }
0x34: {  	[smem:$0x3FB2] =	sst s10  }
0x35: {  	s10 =	sld [smem:$0x3FB1];
	_ =	sdelay $0x3  }
0x36: {  	p1 =	seq.s32 s10, $0x1;
	s10 =	sld [smem:$0x3FB2];
	_ =	sdelay $0x3  }
0x37: {  	[smem:$0x3FB2] =	sst s10  }
0x38: {  	s10 =	sld [smem:$0x3FB3]  }
0x39: {  	_ = 	snop;
	(pc) =	sbr.ind lr, $3  }
0x3a: {  	_ = 	snop  }
0x3b: {  	_ = 	snop  }
0x3c: {  	p2 =	seq.s32 s10, $0x1;
	s10 =	sld [smem:$0x3FB2]  }
0x3d: {  	_ =	shalt  }
0x3e: {  	_ =	shalt  }
0x3f: {  	_ =	shalt  }
0x40: {  	_ =	shalt  }
0x41: {  	_ =	shalt  }
0x42: {  	_ =	shalt  }
0x43: {  	_ =	shalt  }
0x44: {  	_ =	shalt  }
0x45: {  	_ =	shalt  }
0x46: {  	_ =	shalt  }
0x47: {  	_ =	shalt  }
0x48: {  	_ =	shalt  }
0x49: {  	_ =	shalt  }
0x4a: {  	_ =	shalt  }
0x4b: {  	_ =	shalt  }
0x4c: {  	_ =	shalt  }
0x4d: {  	_ =	shalt  }
0x4e: {  	_ =	shalt  }
0x4f: {  	_ =	shalt  }
0x50: {  	_ =	shalt  }
0x51: {  	_ =	shalt  }
0x52: {  	_ =	shalt  }
0x53: {  	_ =	shalt  }
0x54: {  	_ =	shalt  }
0x55: {  	_ =	shalt  }
0x56: {  	_ =	shalt  }
0x57: {  	_ =	shalt  }
0x58: {  	_ =	shalt  }
0x59: {  	_ =	shalt  }
0x5a: {  	_ =	shalt  }
0x5b: {  	_ =	shalt  }
0x5c: {  	_ =	shalt  }
0x5d: {  	_ =	shalt  }
0x5e: {  	_ =	shalt  }
0x5f: {  	_ =	shalt  }
0x60: {  	_ =	shalt  }
0x61: {  	_ =	shalt  }
0x62: {  	_ =	shalt  }
0x63: {  	_ =	shalt  }
0x64: {  	_ =	shalt  }
0x65: {  	_ =	shalt  }
0x66: {  	_ =	shalt  }
0x67: {  	_ =	shalt  }
0x68: {  	_ =	shalt  }
0x69: {  	_ =	shalt  }
0x6a: {  	_ =	shalt  }
0x6b: {  	_ =	shalt  }
0x6c: {  	_ =	shalt  }
0x6d: {  	_ =	shalt  }
0x6e: {  	_ =	shalt  }
0x6f: {  	_ =	shalt  }
0x70: {  	_ =	shalt  }
0x71: {  	_ =	shalt  }
0x72: {  	_ =	shalt  }
0x73: {  	_ =	shalt  }
0x74: {  	_ =	shalt  }
0x75: {  	_ =	shalt  }
0x76: {  	_ =	shalt  }
0x77: {  	_ =	shalt  }
0x78: {  	_ =	shalt  }
0x79: {  	_ =	shalt  }
0x7a: {  	_ =	shalt  }
0x7b: {  	_ =	shalt  }
0x7c: {  	_ =	shalt  }
0x7d: {  	_ =	shalt  }
0x7e: {  	_ =	shalt  }
0x7f: {  	_ =	shalt  }
0x80: {  	_ =	shalt  }
0x81: {  	_ =	shalt  }
0x82: {  	_ =	shalt  }
0x83: {  	_ =	shalt  }
0x84: {  	_ =	shalt  }
0x85: {  	_ =	shalt  }
0x86: {  	_ =	shalt  }
0x87: {  	_ =	shalt  }
.Lfunc_end0:
.L_simem_size_0:
called_computation.1_lowered:
.L_overlay_start_0:
0x88: {  	s2 =	sld [smem:$0x3FD9]  }
0x89: {  	s3 =	sld [smem:$0x3FFE];
	_ =	sdelay $0x1  }
0x8a: {  	s1 =	srdreg.scid  }
0x8b: {  	s0 =	sand.u32 $0x1, s1  }
0x8c: {  	s17 =	sshll.u32 s0, $0xA;
	s2 =	sadd.s32 s3, s2  }
0x8d: {  	s2 =	sadd.s32 s2, s17  }
0x8e: {  	[smem:$0x3FBE] =	sst s2  }
0x8f: {  	_ = 	snop  }
0x90: {  	s2 =	sld [smem:$0x3FD0];
	(tm) =	ssettm $0x1  }
0x91: {  	s18 =	sld [smem:$0x3FFB];
	_ =	sdelay $0x3  }
0x92: {  	_ =	strace s18  }
0x93: {  	s3 =	sld [smem:$0x3FFC];
	_ =	sdelay $0x3  }
0x94: {  	_ =	strace s3  }
0x95: {  	s3 =	sld [smem:$0x3FFD];
	_ =	sdelay $0x3  }
0x96: {  	_ =	strace s3  }
0x97: {  	_ =	strace $0x8FFFFFFF  }
0x98: {  	s19 =	sld [smem:$0x3FDB];
	_ =	sdelay $0x1  }
0x99: {  	s4 =	simm.s32 $_scs_section_size  }
0x9a: {  	s5 =	simm.s32 $_size__tile_overlayer_lowered;
	s6 =	simm.s32 $_tile_overlayer_lowered  }
0x9b: {  	s22 =	simm.s32 $0x1BFF;
	s21 =	sshll.u32 s6, $0x1;
	s3 =	sadd.s32 s4, s19  }
0x9c: {  	s7 =	simm.s32 $0x0;
	s20 =	sshll.u32 s5, $0x1;
	s5 =	sadd.s32 s21, s3  }
0x9d: {  	[timem:s7], [sflag:s22] =	dma.local [hbm:s5], s20  }
0x9e: {  	_ =	swait.ge [sflag:s22], s20  }
0x9f: {  	s4 =	ssub.s32 $0x0, s20;
	[sflag:s22] =	ssyncset.done $0x0  }
0xa0: {  	[sflag:s22] =	ssyncadd.s32 s4;
	_ =	sdelay $0x1  }
0xa1: {  	s23 =	simm.s32 $0x1B8B  }
0xa2: {  	_ =	swait.ge [sflag:s23], $0x1  }
0xa3: {  	[sflag:s23] =	ssyncset.done $0x0  }
0xa4: {  	s25 =	simm.s32 $0x1B8E;
	s24 =	sld [smem:$0x3FFE];
	[sflag:s23] =	ssyncadd.s32 $0xFFFFFFFF  }
0xa5: {  	s26 =	simm.s32 $execute0_lowered;
	[smem:$0x3FD2] =	sst s25  }
0xa6: {  	s5 =	sshll.u32 s26, $0x1;
	_ =	strace $0x80000049;
	[dreg:$0x1] =	wrdreg $0xFFFFFFFF  }
0xa7: {  	s28 =	simm.s32 $_size_execute0_lowered;
	s3 =	sadd.s32 s3, s5;
	[dreg:$0x0] =	wrdreg $0x0  }
0xa8: {  	s5 =	sshll.u32 s28, $0x1;
	[dreg:$0x2] =	wrdreg s3  }
0xa9: {  	[dreg:$0x3] =	wrdreg s5  }
0xaa: {  	[dreg:$0x4] =	wrdreg $0xC0  }
0xab: {  	_ =	task [dreg:s7], $0x5FFFF  }
0xac: {  	[dreg:$0x1] =	wrdreg $0xFFFFFFFF  }
0xad: {  	[dreg:$0x0] =	wrdreg $0x60  }
0xae: {  	[dreg:$0x2] =	wrdreg s24  }
0xaf: {  	[dreg:$0x3] =	wrdreg s2  }
0xb0: {  	[dreg:$0x4] =	wrdreg $0xAC000  }
0xb1: {  	[dreg:$0x5] =	wrdreg $0x1EC000  }
0xb2: {  	[dreg:$0x6] =	wrdreg $0x9  }
0xb3: {  	_ =	task.clear_ibuf [dreg:s7], $0x7FFFF;
	_ =	strace $0x90000049  }
0xb4: {  	s29 =	simm.s32 $0x9;
	_ =	strace $0x8000004B  }
0xb5: {  	_ =	swait.ge [sflag:s29], $0x1  }
0xb6: {  	[sflag:s29] =	ssyncadd.s32 $0xFFFFFFFF  }
0xb7: {  	_ =	strace $0x9000004B  }
0xb8: {  	_ =	sfence  }
0xb9: {  	s30 =	sld [smem:$0x0];
	_ =	sdelay $0x2  }
0xba: {  	s31 =	sshll.u32 s1, $0xD;
	s1 =	sshrl.u32 s1, $0x2  }
0xbb: {  	s3 =	sand.u32 $0x4000, s31;
	s1 =	sadd.s32 s1, s30  }
0xbc: {  	s0 =	sor.u32 s3, s0;
	s1 =	sshll.u32 s1, $0x11  }
0xbd: {  	s0 =	sor.u32 s1, s0  }
0xbe: {  	s0 =	sadd.s32 $0x8F2B, s0  }
0xbf: {  	[sflag:s0] =	ssyncadd.remote.s32 $0x1  }
0xc0: {  	_ =	sfence.sel $0xFFFF  }
0xc1: {  	[dreg:$0x0] =	wrdreg $0xFFFFFFFF;
	(pc) =	sbr.abs _section_cstart, $3  }
0xc2: {  	[dreg:$0x1] =	wrdreg $0xFFFFFFFF  }
0xc3: {  	_ =	task.clear_ibuf [dreg:s7], $0x2FFFF;
	_ =	strace $0x9FFFFFFF  }
0xc4: {  	(tm) =	ssettm $0x7FFFFFFF  }
0xc5: {  	_ =	shalt  }
tec
execute0_lowered:
.L_overlay_start_1:
0x0: {  	(tag) =	ssettag $0x1  }
0x1: {  	s0 =	rddreg [dreg:$0x0]  }
0x2: {  	s1 =	rddreg [dreg:$0x1];
	s2 =	srdreg.scid  }
0x3: {  	s18 =	stileid.u32;
	s3 =	rddreg [dreg:$0x2]  }
0x4: {  	s4 =	rddreg [dreg:$0x3];
	s7 =	simm.s32 $0x0;
	s28 =	simm.s32 $0x2C00  }
0x5: {  	s31 =	simm.s32 $0xB;
	s29 =	simm.s32 $0x8;
	s30 =	simm.s32 $0xA  }
0x6: {  	s2 =	sand.u32 $0x1, s2;
	s5 =	sshll.u32 s18, $0x1;
	s11 =	smul.u32 $0x280, s18  }
0x7: {  	[smem:$0x7FF] =	sst s7;
	s7 =	sadd.s32 $0xE000, s0;
	s13 =	smul.u32 $0x14000, s18  }
0x8: {  	s8 =	sadd.s32 $0x36000, s0;
	s9 =	sadd.s32 $0x36600, s0;
	s16 =	smul.u32 $0x500, s18  }
0x9: {  	s19 =	smul.u32 $0x50000, s18;
	s5 =	sor.u32 s2, s5;
	_ =	strace $0x8000004A  }
0xa: {  	s15 =	smul.u32 $0x140000, s2;
	s26 =	sshll.u32 s2, $0x7;
	s2 =	ssub.s32 $0x2, s2  }
0xb: {  	s6 =	smul.u32 $0x2800, s5;
	s14 =	sshrl.u32 s11, $0x3;
	s17 =	sshrl.u32 s13, $0x3  }
0xc: {  	s20 =	sshrl.u32 s2, $0x1;
	s21 =	sshrl.u32 s19, $0x2;
	s11 =	sadd.s32 s11, s4  }
0xd: {  	s19 =	simm.s32 $0x2;
	s14 =	sadd.s32 s14, s0;
	s13 =	sadd.s32 s13, s15  }
0xe: {  	s17 =	sadd.s32 s17, s0;
	s15 =	sor.u32 s26, s16;
	s2 =	ssub.s32 s2, s20  }
0xf: {  	s20 =	simm.s32 $0xD;
	s26 =	sshll.u32 s18, $0x6;
	s16 =	simm.s32 $0x5  }
0x10: {  	s18 =	simm.s32 $0x2B00;
	s10 =	sshrl.u32 s6, $0x3;
	s13 =	sshrl.u32 s13, $0x3  }
0x11: {  	s15 =	sshrl.u32 s15, $0x3;
	s14 =	sadd.s32 $0x36C00, s14;
	s22 =	sadd.s32 $0x37200, s17  }
0x12: {  	s25 =	smax.u32 s2, $0x1;
	s2 =	simm.s32 $0x4;
	s17 =	simm.s32 $0x7  }
0x13: {  	s12 =	sadd.s32 s10, s0;
	s13 =	sadd.s32 s13, s0;
	[dreg:$0x6] =	wrdreg s14  }
0x14: {  	s0 =	sadd.s32 s15, s0;
	[dreg:$0x8] =	wrdreg s22;
	s14 =	smul.u32 $0x2780, s5  }
0x15: {  	s23 =	sadd.s32 s1, s10;
	[dreg:$0xd] =	wrdreg s25;
	s22 =	sshrl.u32 s11, $0x3  }
0x16: {  	s10 =	simm.s32 $0x2B80;
	s11 =	simm.s32 $0x6C00;
	[dreg:$0x9] =	wrdreg s23  }
0x17: {  	s15 =	simm.s32 $0x0;
	s12 =	sadd.s32 $0x4000, s12;
	[dreg:$0xf] =	wrdreg s22  }
0x18: {  	s5 =	sadd.s32 $0x10, s23;
	s24 =	sadd.s32 $0x5F200, s13;
	[dreg:$0x5] =	wrdreg s12  }
.Ltmp0:
0x19: {  	s0 =	sadd.s32 $0xAF200, s0;
	[dreg:$0xa] =	wrdreg s5;
	(pc) =	sbr.rel .LBB2_1-.Ltmp0, $4  }
0x1a: {  	s23 =	simm.s32 $0x1;
	s13 =	simm.s32 $0x3;
	[dreg:$0xb] =	wrdreg s24  }
0x1b: {  	s12 =	sadd.s32 s21, s3;
	[dreg:$0xc] =	wrdreg s0;
	s21 =	sor.u32 $0x1C0D, s26  }
0x1c: {  	s24 =	simm.s32 $0x2880;
	s26 =	simm.s32 $0x80;
	[dreg:$0x7] =	wrdreg s12  }
0x1d: {  	s0 =	simm.s32 $0x6;
	s12 =	simm.s32 $0x9;
	[dreg:$0xe] =	wrdreg s21  }
.LBB2_10:
0x1e: {  	_ =	swait.ge [sflag:s31], $0x4000  }
0x1f: {  	[sflag:s31] =	ssyncset.done $0x0  }
0x20: {  	[sflag:s31] =	ssyncadd.s32 $0xFFFFC000  }
0x21: {  	_ =	swait.ge [sflag:s12], $0x80  }
0x22: {  	[sflag:s12] =	ssyncset.done $0x0  }
0x23: {  	[sflag:s12] =	ssyncadd.s32 $0xFFFFFF80  }
0x24: {  	_ =	swait.ge [sflag:s30], $0x80  }
0x25: {  	[sflag:s30] =	ssyncset.done $0x0  }
0x26: {  	[sflag:s30] =	ssyncadd.s32 $0xFFFFFF80  }
0x27: {  	[bflag:$0x0] =	sbarrier.arrive $0xFFFF  }
0x28: {  	s5 =	rddreg [dreg:$0xb]  }
0x29: {  	s21 =	rddreg [dreg:$0xe]  }
0x2a: {  	s20 =	simm.s32 $0xD;
	s15 =	rddreg [dreg:$0x11]  }
0x2b: {  	[hbm:s5], [sflag:s21] =	dma.local [spmem:s15], $0x2800  }
0x2c: {  	s23 =	simm.s32 $0x1;
	_ =	swait.ge [sflag:s20], $0x2800  }
0x2d: {  	s25 =	simm.s32 $0x10;
	[sflag:s20] =	ssyncset.done $0x0;
	s5 =	rddreg [dreg:$0xc]  }
0x2e: {  	s15 =	simm.s32 $0x20;
	s22 =	rddreg [dreg:$0xf];
	[sflag:s20] =	ssyncadd.s32 $0xFFFFD800  }
0x2f: {  	[hbm:s5@s15], [sflag:s21] =	dma.strided [spmem:s22@s25], $0x50, s23, $0x10   }
0x30: {  	_ =	swait.ge [sflag:s20], $0x50  }
0x31: {  	s5 =	rddreg [dreg:$0x10]  }
0x32: {  	s25 =	rddreg [dreg:$0xd];
	s15 =	sadd.s32 $0x1, s5  }
0x33: {  	p0 =	sne.s32 s15, s25  }
.Ltmp1:
0x34: {  	_ = 	snop;
	(pc) =	sbr.rel @!p0 .LBB2_11-.Ltmp1, $3  }
0x35: {  	_ =	sdelay $0x1  }
0x36: {  	[sflag:s20] =	ssyncset.done $0x0  }
0x37: {  	[sflag:s20] =	ssyncadd.s32 $0xFFFFFFB0  }
.LBB2_1:
0x38: {  	[dreg:$0x10] =	wrdreg s15  }
0x39: {  	s5 =	simm.s32 $0x0;
	s25 =	rddreg [dreg:$0x5]  }
0x3a: {  	[tilespmem:s5], [sflag:$0xD] =	stream.linear.gather [hbm4b:s25+s5], $0x2780, $0x38;
	[tilespmem:$0x1EE80] =	vst v63  }
0x3b: {  	_ =	swait.ge [sflag:s20], $0x2780  }
0x3c: {  	[sflag:s20] =	ssyncset.done $0x0  }
0x3d: {  	s25 =	rddreg [dreg:$0x6];
	[sflag:s20] =	ssyncadd.s32 $0xFFFFD880  }
0x3e: {  	[spmem:s22], [sflag:s21] =	dma.local [hbm:s25], $0x50  }
0x3f: {  	_ =	swait.ge [sflag:s20], $0x50  }
0x40: {  	s25 =	rddreg [dreg:$0x7]  }
0x41: {  	[sflag:s20] =	ssyncset.done $0x0;
	s15 =	sshrl.u32 s25, $0x3;
	s25 =	rddreg [dreg:$0x8]  }
0x42: {  	[sflag:s20] =	ssyncadd.s32 $0xFFFFFFB0;
	[dreg:$0x11] =	wrdreg s15  }
0x43: {  	[spmem:s15], [sflag:s21] =	dma.local [hbm:s25], $0x2800  }
0x44: {  	_ =	swait.ge [sflag:s20], $0x2800  }
0x45: {  	[sflag:s20] =	ssyncset.done $0x0  }
0x46: {  	[sflag:s20] =	ssyncadd.s32 $0xFFFFD800  }
0x47: {  	[bflag:$0x0] =	sbarrier.arrive $0xFFFF  }
0x48: {  	s21 =	simm.s32 $0x2800;
	s20 =	rddreg [dreg:$0x9]  }
0x49: {  	[tilespmem:s21], [sflag:$0x1] =	stream.linear.gather [hbm4b:s20+s5], $0x80, $0x38;
	[tilespmem:$0x1EE80] =	vst v63  }
0x4a: {  	s22 =	rddreg [dreg:$0xa]  }
0x4b: {  	[tilespmem:s24], [sflag:$0x2] =	stream.linear.gather [hbm4b:s22+s5], $0x80, $0x38;
	[tilespmem:$0x1EE80] =	vst v63  }
0x4c: {  	_ =	swait.ge [sflag:s23], $0x80  }
0x4d: {  	[sflag:s23] =	ssyncset.done $0x0  }
0x4e: {  	[sflag:s23] =	ssyncadd.s32 $0xFFFFFF80  }
0x4f: {  	[tilespmem:s28], [sflag:$0x3] =	stream.indirect.gather [hbm4b:s7+s26], $0x80, s21, s26, $0xb8;
	[tilespmem:$0x1EE80] =	vst v63  }
.Ltmp2:
0x50: {  	_ = 	snop;
	(pc) =	sbr.rel .LBB2_2-.Ltmp2, $4  }
0x51: {  	s23 =	simm.s32 $0x2900  }
0x52: {  	[tilespmem:s23], [sflag:$0x5] =	stream.indirect.gather [hbm4b:s8+s26], $0x1, s21, s26, $0xb8;
	[tilespmem:$0x1EE80] =	vst v63  }
0x53: {  	s25 =	simm.s32 $0x2A00;
	s22 =	simm.s32 $0x0  }
0x54: {  	[tilespmem:s25], [sflag:$0x7] =	stream.indirect.gather [hbm4b:s9+s26], $0x1, s5, s26, $0xb8;
	[tilespmem:$0x1EE80] =	vst v63  }
.LBB2_9:
0x55: {  	s22 =	sadd.s32 $0x1, s22  }
0x56: {  	p0 =	sne.s32 s22, $0x4F  }
.Ltmp3:
0x57: {  	_ = 	snop;
	(pc) =	sbr.rel @!p0 .LBB2_10-.Ltmp3, $1  }
0x58: {  	_ =	sdelay $0x3  }
.LBB2_2:
0x59: {  	s25 =	sand.u32 $0x1, s22  }
0x5a: {  	p0 =	seq.s32 s25, $0x1  }
.Ltmp4:
0x5b: {  	_ = 	snop;
	(pc) =	sbr.rel @p0 .LBB2_6-.Ltmp4, $1  }
0x5c: {  	_ =	sdelay $0x3  }
0x5d: {  	p0 =	seq.s32 s22, $0x0  }
0x5e: {  	s5 =	simm.s32 @!p0 $0xC  }
0x5f: {  	_ =	swait.ge @!p0 [sflag:s5], $0x4000  }
0x60: {  	p1 =	seq.s32 @!p0 s22, $0x4E;
	[sflag:s5] =	ssyncset.done @!p0 $0x0  }
0x61: {  	p1 =	por p0, !p1;
	[sflag:s5] =	ssyncadd.s32 @!p0 $0xFFFFC000  }
0x62: {  	_ =	swait.ge @p1 [sflag:s19], $0x80  }
0x63: {  	[sflag:s19] =	ssyncset.done @p1 $0x0  }
0x64: {  	[sflag:s19] =	ssyncadd.s32 @p1 $0xFFFFFF80  }
0x65: {  	[tilespmem:s11], [sflag:$0x4] =	stream.indirect.gather @p1 [hbm4b:s7+s26], $0x80, s24, s26, $0xb8;
	[tilespmem:$0x1EE80] =	vst v63  }
0x66: {  	s5 =	simm.s32 @p1 $0x2980  }
0x67: {  	[tilespmem:s5], [sflag:$0x6] =	stream.indirect.gather @p1 [hbm4b:s8+s26], $0x1, s24, s26, $0xb8;
	[tilespmem:$0x1EE80] =	vst v63  }
0x68: {  	s5 =	sshll.u32 @p1 s22, $0x7  }
0x69: {  	s5 =	sand.u32 @p1 $0x3FFFFF80, s5  }
0x6a: {  	s15 =	simm.s32 @p1 $0x2A80;
	s5 =	sadd.s32 @p1 $0x80, s5  }
0x6b: {  	[tilespmem:s15], [sflag:$0x8] =	stream.indirect.gather @p1 [hbm4b:s9+s26], $0x1, s5, s26, $0xb8;
	[tilespmem:$0x1EE80] =	vst v63  }
0x6c: {  	_ =	swait.ge [sflag:s13], $0x4000  }
0x6d: {  	[sflag:s13] =	ssyncset.done $0x0  }
0x6e: {  	s21 =	sshll.u32 s22, $0x7;
	p0 =	sgt.u32 s22, $0x4C;
	[sflag:s13] =	ssyncadd.s32 $0xFFFFC000  }
0x6f: {  	s5 =	sadd.s32 @!p0 $0x100, s21;
	_ =	swait.ge [sflag:s16], $0x80  }
0x70: {  	s15 =	sand.u32 @!p0 $0x7C00, s5;
	[sflag:s16] =	ssyncset.done $0x0  }
0x71: {  	s5 =	sand.u32 @!p0 $0x300, s5;
	s15 =	sadd.s32 @!p0 s6, s15;
	[sflag:s16] =	ssyncadd.s32 $0xFFFFFF80  }
0x72: {  	s20 =	simm.s32 @!p0 $0x2800;
	s5 =	sor.u32 @!p0 s5, s15;
	_ =	swait.ge [sflag:s17], $0x80  }
0x73: {  	p1 =	slt.u32 @!p0 s22, $0x2;
	s5 =	sshrl.u32 @!p0 s5, $0x3;
	[sflag:s17] =	ssyncset.done $0x0  }
0x74: {  	s15 =	simm.s32 @!p0 $0x0;
	s5 =	sadd.s32 @!p0 s1, s5;
	[sflag:s17] =	ssyncadd.s32 $0xFFFFFF80  }
0x75: {  	[tilespmem:s20], [sflag:$0x1] =	stream.linear.gather @!p0 [hbm4b:s5+s15], $0x80, $0x38;
	[tilespmem:$0x1EE80] =	vst v63  }
0x76: {  	p0 =	por p0, !p1  }
0x77: {  	_ =	swait.ge @p0 [sflag:s12], $0x80  }
0x78: {  	[sflag:s12] =	ssyncset.done @p0 $0x0  }
0x79: {  	[sflag:s12] =	ssyncadd.s32 @p0 $0xFFFFFF80  }
0x7a: {  	v0 =	vld [tilespmem:$0x2900]  }
0x7b: {  	v1 =	vld [tilespmem:$0x2A00]  }
0x7c: {  	v2 =	vld [tilespmem:$0x2910]  }
0x7d: {  	v3 =	vld [tilespmem:$0x2A10]  }
0x7e: {  	v4 =	vld [tilespmem:$0x2920]  }
0x7f: {  	v5 =	vld [tilespmem:$0x2A20]  }
0x80: {  	v6 =	vld [tilespmem:$0x2A30];
	v0 =	vadd.f32 v1, v0  }
0x81: {  	v1 =	vld [tilespmem:$0x2930]  }
0x82: {  	v7 =	vmul.f32 $2.000000030e-01, v0  }
0x83: {  	v8 =	vld [tilespmem:$0x2940];
	vm0 =	vge.f32 v0, $0.0e+00  }
0x84: {  	v9 =	vld [tilespmem:$0x2A40];
	v2 =	vadd.f32 v3, v2;
	v0 =	vsel vm0, v0, v7  }
0x85: {  	v3 =	vld [tilespmem:$0x2950];
	v0 =	vmul.f32 $1.442695020e+00, v0  }
0x86: {  	v4 =	vadd.f32 v5, v4;
	v5 =	vld [tilespmem:$0x2A50];
	v7 =	vmul.f32 $2.000000030e-01, v2;
	v1 =	vadd.f32 v6, v1  }
0x87: {  	v10 =	vld [tilespmem:$0x2A60];
	vm9 =	vge.f32 v2, $0.0e+00;
	(erf) = vpow2.f32 v0  }
0x88: {  	v11 =	vld [tilespmem:$0x2970];
	v2 =	vsel vm9, v2, v7;
	v0 =	vmul.f32 $2.000000030e-01, v4;
	v7 =	vmul.f32 $2.000000030e-01, v1  }
0x89: {  	vm10 =	vge.f32 v4, $0.0e+00;
	v6 =	vld [tilespmem:$0x2960];
	v2 =	vmul.f32 $1.442695020e+00, v2;
	vm11 =	vge.f32 v1, $0.0e+00  }
0x8a: {  	v0 =	vsel vm10, v4, v0;
	v4 =	vld [tilespmem:$0x2A70];
	v1 =	vsel vm11, v1, v7  }
0x8b: {  	(erf) = vpow2.f32 v2;
	v2 =	vadd.f32 v5, v3;
	v0 =	vmul.f32 $1.442695020e+00, v0  }
0x8c: {  	v7 =	vadd.f32 v9, v8;
	v1 =	vmul.f32 $1.442695020e+00, v1  }
0x8d: {  	v3 =	vmul.f32 $2.000000030e-01, v2;
	(erf) = vpow2.f32 v0  }
0x8e: {  	v0 =	vmul.f32 $2.000000030e-01, v7;
	(erf) = vpow2.f32 v1;
	v1 =	vadd.f32 v10, v6  }
0x8f: {  	vm12 =	vge.f32 v7, $0.0e+00;
	vm13 =	vge.f32 v2, $0.0e+00;
	v4 =	vadd.f32 v4, v11  }
0x90: {  	v2 =	vsel vm13, v2, v3;
	v0 =	vsel vm12, v7, v0;
	v5 =	vmul.f32 $2.000000030e-01, v1  }
0x91: {  	v0 =	vmul.f32 $1.442695020e+00, v0;
	vm14 =	vge.f32 v1, $0.0e+00;
	v3 =	vmul.f32 $2.000000030e-01, v4  }
0x92: {  	v2 =	vmul.f32 $1.442695020e+00, v2;
	vm15 =	vge.f32 v4, $0.0e+00;
	v1 =	vsel vm14, v1, v5  }
0x93: {  	(erf) = vpow2.f32 v0;
	v0 =	vmul.f32 $1.442695020e+00, v1;
	v1 =	vsel vm15, v4, v3  }
0x94: {  	(erf) = vpow2.f32 v2;
	v1 =	vmul.f32 $1.442695020e+00, v1  }
0x95: {  	(erf) = vpow2.f32 v0  }
0x96: {  	(erf) = vpow2.f32 v1  }
0x97: {  	s5 =	sadd.s32 s14, s21  }
0x98: {  	p5 =	slt.u32 s5, $0x4E200;
	s20 =	sor.u32 $0x10, s5;
	v0 =	vpop (erf)  }
0x99: {  	s23 =	sor.u32 $0x20, s5;
	p6 =	slt.u32 s20, $0x4E200;
	v1 =	vpop (erf);
	v0 =	vpsel !p5, $0x0, v0  }
0x9a: {  	p1 =	slt.u32 s23, $0x4E200;
	s20 =	sor.u32 $0x30, s5;
	v2 =	vpop (erf);
	[tilespmem:$0x2B00] =	vst v0;
	v0 =	vpsel !p6, $0x0, v1  }
0x9b: {  	s23 =	sor.u32 $0x40, s5;
	p2 =	slt.u32 s20, $0x4E200;
	v1 =	vpop (erf);
	[tilespmem:$0x2B10] =	vst v0;
	v0 =	vpsel !p1, $0x0, v2  }
0x9c: {  	p3 =	slt.u32 s23, $0x4E200;
	s20 =	sor.u32 $0x50, s5;
	v2 =	vpop (erf);
	[tilespmem:$0x2B20] =	vst v0;
	v0 =	vpsel !p2, $0x0, v1  }
0x9d: {  	s23 =	sor.u32 $0x60, s5;
	p4 =	slt.u32 s20, $0x4E200;
	v1 =	vpop (erf);
	[tilespmem:$0x2B30] =	vst v0;
	v0 =	vpsel !p3, $0x0, v2  }
0x9e: {  	s5 =	sor.u32 $0x70, s5;
	p5 =	slt.u32 s23, $0x4E200;
	[tilespmem:$0x2B40] =	vst v0;
	v0 =	vpsel !p4, $0x0, v1;
	v2 =	vpop (erf)  }
0x9f: {  	s20 =	simm.s32 $0x0;
	p6 =	slt.u32 s5, $0x4E200;
	[tilespmem:$0x2B50] =	vst v0;
	v0 =	vpsel !p5, $0x0, v2;
	v1 =	vpop (erf)  }
0xa0: {  	[tilespmem:$0x2B60] =	vst v0;
	v0 =	vpsel !p6, $0x0, v1;
	v1 =	vmov s20  }
0xa1: {  	[tilespmem:$0x2B70] =	vst v0;
	v0 =	vand.u32 $0xFFFFFFFE, v1  }
0xa2: {  	v1 =	vbroadcast v0, $0x0;
	_ =	sdelay $0x2  }
0xa3: {  	s15 =	simm.s32 $0x2C80  }
0xa4: {  	[spmem:s4] =	stream.indirect.scatter.add.f32 [tilespmem:s18], [sflag:$0x9], $0x1, s21, s26, $0xb8;
	[tilespmem:$0x1EE80] =	vst v63  }
0xa5: {  	v4 =	vld [tilespmem:s15+$0xFFFFFFF0]  }
0xa6: {  	v5 =	vld.idx.msk [tilespmem:v1+s18+$0x0], $0xffff  }
0xa7: {  	v6 =	vld [tilespmem:s15+$0xFFFFFF80]  }
0xa8: {  	v7 =	vld [tilespmem:s15+$0xFFFFFFA0]  }
0xa9: {  	v3 =	vld [tilespmem:s15+$0xFFFFFFB0]  }
0xaa: {  	v2 =	vld [tilespmem:s15+$0xFFFFFFD0]  }
0xab: {  	v62 =	vld [tilespmem:s15+$0xFFFFFF90];
	v4 =	vmul.f32 v4, v5  }
0xac: {  	v61 =	vld [tilespmem:s15+$0xFFFFFFE0];
	v6 =	vmul.f32 v6, v5  }
0xad: {  	v63 =	vld [tilespmem:s15+$0xFFFFFFC0];
	v7 =	vmul.f32 v7, v5;
	[tilespmem:s15+$0xFFFFFFF0] =	vst v4  }
0xae: {  	v3 =	vmul.f32 v3, v5;
	[tilespmem:s15+$0xFFFFFF80] =	vst v6  }
0xaf: {  	s23 =	simm.s32 $0x1;
	v2 =	vmul.f32 v2, v5;
	[tilespmem:s15+$0xFFFFFFA0] =	vst v7  }
0xb0: {  	v4 =	vmul.f32 v62, v5;
	[tilespmem:s15+$0xFFFFFFB0] =	vst v3;
	v6 =	vmov s23  }
0xb1: {  	v0 =	vld [tilespmem:s15+$0x0];
	v3 =	vmul.f32 v61, v5;
	[tilespmem:s15+$0xFFFFFFD0] =	vst v2  }
0xb2: {  	v1 =	vld [tilespmem:s15+$0x10];
	v2 =	vmul.f32 v63, v5;
	[tilespmem:s15+$0xFFFFFF90] =	vst v4  }
0xb3: {  	[tilespmem:s15+$0xFFFFFFE0] =	vst v3;
	v4 =	vld [tilespmem:s15+$0x30]  }
0xb4: {  	[tilespmem:s15+$0xFFFFFFC0] =	vst v2;
	v3 =	vld [tilespmem:s15+$0x70]  }
0xb5: {  	s5 =	simm.s32 $0x2C80;
	s23 =	simm.s32 $0x2;
	v2 =	vld.idx.msk [tilespmem:v6+s18+$0x0], $0xffff  }
.LBB2_4:
0xb6: {  	p0 =	slt.u32 s23, $0x7E  }
0xb7: {  	v5 =	vld [tilespmem:s15+$0x20];
	s5 =	sadd.s32 $0x100, s5;
	s20 =	smov.u32 s23;
	s23 =	sadd.s32 $0x2, s23  }
0xb8: {  	v6 =	vld [tilespmem:s15+$0x40]  }
0xb9: {  	v7 =	vld [tilespmem:s15+$0x50]  }
0xba: {  	v8 =	vld [tilespmem:s15+$0x60];
	_ =	sdelay $0x1  }
0xbb: {  	v0 =	vmul.f32 v0, v2;
	v1 =	vmul.f32 v1, v2  }
0xbc: {  	v4 =	vmul.f32 v4, v2;
	v5 =	vmul.f32 v5, v2  }
0xbd: {  	v9 =	vmov s20;
	v6 =	vmul.f32 v6, v2;
	[tilespmem:s15+$0x0] =	vst v0;
	v7 =	vmul.f32 v7, v2  }
0xbe: {  	v9 =	vand.u32 $0xFFFFFFFE, v9;
	v0 =	vld [tilespmem:s5+$0x0];
	[tilespmem:s15+$0x30] =	vst v4;
	v4 =	vmul.f32 v8, v2;
	v2 =	vmul.f32 v3, v2  }
0xbf: {  	v3 =	vbroadcast v9, $0x0;
	[tilespmem:s15+$0x10] =	vst v1  }
0xc0: {  	[tilespmem:s15+$0x70] =	vst v2  }
0xc1: {  	v2 =	vld [tilespmem:s5+$0xFFFFFFD0];
	[tilespmem:s15+$0x20] =	vst v5  }
0xc2: {  	v5 =	vld [tilespmem:s5+$0xFFFFFFB0];
	[tilespmem:s15+$0x60] =	vst v4  }
0xc3: {  	v4 =	vld [tilespmem:s5+$0xFFFFFFE0];
	[tilespmem:s15+$0x40] =	vst v6  }
0xc4: {  	v6 =	vld [tilespmem:s5+$0xFFFFFFF0];
	[tilespmem:s15+$0x50] =	vst v7;
	s15 =	smov.u32 s5  }
0xc5: {  	v3 =	vld.idx.msk [tilespmem:v3+s18+$0x0], $0xffff  }
0xc6: {  	v7 =	vld [tilespmem:s5+$0xFFFFFF80]  }
0xc7: {  	v8 =	vld [tilespmem:s5+$0xFFFFFFA0]  }
0xc8: {  	v9 =	vld [tilespmem:s5+$0xFFFFFF90]  }
0xc9: {  	v10 =	vld [tilespmem:s5+$0xFFFFFFC0]  }
0xca: {  	v1 =	vld [tilespmem:s5+$0x10]  }
0xcb: {  	v6 =	vmul.f32 v6, v3;
	v7 =	vmul.f32 v7, v3  }
0xcc: {  	v4 =	vmul.f32 v4, v3;
	v8 =	vmul.f32 v8, v3  }
0xcd: {  	v5 =	vmul.f32 v5, v3;
	v9 =	vmul.f32 v9, v3;
	[tilespmem:s5+$0xFFFFFFF0] =	vst v6  }
0xce: {  	v2 =	vmul.f32 v2, v3;
	[tilespmem:s5+$0xFFFFFF80] =	vst v7;
	v6 =	vmul.f32 v10, v3  }
0xcf: {  	s20 =	sadd.s32 $0x1, s20;
	[tilespmem:s5+$0xFFFFFFA0] =	vst v8  }
0xd0: {  	[tilespmem:s5+$0xFFFFFFB0] =	vst v5;
	v5 =	vmov s20  }
.Ltmp5:
0xd1: {  	[tilespmem:s5+$0xFFFFFFD0] =	vst v2;
	(pc) =	sbr.rel @p0 .LBB2_4-.Ltmp5, $4  }
0xd2: {  	[tilespmem:s5+$0xFFFFFF90] =	vst v9  }
0xd3: {  	[tilespmem:s5+$0xFFFFFFE0] =	vst v4;
	v4 =	vld [tilespmem:s5+$0x30]  }
0xd4: {  	[tilespmem:s5+$0xFFFFFFC0] =	vst v6;
	v3 =	vld [tilespmem:s5+$0x70]  }
0xd5: {  	v2 =	vld.idx.msk [tilespmem:v5+s18+$0x0], $0xffff  }
0xd6: {  	_ =	sdelay $0x2  }
0xd7: {  	v5 =	vld [tilespmem:s15+$0x20]  }
0xd8: {  	v6 =	vld [tilespmem:s15+$0x60];
	v0 =	vmul.f32 v0, v2  }
0xd9: {  	v7 =	vld [tilespmem:s15+$0x40];
	v4 =	vmul.f32 v4, v2  }
0xda: {  	v8 =	vld [tilespmem:s15+$0x50];
	v1 =	vmul.f32 v1, v2;
	[tilespmem:s15+$0x0] =	vst v0  }
0xdb: {  	v59 =	vmul.f32 v3, v2;
	[tilespmem:s15+$0x30] =	vst v4  }
0xdc: {  	v60 =	vmul.f32 v5, v2;
	[tilespmem:s15+$0x10] =	vst v1  }
0xdd: {  	p0 =	seq.s32 s25, $0x0;
	v61 =	vmul.f32 v6, v2;
	[tilespmem:s15+$0x70] =	vst v59  }
.Ltmp6:
0xde: {  	v62 =	vmul.f32 v7, v2;
	[tilespmem:s15+$0x20] =	vst v60;
	(pc) =	sbr.rel @p0 .LBB2_9-.Ltmp6, $4  }
0xdf: {  	v63 =	vmul.f32 v8, v2;
	[tilespmem:s15+$0x60] =	vst v61  }
0xe0: {  	[tilespmem:s15+$0x40] =	vst v62  }
0xe1: {  	[tilespmem:s15+$0x50] =	vst v63  }
0xe2: {  	[spmem:s3] =	stream.indirect.scatter.add.f32 [tilespmem:s28], [sflag:$0xB], $0x80, s21, s26, $0xb8;
	[tilespmem:$0x1EE80] =	vst v63  }
.LBB2_6:
0xe3: {  	_ =	swait.ge [sflag:s31], $0x4000  }
0xe4: {  	p0 =	seq.s32 s22, $0x4E;
	[sflag:s31] =	ssyncset.done $0x0  }
0xe5: {  	s5 =	simm.s32 @!p0 $0x1;
	[sflag:s31] =	ssyncadd.s32 $0xFFFFC000  }
0xe6: {  	_ =	swait.ge @!p0 [sflag:s5], $0x80  }
0xe7: {  	s15 =	simm.s32 @!p0 $0x2800;
	[sflag:s5] =	ssyncset.done @!p0 $0x0  }
0xe8: {  	s20 =	simm.s32 @!p0 $0x2C00;
	[sflag:s5] =	ssyncadd.s32 @!p0 $0xFFFFFF80;
	s5 =	simm.s32 @!p0 $0x80  }
0xe9: {  	[tilespmem:s20], [sflag:$0x3] =	stream.indirect.gather @!p0 [hbm4b:s7+s5], $0x80, s15, s5, $0xb8;
	[tilespmem:$0x1EE80] =	vst v63  }
0xea: {  	s20 =	simm.s32 @!p0 $0x2900  }
0xeb: {  	[tilespmem:s20], [sflag:$0x5] =	stream.indirect.gather @!p0 [hbm4b:s8+s5], $0x1, s15, s5, $0xb8;
	[tilespmem:$0x1EE80] =	vst v63  }
0xec: {  	s15 =	sshll.u32 @!p0 s22, $0x7  }
0xed: {  	s15 =	sand.u32 @!p0 $0x3FFFFF80, s15  }
0xee: {  	s20 =	simm.s32 @!p0 $0x2A00;
	s15 =	sadd.s32 @!p0 $0x80, s15  }
0xef: {  	[tilespmem:s20], [sflag:$0x7] =	stream.indirect.gather @!p0 [hbm4b:s9+s5], $0x1, s15, s5, $0xb8;
	[tilespmem:$0x1EE80] =	vst v63  }
0xf0: {  	_ =	swait.ge [sflag:s2], $0x4000  }
0xf1: {  	[sflag:s2] =	ssyncset.done $0x0  }
0xf2: {  	s21 =	sshll.u32 s22, $0x7;
	p0 =	sgt.u32 s22, $0x4C;
	[sflag:s2] =	ssyncadd.s32 $0xFFFFC000  }
0xf3: {  	s5 =	sadd.s32 @!p0 $0x100, s21;
	_ =	swait.ge [sflag:s0], $0x80  }
0xf4: {  	s15 =	sand.u32 @!p0 $0x7C00, s5;
	[sflag:s0] =	ssyncset.done $0x0  }
0xf5: {  	s5 =	sand.u32 @!p0 $0x380, s5;
	s15 =	sadd.s32 @!p0 s6, s15;
	[sflag:s0] =	ssyncadd.s32 $0xFFFFFF80  }
0xf6: {  	s20 =	simm.s32 @!p0 $0x2880;
	s5 =	sor.u32 @!p0 s5, s15;
	_ =	swait.ge [sflag:s29], $0x80  }
0xf7: {  	p1 =	slt.u32 @!p0 s22, $0x2;
	s5 =	sshrl.u32 @!p0 s5, $0x3;
	[sflag:s29] =	ssyncset.done $0x0  }
0xf8: {  	s15 =	simm.s32 @!p0 $0x0;
	s5 =	sadd.s32 @!p0 s1, s5;
	[sflag:s29] =	ssyncadd.s32 $0xFFFFFF80  }
0xf9: {  	[tilespmem:s20], [sflag:$0x2] =	stream.linear.gather @!p0 [hbm4b:s5+s15], $0x80, $0x38;
	[tilespmem:$0x1EE80] =	vst v63  }
0xfa: {  	p0 =	por p0, !p1  }
0xfb: {  	_ =	swait.ge @p0 [sflag:s30], $0x80  }
0xfc: {  	[sflag:s30] =	ssyncset.done @p0 $0x0  }
0xfd: {  	[sflag:s30] =	ssyncadd.s32 @p0 $0xFFFFFF80  }
0xfe: {  	v0 =	vld [tilespmem:$0x2980]  }
0xff: {  	v1 =	vld [tilespmem:$0x2A80]  }
0x100: {  	v2 =	vld [tilespmem:$0x2990]  }
0x101: {  	v3 =	vld [tilespmem:$0x2A90]  }
0x102: {  	v4 =	vld [tilespmem:$0x29A0]  }
0x103: {  	v5 =	vld [tilespmem:$0x2AA0]  }
0x104: {  	v6 =	vld [tilespmem:$0x2AB0];
	v0 =	vadd.f32 v1, v0  }
0x105: {  	v1 =	vld [tilespmem:$0x29B0]  }
0x106: {  	v7 =	vmul.f32 $2.000000030e-01, v0  }
0x107: {  	v8 =	vld [tilespmem:$0x29C0];
	vm0 =	vge.f32 v0, $0.0e+00  }
0x108: {  	v9 =	vld [tilespmem:$0x2AC0];
	v2 =	vadd.f32 v3, v2;
	v0 =	vsel vm0, v0, v7  }
0x109: {  	v3 =	vld [tilespmem:$0x29D0];
	v0 =	vmul.f32 $1.442695020e+00, v0  }
0x10a: {  	v4 =	vadd.f32 v5, v4;
	v5 =	vld [tilespmem:$0x2AD0];
	v7 =	vmul.f32 $2.000000030e-01, v2;
	v1 =	vadd.f32 v6, v1  }
0x10b: {  	v10 =	vld [tilespmem:$0x2AE0];
	vm9 =	vge.f32 v2, $0.0e+00;
	(erf) = vpow2.f32 v0  }
0x10c: {  	v11 =	vld [tilespmem:$0x29F0];
	v2 =	vsel vm9, v2, v7;
	v0 =	vmul.f32 $2.000000030e-01, v4;
	v7 =	vmul.f32 $2.000000030e-01, v1  }
0x10d: {  	vm10 =	vge.f32 v4, $0.0e+00;
	v6 =	vld [tilespmem:$0x29E0];
	v2 =	vmul.f32 $1.442695020e+00, v2;
	vm11 =	vge.f32 v1, $0.0e+00  }
0x10e: {  	v0 =	vsel vm10, v4, v0;
	v4 =	vld [tilespmem:$0x2AF0];
	v1 =	vsel vm11, v1, v7  }
0x10f: {  	(erf) = vpow2.f32 v2;
	v2 =	vadd.f32 v5, v3;
	v0 =	vmul.f32 $1.442695020e+00, v0  }
0x110: {  	v7 =	vadd.f32 v9, v8;
	v1 =	vmul.f32 $1.442695020e+00, v1  }
0x111: {  	v3 =	vmul.f32 $2.000000030e-01, v2;
	(erf) = vpow2.f32 v0  }
0x112: {  	v0 =	vmul.f32 $2.000000030e-01, v7;
	(erf) = vpow2.f32 v1;
	v1 =	vadd.f32 v10, v6  }
0x113: {  	vm12 =	vge.f32 v7, $0.0e+00;
	vm13 =	vge.f32 v2, $0.0e+00;
	v4 =	vadd.f32 v4, v11  }
0x114: {  	v2 =	vsel vm13, v2, v3;
	v0 =	vsel vm12, v7, v0;
	v5 =	vmul.f32 $2.000000030e-01, v1  }
0x115: {  	v0 =	vmul.f32 $1.442695020e+00, v0;
	vm14 =	vge.f32 v1, $0.0e+00;
	v3 =	vmul.f32 $2.000000030e-01, v4  }
0x116: {  	v2 =	vmul.f32 $1.442695020e+00, v2;
	vm15 =	vge.f32 v4, $0.0e+00;
	v1 =	vsel vm14, v1, v5  }
0x117: {  	(erf) = vpow2.f32 v0;
	v0 =	vmul.f32 $1.442695020e+00, v1;
	v1 =	vsel vm15, v4, v3  }
0x118: {  	(erf) = vpow2.f32 v2;
	v1 =	vmul.f32 $1.442695020e+00, v1  }
0x119: {  	(erf) = vpow2.f32 v0  }
0x11a: {  	(erf) = vpow2.f32 v1  }
0x11b: {  	s5 =	sadd.s32 s14, s21  }
0x11c: {  	p5 =	slt.u32 s5, $0x4E200;
	s23 =	sor.u32 $0x10, s5;
	v0 =	vpop (erf)  }
0x11d: {  	s25 =	sor.u32 $0x20, s5;
	p6 =	slt.u32 s23, $0x4E200;
	v1 =	vpop (erf);
	v0 =	vpsel !p5, $0x0, v0  }
0x11e: {  	s20 =	sor.u32 $0x30, s5;
	p1 =	slt.u32 s25, $0x4E200;
	v2 =	vpop (erf);
	[tilespmem:$0x2B80] =	vst v0;
	v0 =	vpsel !p6, $0x0, v1  }
0x11f: {  	p2 =	slt.u32 s20, $0x4E200;
	s23 =	sor.u32 $0x40, s5;
	v1 =	vpop (erf);
	[tilespmem:$0x2B90] =	vst v0;
	v0 =	vpsel !p1, $0x0, v2  }
0x120: {  	s25 =	sor.u32 $0x50, s5;
	p3 =	slt.u32 s23, $0x4E200;
	v2 =	vpop (erf);
	[tilespmem:$0x2BA0] =	vst v0;
	v0 =	vpsel !p2, $0x0, v1  }
0x121: {  	s20 =	sor.u32 $0x60, s5;
	p4 =	slt.u32 s25, $0x4E200;
	v1 =	vpop (erf);
	[tilespmem:$0x2BB0] =	vst v0;
	v0 =	vpsel !p3, $0x0, v2  }
0x122: {  	s5 =	sor.u32 $0x70, s5;
	p5 =	slt.u32 s20, $0x4E200;
	[tilespmem:$0x2BC0] =	vst v0;
	v0 =	vpsel !p4, $0x0, v1;
	v2 =	vpop (erf)  }
0x123: {  	s23 =	simm.s32 $0x0;
	p6 =	slt.u32 s5, $0x4E200;
	[tilespmem:$0x2BD0] =	vst v0;
	v0 =	vpsel !p5, $0x0, v2;
	v1 =	vpop (erf)  }
0x124: {  	[tilespmem:$0x2BE0] =	vst v0;
	v0 =	vpsel !p6, $0x0, v1;
	v1 =	vmov s23  }
0x125: {  	[tilespmem:$0x2BF0] =	vst v0;
	v0 =	vand.u32 $0xFFFFFFFE, v1  }
0x126: {  	v1 =	vbroadcast v0, $0x0;
	_ =	sdelay $0x2  }
0x127: {  	s15 =	simm.s32 $0x6C80  }
0x128: {  	[spmem:s4] =	stream.indirect.scatter.add.f32 [tilespmem:s10], [sflag:$0xA], $0x1, s21, s26, $0xb8;
	[tilespmem:$0x1EE80] =	vst v63  }
0x129: {  	v4 =	vld [tilespmem:s15+$0xFFFFFFF0]  }
0x12a: {  	v5 =	vld.idx.msk [tilespmem:v1+s10+$0x0], $0xffff  }
0x12b: {  	v6 =	vld [tilespmem:s15+$0xFFFFFF80]  }
0x12c: {  	v7 =	vld [tilespmem:s15+$0xFFFFFFA0]  }
0x12d: {  	v3 =	vld [tilespmem:s15+$0xFFFFFFB0]  }
0x12e: {  	v2 =	vld [tilespmem:s15+$0xFFFFFFD0]  }
0x12f: {  	v62 =	vld [tilespmem:s15+$0xFFFFFF90];
	v4 =	vmul.f32 v4, v5  }
0x130: {  	v61 =	vld [tilespmem:s15+$0xFFFFFFE0];
	v6 =	vmul.f32 v6, v5  }
0x131: {  	v63 =	vld [tilespmem:s15+$0xFFFFFFC0];
	v7 =	vmul.f32 v7, v5;
	[tilespmem:s15+$0xFFFFFFF0] =	vst v4  }
0x132: {  	v3 =	vmul.f32 v3, v5;
	[tilespmem:s15+$0xFFFFFF80] =	vst v6  }
0x133: {  	s25 =	simm.s32 $0x1;
	v2 =	vmul.f32 v2, v5;
	[tilespmem:s15+$0xFFFFFFA0] =	vst v7  }
0x134: {  	v4 =	vmul.f32 v62, v5;
	[tilespmem:s15+$0xFFFFFFB0] =	vst v3;
	v6 =	vmov s25  }
0x135: {  	v0 =	vld [tilespmem:s15+$0x0];
	v3 =	vmul.f32 v61, v5;
	[tilespmem:s15+$0xFFFFFFD0] =	vst v2  }
0x136: {  	v1 =	vld [tilespmem:s15+$0x10];
	v2 =	vmul.f32 v63, v5;
	[tilespmem:s15+$0xFFFFFF90] =	vst v4  }
0x137: {  	[tilespmem:s15+$0xFFFFFFE0] =	vst v3;
	v4 =	vld [tilespmem:s15+$0x30]  }
0x138: {  	[tilespmem:s15+$0xFFFFFFC0] =	vst v2;
	v3 =	vld [tilespmem:s15+$0x70]  }
0x139: {  	s5 =	simm.s32 $0x6C80;
	s23 =	simm.s32 $0x2;
	v2 =	vld.idx.msk [tilespmem:v6+s10+$0x0], $0xffff  }
.LBB2_7:
0x13a: {  	p0 =	slt.u32 s23, $0x7E  }
0x13b: {  	v5 =	vld [tilespmem:s15+$0x20];
	s5 =	sadd.s32 $0x100, s5;
	s20 =	smov.u32 s23;
	s23 =	sadd.s32 $0x2, s23  }
0x13c: {  	v6 =	vld [tilespmem:s15+$0x40]  }
0x13d: {  	v7 =	vld [tilespmem:s15+$0x50]  }
0x13e: {  	v8 =	vld [tilespmem:s15+$0x60];
	_ =	sdelay $0x1  }
0x13f: {  	v0 =	vmul.f32 v0, v2;
	v1 =	vmul.f32 v1, v2  }
0x140: {  	v4 =	vmul.f32 v4, v2;
	v5 =	vmul.f32 v5, v2  }
0x141: {  	v9 =	vmov s20;
	v6 =	vmul.f32 v6, v2;
	[tilespmem:s15+$0x0] =	vst v0;
	v7 =	vmul.f32 v7, v2  }
0x142: {  	v9 =	vand.u32 $0xFFFFFFFE, v9;
	v0 =	vld [tilespmem:s5+$0x0];
	[tilespmem:s15+$0x30] =	vst v4;
	v4 =	vmul.f32 v8, v2;
	v2 =	vmul.f32 v3, v2  }
0x143: {  	v3 =	vbroadcast v9, $0x0;
	[tilespmem:s15+$0x10] =	vst v1  }
0x144: {  	[tilespmem:s15+$0x70] =	vst v2  }
0x145: {  	v2 =	vld [tilespmem:s5+$0xFFFFFFD0];
	[tilespmem:s15+$0x20] =	vst v5  }
0x146: {  	v5 =	vld [tilespmem:s5+$0xFFFFFFB0];
	[tilespmem:s15+$0x60] =	vst v4  }
0x147: {  	v4 =	vld [tilespmem:s5+$0xFFFFFFE0];
	[tilespmem:s15+$0x40] =	vst v6  }
0x148: {  	v6 =	vld [tilespmem:s5+$0xFFFFFFF0];
	[tilespmem:s15+$0x50] =	vst v7;
	s15 =	smov.u32 s5  }
0x149: {  	v3 =	vld.idx.msk [tilespmem:v3+s10+$0x0], $0xffff  }
0x14a: {  	v7 =	vld [tilespmem:s5+$0xFFFFFF80]  }
0x14b: {  	v8 =	vld [tilespmem:s5+$0xFFFFFFA0]  }
0x14c: {  	v9 =	vld [tilespmem:s5+$0xFFFFFF90]  }
0x14d: {  	v10 =	vld [tilespmem:s5+$0xFFFFFFC0]  }
0x14e: {  	v1 =	vld [tilespmem:s5+$0x10]  }
0x14f: {  	v6 =	vmul.f32 v6, v3;
	v7 =	vmul.f32 v7, v3  }
0x150: {  	v4 =	vmul.f32 v4, v3;
	v8 =	vmul.f32 v8, v3  }
0x151: {  	v5 =	vmul.f32 v5, v3;
	v9 =	vmul.f32 v9, v3;
	[tilespmem:s5+$0xFFFFFFF0] =	vst v6  }
0x152: {  	v2 =	vmul.f32 v2, v3;
	[tilespmem:s5+$0xFFFFFF80] =	vst v7;
	v6 =	vmul.f32 v10, v3  }
0x153: {  	s20 =	sadd.s32 $0x1, s20;
	[tilespmem:s5+$0xFFFFFFA0] =	vst v8  }
0x154: {  	[tilespmem:s5+$0xFFFFFFB0] =	vst v5;
	v5 =	vmov s20  }
.Ltmp7:
0x155: {  	[tilespmem:s5+$0xFFFFFFD0] =	vst v2;
	(pc) =	sbr.rel @p0 .LBB2_7-.Ltmp7, $4  }
0x156: {  	[tilespmem:s5+$0xFFFFFF90] =	vst v9  }
0x157: {  	[tilespmem:s5+$0xFFFFFFE0] =	vst v4;
	v4 =	vld [tilespmem:s5+$0x30]  }
0x158: {  	[tilespmem:s5+$0xFFFFFFC0] =	vst v6;
	v3 =	vld [tilespmem:s5+$0x70]  }
0x159: {  	v2 =	vld.idx.msk [tilespmem:v5+s10+$0x0], $0xffff  }
0x15a: {  	_ =	sdelay $0x2  }
0x15b: {  	v5 =	vld [tilespmem:s15+$0x20]  }
0x15c: {  	v6 =	vld [tilespmem:s15+$0x60];
	v0 =	vmul.f32 v0, v2  }
0x15d: {  	v7 =	vld [tilespmem:s15+$0x40];
	v4 =	vmul.f32 v4, v2  }
0x15e: {  	v8 =	vld [tilespmem:s15+$0x50];
	v1 =	vmul.f32 v1, v2;
	[tilespmem:s15+$0x0] =	vst v0  }
0x15f: {  	v59 =	vmul.f32 v3, v2;
	[tilespmem:s15+$0x30] =	vst v4  }
0x160: {  	v60 =	vmul.f32 v5, v2;
	[tilespmem:s15+$0x10] =	vst v1  }
0x161: {  	v61 =	vmul.f32 v6, v2;
	[tilespmem:s15+$0x70] =	vst v59  }
.Ltmp8:
0x162: {  	v62 =	vmul.f32 v7, v2;
	[tilespmem:s15+$0x20] =	vst v60;
	(pc) =	sbr.rel .LBB2_9-.Ltmp8, $4  }
0x163: {  	v63 =	vmul.f32 v8, v2;
	[tilespmem:s15+$0x60] =	vst v61  }
0x164: {  	[tilespmem:s15+$0x40] =	vst v62  }
0x165: {  	[tilespmem:s15+$0x50] =	vst v63  }
0x166: {  	[spmem:s3] =	stream.indirect.scatter.add.f32 [tilespmem:s11], [sflag:$0xC], $0x80, s21, s26, $0xb8;
	[tilespmem:$0x1EE80] =	vst v63  }
.LBB2_11:
0x167: {  	_ =	sfence.sel $0x180000  }
0x168: {  	[bflag:$0x0] =	sbarrier.arrive $0xFFFF  }
0x169: {  	_ =	strace $0x9000004A  }
0x16a: {  	s0 =	stileid.u32;
	[bflag:$0x2] =	sbarrier.arrive $0xFFFF  }
0x16b: {  	p0 =	sne.s32 s0, $0x0;
	s0 =	rddreg [dreg:$0x4]  }
0x16c: {  	s0 =	sadd.s32 @!p0 $0x100000, s0  }
0x16d: {  	[sflag:s0] =	ssyncadd.tile.s32 @!p0 $0x1;
	_ =	shalt  }
.Lfunc_end2:
_tile_overlayer_lowered:
.L_overlay_start_2:
0x16e: {  	(tag) =	ssettag $0x2  }
0x16f: {  	s0 =	rddreg [dreg:$0x0];
	s2 =	stileid.u32  }
0x170: {  	s1 =	rddreg [dreg:$0x1];
	p0 =	sne.s32 s2, $0x0  }
0x171: {  	s3 =	rddreg [dreg:$0x2];
	[bflag:$0x3] =	sbarrier.arrive $0xFFFF;
	s2 =	simm.s32 @!p0 $0x1C0D  }
0x172: {  	[timem:s3], [sflag:s2] =	dma.local @!p0 [hbm:s0], s1  }
0x173: {  	s0 =	simm.s32 @!p0 $0xD  }
0x174: {  	_ =	swait.ge @!p0 [sflag:s0], s1  }
0x175: {  	s1 =	ssub.s32 @!p0 $0x0, s1;
	[sflag:s0] =	ssyncset.done @!p0 $0x0  }
0x176: {  	[sflag:s0] =	ssyncadd.s32 @!p0 s1  }
0x177: {  	[bflag:$0x3] =	sbarrier.arrive $0xFFFF  }
0x178: {  	_ =	shalt  }

// kernel: kernel.7.cloned.1.call-start
scs
__scs_entry_jumppad:
0x0: {  	(pc) =	sbr.rel $0x88, $3  }
0x1: {  	(tag) =	ssettag $0x0;
	lr =	simm.s32 $0x1  }
0x2: {  	[smem:$0x3F97] =	sst lr;
	_ =	strace $0xD0000000  }
0x3: {  	_ = 	snop  }
0x4: {  	_ = 	snop  }
0x5: {  	_ = 	snop  }
0x6: {  	_ = 	snop  }
0x7: {  	_ = 	snop  }
__scs_overlays_trampoline_lowered:
0x8: {  	[smem:$0x3FA6] =	sst s0  }
0x9: {  	[smem:$0x3FA7] =	sst s1  }
0xa: {  	[smem:$0x3FA8] =	sst s2  }
0xb: {  	[smem:$0x3FA9] =	sst s3  }
0xc: {  	[smem:$0x3FAA] =	sst s4  }
0xd: {  	[smem:$0x3FAB] =	sst s5  }
0xe: {  	[smem:$0x3FAC] =	sst s6  }
0xf: {  	[smem:$0x3FAD] =	sst s7  }
0x10: {  	[smem:$0x3FAE] =	sst s8  }
0x11: {  	[smem:$0x3FAF] =	sst s9;
	s0 =	simm.s32 @!p0 $0x0  }
0x12: {  	s1 =	sld [smem:$0x3F95];
	s0 =	simm.s32 @p0 $0x1  }
0x13: {  	[smem:$0x3FB0] =	sst s0;
	s0 =	simm.s32 @!p1 $0x0  }
0x14: {  	s2 =	sld [smem:$0x3F94];
	s0 =	simm.s32 @p1 $0x1  }
0x15: {  	[smem:$0x3FB1] =	sst s0;
	s0 =	simm.s32 @!p2 $0x0  }
0x16: {  	s3 =	sld [smem:$0x3FDB];
	s0 =	simm.s32 @p2 $0x1  }
0x17: {  	s4 =	simm.s32 $0x1BF5;
	[smem:$0x3FB3] =	sst s0  }
0x18: {  	s0 =	sld [smem:$0x3F96];
	_ =	swait.ge [sflag:s4], $0x0  }
0x19: {  	s7 =	sld [smem:$0x3F97]  }
0x1a: {  	s8 =	sadd.s32 $0xFFFFE003, lr  }
0x1b: {  	s9 =	sadd.s32 $0xFFFFFEF7, lr;
	s5 =	simm.s32 $0xFFFFFFFF;
	p2 =	slt.u32 s8, $0xFFFFF086  }
0x1c: {  	p1 =	slt.u32 s9, $0xF7A;
	s5 =	simm.s32 @!p2 $0x0  }
0x1d: {  	s5 =	simm.s32 @p1 $0x1;
	p0 =	seq.s32 s7, s2  }
0x1e: {  	s7 =	smul.u32 @!p0 $0xF7A, s2;
	p2 =	seq.s32 @!p0 s5, $0x0  }
0x1f: {  	s9 =	smul.u32 $0xF7A, s1;
	s8 =	simm.s32 @!p0 $0x1BF5;
	p2 =	por !p2, p0  }
0x20: {  	[sflag:s8] =	ssyncset.s32 @!p0 $0xFFFFF086;
	s6 =	sadd.s32 @!p0 s3, s7;
	s7 =	simm.s32 @!p0 $0x108  }
0x21: {  	s3 =	sadd.s32 s3, s9;
	s6 =	sadd.s32 @!p0 $0x88, s6;
	s7 =	simm.s32 @p2 $0x1082  }
0x22: {  	[simem:s7], [sflag:s8] =	dma.local @!p0 [hbm:s6], $0xF7A  }
0x23: {  	s9 =	sor.u32 $0xD0000000, s2;
	s6 =	simm.s32 $0x108;
	_ =	swait.ge @!p0 [sflag:s8], $0x0  }
0x24: {  	s3 =	sadd.s32 $0x88, s3;
	s6 =	simm.s32 @!p1 $0x1082;
	[sflag:s4] =	ssyncset.s32 $0xFFFFF086  }
0x25: {  	[simem:s6], [sflag:s4] =	dma.local [hbm:s3], $0xF7A  }
0x26: {  	[smem:$0x3F97] =	sst s1;
	(tag) =	ssettag s2;
	_ =	strace s9  }
0x27: {  	s1 =	sld [smem:$0x3FA7]  }
0x28: {  	s2 =	sld [smem:$0x3FA8]  }
0x29: {  	s4 =	sld [smem:$0x3FAA]  }
0x2a: {  	p0 =	seq.s32 s5, $0x0;
	s5 =	sld [smem:$0x3FAB]  }
0x2b: {  	s6 =	sld [smem:$0x3FAC]  }
0x2c: {  	s7 =	sld [smem:$0x3FAD]  }
0x2d: {  	s3 =	simm.s32 $0x108;
	s8 =	sld [smem:$0x3FAE]  }
0x2e: {  	s3 =	simm.s32 @!p0 $0x1082;
	s9 =	sld [smem:$0x3FAF]  }
0x2f: {  	lr =	sadd.s32 s0, s3;
	s0 =	sld [smem:$0x3FA6]  }
0x30: {  	s3 =	sld [smem:$0x3FA9]  }
0x31: {  	[smem:$0x3FB2] =	sst s10  }
0x32: {  	s10 =	sld [smem:$0x3FB0];
	_ =	sdelay $0x3  }
0x33: {  	p0 =	seq.s32 s10, $0x1;
	s10 =	sld [smem:$0x3FB2];
	_ =	sdelay $0x3  }
0x34: {  	[smem:$0x3FB2] =	sst s10  }
0x35: {  	s10 =	sld [smem:$0x3FB1];
	_ =	sdelay $0x3  }
0x36: {  	p1 =	seq.s32 s10, $0x1;
	s10 =	sld [smem:$0x3FB2];
	_ =	sdelay $0x3  }
0x37: {  	[smem:$0x3FB2] =	sst s10  }
0x38: {  	s10 =	sld [smem:$0x3FB3]  }
0x39: {  	_ = 	snop;
	(pc) =	sbr.ind lr, $3  }
0x3a: {  	_ = 	snop  }
0x3b: {  	_ = 	snop  }
0x3c: {  	p2 =	seq.s32 s10, $0x1;
	s10 =	sld [smem:$0x3FB2]  }
0x3d: {  	_ =	shalt  }
0x3e: {  	_ =	shalt  }
0x3f: {  	_ =	shalt  }
0x40: {  	_ =	shalt  }
0x41: {  	_ =	shalt  }
0x42: {  	_ =	shalt  }
0x43: {  	_ =	shalt  }
0x44: {  	_ =	shalt  }
0x45: {  	_ =	shalt  }
0x46: {  	_ =	shalt  }
0x47: {  	_ =	shalt  }
0x48: {  	_ =	shalt  }
0x49: {  	_ =	shalt  }
0x4a: {  	_ =	shalt  }
0x4b: {  	_ =	shalt  }
0x4c: {  	_ =	shalt  }
0x4d: {  	_ =	shalt  }
0x4e: {  	_ =	shalt  }
0x4f: {  	_ =	shalt  }
0x50: {  	_ =	shalt  }
0x51: {  	_ =	shalt  }
0x52: {  	_ =	shalt  }
0x53: {  	_ =	shalt  }
0x54: {  	_ =	shalt  }
0x55: {  	_ =	shalt  }
0x56: {  	_ =	shalt  }
0x57: {  	_ =	shalt  }
0x58: {  	_ =	shalt  }
0x59: {  	_ =	shalt  }
0x5a: {  	_ =	shalt  }
0x5b: {  	_ =	shalt  }
0x5c: {  	_ =	shalt  }
0x5d: {  	_ =	shalt  }
0x5e: {  	_ =	shalt  }
0x5f: {  	_ =	shalt  }
0x60: {  	_ =	shalt  }
0x61: {  	_ =	shalt  }
0x62: {  	_ =	shalt  }
0x63: {  	_ =	shalt  }
0x64: {  	_ =	shalt  }
0x65: {  	_ =	shalt  }
0x66: {  	_ =	shalt  }
0x67: {  	_ =	shalt  }
0x68: {  	_ =	shalt  }
0x69: {  	_ =	shalt  }
0x6a: {  	_ =	shalt  }
0x6b: {  	_ =	shalt  }
0x6c: {  	_ =	shalt  }
0x6d: {  	_ =	shalt  }
0x6e: {  	_ =	shalt  }
0x6f: {  	_ =	shalt  }
0x70: {  	_ =	shalt  }
0x71: {  	_ =	shalt  }
0x72: {  	_ =	shalt  }
0x73: {  	_ =	shalt  }
0x74: {  	_ =	shalt  }
0x75: {  	_ =	shalt  }
0x76: {  	_ =	shalt  }
0x77: {  	_ =	shalt  }
0x78: {  	_ =	shalt  }
0x79: {  	_ =	shalt  }
0x7a: {  	_ =	shalt  }
0x7b: {  	_ =	shalt  }
0x7c: {  	_ =	shalt  }
0x7d: {  	_ =	shalt  }
0x7e: {  	_ =	shalt  }
0x7f: {  	_ =	shalt  }
0x80: {  	_ =	shalt  }
0x81: {  	_ =	shalt  }
0x82: {  	_ =	shalt  }
0x83: {  	_ =	shalt  }
0x84: {  	_ =	shalt  }
0x85: {  	_ =	shalt  }
0x86: {  	_ =	shalt  }
0x87: {  	_ =	shalt  }
.Lfunc_end0:
.L_simem_size_0:
called_computation_lowered:
.L_overlay_start_0:
0x88: {  	s2 =	sld [smem:$0x3FD9]  }
0x89: {  	s3 =	sld [smem:$0x3FFE];
	_ =	sdelay $0x1  }
0x8a: {  	s1 =	srdreg.scid  }
0x8b: {  	s0 =	sand.u32 $0x1, s1  }
0x8c: {  	s17 =	sshll.u32 s0, $0xA;
	s2 =	sadd.s32 s3, s2  }
0x8d: {  	s2 =	sadd.s32 s2, s17  }
0x8e: {  	[smem:$0x3FBE] =	sst s2  }
0x8f: {  	_ = 	snop  }
0x90: {  	s2 =	sld [smem:$0x3FD0];
	(tm) =	ssettm $0x1  }
0x91: {  	s18 =	sld [smem:$0x3FFB];
	_ =	sdelay $0x3  }
0x92: {  	_ =	strace s18  }
0x93: {  	s3 =	sld [smem:$0x3FFC];
	_ =	sdelay $0x3  }
0x94: {  	_ =	strace s3  }
0x95: {  	s3 =	sld [smem:$0x3FFD];
	_ =	sdelay $0x3  }
0x96: {  	_ =	strace s3  }
0x97: {  	_ =	strace $0x8FFFFFFF  }
0x98: {  	s19 =	sld [smem:$0x3FDB];
	_ =	sdelay $0x1  }
0x99: {  	s4 =	simm.s32 $_scs_section_size  }
0x9a: {  	s5 =	simm.s32 $_size__tile_overlayer_lowered;
	s6 =	simm.s32 $_tile_overlayer_lowered  }
0x9b: {  	s22 =	simm.s32 $0x1BFF;
	s21 =	sshll.u32 s6, $0x1;
	s3 =	sadd.s32 s4, s19  }
0x9c: {  	s7 =	simm.s32 $0x0;
	s20 =	sshll.u32 s5, $0x1;
	s5 =	sadd.s32 s21, s3  }
0x9d: {  	[timem:s7], [sflag:s22] =	dma.local [hbm:s5], s20  }
0x9e: {  	_ =	swait.ge [sflag:s22], s20  }
0x9f: {  	s4 =	ssub.s32 $0x0, s20;
	[sflag:s22] =	ssyncset.done $0x0  }
0xa0: {  	[sflag:s22] =	ssyncadd.s32 s4;
	_ =	sdelay $0x1  }
0xa1: {  	s23 =	simm.s32 $0x1B8B  }
0xa2: {  	_ =	swait.ge [sflag:s23], $0x1  }
0xa3: {  	[sflag:s23] =	ssyncset.done $0x0  }
0xa4: {  	s25 =	simm.s32 $0x1B8E;
	s24 =	sld [smem:$0x3FFE];
	[sflag:s23] =	ssyncadd.s32 $0xFFFFFFFF  }
0xa5: {  	s26 =	simm.s32 $execute0_lowered;
	[smem:$0x3FD2] =	sst s25  }
0xa6: {  	s5 =	sshll.u32 s26, $0x1;
	_ =	strace $0x80000046;
	[dreg:$0x1] =	wrdreg $0xFFFFFFFF  }
0xa7: {  	s28 =	simm.s32 $_size_execute0_lowered;
	s3 =	sadd.s32 s3, s5;
	[dreg:$0x0] =	wrdreg $0x0  }
0xa8: {  	s5 =	sshll.u32 s28, $0x1;
	[dreg:$0x2] =	wrdreg s3  }
0xa9: {  	[dreg:$0x3] =	wrdreg s5  }
0xaa: {  	[dreg:$0x4] =	wrdreg $0xC0  }
0xab: {  	_ =	task [dreg:s7], $0x5FFFF  }
0xac: {  	[dreg:$0x1] =	wrdreg $0xFFFFFFFF  }
0xad: {  	[dreg:$0x0] =	wrdreg $0x60  }
0xae: {  	[dreg:$0x2] =	wrdreg s24  }
0xaf: {  	[dreg:$0x3] =	wrdreg s2  }
0xb0: {  	[dreg:$0x4] =	wrdreg $0xAC000  }
0xb1: {  	[dreg:$0x5] =	wrdreg $0x1EC000  }
0xb2: {  	[dreg:$0x6] =	wrdreg $0x9  }
0xb3: {  	_ =	task.clear_ibuf [dreg:s7], $0x7FFFF;
	_ =	strace $0x90000046  }
0xb4: {  	s29 =	simm.s32 $0x9;
	_ =	strace $0x80000048  }
0xb5: {  	_ =	swait.ge [sflag:s29], $0x1  }
0xb6: {  	[sflag:s29] =	ssyncadd.s32 $0xFFFFFFFF  }
0xb7: {  	_ =	strace $0x90000048  }
0xb8: {  	_ =	sfence  }
0xb9: {  	s30 =	sld [smem:$0x0];
	_ =	sdelay $0x2  }
0xba: {  	s31 =	sshll.u32 s1, $0xD;
	s1 =	sshrl.u32 s1, $0x2  }
0xbb: {  	s3 =	sand.u32 $0x4000, s31;
	s1 =	sadd.s32 s1, s30  }
0xbc: {  	s0 =	sor.u32 s3, s0;
	s1 =	sshll.u32 s1, $0x11  }
0xbd: {  	s0 =	sor.u32 s1, s0  }
0xbe: {  	s0 =	sadd.s32 $0x8F2B, s0  }
0xbf: {  	[sflag:s0] =	ssyncadd.remote.s32 $0x1  }
0xc0: {  	_ =	sfence.sel $0xFFFF  }
0xc1: {  	[dreg:$0x0] =	wrdreg $0xFFFFFFFF;
	(pc) =	sbr.abs _section_cstart, $3  }
0xc2: {  	[dreg:$0x1] =	wrdreg $0xFFFFFFFF  }
0xc3: {  	_ =	task.clear_ibuf [dreg:s7], $0x2FFFF;
	_ =	strace $0x9FFFFFFF  }
0xc4: {  	(tm) =	ssettm $0x7FFFFFFF  }
0xc5: {  	_ =	shalt  }
tec
execute0_lowered:
.L_overlay_start_1:
0x0: {  	(tag) =	ssettag $0x1  }
0x1: {  	s0 =	rddreg [dreg:$0x0]  }
0x2: {  	s1 =	rddreg [dreg:$0x1];
	s2 =	srdreg.scid  }
0x3: {  	s18 =	stileid.u32;
	s3 =	rddreg [dreg:$0x2]  }
0x4: {  	s4 =	rddreg [dreg:$0x3];
	s7 =	simm.s32 $0x0;
	s28 =	simm.s32 $0x2C00  }
0x5: {  	s31 =	simm.s32 $0xB;
	s29 =	simm.s32 $0x8;
	s30 =	simm.s32 $0xA  }
0x6: {  	s2 =	sand.u32 $0x1, s2;
	s5 =	sshll.u32 s18, $0x1;
	s11 =	smul.u32 $0x280, s18  }
0x7: {  	[smem:$0x7FF] =	sst s7;
	s7 =	sadd.s32 $0xE600, s0;
	s13 =	smul.u32 $0x14000, s18  }
0x8: {  	s8 =	sadd.s32 $0x36600, s0;
	s9 =	sadd.s32 $0xE000, s0;
	s16 =	smul.u32 $0x500, s18  }
0x9: {  	s19 =	smul.u32 $0x50000, s18;
	s5 =	sor.u32 s2, s5;
	_ =	strace $0x80000047  }
0xa: {  	s15 =	smul.u32 $0x140000, s2;
	s26 =	sshll.u32 s2, $0x7;
	s2 =	ssub.s32 $0x2, s2  }
0xb: {  	s6 =	smul.u32 $0x2800, s5;
	s14 =	sshrl.u32 s11, $0x3;
	s17 =	sshrl.u32 s13, $0x3  }
0xc: {  	s20 =	sshrl.u32 s2, $0x1;
	s21 =	sshrl.u32 s19, $0x2;
	s11 =	sadd.s32 s11, s4  }
0xd: {  	s19 =	simm.s32 $0x2;
	s14 =	sadd.s32 s14, s0;
	s13 =	sadd.s32 s13, s15  }
0xe: {  	s17 =	sadd.s32 s17, s0;
	s15 =	sor.u32 s26, s16;
	s2 =	ssub.s32 s2, s20  }
0xf: {  	s20 =	simm.s32 $0xD;
	s26 =	sshll.u32 s18, $0x6;
	s16 =	simm.s32 $0x5  }
0x10: {  	s18 =	simm.s32 $0x2B00;
	s10 =	sshrl.u32 s6, $0x3;
	s13 =	sshrl.u32 s13, $0x3  }
0x11: {  	s15 =	sshrl.u32 s15, $0x3;
	s14 =	sadd.s32 $0x36C00, s14;
	s22 =	sadd.s32 $0x37200, s17  }
0x12: {  	s25 =	smax.u32 s2, $0x1;
	s2 =	simm.s32 $0x4;
	s17 =	simm.s32 $0x7  }
0x13: {  	s12 =	sadd.s32 s10, s0;
	s13 =	sadd.s32 s13, s0;
	[dreg:$0x6] =	wrdreg s14  }
0x14: {  	s0 =	sadd.s32 s15, s0;
	[dreg:$0x8] =	wrdreg s22;
	s14 =	smul.u32 $0x2780, s5  }
0x15: {  	s23 =	sadd.s32 s1, s10;
	[dreg:$0xd] =	wrdreg s25;
	s22 =	sshrl.u32 s11, $0x3  }
0x16: {  	s10 =	simm.s32 $0x2B80;
	s11 =	simm.s32 $0x6C00;
	[dreg:$0x9] =	wrdreg s23  }
0x17: {  	s15 =	simm.s32 $0x0;
	s12 =	sadd.s32 $0x4000, s12;
	[dreg:$0xf] =	wrdreg s22  }
0x18: {  	s5 =	sadd.s32 $0x10, s23;
	s24 =	sadd.s32 $0x5F200, s13;
	[dreg:$0x5] =	wrdreg s12  }
.Ltmp0:
0x19: {  	s0 =	sadd.s32 $0xAF200, s0;
	[dreg:$0xa] =	wrdreg s5;
	(pc) =	sbr.rel .LBB2_1-.Ltmp0, $4  }
0x1a: {  	s23 =	simm.s32 $0x1;
	s13 =	simm.s32 $0x3;
	[dreg:$0xb] =	wrdreg s24  }
0x1b: {  	s12 =	sadd.s32 s21, s3;
	[dreg:$0xc] =	wrdreg s0;
	s21 =	sor.u32 $0x1C0D, s26  }
0x1c: {  	s24 =	simm.s32 $0x2880;
	s26 =	simm.s32 $0x80;
	[dreg:$0x7] =	wrdreg s12  }
0x1d: {  	s0 =	simm.s32 $0x6;
	s12 =	simm.s32 $0x9;
	[dreg:$0xe] =	wrdreg s21  }
.LBB2_10:
0x1e: {  	_ =	swait.ge [sflag:s31], $0x4000  }
0x1f: {  	[sflag:s31] =	ssyncset.done $0x0  }
0x20: {  	[sflag:s31] =	ssyncadd.s32 $0xFFFFC000  }
0x21: {  	_ =	swait.ge [sflag:s12], $0x80  }
0x22: {  	[sflag:s12] =	ssyncset.done $0x0  }
0x23: {  	[sflag:s12] =	ssyncadd.s32 $0xFFFFFF80  }
0x24: {  	_ =	swait.ge [sflag:s30], $0x80  }
0x25: {  	[sflag:s30] =	ssyncset.done $0x0  }
0x26: {  	[sflag:s30] =	ssyncadd.s32 $0xFFFFFF80  }
0x27: {  	[bflag:$0x0] =	sbarrier.arrive $0xFFFF  }
0x28: {  	s5 =	rddreg [dreg:$0xb]  }
0x29: {  	s21 =	rddreg [dreg:$0xe]  }
0x2a: {  	s20 =	simm.s32 $0xD;
	s15 =	rddreg [dreg:$0x11]  }
0x2b: {  	[hbm:s5], [sflag:s21] =	dma.local [spmem:s15], $0x2800  }
0x2c: {  	s23 =	simm.s32 $0x1;
	_ =	swait.ge [sflag:s20], $0x2800  }
0x2d: {  	s25 =	simm.s32 $0x10;
	[sflag:s20] =	ssyncset.done $0x0;
	s5 =	rddreg [dreg:$0xc]  }
0x2e: {  	s15 =	simm.s32 $0x20;
	s22 =	rddreg [dreg:$0xf];
	[sflag:s20] =	ssyncadd.s32 $0xFFFFD800  }
0x2f: {  	[hbm:s5@s15], [sflag:s21] =	dma.strided [spmem:s22@s25], $0x50, s23, $0x10   }
0x30: {  	_ =	swait.ge [sflag:s20], $0x50  }
0x31: {  	s5 =	rddreg [dreg:$0x10]  }
0x32: {  	s25 =	rddreg [dreg:$0xd];
	s15 =	sadd.s32 $0x1, s5  }
0x33: {  	p0 =	sne.s32 s15, s25  }
.Ltmp1:
0x34: {  	_ = 	snop;
	(pc) =	sbr.rel @!p0 .LBB2_11-.Ltmp1, $3  }
0x35: {  	_ =	sdelay $0x1  }
0x36: {  	[sflag:s20] =	ssyncset.done $0x0  }
0x37: {  	[sflag:s20] =	ssyncadd.s32 $0xFFFFFFB0  }
.LBB2_1:
0x38: {  	[dreg:$0x10] =	wrdreg s15  }
0x39: {  	s5 =	simm.s32 $0x0;
	s25 =	rddreg [dreg:$0x5]  }
0x3a: {  	[tilespmem:s5], [sflag:$0xD] =	stream.linear.gather [hbm4b:s25+s5], $0x2780, $0x38;
	[tilespmem:$0x1EE80] =	vst v63  }
0x3b: {  	_ =	swait.ge [sflag:s20], $0x2780  }
0x3c: {  	[sflag:s20] =	ssyncset.done $0x0  }
0x3d: {  	s25 =	rddreg [dreg:$0x6];
	[sflag:s20] =	ssyncadd.s32 $0xFFFFD880  }
0x3e: {  	[spmem:s22], [sflag:s21] =	dma.local [hbm:s25], $0x50  }
0x3f: {  	_ =	swait.ge [sflag:s20], $0x50  }
0x40: {  	s25 =	rddreg [dreg:$0x7]  }
0x41: {  	[sflag:s20] =	ssyncset.done $0x0;
	s15 =	sshrl.u32 s25, $0x3;
	s25 =	rddreg [dreg:$0x8]  }
0x42: {  	[sflag:s20] =	ssyncadd.s32 $0xFFFFFFB0;
	[dreg:$0x11] =	wrdreg s15  }
0x43: {  	[spmem:s15], [sflag:s21] =	dma.local [hbm:s25], $0x2800  }
0x44: {  	_ =	swait.ge [sflag:s20], $0x2800  }
0x45: {  	[sflag:s20] =	ssyncset.done $0x0  }
0x46: {  	[sflag:s20] =	ssyncadd.s32 $0xFFFFD800  }
0x47: {  	[bflag:$0x0] =	sbarrier.arrive $0xFFFF  }
0x48: {  	s21 =	simm.s32 $0x2800;
	s20 =	rddreg [dreg:$0x9]  }
0x49: {  	[tilespmem:s21], [sflag:$0x1] =	stream.linear.gather [hbm4b:s20+s5], $0x80, $0x38;
	[tilespmem:$0x1EE80] =	vst v63  }
0x4a: {  	s22 =	rddreg [dreg:$0xa]  }
0x4b: {  	[tilespmem:s24], [sflag:$0x2] =	stream.linear.gather [hbm4b:s22+s5], $0x80, $0x38;
	[tilespmem:$0x1EE80] =	vst v63  }
0x4c: {  	_ =	swait.ge [sflag:s23], $0x80  }
0x4d: {  	[sflag:s23] =	ssyncset.done $0x0  }
0x4e: {  	[sflag:s23] =	ssyncadd.s32 $0xFFFFFF80  }
0x4f: {  	[tilespmem:s28], [sflag:$0x3] =	stream.indirect.gather [hbm4b:s7+s26], $0x80, s21, s26, $0xb8;
	[tilespmem:$0x1EE80] =	vst v63  }
.Ltmp2:
0x50: {  	_ = 	snop;
	(pc) =	sbr.rel .LBB2_2-.Ltmp2, $4  }
0x51: {  	s23 =	simm.s32 $0x2900  }
0x52: {  	[tilespmem:s23], [sflag:$0x5] =	stream.indirect.gather [hbm4b:s8+s26], $0x1, s21, s26, $0xb8;
	[tilespmem:$0x1EE80] =	vst v63  }
0x53: {  	s25 =	simm.s32 $0x2A00;
	s22 =	simm.s32 $0x0  }
0x54: {  	[tilespmem:s25], [sflag:$0x7] =	stream.indirect.gather [hbm4b:s9+s26], $0x1, s5, s26, $0xb8;
	[tilespmem:$0x1EE80] =	vst v63  }
.LBB2_9:
0x55: {  	s22 =	sadd.s32 $0x1, s22  }
0x56: {  	p0 =	sne.s32 s22, $0x4F  }
.Ltmp3:
0x57: {  	_ = 	snop;
	(pc) =	sbr.rel @!p0 .LBB2_10-.Ltmp3, $1  }
0x58: {  	_ =	sdelay $0x3  }
.LBB2_2:
0x59: {  	s25 =	sand.u32 $0x1, s22  }
0x5a: {  	p0 =	seq.s32 s25, $0x1  }
.Ltmp4:
0x5b: {  	_ = 	snop;
	(pc) =	sbr.rel @p0 .LBB2_6-.Ltmp4, $1  }
0x5c: {  	_ =	sdelay $0x3  }
0x5d: {  	p0 =	seq.s32 s22, $0x0  }
0x5e: {  	s5 =	simm.s32 @!p0 $0xC  }
0x5f: {  	_ =	swait.ge @!p0 [sflag:s5], $0x4000  }
0x60: {  	p1 =	seq.s32 @!p0 s22, $0x4E;
	[sflag:s5] =	ssyncset.done @!p0 $0x0  }
0x61: {  	p1 =	por p0, !p1;
	[sflag:s5] =	ssyncadd.s32 @!p0 $0xFFFFC000  }
0x62: {  	_ =	swait.ge @p1 [sflag:s19], $0x80  }
0x63: {  	[sflag:s19] =	ssyncset.done @p1 $0x0  }
0x64: {  	[sflag:s19] =	ssyncadd.s32 @p1 $0xFFFFFF80  }
0x65: {  	[tilespmem:s11], [sflag:$0x4] =	stream.indirect.gather @p1 [hbm4b:s7+s26], $0x80, s24, s26, $0xb8;
	[tilespmem:$0x1EE80] =	vst v63  }
0x66: {  	s5 =	simm.s32 @p1 $0x2980  }
0x67: {  	[tilespmem:s5], [sflag:$0x6] =	stream.indirect.gather @p1 [hbm4b:s8+s26], $0x1, s24, s26, $0xb8;
	[tilespmem:$0x1EE80] =	vst v63  }
0x68: {  	s5 =	sshll.u32 @p1 s22, $0x7  }
0x69: {  	s5 =	sand.u32 @p1 $0x3FFFFF80, s5  }
0x6a: {  	s15 =	simm.s32 @p1 $0x2A80;
	s5 =	sadd.s32 @p1 $0x80, s5  }
0x6b: {  	[tilespmem:s15], [sflag:$0x8] =	stream.indirect.gather @p1 [hbm4b:s9+s26], $0x1, s5, s26, $0xb8;
	[tilespmem:$0x1EE80] =	vst v63  }
0x6c: {  	_ =	swait.ge [sflag:s13], $0x4000  }
0x6d: {  	[sflag:s13] =	ssyncset.done $0x0  }
0x6e: {  	s21 =	sshll.u32 s22, $0x7;
	p0 =	sgt.u32 s22, $0x4C;
	[sflag:s13] =	ssyncadd.s32 $0xFFFFC000  }
0x6f: {  	s5 =	sadd.s32 @!p0 $0x100, s21;
	_ =	swait.ge [sflag:s16], $0x80  }
0x70: {  	s15 =	sand.u32 @!p0 $0x7C00, s5;
	[sflag:s16] =	ssyncset.done $0x0  }
0x71: {  	s5 =	sand.u32 @!p0 $0x300, s5;
	s15 =	sadd.s32 @!p0 s6, s15;
	[sflag:s16] =	ssyncadd.s32 $0xFFFFFF80  }
0x72: {  	s20 =	simm.s32 @!p0 $0x2800;
	s5 =	sor.u32 @!p0 s5, s15;
	_ =	swait.ge [sflag:s17], $0x80  }
0x73: {  	p1 =	slt.u32 @!p0 s22, $0x2;
	s5 =	sshrl.u32 @!p0 s5, $0x3;
	[sflag:s17] =	ssyncset.done $0x0  }
0x74: {  	s15 =	simm.s32 @!p0 $0x0;
	s5 =	sadd.s32 @!p0 s1, s5;
	[sflag:s17] =	ssyncadd.s32 $0xFFFFFF80  }
0x75: {  	[tilespmem:s20], [sflag:$0x1] =	stream.linear.gather @!p0 [hbm4b:s5+s15], $0x80, $0x38;
	[tilespmem:$0x1EE80] =	vst v63  }
0x76: {  	p0 =	por p0, !p1  }
0x77: {  	_ =	swait.ge @p0 [sflag:s12], $0x80  }
0x78: {  	[sflag:s12] =	ssyncset.done @p0 $0x0  }
0x79: {  	[sflag:s12] =	ssyncadd.s32 @p0 $0xFFFFFF80  }
0x7a: {  	v0 =	vld [tilespmem:$0x2900]  }
0x7b: {  	v1 =	vld [tilespmem:$0x2A00]  }
0x7c: {  	v2 =	vld [tilespmem:$0x2910]  }
0x7d: {  	v3 =	vld [tilespmem:$0x2A10]  }
0x7e: {  	v4 =	vld [tilespmem:$0x2920]  }
0x7f: {  	v5 =	vld [tilespmem:$0x2A20]  }
0x80: {  	v6 =	vld [tilespmem:$0x2A30];
	v0 =	vadd.f32 v1, v0  }
0x81: {  	v1 =	vld [tilespmem:$0x2930]  }
0x82: {  	v7 =	vmul.f32 $2.000000030e-01, v0  }
0x83: {  	v8 =	vld [tilespmem:$0x2940];
	vm0 =	vge.f32 v0, $0.0e+00  }
0x84: {  	v9 =	vld [tilespmem:$0x2A40];
	v2 =	vadd.f32 v3, v2;
	v0 =	vsel vm0, v0, v7  }
0x85: {  	v3 =	vld [tilespmem:$0x2950];
	v0 =	vmul.f32 $1.442695020e+00, v0  }
0x86: {  	v4 =	vadd.f32 v5, v4;
	v5 =	vld [tilespmem:$0x2A50];
	v7 =	vmul.f32 $2.000000030e-01, v2;
	v1 =	vadd.f32 v6, v1  }
0x87: {  	v10 =	vld [tilespmem:$0x2A60];
	vm9 =	vge.f32 v2, $0.0e+00;
	(erf) = vpow2.f32 v0  }
0x88: {  	v11 =	vld [tilespmem:$0x2970];
	v2 =	vsel vm9, v2, v7;
	v0 =	vmul.f32 $2.000000030e-01, v4;
	v7 =	vmul.f32 $2.000000030e-01, v1  }
0x89: {  	vm10 =	vge.f32 v4, $0.0e+00;
	v6 =	vld [tilespmem:$0x2960];
	v2 =	vmul.f32 $1.442695020e+00, v2;
	vm11 =	vge.f32 v1, $0.0e+00  }
0x8a: {  	v0 =	vsel vm10, v4, v0;
	v4 =	vld [tilespmem:$0x2A70];
	v1 =	vsel vm11, v1, v7  }
0x8b: {  	(erf) = vpow2.f32 v2;
	v2 =	vadd.f32 v5, v3;
	v0 =	vmul.f32 $1.442695020e+00, v0  }
0x8c: {  	v7 =	vadd.f32 v9, v8;
	v1 =	vmul.f32 $1.442695020e+00, v1  }
0x8d: {  	v3 =	vmul.f32 $2.000000030e-01, v2;
	(erf) = vpow2.f32 v0  }
0x8e: {  	v0 =	vmul.f32 $2.000000030e-01, v7;
	(erf) = vpow2.f32 v1;
	v1 =	vadd.f32 v10, v6  }
0x8f: {  	vm12 =	vge.f32 v7, $0.0e+00;
	vm13 =	vge.f32 v2, $0.0e+00;
	v4 =	vadd.f32 v4, v11  }
0x90: {  	v2 =	vsel vm13, v2, v3;
	v0 =	vsel vm12, v7, v0;
	v5 =	vmul.f32 $2.000000030e-01, v1  }
0x91: {  	v0 =	vmul.f32 $1.442695020e+00, v0;
	vm14 =	vge.f32 v1, $0.0e+00;
	v3 =	vmul.f32 $2.000000030e-01, v4  }
0x92: {  	v2 =	vmul.f32 $1.442695020e+00, v2;
	vm15 =	vge.f32 v4, $0.0e+00;
	v1 =	vsel vm14, v1, v5  }
0x93: {  	(erf) = vpow2.f32 v0;
	v0 =	vmul.f32 $1.442695020e+00, v1;
	v1 =	vsel vm15, v4, v3  }
0x94: {  	(erf) = vpow2.f32 v2;
	v1 =	vmul.f32 $1.442695020e+00, v1  }
0x95: {  	(erf) = vpow2.f32 v0  }
0x96: {  	(erf) = vpow2.f32 v1  }
0x97: {  	s5 =	sadd.s32 s14, s21  }
0x98: {  	p5 =	slt.u32 s5, $0x4E200;
	s20 =	sor.u32 $0x10, s5;
	v0 =	vpop (erf)  }
0x99: {  	s23 =	sor.u32 $0x20, s5;
	p6 =	slt.u32 s20, $0x4E200;
	v1 =	vpop (erf);
	v0 =	vpsel !p5, $0x0, v0  }
0x9a: {  	p1 =	slt.u32 s23, $0x4E200;
	s20 =	sor.u32 $0x30, s5;
	v2 =	vpop (erf);
	[tilespmem:$0x2B00] =	vst v0;
	v0 =	vpsel !p6, $0x0, v1  }
0x9b: {  	s23 =	sor.u32 $0x40, s5;
	p2 =	slt.u32 s20, $0x4E200;
	v1 =	vpop (erf);
	[tilespmem:$0x2B10] =	vst v0;
	v0 =	vpsel !p1, $0x0, v2  }
0x9c: {  	p3 =	slt.u32 s23, $0x4E200;
	s20 =	sor.u32 $0x50, s5;
	v2 =	vpop (erf);
	[tilespmem:$0x2B20] =	vst v0;
	v0 =	vpsel !p2, $0x0, v1  }
0x9d: {  	s23 =	sor.u32 $0x60, s5;
	p4 =	slt.u32 s20, $0x4E200;
	v1 =	vpop (erf);
	[tilespmem:$0x2B30] =	vst v0;
	v0 =	vpsel !p3, $0x0, v2  }
0x9e: {  	s5 =	sor.u32 $0x70, s5;
	p5 =	slt.u32 s23, $0x4E200;
	[tilespmem:$0x2B40] =	vst v0;
	v0 =	vpsel !p4, $0x0, v1;
	v2 =	vpop (erf)  }
0x9f: {  	s20 =	simm.s32 $0x0;
	p6 =	slt.u32 s5, $0x4E200;
	[tilespmem:$0x2B50] =	vst v0;
	v0 =	vpsel !p5, $0x0, v2;
	v1 =	vpop (erf)  }
0xa0: {  	[tilespmem:$0x2B60] =	vst v0;
	v0 =	vpsel !p6, $0x0, v1;
	v1 =	vmov s20  }
0xa1: {  	[tilespmem:$0x2B70] =	vst v0;
	v0 =	vand.u32 $0xFFFFFFFE, v1  }
0xa2: {  	v1 =	vbroadcast v0, $0x0;
	_ =	sdelay $0x2  }
0xa3: {  	s15 =	simm.s32 $0x2C80  }
0xa4: {  	[spmem:s4] =	stream.indirect.scatter.add.f32 [tilespmem:s18], [sflag:$0x9], $0x1, s21, s26, $0xb8;
	[tilespmem:$0x1EE80] =	vst v63  }
0xa5: {  	v4 =	vld [tilespmem:s15+$0xFFFFFFF0]  }
0xa6: {  	v5 =	vld.idx.msk [tilespmem:v1+s18+$0x0], $0xffff  }
0xa7: {  	v6 =	vld [tilespmem:s15+$0xFFFFFF80]  }
0xa8: {  	v7 =	vld [tilespmem:s15+$0xFFFFFFA0]  }
0xa9: {  	v3 =	vld [tilespmem:s15+$0xFFFFFFB0]  }
0xaa: {  	v2 =	vld [tilespmem:s15+$0xFFFFFFD0]  }
0xab: {  	v62 =	vld [tilespmem:s15+$0xFFFFFF90];
	v4 =	vmul.f32 v4, v5  }
0xac: {  	v61 =	vld [tilespmem:s15+$0xFFFFFFE0];
	v6 =	vmul.f32 v6, v5  }
0xad: {  	v63 =	vld [tilespmem:s15+$0xFFFFFFC0];
	v7 =	vmul.f32 v7, v5;
	[tilespmem:s15+$0xFFFFFFF0] =	vst v4  }
0xae: {  	v3 =	vmul.f32 v3, v5;
	[tilespmem:s15+$0xFFFFFF80] =	vst v6  }
0xaf: {  	s23 =	simm.s32 $0x1;
	v2 =	vmul.f32 v2, v5;
	[tilespmem:s15+$0xFFFFFFA0] =	vst v7  }
0xb0: {  	v4 =	vmul.f32 v62, v5;
	[tilespmem:s15+$0xFFFFFFB0] =	vst v3;
	v6 =	vmov s23  }
0xb1: {  	v0 =	vld [tilespmem:s15+$0x0];
	v3 =	vmul.f32 v61, v5;
	[tilespmem:s15+$0xFFFFFFD0] =	vst v2  }
0xb2: {  	v1 =	vld [tilespmem:s15+$0x10];
	v2 =	vmul.f32 v63, v5;
	[tilespmem:s15+$0xFFFFFF90] =	vst v4  }
0xb3: {  	[tilespmem:s15+$0xFFFFFFE0] =	vst v3;
	v4 =	vld [tilespmem:s15+$0x30]  }
0xb4: {  	[tilespmem:s15+$0xFFFFFFC0] =	vst v2;
	v3 =	vld [tilespmem:s15+$0x70]  }
0xb5: {  	s5 =	simm.s32 $0x2C80;
	s23 =	simm.s32 $0x2;
	v2 =	vld.idx.msk [tilespmem:v6+s18+$0x0], $0xffff  }
.LBB2_4:
0xb6: {  	p0 =	slt.u32 s23, $0x7E  }
0xb7: {  	v5 =	vld [tilespmem:s15+$0x20];
	s5 =	sadd.s32 $0x100, s5;
	s20 =	smov.u32 s23;
	s23 =	sadd.s32 $0x2, s23  }
0xb8: {  	v6 =	vld [tilespmem:s15+$0x40]  }
0xb9: {  	v7 =	vld [tilespmem:s15+$0x50]  }
0xba: {  	v8 =	vld [tilespmem:s15+$0x60];
	_ =	sdelay $0x1  }
0xbb: {  	v0 =	vmul.f32 v0, v2;
	v1 =	vmul.f32 v1, v2  }
0xbc: {  	v4 =	vmul.f32 v4, v2;
	v5 =	vmul.f32 v5, v2  }
0xbd: {  	v9 =	vmov s20;
	v6 =	vmul.f32 v6, v2;
	[tilespmem:s15+$0x0] =	vst v0;
	v7 =	vmul.f32 v7, v2  }
0xbe: {  	v9 =	vand.u32 $0xFFFFFFFE, v9;
	v0 =	vld [tilespmem:s5+$0x0];
	[tilespmem:s15+$0x30] =	vst v4;
	v4 =	vmul.f32 v8, v2;
	v2 =	vmul.f32 v3, v2  }
0xbf: {  	v3 =	vbroadcast v9, $0x0;
	[tilespmem:s15+$0x10] =	vst v1  }
0xc0: {  	[tilespmem:s15+$0x70] =	vst v2  }
0xc1: {  	v2 =	vld [tilespmem:s5+$0xFFFFFFD0];
	[tilespmem:s15+$0x20] =	vst v5  }
0xc2: {  	v5 =	vld [tilespmem:s5+$0xFFFFFFB0];
	[tilespmem:s15+$0x60] =	vst v4  }
0xc3: {  	v4 =	vld [tilespmem:s5+$0xFFFFFFE0];
	[tilespmem:s15+$0x40] =	vst v6  }
0xc4: {  	v6 =	vld [tilespmem:s5+$0xFFFFFFF0];
	[tilespmem:s15+$0x50] =	vst v7;
	s15 =	smov.u32 s5  }
0xc5: {  	v3 =	vld.idx.msk [tilespmem:v3+s18+$0x0], $0xffff  }
0xc6: {  	v7 =	vld [tilespmem:s5+$0xFFFFFF80]  }
0xc7: {  	v8 =	vld [tilespmem:s5+$0xFFFFFFA0]  }
0xc8: {  	v9 =	vld [tilespmem:s5+$0xFFFFFF90]  }
0xc9: {  	v10 =	vld [tilespmem:s5+$0xFFFFFFC0]  }
0xca: {  	v1 =	vld [tilespmem:s5+$0x10]  }
0xcb: {  	v6 =	vmul.f32 v6, v3;
	v7 =	vmul.f32 v7, v3  }
0xcc: {  	v4 =	vmul.f32 v4, v3;
	v8 =	vmul.f32 v8, v3  }
0xcd: {  	v5 =	vmul.f32 v5, v3;
	v9 =	vmul.f32 v9, v3;
	[tilespmem:s5+$0xFFFFFFF0] =	vst v6  }
0xce: {  	v2 =	vmul.f32 v2, v3;
	[tilespmem:s5+$0xFFFFFF80] =	vst v7;
	v6 =	vmul.f32 v10, v3  }
0xcf: {  	s20 =	sadd.s32 $0x1, s20;
	[tilespmem:s5+$0xFFFFFFA0] =	vst v8  }
0xd0: {  	[tilespmem:s5+$0xFFFFFFB0] =	vst v5;
	v5 =	vmov s20  }
.Ltmp5:
0xd1: {  	[tilespmem:s5+$0xFFFFFFD0] =	vst v2;
	(pc) =	sbr.rel @p0 .LBB2_4-.Ltmp5, $4  }
0xd2: {  	[tilespmem:s5+$0xFFFFFF90] =	vst v9  }
0xd3: {  	[tilespmem:s5+$0xFFFFFFE0] =	vst v4;
	v4 =	vld [tilespmem:s5+$0x30]  }
0xd4: {  	[tilespmem:s5+$0xFFFFFFC0] =	vst v6;
	v3 =	vld [tilespmem:s5+$0x70]  }
0xd5: {  	v2 =	vld.idx.msk [tilespmem:v5+s18+$0x0], $0xffff  }
0xd6: {  	_ =	sdelay $0x2  }
0xd7: {  	v5 =	vld [tilespmem:s15+$0x20]  }
0xd8: {  	v6 =	vld [tilespmem:s15+$0x60];
	v0 =	vmul.f32 v0, v2  }
0xd9: {  	v7 =	vld [tilespmem:s15+$0x40];
	v4 =	vmul.f32 v4, v2  }
0xda: {  	v8 =	vld [tilespmem:s15+$0x50];
	v1 =	vmul.f32 v1, v2;
	[tilespmem:s15+$0x0] =	vst v0  }
0xdb: {  	v59 =	vmul.f32 v3, v2;
	[tilespmem:s15+$0x30] =	vst v4  }
0xdc: {  	v60 =	vmul.f32 v5, v2;
	[tilespmem:s15+$0x10] =	vst v1  }
0xdd: {  	p0 =	seq.s32 s25, $0x0;
	v61 =	vmul.f32 v6, v2;
	[tilespmem:s15+$0x70] =	vst v59  }
.Ltmp6:
0xde: {  	v62 =	vmul.f32 v7, v2;
	[tilespmem:s15+$0x20] =	vst v60;
	(pc) =	sbr.rel @p0 .LBB2_9-.Ltmp6, $4  }
0xdf: {  	v63 =	vmul.f32 v8, v2;
	[tilespmem:s15+$0x60] =	vst v61  }
0xe0: {  	[tilespmem:s15+$0x40] =	vst v62  }
0xe1: {  	[tilespmem:s15+$0x50] =	vst v63  }
0xe2: {  	[spmem:s3] =	stream.indirect.scatter.add.f32 [tilespmem:s28], [sflag:$0xB], $0x80, s21, s26, $0xb8;
	[tilespmem:$0x1EE80] =	vst v63  }
.LBB2_6:
0xe3: {  	_ =	swait.ge [sflag:s31], $0x4000  }
0xe4: {  	p0 =	seq.s32 s22, $0x4E;
	[sflag:s31] =	ssyncset.done $0x0  }
0xe5: {  	s5 =	simm.s32 @!p0 $0x1;
	[sflag:s31] =	ssyncadd.s32 $0xFFFFC000  }
0xe6: {  	_ =	swait.ge @!p0 [sflag:s5], $0x80  }
0xe7: {  	s15 =	simm.s32 @!p0 $0x2800;
	[sflag:s5] =	ssyncset.done @!p0 $0x0  }
0xe8: {  	s20 =	simm.s32 @!p0 $0x2C00;
	[sflag:s5] =	ssyncadd.s32 @!p0 $0xFFFFFF80;
	s5 =	simm.s32 @!p0 $0x80  }
0xe9: {  	[tilespmem:s20], [sflag:$0x3] =	stream.indirect.gather @!p0 [hbm4b:s7+s5], $0x80, s15, s5, $0xb8;
	[tilespmem:$0x1EE80] =	vst v63  }
0xea: {  	s20 =	simm.s32 @!p0 $0x2900  }
0xeb: {  	[tilespmem:s20], [sflag:$0x5] =	stream.indirect.gather @!p0 [hbm4b:s8+s5], $0x1, s15, s5, $0xb8;
	[tilespmem:$0x1EE80] =	vst v63  }
0xec: {  	s15 =	sshll.u32 @!p0 s22, $0x7  }
0xed: {  	s15 =	sand.u32 @!p0 $0x3FFFFF80, s15  }
0xee: {  	s20 =	simm.s32 @!p0 $0x2A00;
	s15 =	sadd.s32 @!p0 $0x80, s15  }
0xef: {  	[tilespmem:s20], [sflag:$0x7] =	stream.indirect.gather @!p0 [hbm4b:s9+s5], $0x1, s15, s5, $0xb8;
	[tilespmem:$0x1EE80] =	vst v63  }
0xf0: {  	_ =	swait.ge [sflag:s2], $0x4000  }
0xf1: {  	[sflag:s2] =	ssyncset.done $0x0  }
0xf2: {  	s21 =	sshll.u32 s22, $0x7;
	p0 =	sgt.u32 s22, $0x4C;
	[sflag:s2] =	ssyncadd.s32 $0xFFFFC000  }
0xf3: {  	s5 =	sadd.s32 @!p0 $0x100, s21;
	_ =	swait.ge [sflag:s0], $0x80  }
0xf4: {  	s15 =	sand.u32 @!p0 $0x7C00, s5;
	[sflag:s0] =	ssyncset.done $0x0  }
0xf5: {  	s5 =	sand.u32 @!p0 $0x380, s5;
	s15 =	sadd.s32 @!p0 s6, s15;
	[sflag:s0] =	ssyncadd.s32 $0xFFFFFF80  }
0xf6: {  	s20 =	simm.s32 @!p0 $0x2880;
	s5 =	sor.u32 @!p0 s5, s15;
	_ =	swait.ge [sflag:s29], $0x80  }
0xf7: {  	p1 =	slt.u32 @!p0 s22, $0x2;
	s5 =	sshrl.u32 @!p0 s5, $0x3;
	[sflag:s29] =	ssyncset.done $0x0  }
0xf8: {  	s15 =	simm.s32 @!p0 $0x0;
	s5 =	sadd.s32 @!p0 s1, s5;
	[sflag:s29] =	ssyncadd.s32 $0xFFFFFF80  }
0xf9: {  	[tilespmem:s20], [sflag:$0x2] =	stream.linear.gather @!p0 [hbm4b:s5+s15], $0x80, $0x38;
	[tilespmem:$0x1EE80] =	vst v63  }
0xfa: {  	p0 =	por p0, !p1  }
0xfb: {  	_ =	swait.ge @p0 [sflag:s30], $0x80  }
0xfc: {  	[sflag:s30] =	ssyncset.done @p0 $0x0  }
0xfd: {  	[sflag:s30] =	ssyncadd.s32 @p0 $0xFFFFFF80  }
0xfe: {  	v0 =	vld [tilespmem:$0x2980]  }
0xff: {  	v1 =	vld [tilespmem:$0x2A80]  }
0x100: {  	v2 =	vld [tilespmem:$0x2990]  }
0x101: {  	v3 =	vld [tilespmem:$0x2A90]  }
0x102: {  	v4 =	vld [tilespmem:$0x29A0]  }
0x103: {  	v5 =	vld [tilespmem:$0x2AA0]  }
0x104: {  	v6 =	vld [tilespmem:$0x2AB0];
	v0 =	vadd.f32 v1, v0  }
0x105: {  	v1 =	vld [tilespmem:$0x29B0]  }
0x106: {  	v7 =	vmul.f32 $2.000000030e-01, v0  }
0x107: {  	v8 =	vld [tilespmem:$0x29C0];
	vm0 =	vge.f32 v0, $0.0e+00  }
0x108: {  	v9 =	vld [tilespmem:$0x2AC0];
	v2 =	vadd.f32 v3, v2;
	v0 =	vsel vm0, v0, v7  }
0x109: {  	v3 =	vld [tilespmem:$0x29D0];
	v0 =	vmul.f32 $1.442695020e+00, v0  }
0x10a: {  	v4 =	vadd.f32 v5, v4;
	v5 =	vld [tilespmem:$0x2AD0];
	v7 =	vmul.f32 $2.000000030e-01, v2;
	v1 =	vadd.f32 v6, v1  }
0x10b: {  	v10 =	vld [tilespmem:$0x2AE0];
	vm9 =	vge.f32 v2, $0.0e+00;
	(erf) = vpow2.f32 v0  }
0x10c: {  	v11 =	vld [tilespmem:$0x29F0];
	v2 =	vsel vm9, v2, v7;
	v0 =	vmul.f32 $2.000000030e-01, v4;
	v7 =	vmul.f32 $2.000000030e-01, v1  }
0x10d: {  	vm10 =	vge.f32 v4, $0.0e+00;
	v6 =	vld [tilespmem:$0x29E0];
	v2 =	vmul.f32 $1.442695020e+00, v2;
	vm11 =	vge.f32 v1, $0.0e+00  }
0x10e: {  	v0 =	vsel vm10, v4, v0;
	v4 =	vld [tilespmem:$0x2AF0];
	v1 =	vsel vm11, v1, v7  }
0x10f: {  	(erf) = vpow2.f32 v2;
	v2 =	vadd.f32 v5, v3;
	v0 =	vmul.f32 $1.442695020e+00, v0  }
0x110: {  	v7 =	vadd.f32 v9, v8;
	v1 =	vmul.f32 $1.442695020e+00, v1  }
0x111: {  	v3 =	vmul.f32 $2.000000030e-01, v2;
	(erf) = vpow2.f32 v0  }
0x112: {  	v0 =	vmul.f32 $2.000000030e-01, v7;
	(erf) = vpow2.f32 v1;
	v1 =	vadd.f32 v10, v6  }
0x113: {  	vm12 =	vge.f32 v7, $0.0e+00;
	vm13 =	vge.f32 v2, $0.0e+00;
	v4 =	vadd.f32 v4, v11  }
0x114: {  	v2 =	vsel vm13, v2, v3;
	v0 =	vsel vm12, v7, v0;
	v5 =	vmul.f32 $2.000000030e-01, v1  }
0x115: {  	v0 =	vmul.f32 $1.442695020e+00, v0;
	vm14 =	vge.f32 v1, $0.0e+00;
	v3 =	vmul.f32 $2.000000030e-01, v4  }
0x116: {  	v2 =	vmul.f32 $1.442695020e+00, v2;
	vm15 =	vge.f32 v4, $0.0e+00;
	v1 =	vsel vm14, v1, v5  }
0x117: {  	(erf) = vpow2.f32 v0;
	v0 =	vmul.f32 $1.442695020e+00, v1;
	v1 =	vsel vm15, v4, v3  }
0x118: {  	(erf) = vpow2.f32 v2;
	v1 =	vmul.f32 $1.442695020e+00, v1  }
0x119: {  	(erf) = vpow2.f32 v0  }
0x11a: {  	(erf) = vpow2.f32 v1  }
0x11b: {  	s5 =	sadd.s32 s14, s21  }
0x11c: {  	p5 =	slt.u32 s5, $0x4E200;
	s23 =	sor.u32 $0x10, s5;
	v0 =	vpop (erf)  }
0x11d: {  	s25 =	sor.u32 $0x20, s5;
	p6 =	slt.u32 s23, $0x4E200;
	v1 =	vpop (erf);
	v0 =	vpsel !p5, $0x0, v0  }
0x11e: {  	s20 =	sor.u32 $0x30, s5;
	p1 =	slt.u32 s25, $0x4E200;
	v2 =	vpop (erf);
	[tilespmem:$0x2B80] =	vst v0;
	v0 =	vpsel !p6, $0x0, v1  }
0x11f: {  	p2 =	slt.u32 s20, $0x4E200;
	s23 =	sor.u32 $0x40, s5;
	v1 =	vpop (erf);
	[tilespmem:$0x2B90] =	vst v0;
	v0 =	vpsel !p1, $0x0, v2  }
0x120: {  	s25 =	sor.u32 $0x50, s5;
	p3 =	slt.u32 s23, $0x4E200;
	v2 =	vpop (erf);
	[tilespmem:$0x2BA0] =	vst v0;
	v0 =	vpsel !p2, $0x0, v1  }
0x121: {  	s20 =	sor.u32 $0x60, s5;
	p4 =	slt.u32 s25, $0x4E200;
	v1 =	vpop (erf);
	[tilespmem:$0x2BB0] =	vst v0;
	v0 =	vpsel !p3, $0x0, v2  }
0x122: {  	s5 =	sor.u32 $0x70, s5;
	p5 =	slt.u32 s20, $0x4E200;
	[tilespmem:$0x2BC0] =	vst v0;
	v0 =	vpsel !p4, $0x0, v1;
	v2 =	vpop (erf)  }
0x123: {  	s23 =	simm.s32 $0x0;
	p6 =	slt.u32 s5, $0x4E200;
	[tilespmem:$0x2BD0] =	vst v0;
	v0 =	vpsel !p5, $0x0, v2;
	v1 =	vpop (erf)  }
0x124: {  	[tilespmem:$0x2BE0] =	vst v0;
	v0 =	vpsel !p6, $0x0, v1;
	v1 =	vmov s23  }
0x125: {  	[tilespmem:$0x2BF0] =	vst v0;
	v0 =	vand.u32 $0xFFFFFFFE, v1  }
0x126: {  	v1 =	vbroadcast v0, $0x0;
	_ =	sdelay $0x2  }
0x127: {  	s15 =	simm.s32 $0x6C80  }
0x128: {  	[spmem:s4] =	stream.indirect.scatter.add.f32 [tilespmem:s10], [sflag:$0xA], $0x1, s21, s26, $0xb8;
	[tilespmem:$0x1EE80] =	vst v63  }
0x129: {  	v4 =	vld [tilespmem:s15+$0xFFFFFFF0]  }
0x12a: {  	v5 =	vld.idx.msk [tilespmem:v1+s10+$0x0], $0xffff  }
0x12b: {  	v6 =	vld [tilespmem:s15+$0xFFFFFF80]  }
0x12c: {  	v7 =	vld [tilespmem:s15+$0xFFFFFFA0]  }
0x12d: {  	v3 =	vld [tilespmem:s15+$0xFFFFFFB0]  }
0x12e: {  	v2 =	vld [tilespmem:s15+$0xFFFFFFD0]  }
0x12f: {  	v62 =	vld [tilespmem:s15+$0xFFFFFF90];
	v4 =	vmul.f32 v4, v5  }
0x130: {  	v61 =	vld [tilespmem:s15+$0xFFFFFFE0];
	v6 =	vmul.f32 v6, v5  }
0x131: {  	v63 =	vld [tilespmem:s15+$0xFFFFFFC0];
	v7 =	vmul.f32 v7, v5;
	[tilespmem:s15+$0xFFFFFFF0] =	vst v4  }
0x132: {  	v3 =	vmul.f32 v3, v5;
	[tilespmem:s15+$0xFFFFFF80] =	vst v6  }
0x133: {  	s25 =	simm.s32 $0x1;
	v2 =	vmul.f32 v2, v5;
	[tilespmem:s15+$0xFFFFFFA0] =	vst v7  }
0x134: {  	v4 =	vmul.f32 v62, v5;
	[tilespmem:s15+$0xFFFFFFB0] =	vst v3;
	v6 =	vmov s25  }
0x135: {  	v0 =	vld [tilespmem:s15+$0x0];
	v3 =	vmul.f32 v61, v5;
	[tilespmem:s15+$0xFFFFFFD0] =	vst v2  }
0x136: {  	v1 =	vld [tilespmem:s15+$0x10];
	v2 =	vmul.f32 v63, v5;
	[tilespmem:s15+$0xFFFFFF90] =	vst v4  }
0x137: {  	[tilespmem:s15+$0xFFFFFFE0] =	vst v3;
	v4 =	vld [tilespmem:s15+$0x30]  }
0x138: {  	[tilespmem:s15+$0xFFFFFFC0] =	vst v2;
	v3 =	vld [tilespmem:s15+$0x70]  }
0x139: {  	s5 =	simm.s32 $0x6C80;
	s23 =	simm.s32 $0x2;
	v2 =	vld.idx.msk [tilespmem:v6+s10+$0x0], $0xffff  }
.LBB2_7:
0x13a: {  	p0 =	slt.u32 s23, $0x7E  }
0x13b: {  	v5 =	vld [tilespmem:s15+$0x20];
	s5 =	sadd.s32 $0x100, s5;
	s20 =	smov.u32 s23;
	s23 =	sadd.s32 $0x2, s23  }
0x13c: {  	v6 =	vld [tilespmem:s15+$0x40]  }
0x13d: {  	v7 =	vld [tilespmem:s15+$0x50]  }
0x13e: {  	v8 =	vld [tilespmem:s15+$0x60];
	_ =	sdelay $0x1  }
0x13f: {  	v0 =	vmul.f32 v0, v2;
	v1 =	vmul.f32 v1, v2  }
0x140: {  	v4 =	vmul.f32 v4, v2;
	v5 =	vmul.f32 v5, v2  }
0x141: {  	v9 =	vmov s20;
	v6 =	vmul.f32 v6, v2;
	[tilespmem:s15+$0x0] =	vst v0;
	v7 =	vmul.f32 v7, v2  }
0x142: {  	v9 =	vand.u32 $0xFFFFFFFE, v9;
	v0 =	vld [tilespmem:s5+$0x0];
	[tilespmem:s15+$0x30] =	vst v4;
	v4 =	vmul.f32 v8, v2;
	v2 =	vmul.f32 v3, v2  }
0x143: {  	v3 =	vbroadcast v9, $0x0;
	[tilespmem:s15+$0x10] =	vst v1  }
0x144: {  	[tilespmem:s15+$0x70] =	vst v2  }
0x145: {  	v2 =	vld [tilespmem:s5+$0xFFFFFFD0];
	[tilespmem:s15+$0x20] =	vst v5  }
0x146: {  	v5 =	vld [tilespmem:s5+$0xFFFFFFB0];
	[tilespmem:s15+$0x60] =	vst v4  }
0x147: {  	v4 =	vld [tilespmem:s5+$0xFFFFFFE0];
	[tilespmem:s15+$0x40] =	vst v6  }
0x148: {  	v6 =	vld [tilespmem:s5+$0xFFFFFFF0];
	[tilespmem:s15+$0x50] =	vst v7;
	s15 =	smov.u32 s5  }
0x149: {  	v3 =	vld.idx.msk [tilespmem:v3+s10+$0x0], $0xffff  }
0x14a: {  	v7 =	vld [tilespmem:s5+$0xFFFFFF80]  }
0x14b: {  	v8 =	vld [tilespmem:s5+$0xFFFFFFA0]  }
0x14c: {  	v9 =	vld [tilespmem:s5+$0xFFFFFF90]  }
0x14d: {  	v10 =	vld [tilespmem:s5+$0xFFFFFFC0]  }
0x14e: {  	v1 =	vld [tilespmem:s5+$0x10]  }
0x14f: {  	v6 =	vmul.f32 v6, v3;
	v7 =	vmul.f32 v7, v3  }
0x150: {  	v4 =	vmul.f32 v4, v3;
	v8 =	vmul.f32 v8, v3  }
0x151: {  	v5 =	vmul.f32 v5, v3;
	v9 =	vmul.f32 v9, v3;
	[tilespmem:s5+$0xFFFFFFF0] =	vst v6  }
0x152: {  	v2 =	vmul.f32 v2, v3;
	[tilespmem:s5+$0xFFFFFF80] =	vst v7;
	v6 =	vmul.f32 v10, v3  }
0x153: {  	s20 =	sadd.s32 $0x1, s20;
	[tilespmem:s5+$0xFFFFFFA0] =	vst v8  }
0x154: {  	[tilespmem:s5+$0xFFFFFFB0] =	vst v5;
	v5 =	vmov s20  }
.Ltmp7:
0x155: {  	[tilespmem:s5+$0xFFFFFFD0] =	vst v2;
	(pc) =	sbr.rel @p0 .LBB2_7-.Ltmp7, $4  }
0x156: {  	[tilespmem:s5+$0xFFFFFF90] =	vst v9  }
0x157: {  	[tilespmem:s5+$0xFFFFFFE0] =	vst v4;
	v4 =	vld [tilespmem:s5+$0x30]  }
0x158: {  	[tilespmem:s5+$0xFFFFFFC0] =	vst v6;
	v3 =	vld [tilespmem:s5+$0x70]  }
0x159: {  	v2 =	vld.idx.msk [tilespmem:v5+s10+$0x0], $0xffff  }
0x15a: {  	_ =	sdelay $0x2  }
0x15b: {  	v5 =	vld [tilespmem:s15+$0x20]  }
0x15c: {  	v6 =	vld [tilespmem:s15+$0x60];
	v0 =	vmul.f32 v0, v2  }
0x15d: {  	v7 =	vld [tilespmem:s15+$0x40];
	v4 =	vmul.f32 v4, v2  }
0x15e: {  	v8 =	vld [tilespmem:s15+$0x50];
	v1 =	vmul.f32 v1, v2;
	[tilespmem:s15+$0x0] =	vst v0  }
0x15f: {  	v59 =	vmul.f32 v3, v2;
	[tilespmem:s15+$0x30] =	vst v4  }
0x160: {  	v60 =	vmul.f32 v5, v2;
	[tilespmem:s15+$0x10] =	vst v1  }
0x161: {  	v61 =	vmul.f32 v6, v2;
	[tilespmem:s15+$0x70] =	vst v59  }
.Ltmp8:
0x162: {  	v62 =	vmul.f32 v7, v2;
	[tilespmem:s15+$0x20] =	vst v60;
	(pc) =	sbr.rel .LBB2_9-.Ltmp8, $4  }
0x163: {  	v63 =	vmul.f32 v8, v2;
	[tilespmem:s15+$0x60] =	vst v61  }
0x164: {  	[tilespmem:s15+$0x40] =	vst v62  }
0x165: {  	[tilespmem:s15+$0x50] =	vst v63  }
0x166: {  	[spmem:s3] =	stream.indirect.scatter.add.f32 [tilespmem:s11], [sflag:$0xC], $0x80, s21, s26, $0xb8;
	[tilespmem:$0x1EE80] =	vst v63  }
.LBB2_11:
0x167: {  	_ =	sfence.sel $0x180000  }
0x168: {  	[bflag:$0x0] =	sbarrier.arrive $0xFFFF  }
0x169: {  	_ =	strace $0x90000047  }
0x16a: {  	s0 =	stileid.u32;
	[bflag:$0x2] =	sbarrier.arrive $0xFFFF  }
0x16b: {  	p0 =	sne.s32 s0, $0x0;
	s0 =	rddreg [dreg:$0x4]  }
0x16c: {  	s0 =	sadd.s32 @!p0 $0x100000, s0  }
0x16d: {  	[sflag:s0] =	ssyncadd.tile.s32 @!p0 $0x1;
	_ =	shalt  }
.Lfunc_end2:
_tile_overlayer_lowered:
.L_overlay_start_2:
0x16e: {  	(tag) =	ssettag $0x2  }
0x16f: {  	s0 =	rddreg [dreg:$0x0];
	s2 =	stileid.u32  }
0x170: {  	s1 =	rddreg [dreg:$0x1];
	p0 =	sne.s32 s2, $0x0  }
0x171: {  	s3 =	rddreg [dreg:$0x2];
	[bflag:$0x3] =	sbarrier.arrive $0xFFFF;
	s2 =	simm.s32 @!p0 $0x1C0D  }
0x172: {  	[timem:s3], [sflag:s2] =	dma.local @!p0 [hbm:s0], s1  }
0x173: {  	s0 =	simm.s32 @!p0 $0xD  }
0x174: {  	_ =	swait.ge @!p0 [sflag:s0], s1  }
0x175: {  	s1 =	ssub.s32 @!p0 $0x0, s1;
	[sflag:s0] =	ssyncset.done @!p0 $0x0  }
0x176: {  	[sflag:s0] =	ssyncadd.s32 @!p0 s1  }
0x177: {  	[bflag:$0x3] =	sbarrier.arrive $0xFFFF  }
0x178: {  	_ =	shalt  }

</sc_bundles>
